<compile_context>
chip_gen: v7x
topology: tpu7x:2x2x1
jax: 0.10.2.dev20260603
libtpu: 0.0.44.dev20260713+nightly
codegen_flags: <defaults>
</compile_context>

<pallas_src>
import jax
import jax.numpy as jnp
from jax import lax
from jax.experimental import pallas as pl
from jax.experimental.pallas import tpu as pltpu
from jax.experimental.pallas import tpu_sc as plsc

N_ROWS = 1_000_000
D = 64
B = 16384
NC = 2
NS = 16
NW = NC * NS
TPW = B // NW
PACK = 2 * D
OP = B // 2
SEL = 128

BLKW = 16384
HALF = BLKW // 2
NBLK = -(-N_ROWS // BLKW)
NP2 = NBLK * HALF
LASTCOL = -(-N_ROWS // HALF) - 1


def _transpose_body(xl_ref, xh_ref, o_ref):
    o_ref[...] = jnp.concatenate(
        [jnp.transpose(xl_ref[...]), jnp.transpose(xh_ref[...])], axis=1)


def _pack_table(wt):
    return pl.pallas_call(
        _transpose_body,
        grid=(NBLK,),
        in_specs=[
            pl.BlockSpec((D, HALF), lambda i: (0, 2 * i)),
            pl.BlockSpec(
                (D, HALF),
                lambda i: (0, jnp.minimum(2 * i + 1, LASTCOL))),
        ],
        out_specs=pl.BlockSpec((HALF, PACK), lambda i: (i, 0)),
        out_shape=jax.ShapeDtypeStruct((NP2, PACK), jnp.float32),
    )(wt, wt)


def _body(w2, idx_hbm, out2, idx_v, tidx_v, stg, ob, gs, ws):
    wid = lax.axis_index("s") * NC + lax.axis_index("c")
    base = wid * TPW
    pltpu.sync_copy(idx_hbm.at[pl.ds(base, TPW)], idx_v)
    for g in range(TPW // 16):
        iv = idx_v[pl.ds(g * 16, 16)]
        tidx_v[pl.ds(g * 16, 16)] = ((iv >> 14) << 13) | (iv & 8191)

    pltpu.async_copy(w2.at[tidx_v], stg, gs).wait()

    @pl.loop(0, TPW // SEL)
    def _sel(s):
        cbase = s * SEL
        for g in range(SEL // 16):
            jv = lax.iota(jnp.int32, 16) + cbase + g * 16
            iv = idx_v[pl.ds(cbase + g * 16, 16)]
            pv = jv >> 1
            sv = ((iv >> 13) & 1) * D
            dv = (jv & 1) * D
            one = jnp.full((16,), 1, jnp.int32)
            for c in range(D):
                vals = plsc.load_gather(stg, [jv, sv])
                plsc.store_scatter(ob, [pv, dv], vals)
                if c + 1 < D:
                    sv = sv + one
                    dv = dv + one

    pltpu.async_copy(ob, out2.at[pl.ds(wid * (TPW // 2), TPW // 2)],
                     ws).wait()


def kernel(input, weight):
    idx = input.astype(jnp.int32)
    w2 = _pack_table(weight.T)
    mesh = plsc.VectorSubcoreMesh(core_axis_name="c", subcore_axis_name="s")
    k = pl.kernel(
        _body,
        out_type=jax.ShapeDtypeStruct((OP, PACK), jnp.float32),
        mesh=mesh,
        scratch_types=[
            pltpu.VMEM((TPW,), jnp.int32),
            pltpu.VMEM((TPW,), jnp.int32),
            pltpu.VMEM((TPW, PACK), jnp.float32),
            pltpu.VMEM((TPW // 2, PACK), jnp.float32),
            pltpu.SemaphoreType.DMA,
            pltpu.SemaphoreType.DMA,
        ],
        compiler_params=pltpu.CompilerParams(
            needs_layout_passes=False,
            skip_device_barrier=True,
            disable_bounds_checks=True,
            disable_semaphore_checks=True,
        ),
    )
    out2 = k(w2, idx)
    return out2.reshape(B, D)

# --- scband reference (transcript-rebuilt; emitter-appended) ---
"""Pipeline reference for scband-embedding-59682865545863 (READ-ONLY COPY).

The authoritative reference and input builder live on the scoring server;
editing this copy changes nothing except your own understanding.
"""

import jax, jax.numpy as jnp
import numpy as np

N_EMBEDDINGS = 1000000
D_EMBEDDINGS = 64
BATCH = 16384

def setup_inputs(seed: int = 0) -> dict:
    key = jax.random.key(seed)
    k_idx, k_w = jax.random.split(key)
    input_ids = jax.random.randint(k_idx, (BATCH,), 0, N_EMBEDDINGS, dtype=jnp.int64 if jax.config.jax_enable_x64 else jnp.int32)
    weight = jax.random.normal(k_w, (N_EMBEDDINGS, D_EMBEDDINGS), dtype=jnp.float32)
    return {"input": input_ids, "weight": weight}

def reference(input, weight):
    # The torch module gathers the requested rows from the sharded table
    # (self.shard_tensor[input]) and then does an identity F.embedding over
    # arange(len(input)). Net effect: a plain row gather from the full table.
    gathered = jnp.take(weight, input, axis=0)
    idx = jnp.arange(input.shape[0])
    out = jnp.take(gathered, idx, axis=0)
    return out

if __name__ == "__main__":
    import jax
    _d = setup_inputs()
    print(jax.jit(kernel)(*tuple(_d.values())))

</pallas_src>

<mosaic_0001>
#map = affine_map<(d0, d1) -> (0, 0)>
#map1 = affine_map<(d0, d1) -> (0)>
module attributes {stable_mosaic.version = 14 : i64} {
  func.func @_body(%arg0: i32, %arg1: i32, %arg2: memref<507904x128xf32, #tpu.memory_space<hbm>>, %arg3: memref<16384xi32, #tpu.memory_space<hbm>>, %arg4: memref<8192x128xf32, #tpu.memory_space<hbm>>, %arg5: memref<512xi32, #tpu.memory_space<vmem>>, %arg6: memref<512xi32, #tpu.memory_space<vmem>>, %arg7: memref<512x128xf32, #tpu.memory_space<vmem>>, %arg8: memref<256x128xf32, #tpu.memory_space<vmem>>, %arg9: memref<!tpu.dma_semaphore, #tpu.memory_space<semaphore_mem>>, %arg10: memref<!tpu.dma_semaphore, #tpu.memory_space<semaphore_mem>>) attributes {dimension_semantics = [#tpu.dimension_semantics<core_parallel>, #tpu.dimension_semantics<subcore_parallel>], iteration_bounds = array<i64: 2, 16>, scalar_prefetch = 0 : i64, scratch_operands = 6 : i64, tpu.core_type = #tpu.core_type<sc_vector_subcore>, window_params = [{transform_indices = #map}, {transform_indices = #map1}, {transform_indices = #map}]} {
    %mul3A = arith.constant 2 : i32
    %mul3A_0 = arith.muli %arg1, %mul3A : i32
    %add3A = arith.addi %mul3A_0, %arg0 : i32
    %mul3A_1 = arith.constant 512 : i32
    %mul3A_2 = arith.muli %add3A, %mul3A_1 : i32
    "tpu.region"() ({
      %run_scoped3A = tpu.sem_alloc : memref<!tpu.dma_semaphore, #tpu.memory_space<semaphore_mem>>
      %dma_start3A_463 = tpu.memref_slice %arg3[%mul3A_2] : memref<16384xi32, #tpu.memory_space<hbm>> -> memref<512xi32, #tpu.memory_space<hbm>>
      %dma_start3A_464 = tpu.memref_slice %arg3[%mul3A_2] : memref<16384xi32, #tpu.memory_space<hbm>> -> memref<512xi32, #tpu.memory_space<hbm>>
      tpu.enqueue_dma source(%dma_start3A_464 : memref<512xi32, #tpu.memory_space<hbm>>) target(%arg5 : memref<512xi32, #tpu.memory_space<vmem>>) target_semaphore(%run_scoped3A : memref<!tpu.dma_semaphore, #tpu.memory_space<semaphore_mem>>)
      %dma_wait3A_465 = tpu.memref_slice %arg3[%mul3A_2] : memref<16384xi32, #tpu.memory_space<hbm>> -> memref<512xi32, #tpu.memory_space<hbm>>
      %dma_wait3A_466 = tpu.memref_slice %arg3[%mul3A_2] : memref<16384xi32, #tpu.memory_space<hbm>> -> memref<512xi32, #tpu.memory_space<hbm>>
      tpu.wait_dma2 semaphore(%run_scoped3A : memref<!tpu.dma_semaphore, #tpu.memory_space<semaphore_mem>>) src(%dma_wait3A_466 : memref<512xi32, #tpu.memory_space<hbm>>) dst(%arg5 : memref<512xi32, #tpu.memory_space<vmem>>)
      tpu.yield
    }) : () -> ()
    %get3A = arith.constant 0 : index
    %get3A_3 = tpu.vector_load %arg5[%get3A] {strides = array<i32>} : memref<512xi32, #tpu.memory_space<vmem>>, vector<16xi32>,
    %shift_right_arithmetic3A = arith.constant 14 : i32
    %shift_right_arithmetic3A_4 = vector.broadcast %shift_right_arithmetic3A : i32 to vector<16xi32>
    %shift_right_arithmetic3A_5 = arith.shrsi %get3A_3, %shift_right_arithmetic3A_4 : vector<16xi32>
    %shift_left3A = arith.constant 13 : i32
    %shift_left3A_6 = vector.broadcast %shift_left3A : i32 to vector<16xi32>
    %shift_left3A_7 = arith.shli %shift_right_arithmetic3A_5, %shift_left3A_6 : vector<16xi32>
    %and3A = arith.constant 8191 : i32
    %and3A_8 = vector.broadcast %and3A : i32 to vector<16xi32>
    %and3A_9 = arith.andi %get3A_3, %and3A_8 : vector<16xi32>
    %or3A = arith.ori %shift_left3A_7, %and3A_9 : vector<16xi32>
    %swap3A = arith.constant 0 : index
    %swap3A_10 = tpu.vector_load %arg6[%swap3A] {strides = array<i32>} : memref<512xi32, #tpu.memory_space<vmem>>, vector<16xi32>,
    tpu.vector_store %arg6[%swap3A], %or3A {strides = array<i32>} : memref<512xi32, #tpu.memory_space<vmem>>, vector<16xi32>,
    %get3A_11 = arith.constant 16 : index
    %get3A_12 = tpu.vector_load %arg5[%get3A_11] {strides = array<i32>} : memref<512xi32, #tpu.memory_space<vmem>>, vector<16xi32>,
    %shift_right_arithmetic3A_13 = arith.constant 14 : i32
    %shift_right_arithmetic3A_14 = vector.broadcast %shift_right_arithmetic3A_13 : i32 to vector<16xi32>
    %shift_right_arithmetic3A_15 = arith.shrsi %get3A_12, %shift_right_arithmetic3A_14 : vector<16xi32>
    %shift_left3A_16 = arith.constant 13 : i32
    %shift_left3A_17 = vector.broadcast %shift_left3A_16 : i32 to vector<16xi32>
    %shift_left3A_18 = arith.shli %shift_right_arithmetic3A_15, %shift_left3A_17 : vector<16xi32>
    %and3A_19 = arith.constant 8191 : i32
    %and3A_20 = vector.broadcast %and3A_19 : i32 to vector<16xi32>
    %and3A_21 = arith.andi %get3A_12, %and3A_20 : vector<16xi32>
    %or3A_22 = arith.ori %shift_left3A_18, %and3A_21 : vector<16xi32>
    %swap3A_23 = arith.constant 16 : index
    %swap3A_24 = tpu.vector_load %arg6[%swap3A_23] {strides = array<i32>} : memref<512xi32, #tpu.memory_space<vmem>>, vector<16xi32>,
    tpu.vector_store %arg6[%swap3A_23], %or3A_22 {strides = array<i32>} : memref<512xi32, #tpu.memory_space<vmem>>, vector<16xi32>,
    %get3A_25 = arith.constant 32 : index
    %get3A_26 = tpu.vector_load %arg5[%get3A_25] {strides = array<i32>} : memref<512xi32, #tpu.memory_space<vmem>>, vector<16xi32>,
    %shift_right_arithmetic3A_27 = arith.constant 14 : i32
    %shift_right_arithmetic3A_28 = vector.broadcast %shift_right_arithmetic3A_27 : i32 to vector<16xi32>
    %shift_right_arithmetic3A_29 = arith.shrsi %get3A_26, %shift_right_arithmetic3A_28 : vector<16xi32>
    %shift_left3A_30 = arith.constant 13 : i32
    %shift_left3A_31 = vector.broadcast %shift_left3A_30 : i32 to vector<16xi32>
    %shift_left3A_32 = arith.shli %shift_right_arithmetic3A_29, %shift_left3A_31 : vector<16xi32>
    %and3A_33 = arith.constant 8191 : i32
    %and3A_34 = vector.broadcast %and3A_33 : i32 to vector<16xi32>
    %and3A_35 = arith.andi %get3A_26, %and3A_34 : vector<16xi32>
    %or3A_36 = arith.ori %shift_left3A_32, %and3A_35 : vector<16xi32>
    %swap3A_37 = arith.constant 32 : index
    %swap3A_38 = tpu.vector_load %arg6[%swap3A_37] {strides = array<i32>} : memref<512xi32, #tpu.memory_space<vmem>>, vector<16xi32>,
    tpu.vector_store %arg6[%swap3A_37], %or3A_36 {strides = array<i32>} : memref<512xi32, #tpu.memory_space<vmem>>, vector<16xi32>,
    %get3A_39 = arith.constant 48 : index
    %get3A_40 = tpu.vector_load %arg5[%get3A_39] {strides = array<i32>} : memref<512xi32, #tpu.memory_space<vmem>>, vector<16xi32>,
    %shift_right_arithmetic3A_41 = arith.constant 14 : i32
    %shift_right_arithmetic3A_42 = vector.broadcast %shift_right_arithmetic3A_41 : i32 to vector<16xi32>
    %shift_right_arithmetic3A_43 = arith.shrsi %get3A_40, %shift_right_arithmetic3A_42 : vector<16xi32>
    %shift_left3A_44 = arith.constant 13 : i32
    %shift_left3A_45 = vector.broadcast %shift_left3A_44 : i32 to vector<16xi32>
    %shift_left3A_46 = arith.shli %shift_right_arithmetic3A_43, %shift_left3A_45 : vector<16xi32>
    %and3A_47 = arith.constant 8191 : i32
    %and3A_48 = vector.broadcast %and3A_47 : i32 to vector<16xi32>
    %and3A_49 = arith.andi %get3A_40, %and3A_48 : vector<16xi32>
    %or3A_50 = arith.ori %shift_left3A_46, %and3A_49 : vector<16xi32>
    %swap3A_51 = arith.constant 48 : index
    %swap3A_52 = tpu.vector_load %arg6[%swap3A_51] {strides = array<i32>} : memref<512xi32, #tpu.memory_space<vmem>>, vector<16xi32>,
    tpu.vector_store %arg6[%swap3A_51], %or3A_50 {strides = array<i32>} : memref<512xi32, #tpu.memory_space<vmem>>, vector<16xi32>,
    %get3A_53 = arith.constant 64 : index
    %get3A_54 = tpu.vector_load %arg5[%get3A_53] {strides = array<i32>} : memref<512xi32, #tpu.memory_space<vmem>>, vector<16xi32>,
    %shift_right_arithmetic3A_55 = arith.constant 14 : i32
    %shift_right_arithmetic3A_56 = vector.broadcast %shift_right_arithmetic3A_55 : i32 to vector<16xi32>
    %shift_right_arithmetic3A_57 = arith.shrsi %get3A_54, %shift_right_arithmetic3A_56 : vector<16xi32>
    %shift_left3A_58 = arith.constant 13 : i32
    %shift_left3A_59 = vector.broadcast %shift_left3A_58 : i32 to vector<16xi32>
    %shift_left3A_60 = arith.shli %shift_right_arithmetic3A_57, %shift_left3A_59 : vector<16xi32>
    %and3A_61 = arith.constant 8191 : i32
    %and3A_62 = vector.broadcast %and3A_61 : i32 to vector<16xi32>
    %and3A_63 = arith.andi %get3A_54, %and3A_62 : vector<16xi32>
    %or3A_64 = arith.ori %shift_left3A_60, %and3A_63 : vector<16xi32>
    %swap3A_65 = arith.constant 64 : index
    %swap3A_66 = tpu.vector_load %arg6[%swap3A_65] {strides = array<i32>} : memref<512xi32, #tpu.memory_space<vmem>>, vector<16xi32>,
    tpu.vector_store %arg6[%swap3A_65], %or3A_64 {strides = array<i32>} : memref<512xi32, #tpu.memory_space<vmem>>, vector<16xi32>,
    %get3A_67 = arith.constant 80 : index
    %get3A_68 = tpu.vector_load %arg5[%get3A_67] {strides = array<i32>} : memref<512xi32, #tpu.memory_space<vmem>>, vector<16xi32>,
    %shift_right_arithmetic3A_69 = arith.constant 14 : i32
    %shift_right_arithmetic3A_70 = vector.broadcast %shift_right_arithmetic3A_69 : i32 to vector<16xi32>
    %shift_right_arithmetic3A_71 = arith.shrsi %get3A_68, %shift_right_arithmetic3A_70 : vector<16xi32>
    %shift_left3A_72 = arith.constant 13 : i32
    %shift_left3A_73 = vector.broadcast %shift_left3A_72 : i32 to vector<16xi32>
    %shift_left3A_74 = arith.shli %shift_right_arithmetic3A_71, %shift_left3A_73 : vector<16xi32>
    %and3A_75 = arith.constant 8191 : i32
    %and3A_76 = vector.broadcast %and3A_75 : i32 to vector<16xi32>
    %and3A_77 = arith.andi %get3A_68, %and3A_76 : vector<16xi32>
    %or3A_78 = arith.ori %shift_left3A_74, %and3A_77 : vector<16xi32>
    %swap3A_79 = arith.constant 80 : index
    %swap3A_80 = tpu.vector_load %arg6[%swap3A_79] {strides = array<i32>} : memref<512xi32, #tpu.memory_space<vmem>>, vector<16xi32>,
    tpu.vector_store %arg6[%swap3A_79], %or3A_78 {strides = array<i32>} : memref<512xi32, #tpu.memory_space<vmem>>, vector<16xi32>,
    %get3A_81 = arith.constant 96 : index
    %get3A_82 = tpu.vector_load %arg5[%get3A_81] {strides = array<i32>} : memref<512xi32, #tpu.memory_space<vmem>>, vector<16xi32>,
    %shift_right_arithmetic3A_83 = arith.constant 14 : i32
    %shift_right_arithmetic3A_84 = vector.broadcast %shift_right_arithmetic3A_83 : i32 to vector<16xi32>
    %shift_right_arithmetic3A_85 = arith.shrsi %get3A_82, %shift_right_arithmetic3A_84 : vector<16xi32>
    %shift_left3A_86 = arith.constant 13 : i32
    %shift_left3A_87 = vector.broadcast %shift_left3A_86 : i32 to vector<16xi32>
    %shift_left3A_88 = arith.shli %shift_right_arithmetic3A_85, %shift_left3A_87 : vector<16xi32>
    %and3A_89 = arith.constant 8191 : i32
    %and3A_90 = vector.broadcast %and3A_89 : i32 to vector<16xi32>
    %and3A_91 = arith.andi %get3A_82, %and3A_90 : vector<16xi32>
    %or3A_92 = arith.ori %shift_left3A_88, %and3A_91 : vector<16xi32>
    %swap3A_93 = arith.constant 96 : index
    %swap3A_94 = tpu.vector_load %arg6[%swap3A_93] {strides = array<i32>} : memref<512xi32, #tpu.memory_space<vmem>>, vector<16xi32>,
    tpu.vector_store %arg6[%swap3A_93], %or3A_92 {strides = array<i32>} : memref<512xi32, #tpu.memory_space<vmem>>, vector<16xi32>,
    %get3A_95 = arith.constant 112 : index
    %get3A_96 = tpu.vector_load %arg5[%get3A_95] {strides = array<i32>} : memref<512xi32, #tpu.memory_space<vmem>>, vector<16xi32>,
    %shift_right_arithmetic3A_97 = arith.constant 14 : i32
    %shift_right_arithmetic3A_98 = vector.broadcast %shift_right_arithmetic3A_97 : i32 to vector<16xi32>
    %shift_right_arithmetic3A_99 = arith.shrsi %get3A_96, %shift_right_arithmetic3A_98 : vector<16xi32>
    %shift_left3A_100 = arith.constant 13 : i32
    %shift_left3A_101 = vector.broadcast %shift_left3A_100 : i32 to vector<16xi32>
    %shift_left3A_102 = arith.shli %shift_right_arithmetic3A_99, %shift_left3A_101 : vector<16xi32>
    %and3A_103 = arith.constant 8191 : i32
    %and3A_104 = vector.broadcast %and3A_103 : i32 to vector<16xi32>
    %and3A_105 = arith.andi %get3A_96, %and3A_104 : vector<16xi32>
    %or3A_106 = arith.ori %shift_left3A_102, %and3A_105 : vector<16xi32>
    %swap3A_107 = arith.constant 112 : index
    %swap3A_108 = tpu.vector_load %arg6[%swap3A_107] {strides = array<i32>} : memref<512xi32, #tpu.memory_space<vmem>>, vector<16xi32>,
    tpu.vector_store %arg6[%swap3A_107], %or3A_106 {strides = array<i32>} : memref<512xi32, #tpu.memory_space<vmem>>, vector<16xi32>,
    %get3A_109 = arith.constant 128 : index
    %get3A_110 = tpu.vector_load %arg5[%get3A_109] {strides = array<i32>} : memref<512xi32, #tpu.memory_space<vmem>>, vector<16xi32>,
    %shift_right_arithmetic3A_111 = arith.constant 14 : i32
    %shift_right_arithmetic3A_112 = vector.broadcast %shift_right_arithmetic3A_111 : i32 to vector<16xi32>
    %shift_right_arithmetic3A_113 = arith.shrsi %get3A_110, %shift_right_arithmetic3A_112 : vector<16xi32>
    %shift_left3A_114 = arith.constant 13 : i32
    %shift_left3A_115 = vector.broadcast %shift_left3A_114 : i32 to vector<16xi32>
    %shift_left3A_116 = arith.shli %shift_right_arithmetic3A_113, %shift_left3A_115 : vector<16xi32>
    %and3A_117 = arith.constant 8191 : i32
    %and3A_118 = vector.broadcast %and3A_117 : i32 to vector<16xi32>
    %and3A_119 = arith.andi %get3A_110, %and3A_118 : vector<16xi32>
    %or3A_120 = arith.ori %shift_left3A_116, %and3A_119 : vector<16xi32>
    %swap3A_121 = arith.constant 128 : index
    %swap3A_122 = tpu.vector_load %arg6[%swap3A_121] {strides = array<i32>} : memref<512xi32, #tpu.memory_space<vmem>>, vector<16xi32>,
    tpu.vector_store %arg6[%swap3A_121], %or3A_120 {strides = array<i32>} : memref<512xi32, #tpu.memory_space<vmem>>, vector<16xi32>,
    %get3A_123 = arith.constant 144 : index
    %get3A_124 = tpu.vector_load %arg5[%get3A_123] {strides = array<i32>} : memref<512xi32, #tpu.memory_space<vmem>>, vector<16xi32>,
    %shift_right_arithmetic3A_125 = arith.constant 14 : i32
    %shift_right_arithmetic3A_126 = vector.broadcast %shift_right_arithmetic3A_125 : i32 to vector<16xi32>
    %shift_right_arithmetic3A_127 = arith.shrsi %get3A_124, %shift_right_arithmetic3A_126 : vector<16xi32>
    %shift_left3A_128 = arith.constant 13 : i32
    %shift_left3A_129 = vector.broadcast %shift_left3A_128 : i32 to vector<16xi32>
    %shift_left3A_130 = arith.shli %shift_right_arithmetic3A_127, %shift_left3A_129 : vector<16xi32>
    %and3A_131 = arith.constant 8191 : i32
    %and3A_132 = vector.broadcast %and3A_131 : i32 to vector<16xi32>
    %and3A_133 = arith.andi %get3A_124, %and3A_132 : vector<16xi32>
    %or3A_134 = arith.ori %shift_left3A_130, %and3A_133 : vector<16xi32>
    %swap3A_135 = arith.constant 144 : index
    %swap3A_136 = tpu.vector_load %arg6[%swap3A_135] {strides = array<i32>} : memref<512xi32, #tpu.memory_space<vmem>>, vector<16xi32>,
    tpu.vector_store %arg6[%swap3A_135], %or3A_134 {strides = array<i32>} : memref<512xi32, #tpu.memory_space<vmem>>, vector<16xi32>,
    %get3A_137 = arith.constant 160 : index
    %get3A_138 = tpu.vector_load %arg5[%get3A_137] {strides = array<i32>} : memref<512xi32, #tpu.memory_space<vmem>>, vector<16xi32>,
    %shift_right_arithmetic3A_139 = arith.constant 14 : i32
    %shift_right_arithmetic3A_140 = vector.broadcast %shift_right_arithmetic3A_139 : i32 to vector<16xi32>
    %shift_right_arithmetic3A_141 = arith.shrsi %get3A_138, %shift_right_arithmetic3A_140 : vector<16xi32>
    %shift_left3A_142 = arith.constant 13 : i32
    %shift_left3A_143 = vector.broadcast %shift_left3A_142 : i32 to vector<16xi32>
    %shift_left3A_144 = arith.shli %shift_right_arithmetic3A_141, %shift_left3A_143 : vector<16xi32>
    %and3A_145 = arith.constant 8191 : i32
    %and3A_146 = vector.broadcast %and3A_145 : i32 to vector<16xi32>
    %and3A_147 = arith.andi %get3A_138, %and3A_146 : vector<16xi32>
    %or3A_148 = arith.ori %shift_left3A_144, %and3A_147 : vector<16xi32>
    %swap3A_149 = arith.constant 160 : index
    %swap3A_150 = tpu.vector_load %arg6[%swap3A_149] {strides = array<i32>} : memref<512xi32, #tpu.memory_space<vmem>>, vector<16xi32>,
    tpu.vector_store %arg6[%swap3A_149], %or3A_148 {strides = array<i32>} : memref<512xi32, #tpu.memory_space<vmem>>, vector<16xi32>,
    %get3A_151 = arith.constant 176 : index
    %get3A_152 = tpu.vector_load %arg5[%get3A_151] {strides = array<i32>} : memref<512xi32, #tpu.memory_space<vmem>>, vector<16xi32>,
    %shift_right_arithmetic3A_153 = arith.constant 14 : i32
    %shift_right_arithmetic3A_154 = vector.broadcast %shift_right_arithmetic3A_153 : i32 to vector<16xi32>
    %shift_right_arithmetic3A_155 = arith.shrsi %get3A_152, %shift_right_arithmetic3A_154 : vector<16xi32>
    %shift_left3A_156 = arith.constant 13 : i32
    %shift_left3A_157 = vector.broadcast %shift_left3A_156 : i32 to vector<16xi32>
    %shift_left3A_158 = arith.shli %shift_right_arithmetic3A_155, %shift_left3A_157 : vector<16xi32>
    %and3A_159 = arith.constant 8191 : i32
    %and3A_160 = vector.broadcast %and3A_159 : i32 to vector<16xi32>
    %and3A_161 = arith.andi %get3A_152, %and3A_160 : vector<16xi32>
    %or3A_162 = arith.ori %shift_left3A_158, %and3A_161 : vector<16xi32>
    %swap3A_163 = arith.constant 176 : index
    %swap3A_164 = tpu.vector_load %arg6[%swap3A_163] {strides = array<i32>} : memref<512xi32, #tpu.memory_space<vmem>>, vector<16xi32>,
    tpu.vector_store %arg6[%swap3A_163], %or3A_162 {strides = array<i32>} : memref<512xi32, #tpu.memory_space<vmem>>, vector<16xi32>,
    %get3A_165 = arith.constant 192 : index
    %get3A_166 = tpu.vector_load %arg5[%get3A_165] {strides = array<i32>} : memref<512xi32, #tpu.memory_space<vmem>>, vector<16xi32>,
    %shift_right_arithmetic3A_167 = arith.constant 14 : i32
    %shift_right_arithmetic3A_168 = vector.broadcast %shift_right_arithmetic3A_167 : i32 to vector<16xi32>
    %shift_right_arithmetic3A_169 = arith.shrsi %get3A_166, %shift_right_arithmetic3A_168 : vector<16xi32>
    %shift_left3A_170 = arith.constant 13 : i32
    %shift_left3A_171 = vector.broadcast %shift_left3A_170 : i32 to vector<16xi32>
    %shift_left3A_172 = arith.shli %shift_right_arithmetic3A_169, %shift_left3A_171 : vector<16xi32>
    %and3A_173 = arith.constant 8191 : i32
    %and3A_174 = vector.broadcast %and3A_173 : i32 to vector<16xi32>
    %and3A_175 = arith.andi %get3A_166, %and3A_174 : vector<16xi32>
    %or3A_176 = arith.ori %shift_left3A_172, %and3A_175 : vector<16xi32>
    %swap3A_177 = arith.constant 192 : index
    %swap3A_178 = tpu.vector_load %arg6[%swap3A_177] {strides = array<i32>} : memref<512xi32, #tpu.memory_space<vmem>>, vector<16xi32>,
    tpu.vector_store %arg6[%swap3A_177], %or3A_176 {strides = array<i32>} : memref<512xi32, #tpu.memory_space<vmem>>, vector<16xi32>,
    %get3A_179 = arith.constant 208 : index
    %get3A_180 = tpu.vector_load %arg5[%get3A_179] {strides = array<i32>} : memref<512xi32, #tpu.memory_space<vmem>>, vector<16xi32>,
    %shift_right_arithmetic3A_181 = arith.constant 14 : i32
    %shift_right_arithmetic3A_182 = vector.broadcast %shift_right_arithmetic3A_181 : i32 to vector<16xi32>
    %shift_right_arithmetic3A_183 = arith.shrsi %get3A_180, %shift_right_arithmetic3A_182 : vector<16xi32>
    %shift_left3A_184 = arith.constant 13 : i32
    %shift_left3A_185 = vector.broadcast %shift_left3A_184 : i32 to vector<16xi32>
    %shift_left3A_186 = arith.shli %shift_right_arithmetic3A_183, %shift_left3A_185 : vector<16xi32>
    %and3A_187 = arith.constant 8191 : i32
    %and3A_188 = vector.broadcast %and3A_187 : i32 to vector<16xi32>
    %and3A_189 = arith.andi %get3A_180, %and3A_188 : vector<16xi32>
    %or3A_190 = arith.ori %shift_left3A_186, %and3A_189 : vector<16xi32>
    %swap3A_191 = arith.constant 208 : index
    %swap3A_192 = tpu.vector_load %arg6[%swap3A_191] {strides = array<i32>} : memref<512xi32, #tpu.memory_space<vmem>>, vector<16xi32>,
    tpu.vector_store %arg6[%swap3A_191], %or3A_190 {strides = array<i32>} : memref<512xi32, #tpu.memory_space<vmem>>, vector<16xi32>,
    %get3A_193 = arith.constant 224 : index
    %get3A_194 = tpu.vector_load %arg5[%get3A_193] {strides = array<i32>} : memref<512xi32, #tpu.memory_space<vmem>>, vector<16xi32>,
    %shift_right_arithmetic3A_195 = arith.constant 14 : i32
    %shift_right_arithmetic3A_196 = vector.broadcast %shift_right_arithmetic3A_195 : i32 to vector<16xi32>
    %shift_right_arithmetic3A_197 = arith.shrsi %get3A_194, %shift_right_arithmetic3A_196 : vector<16xi32>
    %shift_left3A_198 = arith.constant 13 : i32
    %shift_left3A_199 = vector.broadcast %shift_left3A_198 : i32 to vector<16xi32>
    %shift_left3A_200 = arith.shli %shift_right_arithmetic3A_197, %shift_left3A_199 : vector<16xi32>
    %and3A_201 = arith.constant 8191 : i32
    %and3A_202 = vector.broadcast %and3A_201 : i32 to vector<16xi32>
    %and3A_203 = arith.andi %get3A_194, %and3A_202 : vector<16xi32>
    %or3A_204 = arith.ori %shift_left3A_200, %and3A_203 : vector<16xi32>
    %swap3A_205 = arith.constant 224 : index
    %swap3A_206 = tpu.vector_load %arg6[%swap3A_205] {strides = array<i32>} : memref<512xi32, #tpu.memory_space<vmem>>, vector<16xi32>,
    tpu.vector_store %arg6[%swap3A_205], %or3A_204 {strides = array<i32>} : memref<512xi32, #tpu.memory_space<vmem>>, vector<16xi32>,
    %get3A_207 = arith.constant 240 : index
    %get3A_208 = tpu.vector_load %arg5[%get3A_207] {strides = array<i32>} : memref<512xi32, #tpu.memory_space<vmem>>, vector<16xi32>,
    %shift_right_arithmetic3A_209 = arith.constant 14 : i32
    %shift_right_arithmetic3A_210 = vector.broadcast %shift_right_arithmetic3A_209 : i32 to vector<16xi32>
    %shift_right_arithmetic3A_211 = arith.shrsi %get3A_208, %shift_right_arithmetic3A_210 : vector<16xi32>
    %shift_left3A_212 = arith.constant 13 : i32
    %shift_left3A_213 = vector.broadcast %shift_left3A_212 : i32 to vector<16xi32>
    %shift_left3A_214 = arith.shli %shift_right_arithmetic3A_211, %shift_left3A_213 : vector<16xi32>
    %and3A_215 = arith.constant 8191 : i32
    %and3A_216 = vector.broadcast %and3A_215 : i32 to vector<16xi32>
    %and3A_217 = arith.andi %get3A_208, %and3A_216 : vector<16xi32>
    %or3A_218 = arith.ori %shift_left3A_214, %and3A_217 : vector<16xi32>
    %swap3A_219 = arith.constant 240 : index
    %swap3A_220 = tpu.vector_load %arg6[%swap3A_219] {strides = array<i32>} : memref<512xi32, #tpu.memory_space<vmem>>, vector<16xi32>,
    tpu.vector_store %arg6[%swap3A_219], %or3A_218 {strides = array<i32>} : memref<512xi32, #tpu.memory_space<vmem>>, vector<16xi32>,
    %get3A_221 = arith.constant 256 : index
    %get3A_222 = tpu.vector_load %arg5[%get3A_221] {strides = array<i32>} : memref<512xi32, #tpu.memory_space<vmem>>, vector<16xi32>,
    %shift_right_arithmetic3A_223 = arith.constant 14 : i32
    %shift_right_arithmetic3A_224 = vector.broadcast %shift_right_arithmetic3A_223 : i32 to vector<16xi32>
    %shift_right_arithmetic3A_225 = arith.shrsi %get3A_222, %shift_right_arithmetic3A_224 : vector<16xi32>
    %shift_left3A_226 = arith.constant 13 : i32
    %shift_left3A_227 = vector.broadcast %shift_left3A_226 : i32 to vector<16xi32>
    %shift_left3A_228 = arith.shli %shift_right_arithmetic3A_225, %shift_left3A_227 : vector<16xi32>
    %and3A_229 = arith.constant 8191 : i32
    %and3A_230 = vector.broadcast %and3A_229 : i32 to vector<16xi32>
    %and3A_231 = arith.andi %get3A_222, %and3A_230 : vector<16xi32>
    %or3A_232 = arith.ori %shift_left3A_228, %and3A_231 : vector<16xi32>
    %swap3A_233 = arith.constant 256 : index
    %swap3A_234 = tpu.vector_load %arg6[%swap3A_233] {strides = array<i32>} : memref<512xi32, #tpu.memory_space<vmem>>, vector<16xi32>,
    tpu.vector_store %arg6[%swap3A_233], %or3A_232 {strides = array<i32>} : memref<512xi32, #tpu.memory_space<vmem>>, vector<16xi32>,
    %get3A_235 = arith.constant 272 : index
    %get3A_236 = tpu.vector_load %arg5[%get3A_235] {strides = array<i32>} : memref<512xi32, #tpu.memory_space<vmem>>, vector<16xi32>,
    %shift_right_arithmetic3A_237 = arith.constant 14 : i32
    %shift_right_arithmetic3A_238 = vector.broadcast %shift_right_arithmetic3A_237 : i32 to vector<16xi32>
    %shift_right_arithmetic3A_239 = arith.shrsi %get3A_236, %shift_right_arithmetic3A_238 : vector<16xi32>
    %shift_left3A_240 = arith.constant 13 : i32
    %shift_left3A_241 = vector.broadcast %shift_left3A_240 : i32 to vector<16xi32>
    %shift_left3A_242 = arith.shli %shift_right_arithmetic3A_239, %shift_left3A_241 : vector<16xi32>
    %and3A_243 = arith.constant 8191 : i32
    %and3A_244 = vector.broadcast %and3A_243 : i32 to vector<16xi32>
    %and3A_245 = arith.andi %get3A_236, %and3A_244 : vector<16xi32>
    %or3A_246 = arith.ori %shift_left3A_242, %and3A_245 : vector<16xi32>
    %swap3A_247 = arith.constant 272 : index
    %swap3A_248 = tpu.vector_load %arg6[%swap3A_247] {strides = array<i32>} : memref<512xi32, #tpu.memory_space<vmem>>, vector<16xi32>,
    tpu.vector_store %arg6[%swap3A_247], %or3A_246 {strides = array<i32>} : memref<512xi32, #tpu.memory_space<vmem>>, vector<16xi32>,
    %get3A_249 = arith.constant 288 : index
    %get3A_250 = tpu.vector_load %arg5[%get3A_249] {strides = array<i32>} : memref<512xi32, #tpu.memory_space<vmem>>, vector<16xi32>,
    %shift_right_arithmetic3A_251 = arith.constant 14 : i32
    %shift_right_arithmetic3A_252 = vector.broadcast %shift_right_arithmetic3A_251 : i32 to vector<16xi32>
    %shift_right_arithmetic3A_253 = arith.shrsi %get3A_250, %shift_right_arithmetic3A_252 : vector<16xi32>
    %shift_left3A_254 = arith.constant 13 : i32
    %shift_left3A_255 = vector.broadcast %shift_left3A_254 : i32 to vector<16xi32>
    %shift_left3A_256 = arith.shli %shift_right_arithmetic3A_253, %shift_left3A_255 : vector<16xi32>
    %and3A_257 = arith.constant 8191 : i32
    %and3A_258 = vector.broadcast %and3A_257 : i32 to vector<16xi32>
    %and3A_259 = arith.andi %get3A_250, %and3A_258 : vector<16xi32>
    %or3A_260 = arith.ori %shift_left3A_256, %and3A_259 : vector<16xi32>
    %swap3A_261 = arith.constant 288 : index
    %swap3A_262 = tpu.vector_load %arg6[%swap3A_261] {strides = array<i32>} : memref<512xi32, #tpu.memory_space<vmem>>, vector<16xi32>,
    tpu.vector_store %arg6[%swap3A_261], %or3A_260 {strides = array<i32>} : memref<512xi32, #tpu.memory_space<vmem>>, vector<16xi32>,
    %get3A_263 = arith.constant 304 : index
    %get3A_264 = tpu.vector_load %arg5[%get3A_263] {strides = array<i32>} : memref<512xi32, #tpu.memory_space<vmem>>, vector<16xi32>,
    %shift_right_arithmetic3A_265 = arith.constant 14 : i32
    %shift_right_arithmetic3A_266 = vector.broadcast %shift_right_arithmetic3A_265 : i32 to vector<16xi32>
    %shift_right_arithmetic3A_267 = arith.shrsi %get3A_264, %shift_right_arithmetic3A_266 : vector<16xi32>
    %shift_left3A_268 = arith.constant 13 : i32
    %shift_left3A_269 = vector.broadcast %shift_left3A_268 : i32 to vector<16xi32>
    %shift_left3A_270 = arith.shli %shift_right_arithmetic3A_267, %shift_left3A_269 : vector<16xi32>
    %and3A_271 = arith.constant 8191 : i32
    %and3A_272 = vector.broadcast %and3A_271 : i32 to vector<16xi32>
    %and3A_273 = arith.andi %get3A_264, %and3A_272 : vector<16xi32>
    %or3A_274 = arith.ori %shift_left3A_270, %and3A_273 : vector<16xi32>
    %swap3A_275 = arith.constant 304 : index
    %swap3A_276 = tpu.vector_load %arg6[%swap3A_275] {strides = array<i32>} : memref<512xi32, #tpu.memory_space<vmem>>, vector<16xi32>,
    tpu.vector_store %arg6[%swap3A_275], %or3A_274 {strides = array<i32>} : memref<512xi32, #tpu.memory_space<vmem>>, vector<16xi32>,
    %get3A_277 = arith.constant 320 : index
    %get3A_278 = tpu.vector_load %arg5[%get3A_277] {strides = array<i32>} : memref<512xi32, #tpu.memory_space<vmem>>, vector<16xi32>,
    %shift_right_arithmetic3A_279 = arith.constant 14 : i32
    %shift_right_arithmetic3A_280 = vector.broadcast %shift_right_arithmetic3A_279 : i32 to vector<16xi32>
    %shift_right_arithmetic3A_281 = arith.shrsi %get3A_278, %shift_right_arithmetic3A_280 : vector<16xi32>
    %shift_left3A_282 = arith.constant 13 : i32
    %shift_left3A_283 = vector.broadcast %shift_left3A_282 : i32 to vector<16xi32>
    %shift_left3A_284 = arith.shli %shift_right_arithmetic3A_281, %shift_left3A_283 : vector<16xi32>
    %and3A_285 = arith.constant 8191 : i32
    %and3A_286 = vector.broadcast %and3A_285 : i32 to vector<16xi32>
    %and3A_287 = arith.andi %get3A_278, %and3A_286 : vector<16xi32>
    %or3A_288 = arith.ori %shift_left3A_284, %and3A_287 : vector<16xi32>
    %swap3A_289 = arith.constant 320 : index
    %swap3A_290 = tpu.vector_load %arg6[%swap3A_289] {strides = array<i32>} : memref<512xi32, #tpu.memory_space<vmem>>, vector<16xi32>,
    tpu.vector_store %arg6[%swap3A_289], %or3A_288 {strides = array<i32>} : memref<512xi32, #tpu.memory_space<vmem>>, vector<16xi32>,
    %get3A_291 = arith.constant 336 : index
    %get3A_292 = tpu.vector_load %arg5[%get3A_291] {strides = array<i32>} : memref<512xi32, #tpu.memory_space<vmem>>, vector<16xi32>,
    %shift_right_arithmetic3A_293 = arith.constant 14 : i32
    %shift_right_arithmetic3A_294 = vector.broadcast %shift_right_arithmetic3A_293 : i32 to vector<16xi32>
    %shift_right_arithmetic3A_295 = arith.shrsi %get3A_292, %shift_right_arithmetic3A_294 : vector<16xi32>
    %shift_left3A_296 = arith.constant 13 : i32
    %shift_left3A_297 = vector.broadcast %shift_left3A_296 : i32 to vector<16xi32>
    %shift_left3A_298 = arith.shli %shift_right_arithmetic3A_295, %shift_left3A_297 : vector<16xi32>
    %and3A_299 = arith.constant 8191 : i32
    %and3A_300 = vector.broadcast %and3A_299 : i32 to vector<16xi32>
    %and3A_301 = arith.andi %get3A_292, %and3A_300 : vector<16xi32>
    %or3A_302 = arith.ori %shift_left3A_298, %and3A_301 : vector<16xi32>
    %swap3A_303 = arith.constant 336 : index
    %swap3A_304 = tpu.vector_load %arg6[%swap3A_303] {strides = array<i32>} : memref<512xi32, #tpu.memory_space<vmem>>, vector<16xi32>,
    tpu.vector_store %arg6[%swap3A_303], %or3A_302 {strides = array<i32>} : memref<512xi32, #tpu.memory_space<vmem>>, vector<16xi32>,
    %get3A_305 = arith.constant 352 : index
    %get3A_306 = tpu.vector_load %arg5[%get3A_305] {strides = array<i32>} : memref<512xi32, #tpu.memory_space<vmem>>, vector<16xi32>,
    %shift_right_arithmetic3A_307 = arith.constant 14 : i32
    %shift_right_arithmetic3A_308 = vector.broadcast %shift_right_arithmetic3A_307 : i32 to vector<16xi32>
    %shift_right_arithmetic3A_309 = arith.shrsi %get3A_306, %shift_right_arithmetic3A_308 : vector<16xi32>
    %shift_left3A_310 = arith.constant 13 : i32
    %shift_left3A_311 = vector.broadcast %shift_left3A_310 : i32 to vector<16xi32>
    %shift_left3A_312 = arith.shli %shift_right_arithmetic3A_309, %shift_left3A_311 : vector<16xi32>
    %and3A_313 = arith.constant 8191 : i32
    %and3A_314 = vector.broadcast %and3A_313 : i32 to vector<16xi32>
    %and3A_315 = arith.andi %get3A_306, %and3A_314 : vector<16xi32>
    %or3A_316 = arith.ori %shift_left3A_312, %and3A_315 : vector<16xi32>
    %swap3A_317 = arith.constant 352 : index
    %swap3A_318 = tpu.vector_load %arg6[%swap3A_317] {strides = array<i32>} : memref<512xi32, #tpu.memory_space<vmem>>, vector<16xi32>,
    tpu.vector_store %arg6[%swap3A_317], %or3A_316 {strides = array<i32>} : memref<512xi32, #tpu.memory_space<vmem>>, vector<16xi32>,
    %get3A_319 = arith.constant 368 : index
    %get3A_320 = tpu.vector_load %arg5[%get3A_319] {strides = array<i32>} : memref<512xi32, #tpu.memory_space<vmem>>, vector<16xi32>,
    %shift_right_arithmetic3A_321 = arith.constant 14 : i32
    %shift_right_arithmetic3A_322 = vector.broadcast %shift_right_arithmetic3A_321 : i32 to vector<16xi32>
    %shift_right_arithmetic3A_323 = arith.shrsi %get3A_320, %shift_right_arithmetic3A_322 : vector<16xi32>
    %shift_left3A_324 = arith.constant 13 : i32
    %shift_left3A_325 = vector.broadcast %shift_left3A_324 : i32 to vector<16xi32>
    %shift_left3A_326 = arith.shli %shift_right_arithmetic3A_323, %shift_left3A_325 : vector<16xi32>
    %and3A_327 = arith.constant 8191 : i32
    %and3A_328 = vector.broadcast %and3A_327 : i32 to vector<16xi32>
    %and3A_329 = arith.andi %get3A_320, %and3A_328 : vector<16xi32>
    %or3A_330 = arith.ori %shift_left3A_326, %and3A_329 : vector<16xi32>
    %swap3A_331 = arith.constant 368 : index
    %swap3A_332 = tpu.vector_load %arg6[%swap3A_331] {strides = array<i32>} : memref<512xi32, #tpu.memory_space<vmem>>, vector<16xi32>,
    tpu.vector_store %arg6[%swap3A_331], %or3A_330 {strides = array<i32>} : memref<512xi32, #tpu.memory_space<vmem>>, vector<16xi32>,
    %get3A_333 = arith.constant 384 : index
    %get3A_334 = tpu.vector_load %arg5[%get3A_333] {strides = array<i32>} : memref<512xi32, #tpu.memory_space<vmem>>, vector<16xi32>,
    %shift_right_arithmetic3A_335 = arith.constant 14 : i32
    %shift_right_arithmetic3A_336 = vector.broadcast %shift_right_arithmetic3A_335 : i32 to vector<16xi32>
    %shift_right_arithmetic3A_337 = arith.shrsi %get3A_334, %shift_right_arithmetic3A_336 : vector<16xi32>
    %shift_left3A_338 = arith.constant 13 : i32
    %shift_left3A_339 = vector.broadcast %shift_left3A_338 : i32 to vector<16xi32>
    %shift_left3A_340 = arith.shli %shift_right_arithmetic3A_337, %shift_left3A_339 : vector<16xi32>
    %and3A_341 = arith.constant 8191 : i32
    %and3A_342 = vector.broadcast %and3A_341 : i32 to vector<16xi32>
    %and3A_343 = arith.andi %get3A_334, %and3A_342 : vector<16xi32>
    %or3A_344 = arith.ori %shift_left3A_340, %and3A_343 : vector<16xi32>
    %swap3A_345 = arith.constant 384 : index
    %swap3A_346 = tpu.vector_load %arg6[%swap3A_345] {strides = array<i32>} : memref<512xi32, #tpu.memory_space<vmem>>, vector<16xi32>,
    tpu.vector_store %arg6[%swap3A_345], %or3A_344 {strides = array<i32>} : memref<512xi32, #tpu.memory_space<vmem>>, vector<16xi32>,
    %get3A_347 = arith.constant 400 : index
    %get3A_348 = tpu.vector_load %arg5[%get3A_347] {strides = array<i32>} : memref<512xi32, #tpu.memory_space<vmem>>, vector<16xi32>,
    %shift_right_arithmetic3A_349 = arith.constant 14 : i32
    %shift_right_arithmetic3A_350 = vector.broadcast %shift_right_arithmetic3A_349 : i32 to vector<16xi32>
    %shift_right_arithmetic3A_351 = arith.shrsi %get3A_348, %shift_right_arithmetic3A_350 : vector<16xi32>
    %shift_left3A_352 = arith.constant 13 : i32
    %shift_left3A_353 = vector.broadcast %shift_left3A_352 : i32 to vector<16xi32>
    %shift_left3A_354 = arith.shli %shift_right_arithmetic3A_351, %shift_left3A_353 : vector<16xi32>
    %and3A_355 = arith.constant 8191 : i32
    %and3A_356 = vector.broadcast %and3A_355 : i32 to vector<16xi32>
    %and3A_357 = arith.andi %get3A_348, %and3A_356 : vector<16xi32>
    %or3A_358 = arith.ori %shift_left3A_354, %and3A_357 : vector<16xi32>
    %swap3A_359 = arith.constant 400 : index
    %swap3A_360 = tpu.vector_load %arg6[%swap3A_359] {strides = array<i32>} : memref<512xi32, #tpu.memory_space<vmem>>, vector<16xi32>,
    tpu.vector_store %arg6[%swap3A_359], %or3A_358 {strides = array<i32>} : memref<512xi32, #tpu.memory_space<vmem>>, vector<16xi32>,
    %get3A_361 = arith.constant 416 : index
    %get3A_362 = tpu.vector_load %arg5[%get3A_361] {strides = array<i32>} : memref<512xi32, #tpu.memory_space<vmem>>, vector<16xi32>,
    %shift_right_arithmetic3A_363 = arith.constant 14 : i32
    %shift_right_arithmetic3A_364 = vector.broadcast %shift_right_arithmetic3A_363 : i32 to vector<16xi32>
    %shift_right_arithmetic3A_365 = arith.shrsi %get3A_362, %shift_right_arithmetic3A_364 : vector<16xi32>
    %shift_left3A_366 = arith.constant 13 : i32
    %shift_left3A_367 = vector.broadcast %shift_left3A_366 : i32 to vector<16xi32>
    %shift_left3A_368 = arith.shli %shift_right_arithmetic3A_365, %shift_left3A_367 : vector<16xi32>
    %and3A_369 = arith.constant 8191 : i32
    %and3A_370 = vector.broadcast %and3A_369 : i32 to vector<16xi32>
    %and3A_371 = arith.andi %get3A_362, %and3A_370 : vector<16xi32>
    %or3A_372 = arith.ori %shift_left3A_368, %and3A_371 : vector<16xi32>
    %swap3A_373 = arith.constant 416 : index
    %swap3A_374 = tpu.vector_load %arg6[%swap3A_373] {strides = array<i32>} : memref<512xi32, #tpu.memory_space<vmem>>, vector<16xi32>,
    tpu.vector_store %arg6[%swap3A_373], %or3A_372 {strides = array<i32>} : memref<512xi32, #tpu.memory_space<vmem>>, vector<16xi32>,
    %get3A_375 = arith.constant 432 : index
    %get3A_376 = tpu.vector_load %arg5[%get3A_375] {strides = array<i32>} : memref<512xi32, #tpu.memory_space<vmem>>, vector<16xi32>,
    %shift_right_arithmetic3A_377 = arith.constant 14 : i32
    %shift_right_arithmetic3A_378 = vector.broadcast %shift_right_arithmetic3A_377 : i32 to vector<16xi32>
    %shift_right_arithmetic3A_379 = arith.shrsi %get3A_376, %shift_right_arithmetic3A_378 : vector<16xi32>
    %shift_left3A_380 = arith.constant 13 : i32
    %shift_left3A_381 = vector.broadcast %shift_left3A_380 : i32 to vector<16xi32>
    %shift_left3A_382 = arith.shli %shift_right_arithmetic3A_379, %shift_left3A_381 : vector<16xi32>
    %and3A_383 = arith.constant 8191 : i32
    %and3A_384 = vector.broadcast %and3A_383 : i32 to vector<16xi32>
    %and3A_385 = arith.andi %get3A_376, %and3A_384 : vector<16xi32>
    %or3A_386 = arith.ori %shift_left3A_382, %and3A_385 : vector<16xi32>
    %swap3A_387 = arith.constant 432 : index
    %swap3A_388 = tpu.vector_load %arg6[%swap3A_387] {strides = array<i32>} : memref<512xi32, #tpu.memory_space<vmem>>, vector<16xi32>,
    tpu.vector_store %arg6[%swap3A_387], %or3A_386 {strides = array<i32>} : memref<512xi32, #tpu.memory_space<vmem>>, vector<16xi32>,
    %get3A_389 = arith.constant 448 : index
    %get3A_390 = tpu.vector_load %arg5[%get3A_389] {strides = array<i32>} : memref<512xi32, #tpu.memory_space<vmem>>, vector<16xi32>,
    %shift_right_arithmetic3A_391 = arith.constant 14 : i32
    %shift_right_arithmetic3A_392 = vector.broadcast %shift_right_arithmetic3A_391 : i32 to vector<16xi32>
    %shift_right_arithmetic3A_393 = arith.shrsi %get3A_390, %shift_right_arithmetic3A_392 : vector<16xi32>
    %shift_left3A_394 = arith.constant 13 : i32
    %shift_left3A_395 = vector.broadcast %shift_left3A_394 : i32 to vector<16xi32>
    %shift_left3A_396 = arith.shli %shift_right_arithmetic3A_393, %shift_left3A_395 : vector<16xi32>
    %and3A_397 = arith.constant 8191 : i32
    %and3A_398 = vector.broadcast %and3A_397 : i32 to vector<16xi32>
    %and3A_399 = arith.andi %get3A_390, %and3A_398 : vector<16xi32>
    %or3A_400 = arith.ori %shift_left3A_396, %and3A_399 : vector<16xi32>
    %swap3A_401 = arith.constant 448 : index
    %swap3A_402 = tpu.vector_load %arg6[%swap3A_401] {strides = array<i32>} : memref<512xi32, #tpu.memory_space<vmem>>, vector<16xi32>,
    tpu.vector_store %arg6[%swap3A_401], %or3A_400 {strides = array<i32>} : memref<512xi32, #tpu.memory_space<vmem>>, vector<16xi32>,
    %get3A_403 = arith.constant 464 : index
    %get3A_404 = tpu.vector_load %arg5[%get3A_403] {strides = array<i32>} : memref<512xi32, #tpu.memory_space<vmem>>, vector<16xi32>,
    %shift_right_arithmetic3A_405 = arith.constant 14 : i32
    %shift_right_arithmetic3A_406 = vector.broadcast %shift_right_arithmetic3A_405 : i32 to vector<16xi32>
    %shift_right_arithmetic3A_407 = arith.shrsi %get3A_404, %shift_right_arithmetic3A_406 : vector<16xi32>
    %shift_left3A_408 = arith.constant 13 : i32
    %shift_left3A_409 = vector.broadcast %shift_left3A_408 : i32 to vector<16xi32>
    %shift_left3A_410 = arith.shli %shift_right_arithmetic3A_407, %shift_left3A_409 : vector<16xi32>
    %and3A_411 = arith.constant 8191 : i32
    %and3A_412 = vector.broadcast %and3A_411 : i32 to vector<16xi32>
    %and3A_413 = arith.andi %get3A_404, %and3A_412 : vector<16xi32>
    %or3A_414 = arith.ori %shift_left3A_410, %and3A_413 : vector<16xi32>
    %swap3A_415 = arith.constant 464 : index
    %swap3A_416 = tpu.vector_load %arg6[%swap3A_415] {strides = array<i32>} : memref<512xi32, #tpu.memory_space<vmem>>, vector<16xi32>,
    tpu.vector_store %arg6[%swap3A_415], %or3A_414 {strides = array<i32>} : memref<512xi32, #tpu.memory_space<vmem>>, vector<16xi32>,
    %get3A_417 = arith.constant 480 : index
    %get3A_418 = tpu.vector_load %arg5[%get3A_417] {strides = array<i32>} : memref<512xi32, #tpu.memory_space<vmem>>, vector<16xi32>,
    %shift_right_arithmetic3A_419 = arith.constant 14 : i32
    %shift_right_arithmetic3A_420 = vector.broadcast %shift_right_arithmetic3A_419 : i32 to vector<16xi32>
    %shift_right_arithmetic3A_421 = arith.shrsi %get3A_418, %shift_right_arithmetic3A_420 : vector<16xi32>
    %shift_left3A_422 = arith.constant 13 : i32
    %shift_left3A_423 = vector.broadcast %shift_left3A_422 : i32 to vector<16xi32>
    %shift_left3A_424 = arith.shli %shift_right_arithmetic3A_421, %shift_left3A_423 : vector<16xi32>
    %and3A_425 = arith.constant 8191 : i32
    %and3A_426 = vector.broadcast %and3A_425 : i32 to vector<16xi32>
    %and3A_427 = arith.andi %get3A_418, %and3A_426 : vector<16xi32>
    %or3A_428 = arith.ori %shift_left3A_424, %and3A_427 : vector<16xi32>
    %swap3A_429 = arith.constant 480 : index
    %swap3A_430 = tpu.vector_load %arg6[%swap3A_429] {strides = array<i32>} : memref<512xi32, #tpu.memory_space<vmem>>, vector<16xi32>,
    tpu.vector_store %arg6[%swap3A_429], %or3A_428 {strides = array<i32>} : memref<512xi32, #tpu.memory_space<vmem>>, vector<16xi32>,
    %get3A_431 = arith.constant 496 : index
    %get3A_432 = tpu.vector_load %arg5[%get3A_431] {strides = array<i32>} : memref<512xi32, #tpu.memory_space<vmem>>, vector<16xi32>,
    %shift_right_arithmetic3A_433 = arith.constant 14 : i32
    %shift_right_arithmetic3A_434 = vector.broadcast %shift_right_arithmetic3A_433 : i32 to vector<16xi32>
    %shift_right_arithmetic3A_435 = arith.shrsi %get3A_432, %shift_right_arithmetic3A_434 : vector<16xi32>
    %shift_left3A_436 = arith.constant 13 : i32
    %shift_left3A_437 = vector.broadcast %shift_left3A_436 : i32 to vector<16xi32>
    %shift_left3A_438 = arith.shli %shift_right_arithmetic3A_435, %shift_left3A_437 : vector<16xi32>
    %and3A_439 = arith.constant 8191 : i32
    %and3A_440 = vector.broadcast %and3A_439 : i32 to vector<16xi32>
    %and3A_441 = arith.andi %get3A_432, %and3A_440 : vector<16xi32>
    %or3A_442 = arith.ori %shift_left3A_438, %and3A_441 : vector<16xi32>
    %swap3A_443 = arith.constant 496 : index
    %swap3A_444 = tpu.vector_load %arg6[%swap3A_443] {strides = array<i32>} : memref<512xi32, #tpu.memory_space<vmem>>, vector<16xi32>,
    tpu.vector_store %arg6[%swap3A_443], %or3A_442 {strides = array<i32>} : memref<512xi32, #tpu.memory_space<vmem>>, vector<16xi32>,
    %dma_start3A = arith.constant 0 : i32
    %dma_start3A_445 = arith.constant 0 : i32
    %dma_start3A_446 = tpu.memref_slice %arg2[%dma_start3A, %dma_start3A_445] : memref<507904x128xf32, #tpu.memory_space<hbm>> -> memref<507904x128xf32, #tpu.memory_space<hbm>>
    tpu.enqueue_indirect_dma source(%dma_start3A_446 : memref<507904x128xf32, #tpu.memory_space<hbm>>) target(%arg7 : memref<512x128xf32, #tpu.memory_space<vmem>>) offsets(%arg6 : memref<512xi32, #tpu.memory_space<vmem>>) semaphore(%arg9 : memref<!tpu.dma_semaphore, #tpu.memory_space<semaphore_mem>>)
    %dma_wait3A = arith.constant 0 : i32
    %dma_wait3A_447 = arith.constant 0 : i32
    %dma_wait3A_448 = tpu.memref_slice %arg2[%dma_wait3A, %dma_wait3A_447] : memref<507904x128xf32, #tpu.memory_space<hbm>> -> memref<507904x128xf32, #tpu.memory_space<hbm>>
    tpu.wait_indirect_dma semaphore(%arg9 : memref<!tpu.dma_semaphore, #tpu.memory_space<semaphore_mem>>) src(%dma_wait3A_448 : memref<507904x128xf32, #tpu.memory_space<hbm>>) dst(%arg7 : memref<512x128xf32, #tpu.memory_space<vmem>>)
    %scan3A = arith.constant 0 : i32
    %scan3A_449 = arith.constant 4 : i32
    %scan3A_450 = arith.addi %scan3A, %scan3A_449 : i32
    %scan3A_451 = arith.constant 1 : i32
    scf.for %scan3A_463 = %scan3A to %scan3A_450 step %scan3A_451  : i32 {
      %mul3A_464 = arith.constant 1 : i32
      %mul3A_465 = arith.muli %scan3A_463, %mul3A_464 : i32
      %add3A_466 = arith.constant 0 : i32
      %add3A_467 = arith.addi %add3A_466, %mul3A_465 : i32
      %mul3A_468 = arith.constant 128 : i32
      %mul3A_469 = arith.muli %add3A_467, %mul3A_468 : i32
      %iota3A = tpu.iota {dimensions = array<i32: 0>} : vector<16xi32>
      %add3A_470 = vector.broadcast %mul3A_469 : i32 to vector<16xi32>
      %add3A_471 = arith.addi %iota3A, %add3A_470 : vector<16xi32>
      %add3A_472 = arith.constant 0 : i32
      %add3A_473 = vector.broadcast %add3A_472 : i32 to vector<16xi32>
      %add3A_474 = arith.addi %add3A_471, %add3A_473 : vector<16xi32>
      %add3A_475 = arith.constant 0 : i32
      %add3A_476 = arith.addi %mul3A_469, %add3A_475 : i32
      %get3A_477 = arith.index_cast %add3A_476 : i32 to index
      %get3A_478 = tpu.vector_load %arg5[%get3A_477] {strides = array<i32>} : memref<512xi32, #tpu.memory_space<vmem>>, vector<16xi32>,
      %shift_right_arithmetic3A_479 = arith.constant 1 : i32
      %shift_right_arithmetic3A_480 = vector.broadcast %shift_right_arithmetic3A_479 : i32 to vector<16xi32>
      %shift_right_arithmetic3A_481 = arith.shrsi %add3A_474, %shift_right_arithmetic3A_480 : vector<16xi32>
      %shift_right_arithmetic3A_482 = arith.constant 13 : i32
      %shift_right_arithmetic3A_483 = vector.broadcast %shift_right_arithmetic3A_482 : i32 to vector<16xi32>
      %shift_right_arithmetic3A_484 = arith.shrsi %get3A_478, %shift_right_arithmetic3A_483 : vector<16xi32>
      %and3A_485 = arith.constant 1 : i32
      %and3A_486 = vector.broadcast %and3A_485 : i32 to vector<16xi32>
      %and3A_487 = arith.andi %shift_right_arithmetic3A_484, %and3A_486 : vector<16xi32>
      %mul3A_488 = arith.constant 64 : i32
      %mul3A_489 = vector.broadcast %mul3A_488 : i32 to vector<16xi32>
      %mul3A_490 = arith.muli %and3A_487, %mul3A_489 : vector<16xi32>
      %and3A_491 = arith.constant 1 : i32
      %and3A_492 = vector.broadcast %and3A_491 : i32 to vector<16xi32>
      %and3A_493 = arith.andi %add3A_474, %and3A_492 : vector<16xi32>
      %mul3A_494 = arith.constant 64 : i32
      %mul3A_495 = vector.broadcast %mul3A_494 : i32 to vector<16xi32>
      %mul3A_496 = arith.muli %and3A_493, %mul3A_495 : vector<16xi32>
      %broadcast_in_dim3A = arith.constant 1 : i32
      %broadcast_in_dim3A_497 = vector.broadcast %broadcast_in_dim3A : i32 to vector<16xi32>
      %gather3A = tpu.vector_load_idx %arg7[%add3A_474, %mul3A_490] : memref<512x128xf32, #tpu.memory_space<vmem>>[vector<16xi32>, vector<16xi32>], vector<16xf32>,
      tpu.vector_store_idx %arg8[%shift_right_arithmetic3A_481, %mul3A_496], %gather3A : memref<256x128xf32, #tpu.memory_space<vmem>>[vector<16xi32>, vector<16xi32>], vector<16xf32>,
      %add3A_498 = arith.addi %mul3A_490, %broadcast_in_dim3A_497 : vector<16xi32>
      %add3A_499 = arith.addi %mul3A_496, %broadcast_in_dim3A_497 : vector<16xi32>
      %gather3A_500 = tpu.vector_load_idx %arg7[%add3A_474, %add3A_498] : memref<512x128xf32, #tpu.memory_space<vmem>>[vector<16xi32>, vector<16xi32>], vector<16xf32>,
      tpu.vector_store_idx %arg8[%shift_right_arithmetic3A_481, %add3A_499], %gather3A_500 : memref<256x128xf32, #tpu.memory_space<vmem>>[vector<16xi32>, vector<16xi32>], vector<16xf32>,
      %add3A_501 = arith.addi %add3A_498, %broadcast_in_dim3A_497 : vector<16xi32>
      %add3A_502 = arith.addi %add3A_499, %broadcast_in_dim3A_497 : vector<16xi32>
      %gather3A_503 = tpu.vector_load_idx %arg7[%add3A_474, %add3A_501] : memref<512x128xf32, #tpu.memory_space<vmem>>[vector<16xi32>, vector<16xi32>], vector<16xf32>,
      tpu.vector_store_idx %arg8[%shift_right_arithmetic3A_481, %add3A_502], %gather3A_503 : memref<256x128xf32, #tpu.memory_space<vmem>>[vector<16xi32>, vector<16xi32>], vector<16xf32>,
      %add3A_504 = arith.addi %add3A_501, %broadcast_in_dim3A_497 : vector<16xi32>
      %add3A_505 = arith.addi %add3A_502, %broadcast_in_dim3A_497 : vector<16xi32>
      %gather3A_506 = tpu.vector_load_idx %arg7[%add3A_474, %add3A_504] : memref<512x128xf32, #tpu.memory_space<vmem>>[vector<16xi32>, vector<16xi32>], vector<16xf32>,
      tpu.vector_store_idx %arg8[%shift_right_arithmetic3A_481, %add3A_505], %gather3A_506 : memref<256x128xf32, #tpu.memory_space<vmem>>[vector<16xi32>, vector<16xi32>], vector<16xf32>,
      %add3A_507 = arith.addi %add3A_504, %broadcast_in_dim3A_497 : vector<16xi32>
      %add3A_508 = arith.addi %add3A_505, %broadcast_in_dim3A_497 : vector<16xi32>
      %gather3A_509 = tpu.vector_load_idx %arg7[%add3A_474, %add3A_507] : memref<512x128xf32, #tpu.memory_space<vmem>>[vector<16xi32>, vector<16xi32>], vector<16xf32>,
      tpu.vector_store_idx %arg8[%shift_right_arithmetic3A_481, %add3A_508], %gather3A_509 : memref<256x128xf32, #tpu.memory_space<vmem>>[vector<16xi32>, vector<16xi32>], vector<16xf32>,
      %add3A_510 = arith.addi %add3A_507, %broadcast_in_dim3A_497 : vector<16xi32>
      %add3A_511 = arith.addi %add3A_508, %broadcast_in_dim3A_497 : vector<16xi32>
      %gather3A_512 = tpu.vector_load_idx %arg7[%add3A_474, %add3A_510] : memref<512x128xf32, #tpu.memory_space<vmem>>[vector<16xi32>, vector<16xi32>], vector<16xf32>,
      tpu.vector_store_idx %arg8[%shift_right_arithmetic3A_481, %add3A_511], %gather3A_512 : memref<256x128xf32, #tpu.memory_space<vmem>>[vector<16xi32>, vector<16xi32>], vector<16xf32>,
      %add3A_513 = arith.addi %add3A_510, %broadcast_in_dim3A_497 : vector<16xi32>
      %add3A_514 = arith.addi %add3A_511, %broadcast_in_dim3A_497 : vector<16xi32>
      %gather3A_515 = tpu.vector_load_idx %arg7[%add3A_474, %add3A_513] : memref<512x128xf32, #tpu.memory_space<vmem>>[vector<16xi32>, vector<16xi32>], vector<16xf32>,
      tpu.vector_store_idx %arg8[%shift_right_arithmetic3A_481, %add3A_514], %gather3A_515 : memref<256x128xf32, #tpu.memory_space<vmem>>[vector<16xi32>, vector<16xi32>], vector<16xf32>,
      %add3A_516 = arith.addi %add3A_513, %broadcast_in_dim3A_497 : vector<16xi32>
      %add3A_517 = arith.addi %add3A_514, %broadcast_in_dim3A_497 : vector<16xi32>
      %gather3A_518 = tpu.vector_load_idx %arg7[%add3A_474, %add3A_516] : memref<512x128xf32, #tpu.memory_space<vmem>>[vector<16xi32>, vector<16xi32>], vector<16xf32>,
      tpu.vector_store_idx %arg8[%shift_right_arithmetic3A_481, %add3A_517], %gather3A_518 : memref<256x128xf32, #tpu.memory_space<vmem>>[vector<16xi32>, vector<16xi32>], vector<16xf32>,
      %add3A_519 = arith.addi %add3A_516, %broadcast_in_dim3A_497 : vector<16xi32>
      %add3A_520 = arith.addi %add3A_517, %broadcast_in_dim3A_497 : vector<16xi32>
      %gather3A_521 = tpu.vector_load_idx %arg7[%add3A_474, %add3A_519] : memref<512x128xf32, #tpu.memory_space<vmem>>[vector<16xi32>, vector<16xi32>], vector<16xf32>,
      tpu.vector_store_idx %arg8[%shift_right_arithmetic3A_481, %add3A_520], %gather3A_521 : memref<256x128xf32, #tpu.memory_space<vmem>>[vector<16xi32>, vector<16xi32>], vector<16xf32>,
      %add3A_522 = arith.addi %add3A_519, %broadcast_in_dim3A_497 : vector<16xi32>
      %add3A_523 = arith.addi %add3A_520, %broadcast_in_dim3A_497 : vector<16xi32>
      %gather3A_524 = tpu.vector_load_idx %arg7[%add3A_474, %add3A_522] : memref<512x128xf32, #tpu.memory_space<vmem>>[vector<16xi32>, vector<16xi32>], vector<16xf32>,
      tpu.vector_store_idx %arg8[%shift_right_arithmetic3A_481, %add3A_523], %gather3A_524 : memref<256x128xf32, #tpu.memory_space<vmem>>[vector<16xi32>, vector<16xi32>], vector<16xf32>,
      %add3A_525 = arith.addi %add3A_522, %broadcast_in_dim3A_497 : vector<16xi32>
      %add3A_526 = arith.addi %add3A_523, %broadcast_in_dim3A_497 : vector<16xi32>
      %gather3A_527 = tpu.vector_load_idx %arg7[%add3A_474, %add3A_525] : memref<512x128xf32, #tpu.memory_space<vmem>>[vector<16xi32>, vector<16xi32>], vector<16xf32>,
      tpu.vector_store_idx %arg8[%shift_right_arithmetic3A_481, %add3A_526], %gather3A_527 : memref<256x128xf32, #tpu.memory_space<vmem>>[vector<16xi32>, vector<16xi32>], vector<16xf32>,
      %add3A_528 = arith.addi %add3A_525, %broadcast_in_dim3A_497 : vector<16xi32>
      %add3A_529 = arith.addi %add3A_526, %broadcast_in_dim3A_497 : vector<16xi32>
      %gather3A_530 = tpu.vector_load_idx %arg7[%add3A_474, %add3A_528] : memref<512x128xf32, #tpu.memory_space<vmem>>[vector<16xi32>, vector<16xi32>], vector<16xf32>,
      tpu.vector_store_idx %arg8[%shift_right_arithmetic3A_481, %add3A_529], %gather3A_530 : memref<256x128xf32, #tpu.memory_space<vmem>>[vector<16xi32>, vector<16xi32>], vector<16xf32>,
      %add3A_531 = arith.addi %add3A_528, %broadcast_in_dim3A_497 : vector<16xi32>
      %add3A_532 = arith.addi %add3A_529, %broadcast_in_dim3A_497 : vector<16xi32>
      %gather3A_533 = tpu.vector_load_idx %arg7[%add3A_474, %add3A_531] : memref<512x128xf32, #tpu.memory_space<vmem>>[vector<16xi32>, vector<16xi32>], vector<16xf32>,
      tpu.vector_store_idx %arg8[%shift_right_arithmetic3A_481, %add3A_532], %gather3A_533 : memref<256x128xf32, #tpu.memory_space<vmem>>[vector<16xi32>, vector<16xi32>], vector<16xf32>,
      %add3A_534 = arith.addi %add3A_531, %broadcast_in_dim3A_497 : vector<16xi32>
      %add3A_535 = arith.addi %add3A_532, %broadcast_in_dim3A_497 : vector<16xi32>
      %gather3A_536 = tpu.vector_load_idx %arg7[%add3A_474, %add3A_534] : memref<512x128xf32, #tpu.memory_space<vmem>>[vector<16xi32>, vector<16xi32>], vector<16xf32>,
      tpu.vector_store_idx %arg8[%shift_right_arithmetic3A_481, %add3A_535], %gather3A_536 : memref<256x128xf32, #tpu.memory_space<vmem>>[vector<16xi32>, vector<16xi32>], vector<16xf32>,
      %add3A_537 = arith.addi %add3A_534, %broadcast_in_dim3A_497 : vector<16xi32>
      %add3A_538 = arith.addi %add3A_535, %broadcast_in_dim3A_497 : vector<16xi32>
      %gather3A_539 = tpu.vector_load_idx %arg7[%add3A_474, %add3A_537] : memref<512x128xf32, #tpu.memory_space<vmem>>[vector<16xi32>, vector<16xi32>], vector<16xf32>,
      tpu.vector_store_idx %arg8[%shift_right_arithmetic3A_481, %add3A_538], %gather3A_539 : memref<256x128xf32, #tpu.memory_space<vmem>>[vector<16xi32>, vector<16xi32>], vector<16xf32>,
      %add3A_540 = arith.addi %add3A_537, %broadcast_in_dim3A_497 : vector<16xi32>
      %add3A_541 = arith.addi %add3A_538, %broadcast_in_dim3A_497 : vector<16xi32>
      %gather3A_542 = tpu.vector_load_idx %arg7[%add3A_474, %add3A_540] : memref<512x128xf32, #tpu.memory_space<vmem>>[vector<16xi32>, vector<16xi32>], vector<16xf32>,
      tpu.vector_store_idx %arg8[%shift_right_arithmetic3A_481, %add3A_541], %gather3A_542 : memref<256x128xf32, #tpu.memory_space<vmem>>[vector<16xi32>, vector<16xi32>], vector<16xf32>,
      %add3A_543 = arith.addi %add3A_540, %broadcast_in_dim3A_497 : vector<16xi32>
      %add3A_544 = arith.addi %add3A_541, %broadcast_in_dim3A_497 : vector<16xi32>
      %gather3A_545 = tpu.vector_load_idx %arg7[%add3A_474, %add3A_543] : memref<512x128xf32, #tpu.memory_space<vmem>>[vector<16xi32>, vector<16xi32>], vector<16xf32>,
      tpu.vector_store_idx %arg8[%shift_right_arithmetic3A_481, %add3A_544], %gather3A_545 : memref<256x128xf32, #tpu.memory_space<vmem>>[vector<16xi32>, vector<16xi32>], vector<16xf32>,
      %add3A_546 = arith.addi %add3A_543, %broadcast_in_dim3A_497 : vector<16xi32>
      %add3A_547 = arith.addi %add3A_544, %broadcast_in_dim3A_497 : vector<16xi32>
      %gather3A_548 = tpu.vector_load_idx %arg7[%add3A_474, %add3A_546] : memref<512x128xf32, #tpu.memory_space<vmem>>[vector<16xi32>, vector<16xi32>], vector<16xf32>,
      tpu.vector_store_idx %arg8[%shift_right_arithmetic3A_481, %add3A_547], %gather3A_548 : memref<256x128xf32, #tpu.memory_space<vmem>>[vector<16xi32>, vector<16xi32>], vector<16xf32>,
      %add3A_549 = arith.addi %add3A_546, %broadcast_in_dim3A_497 : vector<16xi32>
      %add3A_550 = arith.addi %add3A_547, %broadcast_in_dim3A_497 : vector<16xi32>
      %gather3A_551 = tpu.vector_load_idx %arg7[%add3A_474, %add3A_549] : memref<512x128xf32, #tpu.memory_space<vmem>>[vector<16xi32>, vector<16xi32>], vector<16xf32>,
      tpu.vector_store_idx %arg8[%shift_right_arithmetic3A_481, %add3A_550], %gather3A_551 : memref<256x128xf32, #tpu.memory_space<vmem>>[vector<16xi32>, vector<16xi32>], vector<16xf32>,
      %add3A_552 = arith.addi %add3A_549, %broadcast_in_dim3A_497 : vector<16xi32>
      %add3A_553 = arith.addi %add3A_550, %broadcast_in_dim3A_497 : vector<16xi32>
      %gather3A_554 = tpu.vector_load_idx %arg7[%add3A_474, %add3A_552] : memref<512x128xf32, #tpu.memory_space<vmem>>[vector<16xi32>, vector<16xi32>], vector<16xf32>,
      tpu.vector_store_idx %arg8[%shift_right_arithmetic3A_481, %add3A_553], %gather3A_554 : memref<256x128xf32, #tpu.memory_space<vmem>>[vector<16xi32>, vector<16xi32>], vector<16xf32>,
      %add3A_555 = arith.addi %add3A_552, %broadcast_in_dim3A_497 : vector<16xi32>
      %add3A_556 = arith.addi %add3A_553, %broadcast_in_dim3A_497 : vector<16xi32>
      %gather3A_557 = tpu.vector_load_idx %arg7[%add3A_474, %add3A_555] : memref<512x128xf32, #tpu.memory_space<vmem>>[vector<16xi32>, vector<16xi32>], vector<16xf32>,
      tpu.vector_store_idx %arg8[%shift_right_arithmetic3A_481, %add3A_556], %gather3A_557 : memref<256x128xf32, #tpu.memory_space<vmem>>[vector<16xi32>, vector<16xi32>], vector<16xf32>,
      %add3A_558 = arith.addi %add3A_555, %broadcast_in_dim3A_497 : vector<16xi32>
      %add3A_559 = arith.addi %add3A_556, %broadcast_in_dim3A_497 : vector<16xi32>
      %gather3A_560 = tpu.vector_load_idx %arg7[%add3A_474, %add3A_558] : memref<512x128xf32, #tpu.memory_space<vmem>>[vector<16xi32>, vector<16xi32>], vector<16xf32>,
      tpu.vector_store_idx %arg8[%shift_right_arithmetic3A_481, %add3A_559], %gather3A_560 : memref<256x128xf32, #tpu.memory_space<vmem>>[vector<16xi32>, vector<16xi32>], vector<16xf32>,
      %add3A_561 = arith.addi %add3A_558, %broadcast_in_dim3A_497 : vector<16xi32>
      %add3A_562 = arith.addi %add3A_559, %broadcast_in_dim3A_497 : vector<16xi32>
      %gather3A_563 = tpu.vector_load_idx %arg7[%add3A_474, %add3A_561] : memref<512x128xf32, #tpu.memory_space<vmem>>[vector<16xi32>, vector<16xi32>], vector<16xf32>,
      tpu.vector_store_idx %arg8[%shift_right_arithmetic3A_481, %add3A_562], %gather3A_563 : memref<256x128xf32, #tpu.memory_space<vmem>>[vector<16xi32>, vector<16xi32>], vector<16xf32>,
      %add3A_564 = arith.addi %add3A_561, %broadcast_in_dim3A_497 : vector<16xi32>
      %add3A_565 = arith.addi %add3A_562, %broadcast_in_dim3A_497 : vector<16xi32>
      %gather3A_566 = tpu.vector_load_idx %arg7[%add3A_474, %add3A_564] : memref<512x128xf32, #tpu.memory_space<vmem>>[vector<16xi32>, vector<16xi32>], vector<16xf32>,
      tpu.vector_store_idx %arg8[%shift_right_arithmetic3A_481, %add3A_565], %gather3A_566 : memref<256x128xf32, #tpu.memory_space<vmem>>[vector<16xi32>, vector<16xi32>], vector<16xf32>,
      %add3A_567 = arith.addi %add3A_564, %broadcast_in_dim3A_497 : vector<16xi32>
      %add3A_568 = arith.addi %add3A_565, %broadcast_in_dim3A_497 : vector<16xi32>
      %gather3A_569 = tpu.vector_load_idx %arg7[%add3A_474, %add3A_567] : memref<512x128xf32, #tpu.memory_space<vmem>>[vector<16xi32>, vector<16xi32>], vector<16xf32>,
      tpu.vector_store_idx %arg8[%shift_right_arithmetic3A_481, %add3A_568], %gather3A_569 : memref<256x128xf32, #tpu.memory_space<vmem>>[vector<16xi32>, vector<16xi32>], vector<16xf32>,
      %add3A_570 = arith.addi %add3A_567, %broadcast_in_dim3A_497 : vector<16xi32>
      %add3A_571 = arith.addi %add3A_568, %broadcast_in_dim3A_497 : vector<16xi32>
      %gather3A_572 = tpu.vector_load_idx %arg7[%add3A_474, %add3A_570] : memref<512x128xf32, #tpu.memory_space<vmem>>[vector<16xi32>, vector<16xi32>], vector<16xf32>,
      tpu.vector_store_idx %arg8[%shift_right_arithmetic3A_481, %add3A_571], %gather3A_572 : memref<256x128xf32, #tpu.memory_space<vmem>>[vector<16xi32>, vector<16xi32>], vector<16xf32>,
      %add3A_573 = arith.addi %add3A_570, %broadcast_in_dim3A_497 : vector<16xi32>
      %add3A_574 = arith.addi %add3A_571, %broadcast_in_dim3A_497 : vector<16xi32>
      %gather3A_575 = tpu.vector_load_idx %arg7[%add3A_474, %add3A_573] : memref<512x128xf32, #tpu.memory_space<vmem>>[vector<16xi32>, vector<16xi32>], vector<16xf32>,
      tpu.vector_store_idx %arg8[%shift_right_arithmetic3A_481, %add3A_574], %gather3A_575 : memref<256x128xf32, #tpu.memory_space<vmem>>[vector<16xi32>, vector<16xi32>], vector<16xf32>,
      %add3A_576 = arith.addi %add3A_573, %broadcast_in_dim3A_497 : vector<16xi32>
      %add3A_577 = arith.addi %add3A_574, %broadcast_in_dim3A_497 : vector<16xi32>
      %gather3A_578 = tpu.vector_load_idx %arg7[%add3A_474, %add3A_576] : memref<512x128xf32, #tpu.memory_space<vmem>>[vector<16xi32>, vector<16xi32>], vector<16xf32>,
      tpu.vector_store_idx %arg8[%shift_right_arithmetic3A_481, %add3A_577], %gather3A_578 : memref<256x128xf32, #tpu.memory_space<vmem>>[vector<16xi32>, vector<16xi32>], vector<16xf32>,
      %add3A_579 = arith.addi %add3A_576, %broadcast_in_dim3A_497 : vector<16xi32>
      %add3A_580 = arith.addi %add3A_577, %broadcast_in_dim3A_497 : vector<16xi32>
      %gather3A_581 = tpu.vector_load_idx %arg7[%add3A_474, %add3A_579] : memref<512x128xf32, #tpu.memory_space<vmem>>[vector<16xi32>, vector<16xi32>], vector<16xf32>,
      tpu.vector_store_idx %arg8[%shift_right_arithmetic3A_481, %add3A_580], %gather3A_581 : memref<256x128xf32, #tpu.memory_space<vmem>>[vector<16xi32>, vector<16xi32>], vector<16xf32>,
      %add3A_582 = arith.addi %add3A_579, %broadcast_in_dim3A_497 : vector<16xi32>
      %add3A_583 = arith.addi %add3A_580, %broadcast_in_dim3A_497 : vector<16xi32>
      %gather3A_584 = tpu.vector_load_idx %arg7[%add3A_474, %add3A_582] : memref<512x128xf32, #tpu.memory_space<vmem>>[vector<16xi32>, vector<16xi32>], vector<16xf32>,
      tpu.vector_store_idx %arg8[%shift_right_arithmetic3A_481, %add3A_583], %gather3A_584 : memref<256x128xf32, #tpu.memory_space<vmem>>[vector<16xi32>, vector<16xi32>], vector<16xf32>,
      %add3A_585 = arith.addi %add3A_582, %broadcast_in_dim3A_497 : vector<16xi32>
      %add3A_586 = arith.addi %add3A_583, %broadcast_in_dim3A_497 : vector<16xi32>
      %gather3A_587 = tpu.vector_load_idx %arg7[%add3A_474, %add3A_585] : memref<512x128xf32, #tpu.memory_space<vmem>>[vector<16xi32>, vector<16xi32>], vector<16xf32>,
      tpu.vector_store_idx %arg8[%shift_right_arithmetic3A_481, %add3A_586], %gather3A_587 : memref<256x128xf32, #tpu.memory_space<vmem>>[vector<16xi32>, vector<16xi32>], vector<16xf32>,
      %add3A_588 = arith.addi %add3A_585, %broadcast_in_dim3A_497 : vector<16xi32>
      %add3A_589 = arith.addi %add3A_586, %broadcast_in_dim3A_497 : vector<16xi32>
      %gather3A_590 = tpu.vector_load_idx %arg7[%add3A_474, %add3A_588] : memref<512x128xf32, #tpu.memory_space<vmem>>[vector<16xi32>, vector<16xi32>], vector<16xf32>,
      tpu.vector_store_idx %arg8[%shift_right_arithmetic3A_481, %add3A_589], %gather3A_590 : memref<256x128xf32, #tpu.memory_space<vmem>>[vector<16xi32>, vector<16xi32>], vector<16xf32>,
      %add3A_591 = arith.addi %add3A_588, %broadcast_in_dim3A_497 : vector<16xi32>
      %add3A_592 = arith.addi %add3A_589, %broadcast_in_dim3A_497 : vector<16xi32>
      %gather3A_593 = tpu.vector_load_idx %arg7[%add3A_474, %add3A_591] : memref<512x128xf32, #tpu.memory_space<vmem>>[vector<16xi32>, vector<16xi32>], vector<16xf32>,
      tpu.vector_store_idx %arg8[%shift_right_arithmetic3A_481, %add3A_592], %gather3A_593 : memref<256x128xf32, #tpu.memory_space<vmem>>[vector<16xi32>, vector<16xi32>], vector<16xf32>,
      %add3A_594 = arith.addi %add3A_591, %broadcast_in_dim3A_497 : vector<16xi32>
      %add3A_595 = arith.addi %add3A_592, %broadcast_in_dim3A_497 : vector<16xi32>
      %gather3A_596 = tpu.vector_load_idx %arg7[%add3A_474, %add3A_594] : memref<512x128xf32, #tpu.memory_space<vmem>>[vector<16xi32>, vector<16xi32>], vector<16xf32>,
      tpu.vector_store_idx %arg8[%shift_right_arithmetic3A_481, %add3A_595], %gather3A_596 : memref<256x128xf32, #tpu.memory_space<vmem>>[vector<16xi32>, vector<16xi32>], vector<16xf32>,
      %add3A_597 = arith.addi %add3A_594, %broadcast_in_dim3A_497 : vector<16xi32>
      %add3A_598 = arith.addi %add3A_595, %broadcast_in_dim3A_497 : vector<16xi32>
      %gather3A_599 = tpu.vector_load_idx %arg7[%add3A_474, %add3A_597] : memref<512x128xf32, #tpu.memory_space<vmem>>[vector<16xi32>, vector<16xi32>], vector<16xf32>,
      tpu.vector_store_idx %arg8[%shift_right_arithmetic3A_481, %add3A_598], %gather3A_599 : memref<256x128xf32, #tpu.memory_space<vmem>>[vector<16xi32>, vector<16xi32>], vector<16xf32>,
      %add3A_600 = arith.addi %add3A_597, %broadcast_in_dim3A_497 : vector<16xi32>
      %add3A_601 = arith.addi %add3A_598, %broadcast_in_dim3A_497 : vector<16xi32>
      %gather3A_602 = tpu.vector_load_idx %arg7[%add3A_474, %add3A_600] : memref<512x128xf32, #tpu.memory_space<vmem>>[vector<16xi32>, vector<16xi32>], vector<16xf32>,
      tpu.vector_store_idx %arg8[%shift_right_arithmetic3A_481, %add3A_601], %gather3A_602 : memref<256x128xf32, #tpu.memory_space<vmem>>[vector<16xi32>, vector<16xi32>], vector<16xf32>,
      %add3A_603 = arith.addi %add3A_600, %broadcast_in_dim3A_497 : vector<16xi32>
      %add3A_604 = arith.addi %add3A_601, %broadcast_in_dim3A_497 : vector<16xi32>
      %gather3A_605 = tpu.vector_load_idx %arg7[%add3A_474, %add3A_603] : memref<512x128xf32, #tpu.memory_space<vmem>>[vector<16xi32>, vector<16xi32>], vector<16xf32>,
      tpu.vector_store_idx %arg8[%shift_right_arithmetic3A_481, %add3A_604], %gather3A_605 : memref<256x128xf32, #tpu.memory_space<vmem>>[vector<16xi32>, vector<16xi32>], vector<16xf32>,
      %add3A_606 = arith.addi %add3A_603, %broadcast_in_dim3A_497 : vector<16xi32>
      %add3A_607 = arith.addi %add3A_604, %broadcast_in_dim3A_497 : vector<16xi32>
      %gather3A_608 = tpu.vector_load_idx %arg7[%add3A_474, %add3A_606] : memref<512x128xf32, #tpu.memory_space<vmem>>[vector<16xi32>, vector<16xi32>], vector<16xf32>,
      tpu.vector_store_idx %arg8[%shift_right_arithmetic3A_481, %add3A_607], %gather3A_608 : memref<256x128xf32, #tpu.memory_space<vmem>>[vector<16xi32>, vector<16xi32>], vector<16xf32>,
      %add3A_609 = arith.addi %add3A_606, %broadcast_in_dim3A_497 : vector<16xi32>
      %add3A_610 = arith.addi %add3A_607, %broadcast_in_dim3A_497 : vector<16xi32>
      %gather3A_611 = tpu.vector_load_idx %arg7[%add3A_474, %add3A_609] : memref<512x128xf32, #tpu.memory_space<vmem>>[vector<16xi32>, vector<16xi32>], vector<16xf32>,
      tpu.vector_store_idx %arg8[%shift_right_arithmetic3A_481, %add3A_610], %gather3A_611 : memref<256x128xf32, #tpu.memory_space<vmem>>[vector<16xi32>, vector<16xi32>], vector<16xf32>,
      %add3A_612 = arith.addi %add3A_609, %broadcast_in_dim3A_497 : vector<16xi32>
      %add3A_613 = arith.addi %add3A_610, %broadcast_in_dim3A_497 : vector<16xi32>
      %gather3A_614 = tpu.vector_load_idx %arg7[%add3A_474, %add3A_612] : memref<512x128xf32, #tpu.memory_space<vmem>>[vector<16xi32>, vector<16xi32>], vector<16xf32>,
      tpu.vector_store_idx %arg8[%shift_right_arithmetic3A_481, %add3A_613], %gather3A_614 : memref<256x128xf32, #tpu.memory_space<vmem>>[vector<16xi32>, vector<16xi32>], vector<16xf32>,
      %add3A_615 = arith.addi %add3A_612, %broadcast_in_dim3A_497 : vector<16xi32>
      %add3A_616 = arith.addi %add3A_613, %broadcast_in_dim3A_497 : vector<16xi32>
      %gather3A_617 = tpu.vector_load_idx %arg7[%add3A_474, %add3A_615] : memref<512x128xf32, #tpu.memory_space<vmem>>[vector<16xi32>, vector<16xi32>], vector<16xf32>,
      tpu.vector_store_idx %arg8[%shift_right_arithmetic3A_481, %add3A_616], %gather3A_617 : memref<256x128xf32, #tpu.memory_space<vmem>>[vector<16xi32>, vector<16xi32>], vector<16xf32>,
      %add3A_618 = arith.addi %add3A_615, %broadcast_in_dim3A_497 : vector<16xi32>
      %add3A_619 = arith.addi %add3A_616, %broadcast_in_dim3A_497 : vector<16xi32>
      %gather3A_620 = tpu.vector_load_idx %arg7[%add3A_474, %add3A_618] : memref<512x128xf32, #tpu.memory_space<vmem>>[vector<16xi32>, vector<16xi32>], vector<16xf32>,
      tpu.vector_store_idx %arg8[%shift_right_arithmetic3A_481, %add3A_619], %gather3A_620 : memref<256x128xf32, #tpu.memory_space<vmem>>[vector<16xi32>, vector<16xi32>], vector<16xf32>,
      %add3A_621 = arith.addi %add3A_618, %broadcast_in_dim3A_497 : vector<16xi32>
      %add3A_622 = arith.addi %add3A_619, %broadcast_in_dim3A_497 : vector<16xi32>
      %gather3A_623 = tpu.vector_load_idx %arg7[%add3A_474, %add3A_621] : memref<512x128xf32, #tpu.memory_space<vmem>>[vector<16xi32>, vector<16xi32>], vector<16xf32>,
      tpu.vector_store_idx %arg8[%shift_right_arithmetic3A_481, %add3A_622], %gather3A_623 : memref<256x128xf32, #tpu.memory_space<vmem>>[vector<16xi32>, vector<16xi32>], vector<16xf32>,
      %add3A_624 = arith.addi %add3A_621, %broadcast_in_dim3A_497 : vector<16xi32>
      %add3A_625 = arith.addi %add3A_622, %broadcast_in_dim3A_497 : vector<16xi32>
      %gather3A_626 = tpu.vector_load_idx %arg7[%add3A_474, %add3A_624] : memref<512x128xf32, #tpu.memory_space<vmem>>[vector<16xi32>, vector<16xi32>], vector<16xf32>,
      tpu.vector_store_idx %arg8[%shift_right_arithmetic3A_481, %add3A_625], %gather3A_626 : memref<256x128xf32, #tpu.memory_space<vmem>>[vector<16xi32>, vector<16xi32>], vector<16xf32>,
      %add3A_627 = arith.addi %add3A_624, %broadcast_in_dim3A_497 : vector<16xi32>
      %add3A_628 = arith.addi %add3A_625, %broadcast_in_dim3A_497 : vector<16xi32>
      %gather3A_629 = tpu.vector_load_idx %arg7[%add3A_474, %add3A_627] : memref<512x128xf32, #tpu.memory_space<vmem>>[vector<16xi32>, vector<16xi32>], vector<16xf32>,
      tpu.vector_store_idx %arg8[%shift_right_arithmetic3A_481, %add3A_628], %gather3A_629 : memref<256x128xf32, #tpu.memory_space<vmem>>[vector<16xi32>, vector<16xi32>], vector<16xf32>,
      %add3A_630 = arith.addi %add3A_627, %broadcast_in_dim3A_497 : vector<16xi32>
      %add3A_631 = arith.addi %add3A_628, %broadcast_in_dim3A_497 : vector<16xi32>
      %gather3A_632 = tpu.vector_load_idx %arg7[%add3A_474, %add3A_630] : memref<512x128xf32, #tpu.memory_space<vmem>>[vector<16xi32>, vector<16xi32>], vector<16xf32>,
      tpu.vector_store_idx %arg8[%shift_right_arithmetic3A_481, %add3A_631], %gather3A_632 : memref<256x128xf32, #tpu.memory_space<vmem>>[vector<16xi32>, vector<16xi32>], vector<16xf32>,
      %add3A_633 = arith.addi %add3A_630, %broadcast_in_dim3A_497 : vector<16xi32>
      %add3A_634 = arith.addi %add3A_631, %broadcast_in_dim3A_497 : vector<16xi32>
      %gather3A_635 = tpu.vector_load_idx %arg7[%add3A_474, %add3A_633] : memref<512x128xf32, #tpu.memory_space<vmem>>[vector<16xi32>, vector<16xi32>], vector<16xf32>,
      tpu.vector_store_idx %arg8[%shift_right_arithmetic3A_481, %add3A_634], %gather3A_635 : memref<256x128xf32, #tpu.memory_space<vmem>>[vector<16xi32>, vector<16xi32>], vector<16xf32>,
      %add3A_636 = arith.addi %add3A_633, %broadcast_in_dim3A_497 : vector<16xi32>
      %add3A_637 = arith.addi %add3A_634, %broadcast_in_dim3A_497 : vector<16xi32>
      %gather3A_638 = tpu.vector_load_idx %arg7[%add3A_474, %add3A_636] : memref<512x128xf32, #tpu.memory_space<vmem>>[vector<16xi32>, vector<16xi32>], vector<16xf32>,
      tpu.vector_store_idx %arg8[%shift_right_arithmetic3A_481, %add3A_637], %gather3A_638 : memref<256x128xf32, #tpu.memory_space<vmem>>[vector<16xi32>, vector<16xi32>], vector<16xf32>,
      %add3A_639 = arith.addi %add3A_636, %broadcast_in_dim3A_497 : vector<16xi32>
      %add3A_640 = arith.addi %add3A_637, %broadcast_in_dim3A_497 : vector<16xi32>
      %gather3A_641 = tpu.vector_load_idx %arg7[%add3A_474, %add3A_639] : memref<512x128xf32, #tpu.memory_space<vmem>>[vector<16xi32>, vector<16xi32>], vector<16xf32>,
      tpu.vector_store_idx %arg8[%shift_right_arithmetic3A_481, %add3A_640], %gather3A_641 : memref<256x128xf32, #tpu.memory_space<vmem>>[vector<16xi32>, vector<16xi32>], vector<16xf32>,
      %add3A_642 = arith.addi %add3A_639, %broadcast_in_dim3A_497 : vector<16xi32>
      %add3A_643 = arith.addi %add3A_640, %broadcast_in_dim3A_497 : vector<16xi32>
      %gather3A_644 = tpu.vector_load_idx %arg7[%add3A_474, %add3A_642] : memref<512x128xf32, #tpu.memory_space<vmem>>[vector<16xi32>, vector<16xi32>], vector<16xf32>,
      tpu.vector_store_idx %arg8[%shift_right_arithmetic3A_481, %add3A_643], %gather3A_644 : memref<256x128xf32, #tpu.memory_space<vmem>>[vector<16xi32>, vector<16xi32>], vector<16xf32>,
      %add3A_645 = arith.addi %add3A_642, %broadcast_in_dim3A_497 : vector<16xi32>
      %add3A_646 = arith.addi %add3A_643, %broadcast_in_dim3A_497 : vector<16xi32>
      %gather3A_647 = tpu.vector_load_idx %arg7[%add3A_474, %add3A_645] : memref<512x128xf32, #tpu.memory_space<vmem>>[vector<16xi32>, vector<16xi32>], vector<16xf32>,
      tpu.vector_store_idx %arg8[%shift_right_arithmetic3A_481, %add3A_646], %gather3A_647 : memref<256x128xf32, #tpu.memory_space<vmem>>[vector<16xi32>, vector<16xi32>], vector<16xf32>,
      %add3A_648 = arith.addi %add3A_645, %broadcast_in_dim3A_497 : vector<16xi32>
      %add3A_649 = arith.addi %add3A_646, %broadcast_in_dim3A_497 : vector<16xi32>
      %gather3A_650 = tpu.vector_load_idx %arg7[%add3A_474, %add3A_648] : memref<512x128xf32, #tpu.memory_space<vmem>>[vector<16xi32>, vector<16xi32>], vector<16xf32>,
      tpu.vector_store_idx %arg8[%shift_right_arithmetic3A_481, %add3A_649], %gather3A_650 : memref<256x128xf32, #tpu.memory_space<vmem>>[vector<16xi32>, vector<16xi32>], vector<16xf32>,
      %add3A_651 = arith.addi %add3A_648, %broadcast_in_dim3A_497 : vector<16xi32>
      %add3A_652 = arith.addi %add3A_649, %broadcast_in_dim3A_497 : vector<16xi32>
      %gather3A_653 = tpu.vector_load_idx %arg7[%add3A_474, %add3A_651] : memref<512x128xf32, #tpu.memory_space<vmem>>[vector<16xi32>, vector<16xi32>], vector<16xf32>,
      tpu.vector_store_idx %arg8[%shift_right_arithmetic3A_481, %add3A_652], %gather3A_653 : memref<256x128xf32, #tpu.memory_space<vmem>>[vector<16xi32>, vector<16xi32>], vector<16xf32>,
      %add3A_654 = arith.addi %add3A_651, %broadcast_in_dim3A_497 : vector<16xi32>
      %add3A_655 = arith.addi %add3A_652, %broadcast_in_dim3A_497 : vector<16xi32>
      %gather3A_656 = tpu.vector_load_idx %arg7[%add3A_474, %add3A_654] : memref<512x128xf32, #tpu.memory_space<vmem>>[vector<16xi32>, vector<16xi32>], vector<16xf32>,
      tpu.vector_store_idx %arg8[%shift_right_arithmetic3A_481, %add3A_655], %gather3A_656 : memref<256x128xf32, #tpu.memory_space<vmem>>[vector<16xi32>, vector<16xi32>], vector<16xf32>,
      %add3A_657 = arith.addi %add3A_654, %broadcast_in_dim3A_497 : vector<16xi32>
      %add3A_658 = arith.addi %add3A_655, %broadcast_in_dim3A_497 : vector<16xi32>
      %gather3A_659 = tpu.vector_load_idx %arg7[%add3A_474, %add3A_657] : memref<512x128xf32, #tpu.memory_space<vmem>>[vector<16xi32>, vector<16xi32>], vector<16xf32>,
      tpu.vector_store_idx %arg8[%shift_right_arithmetic3A_481, %add3A_658], %gather3A_659 : memref<256x128xf32, #tpu.memory_space<vmem>>[vector<16xi32>, vector<16xi32>], vector<16xf32>,
      %add3A_660 = arith.addi %add3A_657, %broadcast_in_dim3A_497 : vector<16xi32>
      %add3A_661 = arith.addi %add3A_658, %broadcast_in_dim3A_497 : vector<16xi32>
      %gather3A_662 = tpu.vector_load_idx %arg7[%add3A_474, %add3A_660] : memref<512x128xf32, #tpu.memory_space<vmem>>[vector<16xi32>, vector<16xi32>], vector<16xf32>,
      tpu.vector_store_idx %arg8[%shift_right_arithmetic3A_481, %add3A_661], %gather3A_662 : memref<256x128xf32, #tpu.memory_space<vmem>>[vector<16xi32>, vector<16xi32>], vector<16xf32>,
      %add3A_663 = arith.addi %add3A_660, %broadcast_in_dim3A_497 : vector<16xi32>
      %add3A_664 = arith.addi %add3A_661, %broadcast_in_dim3A_497 : vector<16xi32>
      %gather3A_665 = tpu.vector_load_idx %arg7[%add3A_474, %add3A_663] : memref<512x128xf32, #tpu.memory_space<vmem>>[vector<16xi32>, vector<16xi32>], vector<16xf32>,
      tpu.vector_store_idx %arg8[%shift_right_arithmetic3A_481, %add3A_664], %gather3A_665 : memref<256x128xf32, #tpu.memory_space<vmem>>[vector<16xi32>, vector<16xi32>], vector<16xf32>,
      %add3A_666 = arith.addi %add3A_663, %broadcast_in_dim3A_497 : vector<16xi32>
      %add3A_667 = arith.addi %add3A_664, %broadcast_in_dim3A_497 : vector<16xi32>
      %gather3A_668 = tpu.vector_load_idx %arg7[%add3A_474, %add3A_666] : memref<512x128xf32, #tpu.memory_space<vmem>>[vector<16xi32>, vector<16xi32>], vector<16xf32>,
      tpu.vector_store_idx %arg8[%shift_right_arithmetic3A_481, %add3A_667], %gather3A_668 : memref<256x128xf32, #tpu.memory_space<vmem>>[vector<16xi32>, vector<16xi32>], vector<16xf32>,
      %add3A_669 = arith.addi %add3A_666, %broadcast_in_dim3A_497 : vector<16xi32>
      %add3A_670 = arith.addi %add3A_667, %broadcast_in_dim3A_497 : vector<16xi32>
      %gather3A_671 = tpu.vector_load_idx %arg7[%add3A_474, %add3A_669] : memref<512x128xf32, #tpu.memory_space<vmem>>[vector<16xi32>, vector<16xi32>], vector<16xf32>,
      tpu.vector_store_idx %arg8[%shift_right_arithmetic3A_481, %add3A_670], %gather3A_671 : memref<256x128xf32, #tpu.memory_space<vmem>>[vector<16xi32>, vector<16xi32>], vector<16xf32>,
      %add3A_672 = arith.addi %add3A_669, %broadcast_in_dim3A_497 : vector<16xi32>
      %add3A_673 = arith.addi %add3A_670, %broadcast_in_dim3A_497 : vector<16xi32>
      %gather3A_674 = tpu.vector_load_idx %arg7[%add3A_474, %add3A_672] : memref<512x128xf32, #tpu.memory_space<vmem>>[vector<16xi32>, vector<16xi32>], vector<16xf32>,
      tpu.vector_store_idx %arg8[%shift_right_arithmetic3A_481, %add3A_673], %gather3A_674 : memref<256x128xf32, #tpu.memory_space<vmem>>[vector<16xi32>, vector<16xi32>], vector<16xf32>,
      %add3A_675 = arith.addi %add3A_672, %broadcast_in_dim3A_497 : vector<16xi32>
      %add3A_676 = arith.addi %add3A_673, %broadcast_in_dim3A_497 : vector<16xi32>
      %gather3A_677 = tpu.vector_load_idx %arg7[%add3A_474, %add3A_675] : memref<512x128xf32, #tpu.memory_space<vmem>>[vector<16xi32>, vector<16xi32>], vector<16xf32>,
      tpu.vector_store_idx %arg8[%shift_right_arithmetic3A_481, %add3A_676], %gather3A_677 : memref<256x128xf32, #tpu.memory_space<vmem>>[vector<16xi32>, vector<16xi32>], vector<16xf32>,
      %add3A_678 = arith.addi %add3A_675, %broadcast_in_dim3A_497 : vector<16xi32>
      %add3A_679 = arith.addi %add3A_676, %broadcast_in_dim3A_497 : vector<16xi32>
      %gather3A_680 = tpu.vector_load_idx %arg7[%add3A_474, %add3A_678] : memref<512x128xf32, #tpu.memory_space<vmem>>[vector<16xi32>, vector<16xi32>], vector<16xf32>,
      tpu.vector_store_idx %arg8[%shift_right_arithmetic3A_481, %add3A_679], %gather3A_680 : memref<256x128xf32, #tpu.memory_space<vmem>>[vector<16xi32>, vector<16xi32>], vector<16xf32>,
      %add3A_681 = arith.addi %add3A_678, %broadcast_in_dim3A_497 : vector<16xi32>
      %add3A_682 = arith.addi %add3A_679, %broadcast_in_dim3A_497 : vector<16xi32>
      %gather3A_683 = tpu.vector_load_idx %arg7[%add3A_474, %add3A_681] : memref<512x128xf32, #tpu.memory_space<vmem>>[vector<16xi32>, vector<16xi32>], vector<16xf32>,
      tpu.vector_store_idx %arg8[%shift_right_arithmetic3A_481, %add3A_682], %gather3A_683 : memref<256x128xf32, #tpu.memory_space<vmem>>[vector<16xi32>, vector<16xi32>], vector<16xf32>,
      %add3A_684 = arith.addi %add3A_681, %broadcast_in_dim3A_497 : vector<16xi32>
      %add3A_685 = arith.addi %add3A_682, %broadcast_in_dim3A_497 : vector<16xi32>
      %gather3A_686 = tpu.vector_load_idx %arg7[%add3A_474, %add3A_684] : memref<512x128xf32, #tpu.memory_space<vmem>>[vector<16xi32>, vector<16xi32>], vector<16xf32>,
      tpu.vector_store_idx %arg8[%shift_right_arithmetic3A_481, %add3A_685], %gather3A_686 : memref<256x128xf32, #tpu.memory_space<vmem>>[vector<16xi32>, vector<16xi32>], vector<16xf32>,
      %iota3A_687 = tpu.iota {dimensions = array<i32: 0>} : vector<16xi32>
      %add3A_688 = vector.broadcast %mul3A_469 : i32 to vector<16xi32>
      %add3A_689 = arith.addi %iota3A_687, %add3A_688 : vector<16xi32>
      %add3A_690 = arith.constant 16 : i32
      %add3A_691 = vector.broadcast %add3A_690 : i32 to vector<16xi32>
      %add3A_692 = arith.addi %add3A_689, %add3A_691 : vector<16xi32>
      %add3A_693 = arith.constant 16 : i32
      %add3A_694 = arith.addi %mul3A_469, %add3A_693 : i32
      %get3A_695 = arith.index_cast %add3A_694 : i32 to index
      %get3A_696 = tpu.vector_load %arg5[%get3A_695] {strides = array<i32>} : memref<512xi32, #tpu.memory_space<vmem>>, vector<16xi32>,
      %shift_right_arithmetic3A_697 = arith.constant 1 : i32
      %shift_right_arithmetic3A_698 = vector.broadcast %shift_right_arithmetic3A_697 : i32 to vector<16xi32>
      %shift_right_arithmetic3A_699 = arith.shrsi %add3A_692, %shift_right_arithmetic3A_698 : vector<16xi32>
      %shift_right_arithmetic3A_700 = arith.constant 13 : i32
      %shift_right_arithmetic3A_701 = vector.broadcast %shift_right_arithmetic3A_700 : i32 to vector<16xi32>
      %shift_right_arithmetic3A_702 = arith.shrsi %get3A_696, %shift_right_arithmetic3A_701 : vector<16xi32>
      %and3A_703 = arith.constant 1 : i32
      %and3A_704 = vector.broadcast %and3A_703 : i32 to vector<16xi32>
      %and3A_705 = arith.andi %shift_right_arithmetic3A_702, %and3A_704 : vector<16xi32>
      %mul3A_706 = arith.constant 64 : i32
      %mul3A_707 = vector.broadcast %mul3A_706 : i32 to vector<16xi32>
      %mul3A_708 = arith.muli %and3A_705, %mul3A_707 : vector<16xi32>
      %and3A_709 = arith.constant 1 : i32
      %and3A_710 = vector.broadcast %and3A_709 : i32 to vector<16xi32>
      %and3A_711 = arith.andi %add3A_692, %and3A_710 : vector<16xi32>
      %mul3A_712 = arith.constant 64 : i32
      %mul3A_713 = vector.broadcast %mul3A_712 : i32 to vector<16xi32>
      %mul3A_714 = arith.muli %and3A_711, %mul3A_713 : vector<16xi32>
      %broadcast_in_dim3A_715 = arith.constant 1 : i32
      %broadcast_in_dim3A_716 = vector.broadcast %broadcast_in_dim3A_715 : i32 to vector<16xi32>
      %gather3A_717 = tpu.vector_load_idx %arg7[%add3A_692, %mul3A_708] : memref<512x128xf32, #tpu.memory_space<vmem>>[vector<16xi32>, vector<16xi32>], vector<16xf32>,
      tpu.vector_store_idx %arg8[%shift_right_arithmetic3A_699, %mul3A_714], %gather3A_717 : memref<256x128xf32, #tpu.memory_space<vmem>>[vector<16xi32>, vector<16xi32>], vector<16xf32>,
      %add3A_718 = arith.addi %mul3A_708, %broadcast_in_dim3A_716 : vector<16xi32>
      %add3A_719 = arith.addi %mul3A_714, %broadcast_in_dim3A_716 : vector<16xi32>
      %gather3A_720 = tpu.vector_load_idx %arg7[%add3A_692, %add3A_718] : memref<512x128xf32, #tpu.memory_space<vmem>>[vector<16xi32>, vector<16xi32>], vector<16xf32>,
      tpu.vector_store_idx %arg8[%shift_right_arithmetic3A_699, %add3A_719], %gather3A_720 : memref<256x128xf32, #tpu.memory_space<vmem>>[vector<16xi32>, vector<16xi32>], vector<16xf32>,
      %add3A_721 = arith.addi %add3A_718, %broadcast_in_dim3A_716 : vector<16xi32>
      %add3A_722 = arith.addi %add3A_719, %broadcast_in_dim3A_716 : vector<16xi32>
      %gather3A_723 = tpu.vector_load_idx %arg7[%add3A_692, %add3A_721] : memref<512x128xf32, #tpu.memory_space<vmem>>[vector<16xi32>, vector<16xi32>], vector<16xf32>,
      tpu.vector_store_idx %arg8[%shift_right_arithmetic3A_699, %add3A_722], %gather3A_723 : memref<256x128xf32, #tpu.memory_space<vmem>>[vector<16xi32>, vector<16xi32>], vector<16xf32>,
      %add3A_724 = arith.addi %add3A_721, %broadcast_in_dim3A_716 : vector<16xi32>
      %add3A_725 = arith.addi %add3A_722, %broadcast_in_dim3A_716 : vector<16xi32>
      %gather3A_726 = tpu.vector_load_idx %arg7[%add3A_692, %add3A_724] : memref<512x128xf32, #tpu.memory_space<vmem>>[vector<16xi32>, vector<16xi32>], vector<16xf32>,
      tpu.vector_store_idx %arg8[%shift_right_arithmetic3A_699, %add3A_725], %gather3A_726 : memref<256x128xf32, #tpu.memory_space<vmem>>[vector<16xi32>, vector<16xi32>], vector<16xf32>,
      %add3A_727 = arith.addi %add3A_724, %broadcast_in_dim3A_716 : vector<16xi32>
      %add3A_728 = arith.addi %add3A_725, %broadcast_in_dim3A_716 : vector<16xi32>
      %gather3A_729 = tpu.vector_load_idx %arg7[%add3A_692, %add3A_727] : memref<512x128xf32, #tpu.memory_space<vmem>>[vector<16xi32>, vector<16xi32>], vector<16xf32>,
      tpu.vector_store_idx %arg8[%shift_right_arithmetic3A_699, %add3A_728], %gather3A_729 : memref<256x128xf32, #tpu.memory_space<vmem>>[vector<16xi32>, vector<16xi32>], vector<16xf32>,
      %add3A_730 = arith.addi %add3A_727, %broadcast_in_dim3A_716 : vector<16xi32>
      %add3A_731 = arith.addi %add3A_728, %broadcast_in_dim3A_716 : vector<16xi32>
      %gather3A_732 = tpu.vector_load_idx %arg7[%add3A_692, %add3A_730] : memref<512x128xf32, #tpu.memory_space<vmem>>[vector<16xi32>, vector<16xi32>], vector<16xf32>,
      tpu.vector_store_idx %arg8[%shift_right_arithmetic3A_699, %add3A_731], %gather3A_732 : memref<256x128xf32, #tpu.memory_space<vmem>>[vector<16xi32>, vector<16xi32>], vector<16xf32>,
      %add3A_733 = arith.addi %add3A_730, %broadcast_in_dim3A_716 : vector<16xi32>
      %add3A_734 = arith.addi %add3A_731, %broadcast_in_dim3A_716 : vector<16xi32>
      %gather3A_735 = tpu.vector_load_idx %arg7[%add3A_692, %add3A_733] : memref<512x128xf32, #tpu.memory_space<vmem>>[vector<16xi32>, vector<16xi32>], vector<16xf32>,
      tpu.vector_store_idx %arg8[%shift_right_arithmetic3A_699, %add3A_734], %gather3A_735 : memref<256x128xf32, #tpu.memory_space<vmem>>[vector<16xi32>, vector<16xi32>], vector<16xf32>,
      %add3A_736 = arith.addi %add3A_733, %broadcast_in_dim3A_716 : vector<16xi32>
      %add3A_737 = arith.addi %add3A_734, %broadcast_in_dim3A_716 : vector<16xi32>
      %gather3A_738 = tpu.vector_load_idx %arg7[%add3A_692, %add3A_736] : memref<512x128xf32, #tpu.memory_space<vmem>>[vector<16xi32>, vector<16xi32>], vector<16xf32>,
      tpu.vector_store_idx %arg8[%shift_right_arithmetic3A_699, %add3A_737], %gather3A_738 : memref<256x128xf32, #tpu.memory_space<vmem>>[vector<16xi32>, vector<16xi32>], vector<16xf32>,
      %add3A_739 = arith.addi %add3A_736, %broadcast_in_dim3A_716 : vector<16xi32>
      %add3A_740 = arith.addi %add3A_737, %broadcast_in_dim3A_716 : vector<16xi32>
      %gather3A_741 = tpu.vector_load_idx %arg7[%add3A_692, %add3A_739] : memref<512x128xf32, #tpu.memory_space<vmem>>[vector<16xi32>, vector<16xi32>], vector<16xf32>,
      tpu.vector_store_idx %arg8[%shift_right_arithmetic3A_699, %add3A_740], %gather3A_741 : memref<256x128xf32, #tpu.memory_space<vmem>>[vector<16xi32>, vector<16xi32>], vector<16xf32>,
      %add3A_742 = arith.addi %add3A_739, %broadcast_in_dim3A_716 : vector<16xi32>
      %add3A_743 = arith.addi %add3A_740, %broadcast_in_dim3A_716 : vector<16xi32>
      %gather3A_744 = tpu.vector_load_idx %arg7[%add3A_692, %add3A_742] : memref<512x128xf32, #tpu.memory_space<vmem>>[vector<16xi32>, vector<16xi32>], vector<16xf32>,
      tpu.vector_store_idx %arg8[%shift_right_arithmetic3A_699, %add3A_743], %gather3A_744 : memref<256x128xf32, #tpu.memory_space<vmem>>[vector<16xi32>, vector<16xi32>], vector<16xf32>,
      %add3A_745 = arith.addi %add3A_742, %broadcast_in_dim3A_716 : vector<16xi32>
      %add3A_746 = arith.addi %add3A_743, %broadcast_in_dim3A_716 : vector<16xi32>
      %gather3A_747 = tpu.vector_load_idx %arg7[%add3A_692, %add3A_745] : memref<512x128xf32, #tpu.memory_space<vmem>>[vector<16xi32>, vector<16xi32>], vector<16xf32>,
      tpu.vector_store_idx %arg8[%shift_right_arithmetic3A_699, %add3A_746], %gather3A_747 : memref<256x128xf32, #tpu.memory_space<vmem>>[vector<16xi32>, vector<16xi32>], vector<16xf32>,
      %add3A_748 = arith.addi %add3A_745, %broadcast_in_dim3A_716 : vector<16xi32>
      %add3A_749 = arith.addi %add3A_746, %broadcast_in_dim3A_716 : vector<16xi32>
      %gather3A_750 = tpu.vector_load_idx %arg7[%add3A_692, %add3A_748] : memref<512x128xf32, #tpu.memory_space<vmem>>[vector<16xi32>, vector<16xi32>], vector<16xf32>,
      tpu.vector_store_idx %arg8[%shift_right_arithmetic3A_699, %add3A_749], %gather3A_750 : memref<256x128xf32, #tpu.memory_space<vmem>>[vector<16xi32>, vector<16xi32>], vector<16xf32>,
      %add3A_751 = arith.addi %add3A_748, %broadcast_in_dim3A_716 : vector<16xi32>
      %add3A_752 = arith.addi %add3A_749, %broadcast_in_dim3A_716 : vector<16xi32>
      %gather3A_753 = tpu.vector_load_idx %arg7[%add3A_692, %add3A_751] : memref<512x128xf32, #tpu.memory_space<vmem>>[vector<16xi32>, vector<16xi32>], vector<16xf32>,
      tpu.vector_store_idx %arg8[%shift_right_arithmetic3A_699, %add3A_752], %gather3A_753 : memref<256x128xf32, #tpu.memory_space<vmem>>[vector<16xi32>, vector<16xi32>], vector<16xf32>,
      %add3A_754 = arith.addi %add3A_751, %broadcast_in_dim3A_716 : vector<16xi32>
      %add3A_755 = arith.addi %add3A_752, %broadcast_in_dim3A_716 : vector<16xi32>
      %gather3A_756 = tpu.vector_load_idx %arg7[%add3A_692, %add3A_754] : memref<512x128xf32, #tpu.memory_space<vmem>>[vector<16xi32>, vector<16xi32>], vector<16xf32>,
      tpu.vector_store_idx %arg8[%shift_right_arithmetic3A_699, %add3A_755], %gather3A_756 : memref<256x128xf32, #tpu.memory_space<vmem>>[vector<16xi32>, vector<16xi32>], vector<16xf32>,
      %add3A_757 = arith.addi %add3A_754, %broadcast_in_dim3A_716 : vector<16xi32>
      %add3A_758 = arith.addi %add3A_755, %broadcast_in_dim3A_716 : vector<16xi32>
      %gather3A_759 = tpu.vector_load_idx %arg7[%add3A_692, %add3A_757] : memref<512x128xf32, #tpu.memory_space<vmem>>[vector<16xi32>, vector<16xi32>], vector<16xf32>,
      tpu.vector_store_idx %arg8[%shift_right_arithmetic3A_699, %add3A_758], %gather3A_759 : memref<256x128xf32, #tpu.memory_space<vmem>>[vector<16xi32>, vector<16xi32>], vector<16xf32>,
      %add3A_760 = arith.addi %add3A_757, %broadcast_in_dim3A_716 : vector<16xi32>
      %add3A_761 = arith.addi %add3A_758, %broadcast_in_dim3A_716 : vector<16xi32>
      %gather3A_762 = tpu.vector_load_idx %arg7[%add3A_692, %add3A_760] : memref<512x128xf32, #tpu.memory_space<vmem>>[vector<16xi32>, vector<16xi32>], vector<16xf32>,
      tpu.vector_store_idx %arg8[%shift_right_arithmetic3A_699, %add3A_761], %gather3A_762 : memref<256x128xf32, #tpu.memory_space<vmem>>[vector<16xi32>, vector<16xi32>], vector<16xf32>,
      %add3A_763 = arith.addi %add3A_760, %broadcast_in_dim3A_716 : vector<16xi32>
      %add3A_764 = arith.addi %add3A_761, %broadcast_in_dim3A_716 : vector<16xi32>
      %gather3A_765 = tpu.vector_load_idx %arg7[%add3A_692, %add3A_763] : memref<512x128xf32, #tpu.memory_space<vmem>>[vector<16xi32>, vector<16xi32>], vector<16xf32>,
      tpu.vector_store_idx %arg8[%shift_right_arithmetic3A_699, %add3A_764], %gather3A_765 : memref<256x128xf32, #tpu.memory_space<vmem>>[vector<16xi32>, vector<16xi32>], vector<16xf32>,
      %add3A_766 = arith.addi %add3A_763, %broadcast_in_dim3A_716 : vector<16xi32>
      %add3A_767 = arith.addi %add3A_764, %broadcast_in_dim3A_716 : vector<16xi32>
      %gather3A_768 = tpu.vector_load_idx %arg7[%add3A_692, %add3A_766] : memref<512x128xf32, #tpu.memory_space<vmem>>[vector<16xi32>, vector<16xi32>], vector<16xf32>,
      tpu.vector_store_idx %arg8[%shift_right_arithmetic3A_699, %add3A_767], %gather3A_768 : memref<256x128xf32, #tpu.memory_space<vmem>>[vector<16xi32>, vector<16xi32>], vector<16xf32>,
      %add3A_769 = arith.addi %add3A_766, %broadcast_in_dim3A_716 : vector<16xi32>
      %add3A_770 = arith.addi %add3A_767, %broadcast_in_dim3A_716 : vector<16xi32>
      %gather3A_771 = tpu.vector_load_idx %arg7[%add3A_692, %add3A_769] : memref<512x128xf32, #tpu.memory_space<vmem>>[vector<16xi32>, vector<16xi32>], vector<16xf32>,
      tpu.vector_store_idx %arg8[%shift_right_arithmetic3A_699, %add3A_770], %gather3A_771 : memref<256x128xf32, #tpu.memory_space<vmem>>[vector<16xi32>, vector<16xi32>], vector<16xf32>,
      %add3A_772 = arith.addi %add3A_769, %broadcast_in_dim3A_716 : vector<16xi32>
      %add3A_773 = arith.addi %add3A_770, %broadcast_in_dim3A_716 : vector<16xi32>
      %gather3A_774 = tpu.vector_load_idx %arg7[%add3A_692, %add3A_772] : memref<512x128xf32, #tpu.memory_space<vmem>>[vector<16xi32>, vector<16xi32>], vector<16xf32>,
      tpu.vector_store_idx %arg8[%shift_right_arithmetic3A_699, %add3A_773], %gather3A_774 : memref<256x128xf32, #tpu.memory_space<vmem>>[vector<16xi32>, vector<16xi32>], vector<16xf32>,
      %add3A_775 = arith.addi %add3A_772, %broadcast_in_dim3A_716 : vector<16xi32>
      %add3A_776 = arith.addi %add3A_773, %broadcast_in_dim3A_716 : vector<16xi32>
      %gather3A_777 = tpu.vector_load_idx %arg7[%add3A_692, %add3A_775] : memref<512x128xf32, #tpu.memory_space<vmem>>[vector<16xi32>, vector<16xi32>], vector<16xf32>,
      tpu.vector_store_idx %arg8[%shift_right_arithmetic3A_699, %add3A_776], %gather3A_777 : memref<256x128xf32, #tpu.memory_space<vmem>>[vector<16xi32>, vector<16xi32>], vector<16xf32>,
      %add3A_778 = arith.addi %add3A_775, %broadcast_in_dim3A_716 : vector<16xi32>
      %add3A_779 = arith.addi %add3A_776, %broadcast_in_dim3A_716 : vector<16xi32>
      %gather3A_780 = tpu.vector_load_idx %arg7[%add3A_692, %add3A_778] : memref<512x128xf32, #tpu.memory_space<vmem>>[vector<16xi32>, vector<16xi32>], vector<16xf32>,
      tpu.vector_store_idx %arg8[%shift_right_arithmetic3A_699, %add3A_779], %gather3A_780 : memref<256x128xf32, #tpu.memory_space<vmem>>[vector<16xi32>, vector<16xi32>], vector<16xf32>,
      %add3A_781 = arith.addi %add3A_778, %broadcast_in_dim3A_716 : vector<16xi32>
      %add3A_782 = arith.addi %add3A_779, %broadcast_in_dim3A_716 : vector<16xi32>
      %gather3A_783 = tpu.vector_load_idx %arg7[%add3A_692, %add3A_781] : memref<512x128xf32, #tpu.memory_space<vmem>>[vector<16xi32>, vector<16xi32>], vector<16xf32>,
      tpu.vector_store_idx %arg8[%shift_right_arithmetic3A_699, %add3A_782], %gather3A_783 : memref<256x128xf32, #tpu.memory_space<vmem>>[vector<16xi32>, vector<16xi32>], vector<16xf32>,
      %add3A_784 = arith.addi %add3A_781, %broadcast_in_dim3A_716 : vector<16xi32>
      %add3A_785 = arith.addi %add3A_782, %broadcast_in_dim3A_716 : vector<16xi32>
      %gather3A_786 = tpu.vector_load_idx %arg7[%add3A_692, %add3A_784] : memref<512x128xf32, #tpu.memory_space<vmem>>[vector<16xi32>, vector<16xi32>], vector<16xf32>,
      tpu.vector_store_idx %arg8[%shift_right_arithmetic3A_699, %add3A_785], %gather3A_786 : memref<256x128xf32, #tpu.memory_space<vmem>>[vector<16xi32>, vector<16xi32>], vector<16xf32>,
      %add3A_787 = arith.addi %add3A_784, %broadcast_in_dim3A_716 : vector<16xi32>
      %add3A_788 = arith.addi %add3A_785, %broadcast_in_dim3A_716 : vector<16xi32>
      %gather3A_789 = tpu.vector_load_idx %arg7[%add3A_692, %add3A_787] : memref<512x128xf32, #tpu.memory_space<vmem>>[vector<16xi32>, vector<16xi32>], vector<16xf32>,
      tpu.vector_store_idx %arg8[%shift_right_arithmetic3A_699, %add3A_788], %gather3A_789 : memref<256x128xf32, #tpu.memory_space<vmem>>[vector<16xi32>, vector<16xi32>], vector<16xf32>,
      %add3A_790 = arith.addi %add3A_787, %broadcast_in_dim3A_716 : vector<16xi32>
      %add3A_791 = arith.addi %add3A_788, %broadcast_in_dim3A_716 : vector<16xi32>
      %gather3A_792 = tpu.vector_load_idx %arg7[%add3A_692, %add3A_790] : memref<512x128xf32, #tpu.memory_space<vmem>>[vector<16xi32>, vector<16xi32>], vector<16xf32>,
      tpu.vector_store_idx %arg8[%shift_right_arithmetic3A_699, %add3A_791], %gather3A_792 : memref<256x128xf32, #tpu.memory_space<vmem>>[vector<16xi32>, vector<16xi32>], vector<16xf32>,
      %add3A_793 = arith.addi %add3A_790, %broadcast_in_dim3A_716 : vector<16xi32>
      %add3A_794 = arith.addi %add3A_791, %broadcast_in_dim3A_716 : vector<16xi32>
      %gather3A_795 = tpu.vector_load_idx %arg7[%add3A_692, %add3A_793] : memref<512x128xf32, #tpu.memory_space<vmem>>[vector<16xi32>, vector<16xi32>], vector<16xf32>,
      tpu.vector_store_idx %arg8[%shift_right_arithmetic3A_699, %add3A_794], %gather3A_795 : memref<256x128xf32, #tpu.memory_space<vmem>>[vector<16xi32>, vector<16xi32>], vector<16xf32>,
      %add3A_796 = arith.addi %add3A_793, %broadcast_in_dim3A_716 : vector<16xi32>
      %add3A_797 = arith.addi %add3A_794, %broadcast_in_dim3A_716 : vector<16xi32>
      %gather3A_798 = tpu.vector_load_idx %arg7[%add3A_692, %add3A_796] : memref<512x128xf32, #tpu.memory_space<vmem>>[vector<16xi32>, vector<16xi32>], vector<16xf32>,
      tpu.vector_store_idx %arg8[%shift_right_arithmetic3A_699, %add3A_797], %gather3A_798 : memref<256x128xf32, #tpu.memory_space<vmem>>[vector<16xi32>, vector<16xi32>], vector<16xf32>,
      %add3A_799 = arith.addi %add3A_796, %broadcast_in_dim3A_716 : vector<16xi32>
      %add3A_800 = arith.addi %add3A_797, %broadcast_in_dim3A_716 : vector<16xi32>
      %gather3A_801 = tpu.vector_load_idx %arg7[%add3A_692, %add3A_799] : memref<512x128xf32, #tpu.memory_space<vmem>>[vector<16xi32>, vector<16xi32>], vector<16xf32>,
      tpu.vector_store_idx %arg8[%shift_right_arithmetic3A_699, %add3A_800], %gather3A_801 : memref<256x128xf32, #tpu.memory_space<vmem>>[vector<16xi32>, vector<16xi32>], vector<16xf32>,
      %add3A_802 = arith.addi %add3A_799, %broadcast_in_dim3A_716 : vector<16xi32>
      %add3A_803 = arith.addi %add3A_800, %broadcast_in_dim3A_716 : vector<16xi32>
      %gather3A_804 = tpu.vector_load_idx %arg7[%add3A_692, %add3A_802] : memref<512x128xf32, #tpu.memory_space<vmem>>[vector<16xi32>, vector<16xi32>], vector<16xf32>,
      tpu.vector_store_idx %arg8[%shift_right_arithmetic3A_699, %add3A_803], %gather3A_804 : memref<256x128xf32, #tpu.memory_space<vmem>>[vector<16xi32>, vector<16xi32>], vector<16xf32>,
      %add3A_805 = arith.addi %add3A_802, %broadcast_in_dim3A_716 : vector<16xi32>
      %add3A_806 = arith.addi %add3A_803, %broadcast_in_dim3A_716 : vector<16xi32>
      %gather3A_807 = tpu.vector_load_idx %arg7[%add3A_692, %add3A_805] : memref<512x128xf32, #tpu.memory_space<vmem>>[vector<16xi32>, vector<16xi32>], vector<16xf32>,
      tpu.vector_store_idx %arg8[%shift_right_arithmetic3A_699, %add3A_806], %gather3A_807 : memref<256x128xf32, #tpu.memory_space<vmem>>[vector<16xi32>, vector<16xi32>], vector<16xf32>,
      %add3A_808 = arith.addi %add3A_805, %broadcast_in_dim3A_716 : vector<16xi32>
      %add3A_809 = arith.addi %add3A_806, %broadcast_in_dim3A_716 : vector<16xi32>
      %gather3A_810 = tpu.vector_load_idx %arg7[%add3A_692, %add3A_808] : memref<512x128xf32, #tpu.memory_space<vmem>>[vector<16xi32>, vector<16xi32>], vector<16xf32>,
      tpu.vector_store_idx %arg8[%shift_right_arithmetic3A_699, %add3A_809], %gather3A_810 : memref<256x128xf32, #tpu.memory_space<vmem>>[vector<16xi32>, vector<16xi32>], vector<16xf32>,
      %add3A_811 = arith.addi %add3A_808, %broadcast_in_dim3A_716 : vector<16xi32>
      %add3A_812 = arith.addi %add3A_809, %broadcast_in_dim3A_716 : vector<16xi32>
      %gather3A_813 = tpu.vector_load_idx %arg7[%add3A_692, %add3A_811] : memref<512x128xf32, #tpu.memory_space<vmem>>[vector<16xi32>, vector<16xi32>], vector<16xf32>,
      tpu.vector_store_idx %arg8[%shift_right_arithmetic3A_699, %add3A_812], %gather3A_813 : memref<256x128xf32, #tpu.memory_space<vmem>>[vector<16xi32>, vector<16xi32>], vector<16xf32>,
      %add3A_814 = arith.addi %add3A_811, %broadcast_in_dim3A_716 : vector<16xi32>
      %add3A_815 = arith.addi %add3A_812, %broadcast_in_dim3A_716 : vector<16xi32>
      %gather3A_816 = tpu.vector_load_idx %arg7[%add3A_692, %add3A_814] : memref<512x128xf32, #tpu.memory_space<vmem>>[vector<16xi32>, vector<16xi32>], vector<16xf32>,
      tpu.vector_store_idx %arg8[%shift_right_arithmetic3A_699, %add3A_815], %gather3A_816 : memref<256x128xf32, #tpu.memory_space<vmem>>[vector<16xi32>, vector<16xi32>], vector<16xf32>,
      %add3A_817 = arith.addi %add3A_814, %broadcast_in_dim3A_716 : vector<16xi32>
      %add3A_818 = arith.addi %add3A_815, %broadcast_in_dim3A_716 : vector<16xi32>
      %gather3A_819 = tpu.vector_load_idx %arg7[%add3A_692, %add3A_817] : memref<512x128xf32, #tpu.memory_space<vmem>>[vector<16xi32>, vector<16xi32>], vector<16xf32>,
      tpu.vector_store_idx %arg8[%shift_right_arithmetic3A_699, %add3A_818], %gather3A_819 : memref<256x128xf32, #tpu.memory_space<vmem>>[vector<16xi32>, vector<16xi32>], vector<16xf32>,
      %add3A_820 = arith.addi %add3A_817, %broadcast_in_dim3A_716 : vector<16xi32>
      %add3A_821 = arith.addi %add3A_818, %broadcast_in_dim3A_716 : vector<16xi32>
      %gather3A_822 = tpu.vector_load_idx %arg7[%add3A_692, %add3A_820] : memref<512x128xf32, #tpu.memory_space<vmem>>[vector<16xi32>, vector<16xi32>], vector<16xf32>,
      tpu.vector_store_idx %arg8[%shift_right_arithmetic3A_699, %add3A_821], %gather3A_822 : memref<256x128xf32, #tpu.memory_space<vmem>>[vector<16xi32>, vector<16xi32>], vector<16xf32>,
      %add3A_823 = arith.addi %add3A_820, %broadcast_in_dim3A_716 : vector<16xi32>
      %add3A_824 = arith.addi %add3A_821, %broadcast_in_dim3A_716 : vector<16xi32>
      %gather3A_825 = tpu.vector_load_idx %arg7[%add3A_692, %add3A_823] : memref<512x128xf32, #tpu.memory_space<vmem>>[vector<16xi32>, vector<16xi32>], vector<16xf32>,
      tpu.vector_store_idx %arg8[%shift_right_arithmetic3A_699, %add3A_824], %gather3A_825 : memref<256x128xf32, #tpu.memory_space<vmem>>[vector<16xi32>, vector<16xi32>], vector<16xf32>,
      %add3A_826 = arith.addi %add3A_823, %broadcast_in_dim3A_716 : vector<16xi32>
      %add3A_827 = arith.addi %add3A_824, %broadcast_in_dim3A_716 : vector<16xi32>
      %gather3A_828 = tpu.vector_load_idx %arg7[%add3A_692, %add3A_826] : memref<512x128xf32, #tpu.memory_space<vmem>>[vector<16xi32>, vector<16xi32>], vector<16xf32>,
      tpu.vector_store_idx %arg8[%shift_right_arithmetic3A_699, %add3A_827], %gather3A_828 : memref<256x128xf32, #tpu.memory_space<vmem>>[vector<16xi32>, vector<16xi32>], vector<16xf32>,
      %add3A_829 = arith.addi %add3A_826, %broadcast_in_dim3A_716 : vector<16xi32>
      %add3A_830 = arith.addi %add3A_827, %broadcast_in_dim3A_716 : vector<16xi32>
      %gather3A_831 = tpu.vector_load_idx %arg7[%add3A_692, %add3A_829] : memref<512x128xf32, #tpu.memory_space<vmem>>[vector<16xi32>, vector<16xi32>], vector<16xf32>,
      tpu.vector_store_idx %arg8[%shift_right_arithmetic3A_699, %add3A_830], %gather3A_831 : memref<256x128xf32, #tpu.memory_space<vmem>>[vector<16xi32>, vector<16xi32>], vector<16xf32>,
      %add3A_832 = arith.addi %add3A_829, %broadcast_in_dim3A_716 : vector<16xi32>
      %add3A_833 = arith.addi %add3A_830, %broadcast_in_dim3A_716 : vector<16xi32>
      %gather3A_834 = tpu.vector_load_idx %arg7[%add3A_692, %add3A_832] : memref<512x128xf32, #tpu.memory_space<vmem>>[vector<16xi32>, vector<16xi32>], vector<16xf32>,
      tpu.vector_store_idx %arg8[%shift_right_arithmetic3A_699, %add3A_833], %gather3A_834 : memref<256x128xf32, #tpu.memory_space<vmem>>[vector<16xi32>, vector<16xi32>], vector<16xf32>,
      %add3A_835 = arith.addi %add3A_832, %broadcast_in_dim3A_716 : vector<16xi32>
      %add3A_836 = arith.addi %add3A_833, %broadcast_in_dim3A_716 : vector<16xi32>
      %gather3A_837 = tpu.vector_load_idx %arg7[%add3A_692, %add3A_835] : memref<512x128xf32, #tpu.memory_space<vmem>>[vector<16xi32>, vector<16xi32>], vector<16xf32>,
      tpu.vector_store_idx %arg8[%shift_right_arithmetic3A_699, %add3A_836], %gather3A_837 : memref<256x128xf32, #tpu.memory_space<vmem>>[vector<16xi32>, vector<16xi32>], vector<16xf32>,
      %add3A_838 = arith.addi %add3A_835, %broadcast_in_dim3A_716 : vector<16xi32>
      %add3A_839 = arith.addi %add3A_836, %broadcast_in_dim3A_716 : vector<16xi32>
      %gather3A_840 = tpu.vector_load_idx %arg7[%add3A_692, %add3A_838] : memref<512x128xf32, #tpu.memory_space<vmem>>[vector<16xi32>, vector<16xi32>], vector<16xf32>,
      tpu.vector_store_idx %arg8[%shift_right_arithmetic3A_699, %add3A_839], %gather3A_840 : memref<256x128xf32, #tpu.memory_space<vmem>>[vector<16xi32>, vector<16xi32>], vector<16xf32>,
      %add3A_841 = arith.addi %add3A_838, %broadcast_in_dim3A_716 : vector<16xi32>
      %add3A_842 = arith.addi %add3A_839, %broadcast_in_dim3A_716 : vector<16xi32>
      %gather3A_843 = tpu.vector_load_idx %arg7[%add3A_692, %add3A_841] : memref<512x128xf32, #tpu.memory_space<vmem>>[vector<16xi32>, vector<16xi32>], vector<16xf32>,
      tpu.vector_store_idx %arg8[%shift_right_arithmetic3A_699, %add3A_842], %gather3A_843 : memref<256x128xf32, #tpu.memory_space<vmem>>[vector<16xi32>, vector<16xi32>], vector<16xf32>,
      %add3A_844 = arith.addi %add3A_841, %broadcast_in_dim3A_716 : vector<16xi32>
      %add3A_845 = arith.addi %add3A_842, %broadcast_in_dim3A_716 : vector<16xi32>
      %gather3A_846 = tpu.vector_load_idx %arg7[%add3A_692, %add3A_844] : memref<512x128xf32, #tpu.memory_space<vmem>>[vector<16xi32>, vector<16xi32>], vector<16xf32>,
      tpu.vector_store_idx %arg8[%shift_right_arithmetic3A_699, %add3A_845], %gather3A_846 : memref<256x128xf32, #tpu.memory_space<vmem>>[vector<16xi32>, vector<16xi32>], vector<16xf32>,
      %add3A_847 = arith.addi %add3A_844, %broadcast_in_dim3A_716 : vector<16xi32>
      %add3A_848 = arith.addi %add3A_845, %broadcast_in_dim3A_716 : vector<16xi32>
      %gather3A_849 = tpu.vector_load_idx %arg7[%add3A_692, %add3A_847] : memref<512x128xf32, #tpu.memory_space<vmem>>[vector<16xi32>, vector<16xi32>], vector<16xf32>,
      tpu.vector_store_idx %arg8[%shift_right_arithmetic3A_699, %add3A_848], %gather3A_849 : memref<256x128xf32, #tpu.memory_space<vmem>>[vector<16xi32>, vector<16xi32>], vector<16xf32>,
      %add3A_850 = arith.addi %add3A_847, %broadcast_in_dim3A_716 : vector<16xi32>
      %add3A_851 = arith.addi %add3A_848, %broadcast_in_dim3A_716 : vector<16xi32>
      %gather3A_852 = tpu.vector_load_idx %arg7[%add3A_692, %add3A_850] : memref<512x128xf32, #tpu.memory_space<vmem>>[vector<16xi32>, vector<16xi32>], vector<16xf32>,
      tpu.vector_store_idx %arg8[%shift_right_arithmetic3A_699, %add3A_851], %gather3A_852 : memref<256x128xf32, #tpu.memory_space<vmem>>[vector<16xi32>, vector<16xi32>], vector<16xf32>,
      %add3A_853 = arith.addi %add3A_850, %broadcast_in_dim3A_716 : vector<16xi32>
      %add3A_854 = arith.addi %add3A_851, %broadcast_in_dim3A_716 : vector<16xi32>
      %gather3A_855 = tpu.vector_load_idx %arg7[%add3A_692, %add3A_853] : memref<512x128xf32, #tpu.memory_space<vmem>>[vector<16xi32>, vector<16xi32>], vector<16xf32>,
      tpu.vector_store_idx %arg8[%shift_right_arithmetic3A_699, %add3A_854], %gather3A_855 : memref<256x128xf32, #tpu.memory_space<vmem>>[vector<16xi32>, vector<16xi32>], vector<16xf32>,
      %add3A_856 = arith.addi %add3A_853, %broadcast_in_dim3A_716 : vector<16xi32>
      %add3A_857 = arith.addi %add3A_854, %broadcast_in_dim3A_716 : vector<16xi32>
      %gather3A_858 = tpu.vector_load_idx %arg7[%add3A_692, %add3A_856] : memref<512x128xf32, #tpu.memory_space<vmem>>[vector<16xi32>, vector<16xi32>], vector<16xf32>,
      tpu.vector_store_idx %arg8[%shift_right_arithmetic3A_699, %add3A_857], %gather3A_858 : memref<256x128xf32, #tpu.memory_space<vmem>>[vector<16xi32>, vector<16xi32>], vector<16xf32>,
      %add3A_859 = arith.addi %add3A_856, %broadcast_in_dim3A_716 : vector<16xi32>
      %add3A_860 = arith.addi %add3A_857, %broadcast_in_dim3A_716 : vector<16xi32>
      %gather3A_861 = tpu.vector_load_idx %arg7[%add3A_692, %add3A_859] : memref<512x128xf32, #tpu.memory_space<vmem>>[vector<16xi32>, vector<16xi32>], vector<16xf32>,
      tpu.vector_store_idx %arg8[%shift_right_arithmetic3A_699, %add3A_860], %gather3A_861 : memref<256x128xf32, #tpu.memory_space<vmem>>[vector<16xi32>, vector<16xi32>], vector<16xf32>,
      %add3A_862 = arith.addi %add3A_859, %broadcast_in_dim3A_716 : vector<16xi32>
      %add3A_863 = arith.addi %add3A_860, %broadcast_in_dim3A_716 : vector<16xi32>
      %gather3A_864 = tpu.vector_load_idx %arg7[%add3A_692, %add3A_862] : memref<512x128xf32, #tpu.memory_space<vmem>>[vector<16xi32>, vector<16xi32>], vector<16xf32>,
      tpu.vector_store_idx %arg8[%shift_right_arithmetic3A_699, %add3A_863], %gather3A_864 : memref<256x128xf32, #tpu.memory_space<vmem>>[vector<16xi32>, vector<16xi32>], vector<16xf32>,
      %add3A_865 = arith.addi %add3A_862, %broadcast_in_dim3A_716 : vector<16xi32>
      %add3A_866 = arith.addi %add3A_863, %broadcast_in_dim3A_716 : vector<16xi32>
      %gather3A_867 = tpu.vector_load_idx %arg7[%add3A_692, %add3A_865] : memref<512x128xf32, #tpu.memory_space<vmem>>[vector<16xi32>, vector<16xi32>], vector<16xf32>,
      tpu.vector_store_idx %arg8[%shift_right_arithmetic3A_699, %add3A_866], %gather3A_867 : memref<256x128xf32, #tpu.memory_space<vmem>>[vector<16xi32>, vector<16xi32>], vector<16xf32>,
      %add3A_868 = arith.addi %add3A_865, %broadcast_in_dim3A_716 : vector<16xi32>
      %add3A_869 = arith.addi %add3A_866, %broadcast_in_dim3A_716 : vector<16xi32>
      %gather3A_870 = tpu.vector_load_idx %arg7[%add3A_692, %add3A_868] : memref<512x128xf32, #tpu.memory_space<vmem>>[vector<16xi32>, vector<16xi32>], vector<16xf32>,
      tpu.vector_store_idx %arg8[%shift_right_arithmetic3A_699, %add3A_869], %gather3A_870 : memref<256x128xf32, #tpu.memory_space<vmem>>[vector<16xi32>, vector<16xi32>], vector<16xf32>,
      %add3A_871 = arith.addi %add3A_868, %broadcast_in_dim3A_716 : vector<16xi32>
      %add3A_872 = arith.addi %add3A_869, %broadcast_in_dim3A_716 : vector<16xi32>
      %gather3A_873 = tpu.vector_load_idx %arg7[%add3A_692, %add3A_871] : memref<512x128xf32, #tpu.memory_space<vmem>>[vector<16xi32>, vector<16xi32>], vector<16xf32>,
      tpu.vector_store_idx %arg8[%shift_right_arithmetic3A_699, %add3A_872], %gather3A_873 : memref<256x128xf32, #tpu.memory_space<vmem>>[vector<16xi32>, vector<16xi32>], vector<16xf32>,
      %add3A_874 = arith.addi %add3A_871, %broadcast_in_dim3A_716 : vector<16xi32>
      %add3A_875 = arith.addi %add3A_872, %broadcast_in_dim3A_716 : vector<16xi32>
      %gather3A_876 = tpu.vector_load_idx %arg7[%add3A_692, %add3A_874] : memref<512x128xf32, #tpu.memory_space<vmem>>[vector<16xi32>, vector<16xi32>], vector<16xf32>,
      tpu.vector_store_idx %arg8[%shift_right_arithmetic3A_699, %add3A_875], %gather3A_876 : memref<256x128xf32, #tpu.memory_space<vmem>>[vector<16xi32>, vector<16xi32>], vector<16xf32>,
      %add3A_877 = arith.addi %add3A_874, %broadcast_in_dim3A_716 : vector<16xi32>
      %add3A_878 = arith.addi %add3A_875, %broadcast_in_dim3A_716 : vector<16xi32>
      %gather3A_879 = tpu.vector_load_idx %arg7[%add3A_692, %add3A_877] : memref<512x128xf32, #tpu.memory_space<vmem>>[vector<16xi32>, vector<16xi32>], vector<16xf32>,
      tpu.vector_store_idx %arg8[%shift_right_arithmetic3A_699, %add3A_878], %gather3A_879 : memref<256x128xf32, #tpu.memory_space<vmem>>[vector<16xi32>, vector<16xi32>], vector<16xf32>,
      %add3A_880 = arith.addi %add3A_877, %broadcast_in_dim3A_716 : vector<16xi32>
      %add3A_881 = arith.addi %add3A_878, %broadcast_in_dim3A_716 : vector<16xi32>
      %gather3A_882 = tpu.vector_load_idx %arg7[%add3A_692, %add3A_880] : memref<512x128xf32, #tpu.memory_space<vmem>>[vector<16xi32>, vector<16xi32>], vector<16xf32>,
      tpu.vector_store_idx %arg8[%shift_right_arithmetic3A_699, %add3A_881], %gather3A_882 : memref<256x128xf32, #tpu.memory_space<vmem>>[vector<16xi32>, vector<16xi32>], vector<16xf32>,
      %add3A_883 = arith.addi %add3A_880, %broadcast_in_dim3A_716 : vector<16xi32>
      %add3A_884 = arith.addi %add3A_881, %broadcast_in_dim3A_716 : vector<16xi32>
      %gather3A_885 = tpu.vector_load_idx %arg7[%add3A_692, %add3A_883] : memref<512x128xf32, #tpu.memory_space<vmem>>[vector<16xi32>, vector<16xi32>], vector<16xf32>,
      tpu.vector_store_idx %arg8[%shift_right_arithmetic3A_699, %add3A_884], %gather3A_885 : memref<256x128xf32, #tpu.memory_space<vmem>>[vector<16xi32>, vector<16xi32>], vector<16xf32>,
      %add3A_886 = arith.addi %add3A_883, %broadcast_in_dim3A_716 : vector<16xi32>
      %add3A_887 = arith.addi %add3A_884, %broadcast_in_dim3A_716 : vector<16xi32>
      %gather3A_888 = tpu.vector_load_idx %arg7[%add3A_692, %add3A_886] : memref<512x128xf32, #tpu.memory_space<vmem>>[vector<16xi32>, vector<16xi32>], vector<16xf32>,
      tpu.vector_store_idx %arg8[%shift_right_arithmetic3A_699, %add3A_887], %gather3A_888 : memref<256x128xf32, #tpu.memory_space<vmem>>[vector<16xi32>, vector<16xi32>], vector<16xf32>,
      %add3A_889 = arith.addi %add3A_886, %broadcast_in_dim3A_716 : vector<16xi32>
      %add3A_890 = arith.addi %add3A_887, %broadcast_in_dim3A_716 : vector<16xi32>
      %gather3A_891 = tpu.vector_load_idx %arg7[%add3A_692, %add3A_889] : memref<512x128xf32, #tpu.memory_space<vmem>>[vector<16xi32>, vector<16xi32>], vector<16xf32>,
      tpu.vector_store_idx %arg8[%shift_right_arithmetic3A_699, %add3A_890], %gather3A_891 : memref<256x128xf32, #tpu.memory_space<vmem>>[vector<16xi32>, vector<16xi32>], vector<16xf32>,
      %add3A_892 = arith.addi %add3A_889, %broadcast_in_dim3A_716 : vector<16xi32>
      %add3A_893 = arith.addi %add3A_890, %broadcast_in_dim3A_716 : vector<16xi32>
      %gather3A_894 = tpu.vector_load_idx %arg7[%add3A_692, %add3A_892] : memref<512x128xf32, #tpu.memory_space<vmem>>[vector<16xi32>, vector<16xi32>], vector<16xf32>,
      tpu.vector_store_idx %arg8[%shift_right_arithmetic3A_699, %add3A_893], %gather3A_894 : memref<256x128xf32, #tpu.memory_space<vmem>>[vector<16xi32>, vector<16xi32>], vector<16xf32>,
      %add3A_895 = arith.addi %add3A_892, %broadcast_in_dim3A_716 : vector<16xi32>
      %add3A_896 = arith.addi %add3A_893, %broadcast_in_dim3A_716 : vector<16xi32>
      %gather3A_897 = tpu.vector_load_idx %arg7[%add3A_692, %add3A_895] : memref<512x128xf32, #tpu.memory_space<vmem>>[vector<16xi32>, vector<16xi32>], vector<16xf32>,
      tpu.vector_store_idx %arg8[%shift_right_arithmetic3A_699, %add3A_896], %gather3A_897 : memref<256x128xf32, #tpu.memory_space<vmem>>[vector<16xi32>, vector<16xi32>], vector<16xf32>,
      %add3A_898 = arith.addi %add3A_895, %broadcast_in_dim3A_716 : vector<16xi32>
      %add3A_899 = arith.addi %add3A_896, %broadcast_in_dim3A_716 : vector<16xi32>
      %gather3A_900 = tpu.vector_load_idx %arg7[%add3A_692, %add3A_898] : memref<512x128xf32, #tpu.memory_space<vmem>>[vector<16xi32>, vector<16xi32>], vector<16xf32>,
      tpu.vector_store_idx %arg8[%shift_right_arithmetic3A_699, %add3A_899], %gather3A_900 : memref<256x128xf32, #tpu.memory_space<vmem>>[vector<16xi32>, vector<16xi32>], vector<16xf32>,
      %add3A_901 = arith.addi %add3A_898, %broadcast_in_dim3A_716 : vector<16xi32>
      %add3A_902 = arith.addi %add3A_899, %broadcast_in_dim3A_716 : vector<16xi32>
      %gather3A_903 = tpu.vector_load_idx %arg7[%add3A_692, %add3A_901] : memref<512x128xf32, #tpu.memory_space<vmem>>[vector<16xi32>, vector<16xi32>], vector<16xf32>,
      tpu.vector_store_idx %arg8[%shift_right_arithmetic3A_699, %add3A_902], %gather3A_903 : memref<256x128xf32, #tpu.memory_space<vmem>>[vector<16xi32>, vector<16xi32>], vector<16xf32>,
      %add3A_904 = arith.addi %add3A_901, %broadcast_in_dim3A_716 : vector<16xi32>
      %add3A_905 = arith.addi %add3A_902, %broadcast_in_dim3A_716 : vector<16xi32>
      %gather3A_906 = tpu.vector_load_idx %arg7[%add3A_692, %add3A_904] : memref<512x128xf32, #tpu.memory_space<vmem>>[vector<16xi32>, vector<16xi32>], vector<16xf32>,
      tpu.vector_store_idx %arg8[%shift_right_arithmetic3A_699, %add3A_905], %gather3A_906 : memref<256x128xf32, #tpu.memory_space<vmem>>[vector<16xi32>, vector<16xi32>], vector<16xf32>,
      %iota3A_907 = tpu.iota {dimensions = array<i32: 0>} : vector<16xi32>
      %add3A_908 = vector.broadcast %mul3A_469 : i32 to vector<16xi32>
      %add3A_909 = arith.addi %iota3A_907, %add3A_908 : vector<16xi32>
      %add3A_910 = arith.constant 32 : i32
      %add3A_911 = vector.broadcast %add3A_910 : i32 to vector<16xi32>
      %add3A_912 = arith.addi %add3A_909, %add3A_911 : vector<16xi32>
      %add3A_913 = arith.constant 32 : i32
      %add3A_914 = arith.addi %mul3A_469, %add3A_913 : i32
      %get3A_915 = arith.index_cast %add3A_914 : i32 to index
      %get3A_916 = tpu.vector_load %arg5[%get3A_915] {strides = array<i32>} : memref<512xi32, #tpu.memory_space<vmem>>, vector<16xi32>,
      %shift_right_arithmetic3A_917 = arith.constant 1 : i32
      %shift_right_arithmetic3A_918 = vector.broadcast %shift_right_arithmetic3A_917 : i32 to vector<16xi32>
      %shift_right_arithmetic3A_919 = arith.shrsi %add3A_912, %shift_right_arithmetic3A_918 : vector<16xi32>
      %shift_right_arithmetic3A_920 = arith.constant 13 : i32
      %shift_right_arithmetic3A_921 = vector.broadcast %shift_right_arithmetic3A_920 : i32 to vector<16xi32>
      %shift_right_arithmetic3A_922 = arith.shrsi %get3A_916, %shift_right_arithmetic3A_921 : vector<16xi32>
      %and3A_923 = arith.constant 1 : i32
      %and3A_924 = vector.broadcast %and3A_923 : i32 to vector<16xi32>
      %and3A_925 = arith.andi %shift_right_arithmetic3A_922, %and3A_924 : vector<16xi32>
      %mul3A_926 = arith.constant 64 : i32
      %mul3A_927 = vector.broadcast %mul3A_926 : i32 to vector<16xi32>
      %mul3A_928 = arith.muli %and3A_925, %mul3A_927 : vector<16xi32>
      %and3A_929 = arith.constant 1 : i32
      %and3A_930 = vector.broadcast %and3A_929 : i32 to vector<16xi32>
      %and3A_931 = arith.andi %add3A_912, %and3A_930 : vector<16xi32>
      %mul3A_932 = arith.constant 64 : i32
      %mul3A_933 = vector.broadcast %mul3A_932 : i32 to vector<16xi32>
      %mul3A_934 = arith.muli %and3A_931, %mul3A_933 : vector<16xi32>
      %broadcast_in_dim3A_935 = arith.constant 1 : i32
      %broadcast_in_dim3A_936 = vector.broadcast %broadcast_in_dim3A_935 : i32 to vector<16xi32>
      %gather3A_937 = tpu.vector_load_idx %arg7[%add3A_912, %mul3A_928] : memref<512x128xf32, #tpu.memory_space<vmem>>[vector<16xi32>, vector<16xi32>], vector<16xf32>,
      tpu.vector_store_idx %arg8[%shift_right_arithmetic3A_919, %mul3A_934], %gather3A_937 : memref<256x128xf32, #tpu.memory_space<vmem>>[vector<16xi32>, vector<16xi32>], vector<16xf32>,
      %add3A_938 = arith.addi %mul3A_928, %broadcast_in_dim3A_936 : vector<16xi32>
      %add3A_939 = arith.addi %mul3A_934, %broadcast_in_dim3A_936 : vector<16xi32>
      %gather3A_940 = tpu.vector_load_idx %arg7[%add3A_912, %add3A_938] : memref<512x128xf32, #tpu.memory_space<vmem>>[vector<16xi32>, vector<16xi32>], vector<16xf32>,
      tpu.vector_store_idx %arg8[%shift_right_arithmetic3A_919, %add3A_939], %gather3A_940 : memref<256x128xf32, #tpu.memory_space<vmem>>[vector<16xi32>, vector<16xi32>], vector<16xf32>,
      %add3A_941 = arith.addi %add3A_938, %broadcast_in_dim3A_936 : vector<16xi32>
      %add3A_942 = arith.addi %add3A_939, %broadcast_in_dim3A_936 : vector<16xi32>
      %gather3A_943 = tpu.vector_load_idx %arg7[%add3A_912, %add3A_941] : memref<512x128xf32, #tpu.memory_space<vmem>>[vector<16xi32>, vector<16xi32>], vector<16xf32>,
      tpu.vector_store_idx %arg8[%shift_right_arithmetic3A_919, %add3A_942], %gather3A_943 : memref<256x128xf32, #tpu.memory_space<vmem>>[vector<16xi32>, vector<16xi32>], vector<16xf32>,
      %add3A_944 = arith.addi %add3A_941, %broadcast_in_dim3A_936 : vector<16xi32>
      %add3A_945 = arith.addi %add3A_942, %broadcast_in_dim3A_936 : vector<16xi32>
      %gather3A_946 = tpu.vector_load_idx %arg7[%add3A_912, %add3A_944] : memref<512x128xf32, #tpu.memory_space<vmem>>[vector<16xi32>, vector<16xi32>], vector<16xf32>,
      tpu.vector_store_idx %arg8[%shift_right_arithmetic3A_919, %add3A_945], %gather3A_946 : memref<256x128xf32, #tpu.memory_space<vmem>>[vector<16xi32>, vector<16xi32>], vector<16xf32>,
      %add3A_947 = arith.addi %add3A_944, %broadcast_in_dim3A_936 : vector<16xi32>
      %add3A_948 = arith.addi %add3A_945, %broadcast_in_dim3A_936 : vector<16xi32>
      %gather3A_949 = tpu.vector_load_idx %arg7[%add3A_912, %add3A_947] : memref<512x128xf32, #tpu.memory_space<vmem>>[vector<16xi32>, vector<16xi32>], vector<16xf32>,
      tpu.vector_store_idx %arg8[%shift_right_arithmetic3A_919, %add3A_948], %gather3A_949 : memref<256x128xf32, #tpu.memory_space<vmem>>[vector<16xi32>, vector<16xi32>], vector<16xf32>,
      %add3A_950 = arith.addi %add3A_947, %broadcast_in_dim3A_936 : vector<16xi32>
      %add3A_951 = arith.addi %add3A_948, %broadcast_in_dim3A_936 : vector<16xi32>
      %gather3A_952 = tpu.vector_load_idx %arg7[%add3A_912, %add3A_950] : memref<512x128xf32, #tpu.memory_space<vmem>>[vector<16xi32>, vector<16xi32>], vector<16xf32>,
      tpu.vector_store_idx %arg8[%shift_right_arithmetic3A_919, %add3A_951], %gather3A_952 : memref<256x128xf32, #tpu.memory_space<vmem>>[vector<16xi32>, vector<16xi32>], vector<16xf32>,
      %add3A_953 = arith.addi %add3A_950, %broadcast_in_dim3A_936 : vector<16xi32>
      %add3A_954 = arith.addi %add3A_951, %broadcast_in_dim3A_936 : vector<16xi32>
      %gather3A_955 = tpu.vector_load_idx %arg7[%add3A_912, %add3A_953] : memref<512x128xf32, #tpu.memory_space<vmem>>[vector<16xi32>, vector<16xi32>], vector<16xf32>,
      tpu.vector_store_idx %arg8[%shift_right_arithmetic3A_919, %add3A_954], %gather3A_955 : memref<256x128xf32, #tpu.memory_space<vmem>>[vector<16xi32>, vector<16xi32>], vector<16xf32>,
      %add3A_956 = arith.addi %add3A_953, %broadcast_in_dim3A_936 : vector<16xi32>
      %add3A_957 = arith.addi %add3A_954, %broadcast_in_dim3A_936 : vector<16xi32>
      %gather3A_958 = tpu.vector_load_idx %arg7[%add3A_912, %add3A_956] : memref<512x128xf32, #tpu.memory_space<vmem>>[vector<16xi32>, vector<16xi32>], vector<16xf32>,
      tpu.vector_store_idx %arg8[%shift_right_arithmetic3A_919, %add3A_957], %gather3A_958 : memref<256x128xf32, #tpu.memory_space<vmem>>[vector<16xi32>, vector<16xi32>], vector<16xf32>,
      %add3A_959 = arith.addi %add3A_956, %broadcast_in_dim3A_936 : vector<16xi32>
      %add3A_960 = arith.addi %add3A_957, %broadcast_in_dim3A_936 : vector<16xi32>
      %gather3A_961 = tpu.vector_load_idx %arg7[%add3A_912, %add3A_959] : memref<512x128xf32, #tpu.memory_space<vmem>>[vector<16xi32>, vector<16xi32>], vector<16xf32>,
      tpu.vector_store_idx %arg8[%shift_right_arithmetic3A_919, %add3A_960], %gather3A_961 : memref<256x128xf32, #tpu.memory_space<vmem>>[vector<16xi32>, vector<16xi32>], vector<16xf32>,
      %add3A_962 = arith.addi %add3A_959, %broadcast_in_dim3A_936 : vector<16xi32>
      %add3A_963 = arith.addi %add3A_960, %broadcast_in_dim3A_936 : vector<16xi32>
      %gather3A_964 = tpu.vector_load_idx %arg7[%add3A_912, %add3A_962] : memref<512x128xf32, #tpu.memory_space<vmem>>[vector<16xi32>, vector<16xi32>], vector<16xf32>,
      tpu.vector_store_idx %arg8[%shift_right_arithmetic3A_919, %add3A_963], %gather3A_964 : memref<256x128xf32, #tpu.memory_space<vmem>>[vector<16xi32>, vector<16xi32>], vector<16xf32>,
      %add3A_965 = arith.addi %add3A_962, %broadcast_in_dim3A_936 : vector<16xi32>
      %add3A_966 = arith.addi %add3A_963, %broadcast_in_dim3A_936 : vector<16xi32>
      %gather3A_967 = tpu.vector_load_idx %arg7[%add3A_912, %add3A_965] : memref<512x128xf32, #tpu.memory_space<vmem>>[vector<16xi32>, vector<16xi32>], vector<16xf32>,
      tpu.vector_store_idx %arg8[%shift_right_arithmetic3A_919, %add3A_966], %gather3A_967 : memref<256x128xf32, #tpu.memory_space<vmem>>[vector<16xi32>, vector<16xi32>], vector<16xf32>,
      %add3A_968 = arith.addi %add3A_965, %broadcast_in_dim3A_936 : vector<16xi32>
      %add3A_969 = arith.addi %add3A_966, %broadcast_in_dim3A_936 : vector<16xi32>
      %gather3A_970 = tpu.vector_load_idx %arg7[%add3A_912, %add3A_968] : memref<512x128xf32, #tpu.memory_space<vmem>>[vector<16xi32>, vector<16xi32>], vector<16xf32>,
      tpu.vector_store_idx %arg8[%shift_right_arithmetic3A_919, %add3A_969], %gather3A_970 : memref<256x128xf32, #tpu.memory_space<vmem>>[vector<16xi32>, vector<16xi32>], vector<16xf32>,
      %add3A_971 = arith.addi %add3A_968, %broadcast_in_dim3A_936 : vector<16xi32>
      %add3A_972 = arith.addi %add3A_969, %broadcast_in_dim3A_936 : vector<16xi32>
      %gather3A_973 = tpu.vector_load_idx %arg7[%add3A_912, %add3A_971] : memref<512x128xf32, #tpu.memory_space<vmem>>[vector<16xi32>, vector<16xi32>], vector<16xf32>,
      tpu.vector_store_idx %arg8[%shift_right_arithmetic3A_919, %add3A_972], %gather3A_973 : memref<256x128xf32, #tpu.memory_space<vmem>>[vector<16xi32>, vector<16xi32>], vector<16xf32>,
      %add3A_974 = arith.addi %add3A_971, %broadcast_in_dim3A_936 : vector<16xi32>
      %add3A_975 = arith.addi %add3A_972, %broadcast_in_dim3A_936 : vector<16xi32>
      %gather3A_976 = tpu.vector_load_idx %arg7[%add3A_912, %add3A_974] : memref<512x128xf32, #tpu.memory_space<vmem>>[vector<16xi32>, vector<16xi32>], vector<16xf32>,
      tpu.vector_store_idx %arg8[%shift_right_arithmetic3A_919, %add3A_975], %gather3A_976 : memref<256x128xf32, #tpu.memory_space<vmem>>[vector<16xi32>, vector<16xi32>], vector<16xf32>,
      %add3A_977 = arith.addi %add3A_974, %broadcast_in_dim3A_936 : vector<16xi32>
      %add3A_978 = arith.addi %add3A_975, %broadcast_in_dim3A_936 : vector<16xi32>
      %gather3A_979 = tpu.vector_load_idx %arg7[%add3A_912, %add3A_977] : memref<512x128xf32, #tpu.memory_space<vmem>>[vector<16xi32>, vector<16xi32>], vector<16xf32>,
      tpu.vector_store_idx %arg8[%shift_right_arithmetic3A_919, %add3A_978], %gather3A_979 : memref<256x128xf32, #tpu.memory_space<vmem>>[vector<16xi32>, vector<16xi32>], vector<16xf32>,
      %add3A_980 = arith.addi %add3A_977, %broadcast_in_dim3A_936 : vector<16xi32>
      %add3A_981 = arith.addi %add3A_978, %broadcast_in_dim3A_936 : vector<16xi32>
      %gather3A_982 = tpu.vector_load_idx %arg7[%add3A_912, %add3A_980] : memref<512x128xf32, #tpu.memory_space<vmem>>[vector<16xi32>, vector<16xi32>], vector<16xf32>,
      tpu.vector_store_idx %arg8[%shift_right_arithmetic3A_919, %add3A_981], %gather3A_982 : memref<256x128xf32, #tpu.memory_space<vmem>>[vector<16xi32>, vector<16xi32>], vector<16xf32>,
      %add3A_983 = arith.addi %add3A_980, %broadcast_in_dim3A_936 : vector<16xi32>
      %add3A_984 = arith.addi %add3A_981, %broadcast_in_dim3A_936 : vector<16xi32>
      %gather3A_985 = tpu.vector_load_idx %arg7[%add3A_912, %add3A_983] : memref<512x128xf32, #tpu.memory_space<vmem>>[vector<16xi32>, vector<16xi32>], vector<16xf32>,
      tpu.vector_store_idx %arg8[%shift_right_arithmetic3A_919, %add3A_984], %gather3A_985 : memref<256x128xf32, #tpu.memory_space<vmem>>[vector<16xi32>, vector<16xi32>], vector<16xf32>,
      %add3A_986 = arith.addi %add3A_983, %broadcast_in_dim3A_936 : vector<16xi32>
      %add3A_987 = arith.addi %add3A_984, %broadcast_in_dim3A_936 : vector<16xi32>
      %gather3A_988 = tpu.vector_load_idx %arg7[%add3A_912, %add3A_986] : memref<512x128xf32, #tpu.memory_space<vmem>>[vector<16xi32>, vector<16xi32>], vector<16xf32>,
      tpu.vector_store_idx %arg8[%shift_right_arithmetic3A_919, %add3A_987], %gather3A_988 : memref<256x128xf32, #tpu.memory_space<vmem>>[vector<16xi32>, vector<16xi32>], vector<16xf32>,
      %add3A_989 = arith.addi %add3A_986, %broadcast_in_dim3A_936 : vector<16xi32>
      %add3A_990 = arith.addi %add3A_987, %broadcast_in_dim3A_936 : vector<16xi32>
      %gather3A_991 = tpu.vector_load_idx %arg7[%add3A_912, %add3A_989] : memref<512x128xf32, #tpu.memory_space<vmem>>[vector<16xi32>, vector<16xi32>], vector<16xf32>,
      tpu.vector_store_idx %arg8[%shift_right_arithmetic3A_919, %add3A_990], %gather3A_991 : memref<256x128xf32, #tpu.memory_space<vmem>>[vector<16xi32>, vector<16xi32>], vector<16xf32>,
      %add3A_992 = arith.addi %add3A_989, %broadcast_in_dim3A_936 : vector<16xi32>
      %add3A_993 = arith.addi %add3A_990, %broadcast_in_dim3A_936 : vector<16xi32>
      %gather3A_994 = tpu.vector_load_idx %arg7[%add3A_912, %add3A_992] : memref<512x128xf32, #tpu.memory_space<vmem>>[vector<16xi32>, vector<16xi32>], vector<16xf32>,
      tpu.vector_store_idx %arg8[%shift_right_arithmetic3A_919, %add3A_993], %gather3A_994 : memref<256x128xf32, #tpu.memory_space<vmem>>[vector<16xi32>, vector<16xi32>], vector<16xf32>,
      %add3A_995 = arith.addi %add3A_992, %broadcast_in_dim3A_936 : vector<16xi32>
      %add3A_996 = arith.addi %add3A_993, %broadcast_in_dim3A_936 : vector<16xi32>
      %gather3A_997 = tpu.vector_load_idx %arg7[%add3A_912, %add3A_995] : memref<512x128xf32, #tpu.memory_space<vmem>>[vector<16xi32>, vector<16xi32>], vector<16xf32>,
      tpu.vector_store_idx %arg8[%shift_right_arithmetic3A_919, %add3A_996], %gather3A_997 : memref<256x128xf32, #tpu.memory_space<vmem>>[vector<16xi32>, vector<16xi32>], vector<16xf32>,
      %add3A_998 = arith.addi %add3A_995, %broadcast_in_dim3A_936 : vector<16xi32>
      %add3A_999 = arith.addi %add3A_996, %broadcast_in_dim3A_936 : vector<16xi32>
      %gather3A_1000 = tpu.vector_load_idx %arg7[%add3A_912, %add3A_998] : memref<512x128xf32, #tpu.memory_space<vmem>>[vector<16xi32>, vector<16xi32>], vector<16xf32>,
      tpu.vector_store_idx %arg8[%shift_right_arithmetic3A_919, %add3A_999], %gather3A_1000 : memref<256x128xf32, #tpu.memory_space<vmem>>[vector<16xi32>, vector<16xi32>], vector<16xf32>,
      %add3A_1001 = arith.addi %add3A_998, %broadcast_in_dim3A_936 : vector<16xi32>
      %add3A_1002 = arith.addi %add3A_999, %broadcast_in_dim3A_936 : vector<16xi32>
      %gather3A_1003 = tpu.vector_load_idx %arg7[%add3A_912, %add3A_1001] : memref<512x128xf32, #tpu.memory_space<vmem>>[vector<16xi32>, vector<16xi32>], vector<16xf32>,
      tpu.vector_store_idx %arg8[%shift_right_arithmetic3A_919, %add3A_1002], %gather3A_1003 : memref<256x128xf32, #tpu.memory_space<vmem>>[vector<16xi32>, vector<16xi32>], vector<16xf32>,
      %add3A_1004 = arith.addi %add3A_1001, %broadcast_in_dim3A_936 : vector<16xi32>
      %add3A_1005 = arith.addi %add3A_1002, %broadcast_in_dim3A_936 : vector<16xi32>
      %gather3A_1006 = tpu.vector_load_idx %arg7[%add3A_912, %add3A_1004] : memref<512x128xf32, #tpu.memory_space<vmem>>[vector<16xi32>, vector<16xi32>], vector<16xf32>,
      tpu.vector_store_idx %arg8[%shift_right_arithmetic3A_919, %add3A_1005], %gather3A_1006 : memref<256x128xf32, #tpu.memory_space<vmem>>[vector<16xi32>, vector<16xi32>], vector<16xf32>,
      %add3A_1007 = arith.addi %add3A_1004, %broadcast_in_dim3A_936 : vector<16xi32>
      %add3A_1008 = arith.addi %add3A_1005, %broadcast_in_dim3A_936 : vector<16xi32>
      %gather3A_1009 = tpu.vector_load_idx %arg7[%add3A_912, %add3A_1007] : memref<512x128xf32, #tpu.memory_space<vmem>>[vector<16xi32>, vector<16xi32>], vector<16xf32>,
      tpu.vector_store_idx %arg8[%shift_right_arithmetic3A_919, %add3A_1008], %gather3A_1009 : memref<256x128xf32, #tpu.memory_space<vmem>>[vector<16xi32>, vector<16xi32>], vector<16xf32>,
      %add3A_1010 = arith.addi %add3A_1007, %broadcast_in_dim3A_936 : vector<16xi32>
      %add3A_1011 = arith.addi %add3A_1008, %broadcast_in_dim3A_936 : vector<16xi32>
      %gather3A_1012 = tpu.vector_load_idx %arg7[%add3A_912, %add3A_1010] : memref<512x128xf32, #tpu.memory_space<vmem>>[vector<16xi32>, vector<16xi32>], vector<16xf32>,
      tpu.vector_store_idx %arg8[%shift_right_arithmetic3A_919, %add3A_1011], %gather3A_1012 : memref<256x128xf32, #tpu.memory_space<vmem>>[vector<16xi32>, vector<16xi32>], vector<16xf32>,
      %add3A_1013 = arith.addi %add3A_1010, %broadcast_in_dim3A_936 : vector<16xi32>
      %add3A_1014 = arith.addi %add3A_1011, %broadcast_in_dim3A_936 : vector<16xi32>
      %gather3A_1015 = tpu.vector_load_idx %arg7[%add3A_912, %add3A_1013] : memref<512x128xf32, #tpu.memory_space<vmem>>[vector<16xi32>, vector<16xi32>], vector<16xf32>,
      tpu.vector_store_idx %arg8[%shift_right_arithmetic3A_919, %add3A_1014], %gather3A_1015 : memref<256x128xf32, #tpu.memory_space<vmem>>[vector<16xi32>, vector<16xi32>], vector<16xf32>,
      %add3A_1016 = arith.addi %add3A_1013, %broadcast_in_dim3A_936 : vector<16xi32>
      %add3A_1017 = arith.addi %add3A_1014, %broadcast_in_dim3A_936 : vector<16xi32>
      %gather3A_1018 = tpu.vector_load_idx %arg7[%add3A_912, %add3A_1016] : memref<512x128xf32, #tpu.memory_space<vmem>>[vector<16xi32>, vector<16xi32>], vector<16xf32>,
      tpu.vector_store_idx %arg8[%shift_right_arithmetic3A_919, %add3A_1017], %gather3A_1018 : memref<256x128xf32, #tpu.memory_space<vmem>>[vector<16xi32>, vector<16xi32>], vector<16xf32>,
      %add3A_1019 = arith.addi %add3A_1016, %broadcast_in_dim3A_936 : vector<16xi32>
      %add3A_1020 = arith.addi %add3A_1017, %broadcast_in_dim3A_936 : vector<16xi32>
      %gather3A_1021 = tpu.vector_load_idx %arg7[%add3A_912, %add3A_1019] : memref<512x128xf32, #tpu.memory_space<vmem>>[vector<16xi32>, vector<16xi32>], vector<16xf32>,
      tpu.vector_store_idx %arg8[%shift_right_arithmetic3A_919, %add3A_1020], %gather3A_1021 : memref<256x128xf32, #tpu.memory_space<vmem>>[vector<16xi32>, vector<16xi32>], vector<16xf32>,
      %add3A_1022 = arith.addi %add3A_1019, %broadcast_in_dim3A_936 : vector<16xi32>
      %add3A_1023 = arith.addi %add3A_1020, %broadcast_in_dim3A_936 : vector<16xi32>
      %gather3A_1024 = tpu.vector_load_idx %arg7[%add3A_912, %add3A_1022] : memref<512x128xf32, #tpu.memory_space<vmem>>[vector<16xi32>, vector<16xi32>], vector<16xf32>,
      tpu.vector_store_idx %arg8[%shift_right_arithmetic3A_919, %add3A_1023], %gather3A_1024 : memref<256x128xf32, #tpu.memory_space<vmem>>[vector<16xi32>, vector<16xi32>], vector<16xf32>,
      %add3A_1025 = arith.addi %add3A_1022, %broadcast_in_dim3A_936 : vector<16xi32>
      %add3A_1026 = arith.addi %add3A_1023, %broadcast_in_dim3A_936 : vector<16xi32>
      %gather3A_1027 = tpu.vector_load_idx %arg7[%add3A_912, %add3A_1025] : memref<512x128xf32, #tpu.memory_space<vmem>>[vector<16xi32>, vector<16xi32>], vector<16xf32>,
      tpu.vector_store_idx %arg8[%shift_right_arithmetic3A_919, %add3A_1026], %gather3A_1027 : memref<256x128xf32, #tpu.memory_space<vmem>>[vector<16xi32>, vector<16xi32>], vector<16xf32>,
      %add3A_1028 = arith.addi %add3A_1025, %broadcast_in_dim3A_936 : vector<16xi32>
      %add3A_1029 = arith.addi %add3A_1026, %broadcast_in_dim3A_936 : vector<16xi32>
      %gather3A_1030 = tpu.vector_load_idx %arg7[%add3A_912, %add3A_1028] : memref<512x128xf32, #tpu.memory_space<vmem>>[vector<16xi32>, vector<16xi32>], vector<16xf32>,
      tpu.vector_store_idx %arg8[%shift_right_arithmetic3A_919, %add3A_1029], %gather3A_1030 : memref<256x128xf32, #tpu.memory_space<vmem>>[vector<16xi32>, vector<16xi32>], vector<16xf32>,
      %add3A_1031 = arith.addi %add3A_1028, %broadcast_in_dim3A_936 : vector<16xi32>
      %add3A_1032 = arith.addi %add3A_1029, %broadcast_in_dim3A_936 : vector<16xi32>
      %gather3A_1033 = tpu.vector_load_idx %arg7[%add3A_912, %add3A_1031] : memref<512x128xf32, #tpu.memory_space<vmem>>[vector<16xi32>, vector<16xi32>], vector<16xf32>,
      tpu.vector_store_idx %arg8[%shift_right_arithmetic3A_919, %add3A_1032], %gather3A_1033 : memref<256x128xf32, #tpu.memory_space<vmem>>[vector<16xi32>, vector<16xi32>], vector<16xf32>,
      %add3A_1034 = arith.addi %add3A_1031, %broadcast_in_dim3A_936 : vector<16xi32>
      %add3A_1035 = arith.addi %add3A_1032, %broadcast_in_dim3A_936 : vector<16xi32>
      %gather3A_1036 = tpu.vector_load_idx %arg7[%add3A_912, %add3A_1034] : memref<512x128xf32, #tpu.memory_space<vmem>>[vector<16xi32>, vector<16xi32>], vector<16xf32>,
      tpu.vector_store_idx %arg8[%shift_right_arithmetic3A_919, %add3A_1035], %gather3A_1036 : memref<256x128xf32, #tpu.memory_space<vmem>>[vector<16xi32>, vector<16xi32>], vector<16xf32>,
      %add3A_1037 = arith.addi %add3A_1034, %broadcast_in_dim3A_936 : vector<16xi32>
      %add3A_1038 = arith.addi %add3A_1035, %broadcast_in_dim3A_936 : vector<16xi32>
      %gather3A_1039 = tpu.vector_load_idx %arg7[%add3A_912, %add3A_1037] : memref<512x128xf32, #tpu.memory_space<vmem>>[vector<16xi32>, vector<16xi32>], vector<16xf32>,
      tpu.vector_store_idx %arg8[%shift_right_arithmetic3A_919, %add3A_1038], %gather3A_1039 : memref<256x128xf32, #tpu.memory_space<vmem>>[vector<16xi32>, vector<16xi32>], vector<16xf32>,
      %add3A_1040 = arith.addi %add3A_1037, %broadcast_in_dim3A_936 : vector<16xi32>
      %add3A_1041 = arith.addi %add3A_1038, %broadcast_in_dim3A_936 : vector<16xi32>
      %gather3A_1042 = tpu.vector_load_idx %arg7[%add3A_912, %add3A_1040] : memref<512x128xf32, #tpu.memory_space<vmem>>[vector<16xi32>, vector<16xi32>], vector<16xf32>,
      tpu.vector_store_idx %arg8[%shift_right_arithmetic3A_919, %add3A_1041], %gather3A_1042 : memref<256x128xf32, #tpu.memory_space<vmem>>[vector<16xi32>, vector<16xi32>], vector<16xf32>,
      %add3A_1043 = arith.addi %add3A_1040, %broadcast_in_dim3A_936 : vector<16xi32>
      %add3A_1044 = arith.addi %add3A_1041, %broadcast_in_dim3A_936 : vector<16xi32>
      %gather3A_1045 = tpu.vector_load_idx %arg7[%add3A_912, %add3A_1043] : memref<512x128xf32, #tpu.memory_space<vmem>>[vector<16xi32>, vector<16xi32>], vector<16xf32>,
      tpu.vector_store_idx %arg8[%shift_right_arithmetic3A_919, %add3A_1044], %gather3A_1045 : memref<256x128xf32, #tpu.memory_space<vmem>>[vector<16xi32>, vector<16xi32>], vector<16xf32>,
      %add3A_1046 = arith.addi %add3A_1043, %broadcast_in_dim3A_936 : vector<16xi32>
      %add3A_1047 = arith.addi %add3A_1044, %broadcast_in_dim3A_936 : vector<16xi32>
      %gather3A_1048 = tpu.vector_load_idx %arg7[%add3A_912, %add3A_1046] : memref<512x128xf32, #tpu.memory_space<vmem>>[vector<16xi32>, vector<16xi32>], vector<16xf32>,
      tpu.vector_store_idx %arg8[%shift_right_arithmetic3A_919, %add3A_1047], %gather3A_1048 : memref<256x128xf32, #tpu.memory_space<vmem>>[vector<16xi32>, vector<16xi32>], vector<16xf32>,
      %add3A_1049 = arith.addi %add3A_1046, %broadcast_in_dim3A_936 : vector<16xi32>
      %add3A_1050 = arith.addi %add3A_1047, %broadcast_in_dim3A_936 : vector<16xi32>
      %gather3A_1051 = tpu.vector_load_idx %arg7[%add3A_912, %add3A_1049] : memref<512x128xf32, #tpu.memory_space<vmem>>[vector<16xi32>, vector<16xi32>], vector<16xf32>,
      tpu.vector_store_idx %arg8[%shift_right_arithmetic3A_919, %add3A_1050], %gather3A_1051 : memref<256x128xf32, #tpu.memory_space<vmem>>[vector<16xi32>, vector<16xi32>], vector<16xf32>,
      %add3A_1052 = arith.addi %add3A_1049, %broadcast_in_dim3A_936 : vector<16xi32>
      %add3A_1053 = arith.addi %add3A_1050, %broadcast_in_dim3A_936 : vector<16xi32>
      %gather3A_1054 = tpu.vector_load_idx %arg7[%add3A_912, %add3A_1052] : memref<512x128xf32, #tpu.memory_space<vmem>>[vector<16xi32>, vector<16xi32>], vector<16xf32>,
      tpu.vector_store_idx %arg8[%shift_right_arithmetic3A_919, %add3A_1053], %gather3A_1054 : memref<256x128xf32, #tpu.memory_space<vmem>>[vector<16xi32>, vector<16xi32>], vector<16xf32>,
      %add3A_1055 = arith.addi %add3A_1052, %broadcast_in_dim3A_936 : vector<16xi32>
      %add3A_1056 = arith.addi %add3A_1053, %broadcast_in_dim3A_936 : vector<16xi32>
      %gather3A_1057 = tpu.vector_load_idx %arg7[%add3A_912, %add3A_1055] : memref<512x128xf32, #tpu.memory_space<vmem>>[vector<16xi32>, vector<16xi32>], vector<16xf32>,
      tpu.vector_store_idx %arg8[%shift_right_arithmetic3A_919, %add3A_1056], %gather3A_1057 : memref<256x128xf32, #tpu.memory_space<vmem>>[vector<16xi32>, vector<16xi32>], vector<16xf32>,
      %add3A_1058 = arith.addi %add3A_1055, %broadcast_in_dim3A_936 : vector<16xi32>
      %add3A_1059 = arith.addi %add3A_1056, %broadcast_in_dim3A_936 : vector<16xi32>
      %gather3A_1060 = tpu.vector_load_idx %arg7[%add3A_912, %add3A_1058] : memref<512x128xf32, #tpu.memory_space<vmem>>[vector<16xi32>, vector<16xi32>], vector<16xf32>,
      tpu.vector_store_idx %arg8[%shift_right_arithmetic3A_919, %add3A_1059], %gather3A_1060 : memref<256x128xf32, #tpu.memory_space<vmem>>[vector<16xi32>, vector<16xi32>], vector<16xf32>,
      %add3A_1061 = arith.addi %add3A_1058, %broadcast_in_dim3A_936 : vector<16xi32>
      %add3A_1062 = arith.addi %add3A_1059, %broadcast_in_dim3A_936 : vector<16xi32>
      %gather3A_1063 = tpu.vector_load_idx %arg7[%add3A_912, %add3A_1061] : memref<512x128xf32, #tpu.memory_space<vmem>>[vector<16xi32>, vector<16xi32>], vector<16xf32>,
      tpu.vector_store_idx %arg8[%shift_right_arithmetic3A_919, %add3A_1062], %gather3A_1063 : memref<256x128xf32, #tpu.memory_space<vmem>>[vector<16xi32>, vector<16xi32>], vector<16xf32>,
      %add3A_1064 = arith.addi %add3A_1061, %broadcast_in_dim3A_936 : vector<16xi32>
      %add3A_1065 = arith.addi %add3A_1062, %broadcast_in_dim3A_936 : vector<16xi32>
      %gather3A_1066 = tpu.vector_load_idx %arg7[%add3A_912, %add3A_1064] : memref<512x128xf32, #tpu.memory_space<vmem>>[vector<16xi32>, vector<16xi32>], vector<16xf32>,
      tpu.vector_store_idx %arg8[%shift_right_arithmetic3A_919, %add3A_1065], %gather3A_1066 : memref<256x128xf32, #tpu.memory_space<vmem>>[vector<16xi32>, vector<16xi32>], vector<16xf32>,
      %add3A_1067 = arith.addi %add3A_1064, %broadcast_in_dim3A_936 : vector<16xi32>
      %add3A_1068 = arith.addi %add3A_1065, %broadcast_in_dim3A_936 : vector<16xi32>
      %gather3A_1069 = tpu.vector_load_idx %arg7[%add3A_912, %add3A_1067] : memref<512x128xf32, #tpu.memory_space<vmem>>[vector<16xi32>, vector<16xi32>], vector<16xf32>,
      tpu.vector_store_idx %arg8[%shift_right_arithmetic3A_919, %add3A_1068], %gather3A_1069 : memref<256x128xf32, #tpu.memory_space<vmem>>[vector<16xi32>, vector<16xi32>], vector<16xf32>,
      %add3A_1070 = arith.addi %add3A_1067, %broadcast_in_dim3A_936 : vector<16xi32>
      %add3A_1071 = arith.addi %add3A_1068, %broadcast_in_dim3A_936 : vector<16xi32>
      %gather3A_1072 = tpu.vector_load_idx %arg7[%add3A_912, %add3A_1070] : memref<512x128xf32, #tpu.memory_space<vmem>>[vector<16xi32>, vector<16xi32>], vector<16xf32>,
      tpu.vector_store_idx %arg8[%shift_right_arithmetic3A_919, %add3A_1071], %gather3A_1072 : memref<256x128xf32, #tpu.memory_space<vmem>>[vector<16xi32>, vector<16xi32>], vector<16xf32>,
      %add3A_1073 = arith.addi %add3A_1070, %broadcast_in_dim3A_936 : vector<16xi32>
      %add3A_1074 = arith.addi %add3A_1071, %broadcast_in_dim3A_936 : vector<16xi32>
      %gather3A_1075 = tpu.vector_load_idx %arg7[%add3A_912, %add3A_1073] : memref<512x128xf32, #tpu.memory_space<vmem>>[vector<16xi32>, vector<16xi32>], vector<16xf32>,
      tpu.vector_store_idx %arg8[%shift_right_arithmetic3A_919, %add3A_1074], %gather3A_1075 : memref<256x128xf32, #tpu.memory_space<vmem>>[vector<16xi32>, vector<16xi32>], vector<16xf32>,
      %add3A_1076 = arith.addi %add3A_1073, %broadcast_in_dim3A_936 : vector<16xi32>
      %add3A_1077 = arith.addi %add3A_1074, %broadcast_in_dim3A_936 : vector<16xi32>
      %gather3A_1078 = tpu.vector_load_idx %arg7[%add3A_912, %add3A_1076] : memref<512x128xf32, #tpu.memory_space<vmem>>[vector<16xi32>, vector<16xi32>], vector<16xf32>,
      tpu.vector_store_idx %arg8[%shift_right_arithmetic3A_919, %add3A_1077], %gather3A_1078 : memref<256x128xf32, #tpu.memory_space<vmem>>[vector<16xi32>, vector<16xi32>], vector<16xf32>,
      %add3A_1079 = arith.addi %add3A_1076, %broadcast_in_dim3A_936 : vector<16xi32>
      %add3A_1080 = arith.addi %add3A_1077, %broadcast_in_dim3A_936 : vector<16xi32>
      %gather3A_1081 = tpu.vector_load_idx %arg7[%add3A_912, %add3A_1079] : memref<512x128xf32, #tpu.memory_space<vmem>>[vector<16xi32>, vector<16xi32>], vector<16xf32>,
      tpu.vector_store_idx %arg8[%shift_right_arithmetic3A_919, %add3A_1080], %gather3A_1081 : memref<256x128xf32, #tpu.memory_space<vmem>>[vector<16xi32>, vector<16xi32>], vector<16xf32>,
      %add3A_1082 = arith.addi %add3A_1079, %broadcast_in_dim3A_936 : vector<16xi32>
      %add3A_1083 = arith.addi %add3A_1080, %broadcast_in_dim3A_936 : vector<16xi32>
      %gather3A_1084 = tpu.vector_load_idx %arg7[%add3A_912, %add3A_1082] : memref<512x128xf32, #tpu.memory_space<vmem>>[vector<16xi32>, vector<16xi32>], vector<16xf32>,
      tpu.vector_store_idx %arg8[%shift_right_arithmetic3A_919, %add3A_1083], %gather3A_1084 : memref<256x128xf32, #tpu.memory_space<vmem>>[vector<16xi32>, vector<16xi32>], vector<16xf32>,
      %add3A_1085 = arith.addi %add3A_1082, %broadcast_in_dim3A_936 : vector<16xi32>
      %add3A_1086 = arith.addi %add3A_1083, %broadcast_in_dim3A_936 : vector<16xi32>
      %gather3A_1087 = tpu.vector_load_idx %arg7[%add3A_912, %add3A_1085] : memref<512x128xf32, #tpu.memory_space<vmem>>[vector<16xi32>, vector<16xi32>], vector<16xf32>,
      tpu.vector_store_idx %arg8[%shift_right_arithmetic3A_919, %add3A_1086], %gather3A_1087 : memref<256x128xf32, #tpu.memory_space<vmem>>[vector<16xi32>, vector<16xi32>], vector<16xf32>,
      %add3A_1088 = arith.addi %add3A_1085, %broadcast_in_dim3A_936 : vector<16xi32>
      %add3A_1089 = arith.addi %add3A_1086, %broadcast_in_dim3A_936 : vector<16xi32>
      %gather3A_1090 = tpu.vector_load_idx %arg7[%add3A_912, %add3A_1088] : memref<512x128xf32, #tpu.memory_space<vmem>>[vector<16xi32>, vector<16xi32>], vector<16xf32>,
      tpu.vector_store_idx %arg8[%shift_right_arithmetic3A_919, %add3A_1089], %gather3A_1090 : memref<256x128xf32, #tpu.memory_space<vmem>>[vector<16xi32>, vector<16xi32>], vector<16xf32>,
      %add3A_1091 = arith.addi %add3A_1088, %broadcast_in_dim3A_936 : vector<16xi32>
      %add3A_1092 = arith.addi %add3A_1089, %broadcast_in_dim3A_936 : vector<16xi32>
      %gather3A_1093 = tpu.vector_load_idx %arg7[%add3A_912, %add3A_1091] : memref<512x128xf32, #tpu.memory_space<vmem>>[vector<16xi32>, vector<16xi32>], vector<16xf32>,
      tpu.vector_store_idx %arg8[%shift_right_arithmetic3A_919, %add3A_1092], %gather3A_1093 : memref<256x128xf32, #tpu.memory_space<vmem>>[vector<16xi32>, vector<16xi32>], vector<16xf32>,
      %add3A_1094 = arith.addi %add3A_1091, %broadcast_in_dim3A_936 : vector<16xi32>
      %add3A_1095 = arith.addi %add3A_1092, %broadcast_in_dim3A_936 : vector<16xi32>
      %gather3A_1096 = tpu.vector_load_idx %arg7[%add3A_912, %add3A_1094] : memref<512x128xf32, #tpu.memory_space<vmem>>[vector<16xi32>, vector<16xi32>], vector<16xf32>,
      tpu.vector_store_idx %arg8[%shift_right_arithmetic3A_919, %add3A_1095], %gather3A_1096 : memref<256x128xf32, #tpu.memory_space<vmem>>[vector<16xi32>, vector<16xi32>], vector<16xf32>,
      %add3A_1097 = arith.addi %add3A_1094, %broadcast_in_dim3A_936 : vector<16xi32>
      %add3A_1098 = arith.addi %add3A_1095, %broadcast_in_dim3A_936 : vector<16xi32>
      %gather3A_1099 = tpu.vector_load_idx %arg7[%add3A_912, %add3A_1097] : memref<512x128xf32, #tpu.memory_space<vmem>>[vector<16xi32>, vector<16xi32>], vector<16xf32>,
      tpu.vector_store_idx %arg8[%shift_right_arithmetic3A_919, %add3A_1098], %gather3A_1099 : memref<256x128xf32, #tpu.memory_space<vmem>>[vector<16xi32>, vector<16xi32>], vector<16xf32>,
      %add3A_1100 = arith.addi %add3A_1097, %broadcast_in_dim3A_936 : vector<16xi32>
      %add3A_1101 = arith.addi %add3A_1098, %broadcast_in_dim3A_936 : vector<16xi32>
      %gather3A_1102 = tpu.vector_load_idx %arg7[%add3A_912, %add3A_1100] : memref<512x128xf32, #tpu.memory_space<vmem>>[vector<16xi32>, vector<16xi32>], vector<16xf32>,
      tpu.vector_store_idx %arg8[%shift_right_arithmetic3A_919, %add3A_1101], %gather3A_1102 : memref<256x128xf32, #tpu.memory_space<vmem>>[vector<16xi32>, vector<16xi32>], vector<16xf32>,
      %add3A_1103 = arith.addi %add3A_1100, %broadcast_in_dim3A_936 : vector<16xi32>
      %add3A_1104 = arith.addi %add3A_1101, %broadcast_in_dim3A_936 : vector<16xi32>
      %gather3A_1105 = tpu.vector_load_idx %arg7[%add3A_912, %add3A_1103] : memref<512x128xf32, #tpu.memory_space<vmem>>[vector<16xi32>, vector<16xi32>], vector<16xf32>,
      tpu.vector_store_idx %arg8[%shift_right_arithmetic3A_919, %add3A_1104], %gather3A_1105 : memref<256x128xf32, #tpu.memory_space<vmem>>[vector<16xi32>, vector<16xi32>], vector<16xf32>,
      %add3A_1106 = arith.addi %add3A_1103, %broadcast_in_dim3A_936 : vector<16xi32>
      %add3A_1107 = arith.addi %add3A_1104, %broadcast_in_dim3A_936 : vector<16xi32>
      %gather3A_1108 = tpu.vector_load_idx %arg7[%add3A_912, %add3A_1106] : memref<512x128xf32, #tpu.memory_space<vmem>>[vector<16xi32>, vector<16xi32>], vector<16xf32>,
      tpu.vector_store_idx %arg8[%shift_right_arithmetic3A_919, %add3A_1107], %gather3A_1108 : memref<256x128xf32, #tpu.memory_space<vmem>>[vector<16xi32>, vector<16xi32>], vector<16xf32>,
      %add3A_1109 = arith.addi %add3A_1106, %broadcast_in_dim3A_936 : vector<16xi32>
      %add3A_1110 = arith.addi %add3A_1107, %broadcast_in_dim3A_936 : vector<16xi32>
      %gather3A_1111 = tpu.vector_load_idx %arg7[%add3A_912, %add3A_1109] : memref<512x128xf32, #tpu.memory_space<vmem>>[vector<16xi32>, vector<16xi32>], vector<16xf32>,
      tpu.vector_store_idx %arg8[%shift_right_arithmetic3A_919, %add3A_1110], %gather3A_1111 : memref<256x128xf32, #tpu.memory_space<vmem>>[vector<16xi32>, vector<16xi32>], vector<16xf32>,
      %add3A_1112 = arith.addi %add3A_1109, %broadcast_in_dim3A_936 : vector<16xi32>
      %add3A_1113 = arith.addi %add3A_1110, %broadcast_in_dim3A_936 : vector<16xi32>
      %gather3A_1114 = tpu.vector_load_idx %arg7[%add3A_912, %add3A_1112] : memref<512x128xf32, #tpu.memory_space<vmem>>[vector<16xi32>, vector<16xi32>], vector<16xf32>,
      tpu.vector_store_idx %arg8[%shift_right_arithmetic3A_919, %add3A_1113], %gather3A_1114 : memref<256x128xf32, #tpu.memory_space<vmem>>[vector<16xi32>, vector<16xi32>], vector<16xf32>,
      %add3A_1115 = arith.addi %add3A_1112, %broadcast_in_dim3A_936 : vector<16xi32>
      %add3A_1116 = arith.addi %add3A_1113, %broadcast_in_dim3A_936 : vector<16xi32>
      %gather3A_1117 = tpu.vector_load_idx %arg7[%add3A_912, %add3A_1115] : memref<512x128xf32, #tpu.memory_space<vmem>>[vector<16xi32>, vector<16xi32>], vector<16xf32>,
      tpu.vector_store_idx %arg8[%shift_right_arithmetic3A_919, %add3A_1116], %gather3A_1117 : memref<256x128xf32, #tpu.memory_space<vmem>>[vector<16xi32>, vector<16xi32>], vector<16xf32>,
      %add3A_1118 = arith.addi %add3A_1115, %broadcast_in_dim3A_936 : vector<16xi32>
      %add3A_1119 = arith.addi %add3A_1116, %broadcast_in_dim3A_936 : vector<16xi32>
      %gather3A_1120 = tpu.vector_load_idx %arg7[%add3A_912, %add3A_1118] : memref<512x128xf32, #tpu.memory_space<vmem>>[vector<16xi32>, vector<16xi32>], vector<16xf32>,
      tpu.vector_store_idx %arg8[%shift_right_arithmetic3A_919, %add3A_1119], %gather3A_1120 : memref<256x128xf32, #tpu.memory_space<vmem>>[vector<16xi32>, vector<16xi32>], vector<16xf32>,
      %add3A_1121 = arith.addi %add3A_1118, %broadcast_in_dim3A_936 : vector<16xi32>
      %add3A_1122 = arith.addi %add3A_1119, %broadcast_in_dim3A_936 : vector<16xi32>
      %gather3A_1123 = tpu.vector_load_idx %arg7[%add3A_912, %add3A_1121] : memref<512x128xf32, #tpu.memory_space<vmem>>[vector<16xi32>, vector<16xi32>], vector<16xf32>,
      tpu.vector_store_idx %arg8[%shift_right_arithmetic3A_919, %add3A_1122], %gather3A_1123 : memref<256x128xf32, #tpu.memory_space<vmem>>[vector<16xi32>, vector<16xi32>], vector<16xf32>,
      %add3A_1124 = arith.addi %add3A_1121, %broadcast_in_dim3A_936 : vector<16xi32>
      %add3A_1125 = arith.addi %add3A_1122, %broadcast_in_dim3A_936 : vector<16xi32>
      %gather3A_1126 = tpu.vector_load_idx %arg7[%add3A_912, %add3A_1124] : memref<512x128xf32, #tpu.memory_space<vmem>>[vector<16xi32>, vector<16xi32>], vector<16xf32>,
      tpu.vector_store_idx %arg8[%shift_right_arithmetic3A_919, %add3A_1125], %gather3A_1126 : memref<256x128xf32, #tpu.memory_space<vmem>>[vector<16xi32>, vector<16xi32>], vector<16xf32>,
      %iota3A_1127 = tpu.iota {dimensions = array<i32: 0>} : vector<16xi32>
      %add3A_1128 = vector.broadcast %mul3A_469 : i32 to vector<16xi32>
      %add3A_1129 = arith.addi %iota3A_1127, %add3A_1128 : vector<16xi32>
      %add3A_1130 = arith.constant 48 : i32
      %add3A_1131 = vector.broadcast %add3A_1130 : i32 to vector<16xi32>
      %add3A_1132 = arith.addi %add3A_1129, %add3A_1131 : vector<16xi32>
      %add3A_1133 = arith.constant 48 : i32
      %add3A_1134 = arith.addi %mul3A_469, %add3A_1133 : i32
      %get3A_1135 = arith.index_cast %add3A_1134 : i32 to index
      %get3A_1136 = tpu.vector_load %arg5[%get3A_1135] {strides = array<i32>} : memref<512xi32, #tpu.memory_space<vmem>>, vector<16xi32>,
      %shift_right_arithmetic3A_1137 = arith.constant 1 : i32
      %shift_right_arithmetic3A_1138 = vector.broadcast %shift_right_arithmetic3A_1137 : i32 to vector<16xi32>
      %shift_right_arithmetic3A_1139 = arith.shrsi %add3A_1132, %shift_right_arithmetic3A_1138 : vector<16xi32>
      %shift_right_arithmetic3A_1140 = arith.constant 13 : i32
      %shift_right_arithmetic3A_1141 = vector.broadcast %shift_right_arithmetic3A_1140 : i32 to vector<16xi32>
      %shift_right_arithmetic3A_1142 = arith.shrsi %get3A_1136, %shift_right_arithmetic3A_1141 : vector<16xi32>
      %and3A_1143 = arith.constant 1 : i32
      %and3A_1144 = vector.broadcast %and3A_1143 : i32 to vector<16xi32>
      %and3A_1145 = arith.andi %shift_right_arithmetic3A_1142, %and3A_1144 : vector<16xi32>
      %mul3A_1146 = arith.constant 64 : i32
      %mul3A_1147 = vector.broadcast %mul3A_1146 : i32 to vector<16xi32>
      %mul3A_1148 = arith.muli %and3A_1145, %mul3A_1147 : vector<16xi32>
      %and3A_1149 = arith.constant 1 : i32
      %and3A_1150 = vector.broadcast %and3A_1149 : i32 to vector<16xi32>
      %and3A_1151 = arith.andi %add3A_1132, %and3A_1150 : vector<16xi32>
      %mul3A_1152 = arith.constant 64 : i32
      %mul3A_1153 = vector.broadcast %mul3A_1152 : i32 to vector<16xi32>
      %mul3A_1154 = arith.muli %and3A_1151, %mul3A_1153 : vector<16xi32>
      %broadcast_in_dim3A_1155 = arith.constant 1 : i32
      %broadcast_in_dim3A_1156 = vector.broadcast %broadcast_in_dim3A_1155 : i32 to vector<16xi32>
      %gather3A_1157 = tpu.vector_load_idx %arg7[%add3A_1132, %mul3A_1148] : memref<512x128xf32, #tpu.memory_space<vmem>>[vector<16xi32>, vector<16xi32>], vector<16xf32>,
      tpu.vector_store_idx %arg8[%shift_right_arithmetic3A_1139, %mul3A_1154], %gather3A_1157 : memref<256x128xf32, #tpu.memory_space<vmem>>[vector<16xi32>, vector<16xi32>], vector<16xf32>,
      %add3A_1158 = arith.addi %mul3A_1148, %broadcast_in_dim3A_1156 : vector<16xi32>
      %add3A_1159 = arith.addi %mul3A_1154, %broadcast_in_dim3A_1156 : vector<16xi32>
      %gather3A_1160 = tpu.vector_load_idx %arg7[%add3A_1132, %add3A_1158] : memref<512x128xf32, #tpu.memory_space<vmem>>[vector<16xi32>, vector<16xi32>], vector<16xf32>,
      tpu.vector_store_idx %arg8[%shift_right_arithmetic3A_1139, %add3A_1159], %gather3A_1160 : memref<256x128xf32, #tpu.memory_space<vmem>>[vector<16xi32>, vector<16xi32>], vector<16xf32>,
      %add3A_1161 = arith.addi %add3A_1158, %broadcast_in_dim3A_1156 : vector<16xi32>
      %add3A_1162 = arith.addi %add3A_1159, %broadcast_in_dim3A_1156 : vector<16xi32>
      %gather3A_1163 = tpu.vector_load_idx %arg7[%add3A_1132, %add3A_1161] : memref<512x128xf32, #tpu.memory_space<vmem>>[vector<16xi32>, vector<16xi32>], vector<16xf32>,
      tpu.vector_store_idx %arg8[%shift_right_arithmetic3A_1139, %add3A_1162], %gather3A_1163 : memref<256x128xf32, #tpu.memory_space<vmem>>[vector<16xi32>, vector<16xi32>], vector<16xf32>,
      %add3A_1164 = arith.addi %add3A_1161, %broadcast_in_dim3A_1156 : vector<16xi32>
      %add3A_1165 = arith.addi %add3A_1162, %broadcast_in_dim3A_1156 : vector<16xi32>
      %gather3A_1166 = tpu.vector_load_idx %arg7[%add3A_1132, %add3A_1164] : memref<512x128xf32, #tpu.memory_space<vmem>>[vector<16xi32>, vector<16xi32>], vector<16xf32>,
      tpu.vector_store_idx %arg8[%shift_right_arithmetic3A_1139, %add3A_1165], %gather3A_1166 : memref<256x128xf32, #tpu.memory_space<vmem>>[vector<16xi32>, vector<16xi32>], vector<16xf32>,
      %add3A_1167 = arith.addi %add3A_1164, %broadcast_in_dim3A_1156 : vector<16xi32>
      %add3A_1168 = arith.addi %add3A_1165, %broadcast_in_dim3A_1156 : vector<16xi32>
      %gather3A_1169 = tpu.vector_load_idx %arg7[%add3A_1132, %add3A_1167] : memref<512x128xf32, #tpu.memory_space<vmem>>[vector<16xi32>, vector<16xi32>], vector<16xf32>,
      tpu.vector_store_idx %arg8[%shift_right_arithmetic3A_1139, %add3A_1168], %gather3A_1169 : memref<256x128xf32, #tpu.memory_space<vmem>>[vector<16xi32>, vector<16xi32>], vector<16xf32>,
      %add3A_1170 = arith.addi %add3A_1167, %broadcast_in_dim3A_1156 : vector<16xi32>
      %add3A_1171 = arith.addi %add3A_1168, %broadcast_in_dim3A_1156 : vector<16xi32>
      %gather3A_1172 = tpu.vector_load_idx %arg7[%add3A_1132, %add3A_1170] : memref<512x128xf32, #tpu.memory_space<vmem>>[vector<16xi32>, vector<16xi32>], vector<16xf32>,
      tpu.vector_store_idx %arg8[%shift_right_arithmetic3A_1139, %add3A_1171], %gather3A_1172 : memref<256x128xf32, #tpu.memory_space<vmem>>[vector<16xi32>, vector<16xi32>], vector<16xf32>,
      %add3A_1173 = arith.addi %add3A_1170, %broadcast_in_dim3A_1156 : vector<16xi32>
      %add3A_1174 = arith.addi %add3A_1171, %broadcast_in_dim3A_1156 : vector<16xi32>
      %gather3A_1175 = tpu.vector_load_idx %arg7[%add3A_1132, %add3A_1173] : memref<512x128xf32, #tpu.memory_space<vmem>>[vector<16xi32>, vector<16xi32>], vector<16xf32>,
      tpu.vector_store_idx %arg8[%shift_right_arithmetic3A_1139, %add3A_1174], %gather3A_1175 : memref<256x128xf32, #tpu.memory_space<vmem>>[vector<16xi32>, vector<16xi32>], vector<16xf32>,
      %add3A_1176 = arith.addi %add3A_1173, %broadcast_in_dim3A_1156 : vector<16xi32>
      %add3A_1177 = arith.addi %add3A_1174, %broadcast_in_dim3A_1156 : vector<16xi32>
      %gather3A_1178 = tpu.vector_load_idx %arg7[%add3A_1132, %add3A_1176] : memref<512x128xf32, #tpu.memory_space<vmem>>[vector<16xi32>, vector<16xi32>], vector<16xf32>,
      tpu.vector_store_idx %arg8[%shift_right_arithmetic3A_1139, %add3A_1177], %gather3A_1178 : memref<256x128xf32, #tpu.memory_space<vmem>>[vector<16xi32>, vector<16xi32>], vector<16xf32>,
      %add3A_1179 = arith.addi %add3A_1176, %broadcast_in_dim3A_1156 : vector<16xi32>
      %add3A_1180 = arith.addi %add3A_1177, %broadcast_in_dim3A_1156 : vector<16xi32>
      %gather3A_1181 = tpu.vector_load_idx %arg7[%add3A_1132, %add3A_1179] : memref<512x128xf32, #tpu.memory_space<vmem>>[vector<16xi32>, vector<16xi32>], vector<16xf32>,
      tpu.vector_store_idx %arg8[%shift_right_arithmetic3A_1139, %add3A_1180], %gather3A_1181 : memref<256x128xf32, #tpu.memory_space<vmem>>[vector<16xi32>, vector<16xi32>], vector<16xf32>,
      %add3A_1182 = arith.addi %add3A_1179, %broadcast_in_dim3A_1156 : vector<16xi32>
      %add3A_1183 = arith.addi %add3A_1180, %broadcast_in_dim3A_1156 : vector<16xi32>
      %gather3A_1184 = tpu.vector_load_idx %arg7[%add3A_1132, %add3A_1182] : memref<512x128xf32, #tpu.memory_space<vmem>>[vector<16xi32>, vector<16xi32>], vector<16xf32>,
      tpu.vector_store_idx %arg8[%shift_right_arithmetic3A_1139, %add3A_1183], %gather3A_1184 : memref<256x128xf32, #tpu.memory_space<vmem>>[vector<16xi32>, vector<16xi32>], vector<16xf32>,
      %add3A_1185 = arith.addi %add3A_1182, %broadcast_in_dim3A_1156 : vector<16xi32>
      %add3A_1186 = arith.addi %add3A_1183, %broadcast_in_dim3A_1156 : vector<16xi32>
      %gather3A_1187 = tpu.vector_load_idx %arg7[%add3A_1132, %add3A_1185] : memref<512x128xf32, #tpu.memory_space<vmem>>[vector<16xi32>, vector<16xi32>], vector<16xf32>,
      tpu.vector_store_idx %arg8[%shift_right_arithmetic3A_1139, %add3A_1186], %gather3A_1187 : memref<256x128xf32, #tpu.memory_space<vmem>>[vector<16xi32>, vector<16xi32>], vector<16xf32>,
      %add3A_1188 = arith.addi %add3A_1185, %broadcast_in_dim3A_1156 : vector<16xi32>
      %add3A_1189 = arith.addi %add3A_1186, %broadcast_in_dim3A_1156 : vector<16xi32>
      %gather3A_1190 = tpu.vector_load_idx %arg7[%add3A_1132, %add3A_1188] : memref<512x128xf32, #tpu.memory_space<vmem>>[vector<16xi32>, vector<16xi32>], vector<16xf32>,
      tpu.vector_store_idx %arg8[%shift_right_arithmetic3A_1139, %add3A_1189], %gather3A_1190 : memref<256x128xf32, #tpu.memory_space<vmem>>[vector<16xi32>, vector<16xi32>], vector<16xf32>,
      %add3A_1191 = arith.addi %add3A_1188, %broadcast_in_dim3A_1156 : vector<16xi32>
      %add3A_1192 = arith.addi %add3A_1189, %broadcast_in_dim3A_1156 : vector<16xi32>
      %gather3A_1193 = tpu.vector_load_idx %arg7[%add3A_1132, %add3A_1191] : memref<512x128xf32, #tpu.memory_space<vmem>>[vector<16xi32>, vector<16xi32>], vector<16xf32>,
      tpu.vector_store_idx %arg8[%shift_right_arithmetic3A_1139, %add3A_1192], %gather3A_1193 : memref<256x128xf32, #tpu.memory_space<vmem>>[vector<16xi32>, vector<16xi32>], vector<16xf32>,
      %add3A_1194 = arith.addi %add3A_1191, %broadcast_in_dim3A_1156 : vector<16xi32>
      %add3A_1195 = arith.addi %add3A_1192, %broadcast_in_dim3A_1156 : vector<16xi32>
      %gather3A_1196 = tpu.vector_load_idx %arg7[%add3A_1132, %add3A_1194] : memref<512x128xf32, #tpu.memory_space<vmem>>[vector<16xi32>, vector<16xi32>], vector<16xf32>,
      tpu.vector_store_idx %arg8[%shift_right_arithmetic3A_1139, %add3A_1195], %gather3A_1196 : memref<256x128xf32, #tpu.memory_space<vmem>>[vector<16xi32>, vector<16xi32>], vector<16xf32>,
      %add3A_1197 = arith.addi %add3A_1194, %broadcast_in_dim3A_1156 : vector<16xi32>
      %add3A_1198 = arith.addi %add3A_1195, %broadcast_in_dim3A_1156 : vector<16xi32>
      %gather3A_1199 = tpu.vector_load_idx %arg7[%add3A_1132, %add3A_1197] : memref<512x128xf32, #tpu.memory_space<vmem>>[vector<16xi32>, vector<16xi32>], vector<16xf32>,
      tpu.vector_store_idx %arg8[%shift_right_arithmetic3A_1139, %add3A_1198], %gather3A_1199 : memref<256x128xf32, #tpu.memory_space<vmem>>[vector<16xi32>, vector<16xi32>], vector<16xf32>,
      %add3A_1200 = arith.addi %add3A_1197, %broadcast_in_dim3A_1156 : vector<16xi32>
      %add3A_1201 = arith.addi %add3A_1198, %broadcast_in_dim3A_1156 : vector<16xi32>
      %gather3A_1202 = tpu.vector_load_idx %arg7[%add3A_1132, %add3A_1200] : memref<512x128xf32, #tpu.memory_space<vmem>>[vector<16xi32>, vector<16xi32>], vector<16xf32>,
      tpu.vector_store_idx %arg8[%shift_right_arithmetic3A_1139, %add3A_1201], %gather3A_1202 : memref<256x128xf32, #tpu.memory_space<vmem>>[vector<16xi32>, vector<16xi32>], vector<16xf32>,
      %add3A_1203 = arith.addi %add3A_1200, %broadcast_in_dim3A_1156 : vector<16xi32>
      %add3A_1204 = arith.addi %add3A_1201, %broadcast_in_dim3A_1156 : vector<16xi32>
      %gather3A_1205 = tpu.vector_load_idx %arg7[%add3A_1132, %add3A_1203] : memref<512x128xf32, #tpu.memory_space<vmem>>[vector<16xi32>, vector<16xi32>], vector<16xf32>,
      tpu.vector_store_idx %arg8[%shift_right_arithmetic3A_1139, %add3A_1204], %gather3A_1205 : memref<256x128xf32, #tpu.memory_space<vmem>>[vector<16xi32>, vector<16xi32>], vector<16xf32>,
      %add3A_1206 = arith.addi %add3A_1203, %broadcast_in_dim3A_1156 : vector<16xi32>
      %add3A_1207 = arith.addi %add3A_1204, %broadcast_in_dim3A_1156 : vector<16xi32>
      %gather3A_1208 = tpu.vector_load_idx %arg7[%add3A_1132, %add3A_1206] : memref<512x128xf32, #tpu.memory_space<vmem>>[vector<16xi32>, vector<16xi32>], vector<16xf32>,
      tpu.vector_store_idx %arg8[%shift_right_arithmetic3A_1139, %add3A_1207], %gather3A_1208 : memref<256x128xf32, #tpu.memory_space<vmem>>[vector<16xi32>, vector<16xi32>], vector<16xf32>,
      %add3A_1209 = arith.addi %add3A_1206, %broadcast_in_dim3A_1156 : vector<16xi32>
      %add3A_1210 = arith.addi %add3A_1207, %broadcast_in_dim3A_1156 : vector<16xi32>
      %gather3A_1211 = tpu.vector_load_idx %arg7[%add3A_1132, %add3A_1209] : memref<512x128xf32, #tpu.memory_space<vmem>>[vector<16xi32>, vector<16xi32>], vector<16xf32>,
      tpu.vector_store_idx %arg8[%shift_right_arithmetic3A_1139, %add3A_1210], %gather3A_1211 : memref<256x128xf32, #tpu.memory_space<vmem>>[vector<16xi32>, vector<16xi32>], vector<16xf32>,
      %add3A_1212 = arith.addi %add3A_1209, %broadcast_in_dim3A_1156 : vector<16xi32>
      %add3A_1213 = arith.addi %add3A_1210, %broadcast_in_dim3A_1156 : vector<16xi32>
      %gather3A_1214 = tpu.vector_load_idx %arg7[%add3A_1132, %add3A_1212] : memref<512x128xf32, #tpu.memory_space<vmem>>[vector<16xi32>, vector<16xi32>], vector<16xf32>,
      tpu.vector_store_idx %arg8[%shift_right_arithmetic3A_1139, %add3A_1213], %gather3A_1214 : memref<256x128xf32, #tpu.memory_space<vmem>>[vector<16xi32>, vector<16xi32>], vector<16xf32>,
      %add3A_1215 = arith.addi %add3A_1212, %broadcast_in_dim3A_1156 : vector<16xi32>
      %add3A_1216 = arith.addi %add3A_1213, %broadcast_in_dim3A_1156 : vector<16xi32>
      %gather3A_1217 = tpu.vector_load_idx %arg7[%add3A_1132, %add3A_1215] : memref<512x128xf32, #tpu.memory_space<vmem>>[vector<16xi32>, vector<16xi32>], vector<16xf32>,
      tpu.vector_store_idx %arg8[%shift_right_arithmetic3A_1139, %add3A_1216], %gather3A_1217 : memref<256x128xf32, #tpu.memory_space<vmem>>[vector<16xi32>, vector<16xi32>], vector<16xf32>,
      %add3A_1218 = arith.addi %add3A_1215, %broadcast_in_dim3A_1156 : vector<16xi32>
      %add3A_1219 = arith.addi %add3A_1216, %broadcast_in_dim3A_1156 : vector<16xi32>
      %gather3A_1220 = tpu.vector_load_idx %arg7[%add3A_1132, %add3A_1218] : memref<512x128xf32, #tpu.memory_space<vmem>>[vector<16xi32>, vector<16xi32>], vector<16xf32>,
      tpu.vector_store_idx %arg8[%shift_right_arithmetic3A_1139, %add3A_1219], %gather3A_1220 : memref<256x128xf32, #tpu.memory_space<vmem>>[vector<16xi32>, vector<16xi32>], vector<16xf32>,
      %add3A_1221 = arith.addi %add3A_1218, %broadcast_in_dim3A_1156 : vector<16xi32>
      %add3A_1222 = arith.addi %add3A_1219, %broadcast_in_dim3A_1156 : vector<16xi32>
      %gather3A_1223 = tpu.vector_load_idx %arg7[%add3A_1132, %add3A_1221] : memref<512x128xf32, #tpu.memory_space<vmem>>[vector<16xi32>, vector<16xi32>], vector<16xf32>,
      tpu.vector_store_idx %arg8[%shift_right_arithmetic3A_1139, %add3A_1222], %gather3A_1223 : memref<256x128xf32, #tpu.memory_space<vmem>>[vector<16xi32>, vector<16xi32>], vector<16xf32>,
      %add3A_1224 = arith.addi %add3A_1221, %broadcast_in_dim3A_1156 : vector<16xi32>
      %add3A_1225 = arith.addi %add3A_1222, %broadcast_in_dim3A_1156 : vector<16xi32>
      %gather3A_1226 = tpu.vector_load_idx %arg7[%add3A_1132, %add3A_1224] : memref<512x128xf32, #tpu.memory_space<vmem>>[vector<16xi32>, vector<16xi32>], vector<16xf32>,
      tpu.vector_store_idx %arg8[%shift_right_arithmetic3A_1139, %add3A_1225], %gather3A_1226 : memref<256x128xf32, #tpu.memory_space<vmem>>[vector<16xi32>, vector<16xi32>], vector<16xf32>,
      %add3A_1227 = arith.addi %add3A_1224, %broadcast_in_dim3A_1156 : vector<16xi32>
      %add3A_1228 = arith.addi %add3A_1225, %broadcast_in_dim3A_1156 : vector<16xi32>
      %gather3A_1229 = tpu.vector_load_idx %arg7[%add3A_1132, %add3A_1227] : memref<512x128xf32, #tpu.memory_space<vmem>>[vector<16xi32>, vector<16xi32>], vector<16xf32>,
      tpu.vector_store_idx %arg8[%shift_right_arithmetic3A_1139, %add3A_1228], %gather3A_1229 : memref<256x128xf32, #tpu.memory_space<vmem>>[vector<16xi32>, vector<16xi32>], vector<16xf32>,
      %add3A_1230 = arith.addi %add3A_1227, %broadcast_in_dim3A_1156 : vector<16xi32>
      %add3A_1231 = arith.addi %add3A_1228, %broadcast_in_dim3A_1156 : vector<16xi32>
      %gather3A_1232 = tpu.vector_load_idx %arg7[%add3A_1132, %add3A_1230] : memref<512x128xf32, #tpu.memory_space<vmem>>[vector<16xi32>, vector<16xi32>], vector<16xf32>,
      tpu.vector_store_idx %arg8[%shift_right_arithmetic3A_1139, %add3A_1231], %gather3A_1232 : memref<256x128xf32, #tpu.memory_space<vmem>>[vector<16xi32>, vector<16xi32>], vector<16xf32>,
      %add3A_1233 = arith.addi %add3A_1230, %broadcast_in_dim3A_1156 : vector<16xi32>
      %add3A_1234 = arith.addi %add3A_1231, %broadcast_in_dim3A_1156 : vector<16xi32>
      %gather3A_1235 = tpu.vector_load_idx %arg7[%add3A_1132, %add3A_1233] : memref<512x128xf32, #tpu.memory_space<vmem>>[vector<16xi32>, vector<16xi32>], vector<16xf32>,
      tpu.vector_store_idx %arg8[%shift_right_arithmetic3A_1139, %add3A_1234], %gather3A_1235 : memref<256x128xf32, #tpu.memory_space<vmem>>[vector<16xi32>, vector<16xi32>], vector<16xf32>,
      %add3A_1236 = arith.addi %add3A_1233, %broadcast_in_dim3A_1156 : vector<16xi32>
      %add3A_1237 = arith.addi %add3A_1234, %broadcast_in_dim3A_1156 : vector<16xi32>
      %gather3A_1238 = tpu.vector_load_idx %arg7[%add3A_1132, %add3A_1236] : memref<512x128xf32, #tpu.memory_space<vmem>>[vector<16xi32>, vector<16xi32>], vector<16xf32>,
      tpu.vector_store_idx %arg8[%shift_right_arithmetic3A_1139, %add3A_1237], %gather3A_1238 : memref<256x128xf32, #tpu.memory_space<vmem>>[vector<16xi32>, vector<16xi32>], vector<16xf32>,
      %add3A_1239 = arith.addi %add3A_1236, %broadcast_in_dim3A_1156 : vector<16xi32>
      %add3A_1240 = arith.addi %add3A_1237, %broadcast_in_dim3A_1156 : vector<16xi32>
      %gather3A_1241 = tpu.vector_load_idx %arg7[%add3A_1132, %add3A_1239] : memref<512x128xf32, #tpu.memory_space<vmem>>[vector<16xi32>, vector<16xi32>], vector<16xf32>,
      tpu.vector_store_idx %arg8[%shift_right_arithmetic3A_1139, %add3A_1240], %gather3A_1241 : memref<256x128xf32, #tpu.memory_space<vmem>>[vector<16xi32>, vector<16xi32>], vector<16xf32>,
      %add3A_1242 = arith.addi %add3A_1239, %broadcast_in_dim3A_1156 : vector<16xi32>
      %add3A_1243 = arith.addi %add3A_1240, %broadcast_in_dim3A_1156 : vector<16xi32>
      %gather3A_1244 = tpu.vector_load_idx %arg7[%add3A_1132, %add3A_1242] : memref<512x128xf32, #tpu.memory_space<vmem>>[vector<16xi32>, vector<16xi32>], vector<16xf32>,
      tpu.vector_store_idx %arg8[%shift_right_arithmetic3A_1139, %add3A_1243], %gather3A_1244 : memref<256x128xf32, #tpu.memory_space<vmem>>[vector<16xi32>, vector<16xi32>], vector<16xf32>,
      %add3A_1245 = arith.addi %add3A_1242, %broadcast_in_dim3A_1156 : vector<16xi32>
      %add3A_1246 = arith.addi %add3A_1243, %broadcast_in_dim3A_1156 : vector<16xi32>
      %gather3A_1247 = tpu.vector_load_idx %arg7[%add3A_1132, %add3A_1245] : memref<512x128xf32, #tpu.memory_space<vmem>>[vector<16xi32>, vector<16xi32>], vector<16xf32>,
      tpu.vector_store_idx %arg8[%shift_right_arithmetic3A_1139, %add3A_1246], %gather3A_1247 : memref<256x128xf32, #tpu.memory_space<vmem>>[vector<16xi32>, vector<16xi32>], vector<16xf32>,
      %add3A_1248 = arith.addi %add3A_1245, %broadcast_in_dim3A_1156 : vector<16xi32>
      %add3A_1249 = arith.addi %add3A_1246, %broadcast_in_dim3A_1156 : vector<16xi32>
      %gather3A_1250 = tpu.vector_load_idx %arg7[%add3A_1132, %add3A_1248] : memref<512x128xf32, #tpu.memory_space<vmem>>[vector<16xi32>, vector<16xi32>], vector<16xf32>,
      tpu.vector_store_idx %arg8[%shift_right_arithmetic3A_1139, %add3A_1249], %gather3A_1250 : memref<256x128xf32, #tpu.memory_space<vmem>>[vector<16xi32>, vector<16xi32>], vector<16xf32>,
      %add3A_1251 = arith.addi %add3A_1248, %broadcast_in_dim3A_1156 : vector<16xi32>
      %add3A_1252 = arith.addi %add3A_1249, %broadcast_in_dim3A_1156 : vector<16xi32>
      %gather3A_1253 = tpu.vector_load_idx %arg7[%add3A_1132, %add3A_1251] : memref<512x128xf32, #tpu.memory_space<vmem>>[vector<16xi32>, vector<16xi32>], vector<16xf32>,
      tpu.vector_store_idx %arg8[%shift_right_arithmetic3A_1139, %add3A_1252], %gather3A_1253 : memref<256x128xf32, #tpu.memory_space<vmem>>[vector<16xi32>, vector<16xi32>], vector<16xf32>,
      %add3A_1254 = arith.addi %add3A_1251, %broadcast_in_dim3A_1156 : vector<16xi32>
      %add3A_1255 = arith.addi %add3A_1252, %broadcast_in_dim3A_1156 : vector<16xi32>
      %gather3A_1256 = tpu.vector_load_idx %arg7[%add3A_1132, %add3A_1254] : memref<512x128xf32, #tpu.memory_space<vmem>>[vector<16xi32>, vector<16xi32>], vector<16xf32>,
      tpu.vector_store_idx %arg8[%shift_right_arithmetic3A_1139, %add3A_1255], %gather3A_1256 : memref<256x128xf32, #tpu.memory_space<vmem>>[vector<16xi32>, vector<16xi32>], vector<16xf32>,
      %add3A_1257 = arith.addi %add3A_1254, %broadcast_in_dim3A_1156 : vector<16xi32>
      %add3A_1258 = arith.addi %add3A_1255, %broadcast_in_dim3A_1156 : vector<16xi32>
      %gather3A_1259 = tpu.vector_load_idx %arg7[%add3A_1132, %add3A_1257] : memref<512x128xf32, #tpu.memory_space<vmem>>[vector<16xi32>, vector<16xi32>], vector<16xf32>,
      tpu.vector_store_idx %arg8[%shift_right_arithmetic3A_1139, %add3A_1258], %gather3A_1259 : memref<256x128xf32, #tpu.memory_space<vmem>>[vector<16xi32>, vector<16xi32>], vector<16xf32>,
      %add3A_1260 = arith.addi %add3A_1257, %broadcast_in_dim3A_1156 : vector<16xi32>
      %add3A_1261 = arith.addi %add3A_1258, %broadcast_in_dim3A_1156 : vector<16xi32>
      %gather3A_1262 = tpu.vector_load_idx %arg7[%add3A_1132, %add3A_1260] : memref<512x128xf32, #tpu.memory_space<vmem>>[vector<16xi32>, vector<16xi32>], vector<16xf32>,
      tpu.vector_store_idx %arg8[%shift_right_arithmetic3A_1139, %add3A_1261], %gather3A_1262 : memref<256x128xf32, #tpu.memory_space<vmem>>[vector<16xi32>, vector<16xi32>], vector<16xf32>,
      %add3A_1263 = arith.addi %add3A_1260, %broadcast_in_dim3A_1156 : vector<16xi32>
      %add3A_1264 = arith.addi %add3A_1261, %broadcast_in_dim3A_1156 : vector<16xi32>
      %gather3A_1265 = tpu.vector_load_idx %arg7[%add3A_1132, %add3A_1263] : memref<512x128xf32, #tpu.memory_space<vmem>>[vector<16xi32>, vector<16xi32>], vector<16xf32>,
      tpu.vector_store_idx %arg8[%shift_right_arithmetic3A_1139, %add3A_1264], %gather3A_1265 : memref<256x128xf32, #tpu.memory_space<vmem>>[vector<16xi32>, vector<16xi32>], vector<16xf32>,
      %add3A_1266 = arith.addi %add3A_1263, %broadcast_in_dim3A_1156 : vector<16xi32>
      %add3A_1267 = arith.addi %add3A_1264, %broadcast_in_dim3A_1156 : vector<16xi32>
      %gather3A_1268 = tpu.vector_load_idx %arg7[%add3A_1132, %add3A_1266] : memref<512x128xf32, #tpu.memory_space<vmem>>[vector<16xi32>, vector<16xi32>], vector<16xf32>,
      tpu.vector_store_idx %arg8[%shift_right_arithmetic3A_1139, %add3A_1267], %gather3A_1268 : memref<256x128xf32, #tpu.memory_space<vmem>>[vector<16xi32>, vector<16xi32>], vector<16xf32>,
      %add3A_1269 = arith.addi %add3A_1266, %broadcast_in_dim3A_1156 : vector<16xi32>
      %add3A_1270 = arith.addi %add3A_1267, %broadcast_in_dim3A_1156 : vector<16xi32>
      %gather3A_1271 = tpu.vector_load_idx %arg7[%add3A_1132, %add3A_1269] : memref<512x128xf32, #tpu.memory_space<vmem>>[vector<16xi32>, vector<16xi32>], vector<16xf32>,
      tpu.vector_store_idx %arg8[%shift_right_arithmetic3A_1139, %add3A_1270], %gather3A_1271 : memref<256x128xf32, #tpu.memory_space<vmem>>[vector<16xi32>, vector<16xi32>], vector<16xf32>,
      %add3A_1272 = arith.addi %add3A_1269, %broadcast_in_dim3A_1156 : vector<16xi32>
      %add3A_1273 = arith.addi %add3A_1270, %broadcast_in_dim3A_1156 : vector<16xi32>
      %gather3A_1274 = tpu.vector_load_idx %arg7[%add3A_1132, %add3A_1272] : memref<512x128xf32, #tpu.memory_space<vmem>>[vector<16xi32>, vector<16xi32>], vector<16xf32>,
      tpu.vector_store_idx %arg8[%shift_right_arithmetic3A_1139, %add3A_1273], %gather3A_1274 : memref<256x128xf32, #tpu.memory_space<vmem>>[vector<16xi32>, vector<16xi32>], vector<16xf32>,
      %add3A_1275 = arith.addi %add3A_1272, %broadcast_in_dim3A_1156 : vector<16xi32>
      %add3A_1276 = arith.addi %add3A_1273, %broadcast_in_dim3A_1156 : vector<16xi32>
      %gather3A_1277 = tpu.vector_load_idx %arg7[%add3A_1132, %add3A_1275] : memref<512x128xf32, #tpu.memory_space<vmem>>[vector<16xi32>, vector<16xi32>], vector<16xf32>,
      tpu.vector_store_idx %arg8[%shift_right_arithmetic3A_1139, %add3A_1276], %gather3A_1277 : memref<256x128xf32, #tpu.memory_space<vmem>>[vector<16xi32>, vector<16xi32>], vector<16xf32>,
      %add3A_1278 = arith.addi %add3A_1275, %broadcast_in_dim3A_1156 : vector<16xi32>
      %add3A_1279 = arith.addi %add3A_1276, %broadcast_in_dim3A_1156 : vector<16xi32>
      %gather3A_1280 = tpu.vector_load_idx %arg7[%add3A_1132, %add3A_1278] : memref<512x128xf32, #tpu.memory_space<vmem>>[vector<16xi32>, vector<16xi32>], vector<16xf32>,
      tpu.vector_store_idx %arg8[%shift_right_arithmetic3A_1139, %add3A_1279], %gather3A_1280 : memref<256x128xf32, #tpu.memory_space<vmem>>[vector<16xi32>, vector<16xi32>], vector<16xf32>,
      %add3A_1281 = arith.addi %add3A_1278, %broadcast_in_dim3A_1156 : vector<16xi32>
      %add3A_1282 = arith.addi %add3A_1279, %broadcast_in_dim3A_1156 : vector<16xi32>
      %gather3A_1283 = tpu.vector_load_idx %arg7[%add3A_1132, %add3A_1281] : memref<512x128xf32, #tpu.memory_space<vmem>>[vector<16xi32>, vector<16xi32>], vector<16xf32>,
      tpu.vector_store_idx %arg8[%shift_right_arithmetic3A_1139, %add3A_1282], %gather3A_1283 : memref<256x128xf32, #tpu.memory_space<vmem>>[vector<16xi32>, vector<16xi32>], vector<16xf32>,
      %add3A_1284 = arith.addi %add3A_1281, %broadcast_in_dim3A_1156 : vector<16xi32>
      %add3A_1285 = arith.addi %add3A_1282, %broadcast_in_dim3A_1156 : vector<16xi32>
      %gather3A_1286 = tpu.vector_load_idx %arg7[%add3A_1132, %add3A_1284] : memref<512x128xf32, #tpu.memory_space<vmem>>[vector<16xi32>, vector<16xi32>], vector<16xf32>,
      tpu.vector_store_idx %arg8[%shift_right_arithmetic3A_1139, %add3A_1285], %gather3A_1286 : memref<256x128xf32, #tpu.memory_space<vmem>>[vector<16xi32>, vector<16xi32>], vector<16xf32>,
      %add3A_1287 = arith.addi %add3A_1284, %broadcast_in_dim3A_1156 : vector<16xi32>
      %add3A_1288 = arith.addi %add3A_1285, %broadcast_in_dim3A_1156 : vector<16xi32>
      %gather3A_1289 = tpu.vector_load_idx %arg7[%add3A_1132, %add3A_1287] : memref<512x128xf32, #tpu.memory_space<vmem>>[vector<16xi32>, vector<16xi32>], vector<16xf32>,
      tpu.vector_store_idx %arg8[%shift_right_arithmetic3A_1139, %add3A_1288], %gather3A_1289 : memref<256x128xf32, #tpu.memory_space<vmem>>[vector<16xi32>, vector<16xi32>], vector<16xf32>,
      %add3A_1290 = arith.addi %add3A_1287, %broadcast_in_dim3A_1156 : vector<16xi32>
      %add3A_1291 = arith.addi %add3A_1288, %broadcast_in_dim3A_1156 : vector<16xi32>
      %gather3A_1292 = tpu.vector_load_idx %arg7[%add3A_1132, %add3A_1290] : memref<512x128xf32, #tpu.memory_space<vmem>>[vector<16xi32>, vector<16xi32>], vector<16xf32>,
      tpu.vector_store_idx %arg8[%shift_right_arithmetic3A_1139, %add3A_1291], %gather3A_1292 : memref<256x128xf32, #tpu.memory_space<vmem>>[vector<16xi32>, vector<16xi32>], vector<16xf32>,
      %add3A_1293 = arith.addi %add3A_1290, %broadcast_in_dim3A_1156 : vector<16xi32>
      %add3A_1294 = arith.addi %add3A_1291, %broadcast_in_dim3A_1156 : vector<16xi32>
      %gather3A_1295 = tpu.vector_load_idx %arg7[%add3A_1132, %add3A_1293] : memref<512x128xf32, #tpu.memory_space<vmem>>[vector<16xi32>, vector<16xi32>], vector<16xf32>,
      tpu.vector_store_idx %arg8[%shift_right_arithmetic3A_1139, %add3A_1294], %gather3A_1295 : memref<256x128xf32, #tpu.memory_space<vmem>>[vector<16xi32>, vector<16xi32>], vector<16xf32>,
      %add3A_1296 = arith.addi %add3A_1293, %broadcast_in_dim3A_1156 : vector<16xi32>
      %add3A_1297 = arith.addi %add3A_1294, %broadcast_in_dim3A_1156 : vector<16xi32>
      %gather3A_1298 = tpu.vector_load_idx %arg7[%add3A_1132, %add3A_1296] : memref<512x128xf32, #tpu.memory_space<vmem>>[vector<16xi32>, vector<16xi32>], vector<16xf32>,
      tpu.vector_store_idx %arg8[%shift_right_arithmetic3A_1139, %add3A_1297], %gather3A_1298 : memref<256x128xf32, #tpu.memory_space<vmem>>[vector<16xi32>, vector<16xi32>], vector<16xf32>,
      %add3A_1299 = arith.addi %add3A_1296, %broadcast_in_dim3A_1156 : vector<16xi32>
      %add3A_1300 = arith.addi %add3A_1297, %broadcast_in_dim3A_1156 : vector<16xi32>
      %gather3A_1301 = tpu.vector_load_idx %arg7[%add3A_1132, %add3A_1299] : memref<512x128xf32, #tpu.memory_space<vmem>>[vector<16xi32>, vector<16xi32>], vector<16xf32>,
      tpu.vector_store_idx %arg8[%shift_right_arithmetic3A_1139, %add3A_1300], %gather3A_1301 : memref<256x128xf32, #tpu.memory_space<vmem>>[vector<16xi32>, vector<16xi32>], vector<16xf32>,
      %add3A_1302 = arith.addi %add3A_1299, %broadcast_in_dim3A_1156 : vector<16xi32>
      %add3A_1303 = arith.addi %add3A_1300, %broadcast_in_dim3A_1156 : vector<16xi32>
      %gather3A_1304 = tpu.vector_load_idx %arg7[%add3A_1132, %add3A_1302] : memref<512x128xf32, #tpu.memory_space<vmem>>[vector<16xi32>, vector<16xi32>], vector<16xf32>,
      tpu.vector_store_idx %arg8[%shift_right_arithmetic3A_1139, %add3A_1303], %gather3A_1304 : memref<256x128xf32, #tpu.memory_space<vmem>>[vector<16xi32>, vector<16xi32>], vector<16xf32>,
      %add3A_1305 = arith.addi %add3A_1302, %broadcast_in_dim3A_1156 : vector<16xi32>
      %add3A_1306 = arith.addi %add3A_1303, %broadcast_in_dim3A_1156 : vector<16xi32>
      %gather3A_1307 = tpu.vector_load_idx %arg7[%add3A_1132, %add3A_1305] : memref<512x128xf32, #tpu.memory_space<vmem>>[vector<16xi32>, vector<16xi32>], vector<16xf32>,
      tpu.vector_store_idx %arg8[%shift_right_arithmetic3A_1139, %add3A_1306], %gather3A_1307 : memref<256x128xf32, #tpu.memory_space<vmem>>[vector<16xi32>, vector<16xi32>], vector<16xf32>,
      %add3A_1308 = arith.addi %add3A_1305, %broadcast_in_dim3A_1156 : vector<16xi32>
      %add3A_1309 = arith.addi %add3A_1306, %broadcast_in_dim3A_1156 : vector<16xi32>
      %gather3A_1310 = tpu.vector_load_idx %arg7[%add3A_1132, %add3A_1308] : memref<512x128xf32, #tpu.memory_space<vmem>>[vector<16xi32>, vector<16xi32>], vector<16xf32>,
      tpu.vector_store_idx %arg8[%shift_right_arithmetic3A_1139, %add3A_1309], %gather3A_1310 : memref<256x128xf32, #tpu.memory_space<vmem>>[vector<16xi32>, vector<16xi32>], vector<16xf32>,
      %add3A_1311 = arith.addi %add3A_1308, %broadcast_in_dim3A_1156 : vector<16xi32>
      %add3A_1312 = arith.addi %add3A_1309, %broadcast_in_dim3A_1156 : vector<16xi32>
      %gather3A_1313 = tpu.vector_load_idx %arg7[%add3A_1132, %add3A_1311] : memref<512x128xf32, #tpu.memory_space<vmem>>[vector<16xi32>, vector<16xi32>], vector<16xf32>,
      tpu.vector_store_idx %arg8[%shift_right_arithmetic3A_1139, %add3A_1312], %gather3A_1313 : memref<256x128xf32, #tpu.memory_space<vmem>>[vector<16xi32>, vector<16xi32>], vector<16xf32>,
      %add3A_1314 = arith.addi %add3A_1311, %broadcast_in_dim3A_1156 : vector<16xi32>
      %add3A_1315 = arith.addi %add3A_1312, %broadcast_in_dim3A_1156 : vector<16xi32>
      %gather3A_1316 = tpu.vector_load_idx %arg7[%add3A_1132, %add3A_1314] : memref<512x128xf32, #tpu.memory_space<vmem>>[vector<16xi32>, vector<16xi32>], vector<16xf32>,
      tpu.vector_store_idx %arg8[%shift_right_arithmetic3A_1139, %add3A_1315], %gather3A_1316 : memref<256x128xf32, #tpu.memory_space<vmem>>[vector<16xi32>, vector<16xi32>], vector<16xf32>,
      %add3A_1317 = arith.addi %add3A_1314, %broadcast_in_dim3A_1156 : vector<16xi32>
      %add3A_1318 = arith.addi %add3A_1315, %broadcast_in_dim3A_1156 : vector<16xi32>
      %gather3A_1319 = tpu.vector_load_idx %arg7[%add3A_1132, %add3A_1317] : memref<512x128xf32, #tpu.memory_space<vmem>>[vector<16xi32>, vector<16xi32>], vector<16xf32>,
      tpu.vector_store_idx %arg8[%shift_right_arithmetic3A_1139, %add3A_1318], %gather3A_1319 : memref<256x128xf32, #tpu.memory_space<vmem>>[vector<16xi32>, vector<16xi32>], vector<16xf32>,
      %add3A_1320 = arith.addi %add3A_1317, %broadcast_in_dim3A_1156 : vector<16xi32>
      %add3A_1321 = arith.addi %add3A_1318, %broadcast_in_dim3A_1156 : vector<16xi32>
      %gather3A_1322 = tpu.vector_load_idx %arg7[%add3A_1132, %add3A_1320] : memref<512x128xf32, #tpu.memory_space<vmem>>[vector<16xi32>, vector<16xi32>], vector<16xf32>,
      tpu.vector_store_idx %arg8[%shift_right_arithmetic3A_1139, %add3A_1321], %gather3A_1322 : memref<256x128xf32, #tpu.memory_space<vmem>>[vector<16xi32>, vector<16xi32>], vector<16xf32>,
      %add3A_1323 = arith.addi %add3A_1320, %broadcast_in_dim3A_1156 : vector<16xi32>
      %add3A_1324 = arith.addi %add3A_1321, %broadcast_in_dim3A_1156 : vector<16xi32>
      %gather3A_1325 = tpu.vector_load_idx %arg7[%add3A_1132, %add3A_1323] : memref<512x128xf32, #tpu.memory_space<vmem>>[vector<16xi32>, vector<16xi32>], vector<16xf32>,
      tpu.vector_store_idx %arg8[%shift_right_arithmetic3A_1139, %add3A_1324], %gather3A_1325 : memref<256x128xf32, #tpu.memory_space<vmem>>[vector<16xi32>, vector<16xi32>], vector<16xf32>,
      %add3A_1326 = arith.addi %add3A_1323, %broadcast_in_dim3A_1156 : vector<16xi32>
      %add3A_1327 = arith.addi %add3A_1324, %broadcast_in_dim3A_1156 : vector<16xi32>
      %gather3A_1328 = tpu.vector_load_idx %arg7[%add3A_1132, %add3A_1326] : memref<512x128xf32, #tpu.memory_space<vmem>>[vector<16xi32>, vector<16xi32>], vector<16xf32>,
      tpu.vector_store_idx %arg8[%shift_right_arithmetic3A_1139, %add3A_1327], %gather3A_1328 : memref<256x128xf32, #tpu.memory_space<vmem>>[vector<16xi32>, vector<16xi32>], vector<16xf32>,
      %add3A_1329 = arith.addi %add3A_1326, %broadcast_in_dim3A_1156 : vector<16xi32>
      %add3A_1330 = arith.addi %add3A_1327, %broadcast_in_dim3A_1156 : vector<16xi32>
      %gather3A_1331 = tpu.vector_load_idx %arg7[%add3A_1132, %add3A_1329] : memref<512x128xf32, #tpu.memory_space<vmem>>[vector<16xi32>, vector<16xi32>], vector<16xf32>,
      tpu.vector_store_idx %arg8[%shift_right_arithmetic3A_1139, %add3A_1330], %gather3A_1331 : memref<256x128xf32, #tpu.memory_space<vmem>>[vector<16xi32>, vector<16xi32>], vector<16xf32>,
      %add3A_1332 = arith.addi %add3A_1329, %broadcast_in_dim3A_1156 : vector<16xi32>
      %add3A_1333 = arith.addi %add3A_1330, %broadcast_in_dim3A_1156 : vector<16xi32>
      %gather3A_1334 = tpu.vector_load_idx %arg7[%add3A_1132, %add3A_1332] : memref<512x128xf32, #tpu.memory_space<vmem>>[vector<16xi32>, vector<16xi32>], vector<16xf32>,
      tpu.vector_store_idx %arg8[%shift_right_arithmetic3A_1139, %add3A_1333], %gather3A_1334 : memref<256x128xf32, #tpu.memory_space<vmem>>[vector<16xi32>, vector<16xi32>], vector<16xf32>,
      %add3A_1335 = arith.addi %add3A_1332, %broadcast_in_dim3A_1156 : vector<16xi32>
      %add3A_1336 = arith.addi %add3A_1333, %broadcast_in_dim3A_1156 : vector<16xi32>
      %gather3A_1337 = tpu.vector_load_idx %arg7[%add3A_1132, %add3A_1335] : memref<512x128xf32, #tpu.memory_space<vmem>>[vector<16xi32>, vector<16xi32>], vector<16xf32>,
      tpu.vector_store_idx %arg8[%shift_right_arithmetic3A_1139, %add3A_1336], %gather3A_1337 : memref<256x128xf32, #tpu.memory_space<vmem>>[vector<16xi32>, vector<16xi32>], vector<16xf32>,
      %add3A_1338 = arith.addi %add3A_1335, %broadcast_in_dim3A_1156 : vector<16xi32>
      %add3A_1339 = arith.addi %add3A_1336, %broadcast_in_dim3A_1156 : vector<16xi32>
      %gather3A_1340 = tpu.vector_load_idx %arg7[%add3A_1132, %add3A_1338] : memref<512x128xf32, #tpu.memory_space<vmem>>[vector<16xi32>, vector<16xi32>], vector<16xf32>,
      tpu.vector_store_idx %arg8[%shift_right_arithmetic3A_1139, %add3A_1339], %gather3A_1340 : memref<256x128xf32, #tpu.memory_space<vmem>>[vector<16xi32>, vector<16xi32>], vector<16xf32>,
      %add3A_1341 = arith.addi %add3A_1338, %broadcast_in_dim3A_1156 : vector<16xi32>
      %add3A_1342 = arith.addi %add3A_1339, %broadcast_in_dim3A_1156 : vector<16xi32>
      %gather3A_1343 = tpu.vector_load_idx %arg7[%add3A_1132, %add3A_1341] : memref<512x128xf32, #tpu.memory_space<vmem>>[vector<16xi32>, vector<16xi32>], vector<16xf32>,
      tpu.vector_store_idx %arg8[%shift_right_arithmetic3A_1139, %add3A_1342], %gather3A_1343 : memref<256x128xf32, #tpu.memory_space<vmem>>[vector<16xi32>, vector<16xi32>], vector<16xf32>,
      %add3A_1344 = arith.addi %add3A_1341, %broadcast_in_dim3A_1156 : vector<16xi32>
      %add3A_1345 = arith.addi %add3A_1342, %broadcast_in_dim3A_1156 : vector<16xi32>
      %gather3A_1346 = tpu.vector_load_idx %arg7[%add3A_1132, %add3A_1344] : memref<512x128xf32, #tpu.memory_space<vmem>>[vector<16xi32>, vector<16xi32>], vector<16xf32>,
      tpu.vector_store_idx %arg8[%shift_right_arithmetic3A_1139, %add3A_1345], %gather3A_1346 : memref<256x128xf32, #tpu.memory_space<vmem>>[vector<16xi32>, vector<16xi32>], vector<16xf32>,
      %iota3A_1347 = tpu.iota {dimensions = array<i32: 0>} : vector<16xi32>
      %add3A_1348 = vector.broadcast %mul3A_469 : i32 to vector<16xi32>
      %add3A_1349 = arith.addi %iota3A_1347, %add3A_1348 : vector<16xi32>
      %add3A_1350 = arith.constant 64 : i32
      %add3A_1351 = vector.broadcast %add3A_1350 : i32 to vector<16xi32>
      %add3A_1352 = arith.addi %add3A_1349, %add3A_1351 : vector<16xi32>
      %add3A_1353 = arith.constant 64 : i32
      %add3A_1354 = arith.addi %mul3A_469, %add3A_1353 : i32
      %get3A_1355 = arith.index_cast %add3A_1354 : i32 to index
      %get3A_1356 = tpu.vector_load %arg5[%get3A_1355] {strides = array<i32>} : memref<512xi32, #tpu.memory_space<vmem>>, vector<16xi32>,
      %shift_right_arithmetic3A_1357 = arith.constant 1 : i32
      %shift_right_arithmetic3A_1358 = vector.broadcast %shift_right_arithmetic3A_1357 : i32 to vector<16xi32>
      %shift_right_arithmetic3A_1359 = arith.shrsi %add3A_1352, %shift_right_arithmetic3A_1358 : vector<16xi32>
      %shift_right_arithmetic3A_1360 = arith.constant 13 : i32
      %shift_right_arithmetic3A_1361 = vector.broadcast %shift_right_arithmetic3A_1360 : i32 to vector<16xi32>
      %shift_right_arithmetic3A_1362 = arith.shrsi %get3A_1356, %shift_right_arithmetic3A_1361 : vector<16xi32>
      %and3A_1363 = arith.constant 1 : i32
      %and3A_1364 = vector.broadcast %and3A_1363 : i32 to vector<16xi32>
      %and3A_1365 = arith.andi %shift_right_arithmetic3A_1362, %and3A_1364 : vector<16xi32>
      %mul3A_1366 = arith.constant 64 : i32
      %mul3A_1367 = vector.broadcast %mul3A_1366 : i32 to vector<16xi32>
      %mul3A_1368 = arith.muli %and3A_1365, %mul3A_1367 : vector<16xi32>
      %and3A_1369 = arith.constant 1 : i32
      %and3A_1370 = vector.broadcast %and3A_1369 : i32 to vector<16xi32>
      %and3A_1371 = arith.andi %add3A_1352, %and3A_1370 : vector<16xi32>
      %mul3A_1372 = arith.constant 64 : i32
      %mul3A_1373 = vector.broadcast %mul3A_1372 : i32 to vector<16xi32>
      %mul3A_1374 = arith.muli %and3A_1371, %mul3A_1373 : vector<16xi32>
      %broadcast_in_dim3A_1375 = arith.constant 1 : i32
      %broadcast_in_dim3A_1376 = vector.broadcast %broadcast_in_dim3A_1375 : i32 to vector<16xi32>
      %gather3A_1377 = tpu.vector_load_idx %arg7[%add3A_1352, %mul3A_1368] : memref<512x128xf32, #tpu.memory_space<vmem>>[vector<16xi32>, vector<16xi32>], vector<16xf32>,
      tpu.vector_store_idx %arg8[%shift_right_arithmetic3A_1359, %mul3A_1374], %gather3A_1377 : memref<256x128xf32, #tpu.memory_space<vmem>>[vector<16xi32>, vector<16xi32>], vector<16xf32>,
      %add3A_1378 = arith.addi %mul3A_1368, %broadcast_in_dim3A_1376 : vector<16xi32>
      %add3A_1379 = arith.addi %mul3A_1374, %broadcast_in_dim3A_1376 : vector<16xi32>
      %gather3A_1380 = tpu.vector_load_idx %arg7[%add3A_1352, %add3A_1378] : memref<512x128xf32, #tpu.memory_space<vmem>>[vector<16xi32>, vector<16xi32>], vector<16xf32>,
      tpu.vector_store_idx %arg8[%shift_right_arithmetic3A_1359, %add3A_1379], %gather3A_1380 : memref<256x128xf32, #tpu.memory_space<vmem>>[vector<16xi32>, vector<16xi32>], vector<16xf32>,
      %add3A_1381 = arith.addi %add3A_1378, %broadcast_in_dim3A_1376 : vector<16xi32>
      %add3A_1382 = arith.addi %add3A_1379, %broadcast_in_dim3A_1376 : vector<16xi32>
      %gather3A_1383 = tpu.vector_load_idx %arg7[%add3A_1352, %add3A_1381] : memref<512x128xf32, #tpu.memory_space<vmem>>[vector<16xi32>, vector<16xi32>], vector<16xf32>,
      tpu.vector_store_idx %arg8[%shift_right_arithmetic3A_1359, %add3A_1382], %gather3A_1383 : memref<256x128xf32, #tpu.memory_space<vmem>>[vector<16xi32>, vector<16xi32>], vector<16xf32>,
      %add3A_1384 = arith.addi %add3A_1381, %broadcast_in_dim3A_1376 : vector<16xi32>
      %add3A_1385 = arith.addi %add3A_1382, %broadcast_in_dim3A_1376 : vector<16xi32>
      %gather3A_1386 = tpu.vector_load_idx %arg7[%add3A_1352, %add3A_1384] : memref<512x128xf32, #tpu.memory_space<vmem>>[vector<16xi32>, vector<16xi32>], vector<16xf32>,
      tpu.vector_store_idx %arg8[%shift_right_arithmetic3A_1359, %add3A_1385], %gather3A_1386 : memref<256x128xf32, #tpu.memory_space<vmem>>[vector<16xi32>, vector<16xi32>], vector<16xf32>,
      %add3A_1387 = arith.addi %add3A_1384, %broadcast_in_dim3A_1376 : vector<16xi32>
      %add3A_1388 = arith.addi %add3A_1385, %broadcast_in_dim3A_1376 : vector<16xi32>
      %gather3A_1389 = tpu.vector_load_idx %arg7[%add3A_1352, %add3A_1387] : memref<512x128xf32, #tpu.memory_space<vmem>>[vector<16xi32>, vector<16xi32>], vector<16xf32>,
      tpu.vector_store_idx %arg8[%shift_right_arithmetic3A_1359, %add3A_1388], %gather3A_1389 : memref<256x128xf32, #tpu.memory_space<vmem>>[vector<16xi32>, vector<16xi32>], vector<16xf32>,
      %add3A_1390 = arith.addi %add3A_1387, %broadcast_in_dim3A_1376 : vector<16xi32>
      %add3A_1391 = arith.addi %add3A_1388, %broadcast_in_dim3A_1376 : vector<16xi32>
      %gather3A_1392 = tpu.vector_load_idx %arg7[%add3A_1352, %add3A_1390] : memref<512x128xf32, #tpu.memory_space<vmem>>[vector<16xi32>, vector<16xi32>], vector<16xf32>,
      tpu.vector_store_idx %arg8[%shift_right_arithmetic3A_1359, %add3A_1391], %gather3A_1392 : memref<256x128xf32, #tpu.memory_space<vmem>>[vector<16xi32>, vector<16xi32>], vector<16xf32>,
      %add3A_1393 = arith.addi %add3A_1390, %broadcast_in_dim3A_1376 : vector<16xi32>
      %add3A_1394 = arith.addi %add3A_1391, %broadcast_in_dim3A_1376 : vector<16xi32>
      %gather3A_1395 = tpu.vector_load_idx %arg7[%add3A_1352, %add3A_1393] : memref<512x128xf32, #tpu.memory_space<vmem>>[vector<16xi32>, vector<16xi32>], vector<16xf32>,
      tpu.vector_store_idx %arg8[%shift_right_arithmetic3A_1359, %add3A_1394], %gather3A_1395 : memref<256x128xf32, #tpu.memory_space<vmem>>[vector<16xi32>, vector<16xi32>], vector<16xf32>,
      %add3A_1396 = arith.addi %add3A_1393, %broadcast_in_dim3A_1376 : vector<16xi32>
      %add3A_1397 = arith.addi %add3A_1394, %broadcast_in_dim3A_1376 : vector<16xi32>
      %gather3A_1398 = tpu.vector_load_idx %arg7[%add3A_1352, %add3A_1396] : memref<512x128xf32, #tpu.memory_space<vmem>>[vector<16xi32>, vector<16xi32>], vector<16xf32>,
      tpu.vector_store_idx %arg8[%shift_right_arithmetic3A_1359, %add3A_1397], %gather3A_1398 : memref<256x128xf32, #tpu.memory_space<vmem>>[vector<16xi32>, vector<16xi32>], vector<16xf32>,
      %add3A_1399 = arith.addi %add3A_1396, %broadcast_in_dim3A_1376 : vector<16xi32>
      %add3A_1400 = arith.addi %add3A_1397, %broadcast_in_dim3A_1376 : vector<16xi32>
      %gather3A_1401 = tpu.vector_load_idx %arg7[%add3A_1352, %add3A_1399] : memref<512x128xf32, #tpu.memory_space<vmem>>[vector<16xi32>, vector<16xi32>], vector<16xf32>,
      tpu.vector_store_idx %arg8[%shift_right_arithmetic3A_1359, %add3A_1400], %gather3A_1401 : memref<256x128xf32, #tpu.memory_space<vmem>>[vector<16xi32>, vector<16xi32>], vector<16xf32>,
      %add3A_1402 = arith.addi %add3A_1399, %broadcast_in_dim3A_1376 : vector<16xi32>
      %add3A_1403 = arith.addi %add3A_1400, %broadcast_in_dim3A_1376 : vector<16xi32>
      %gather3A_1404 = tpu.vector_load_idx %arg7[%add3A_1352, %add3A_1402] : memref<512x128xf32, #tpu.memory_space<vmem>>[vector<16xi32>, vector<16xi32>], vector<16xf32>,
      tpu.vector_store_idx %arg8[%shift_right_arithmetic3A_1359, %add3A_1403], %gather3A_1404 : memref<256x128xf32, #tpu.memory_space<vmem>>[vector<16xi32>, vector<16xi32>], vector<16xf32>,
      %add3A_1405 = arith.addi %add3A_1402, %broadcast_in_dim3A_1376 : vector<16xi32>
      %add3A_1406 = arith.addi %add3A_1403, %broadcast_in_dim3A_1376 : vector<16xi32>
      %gather3A_1407 = tpu.vector_load_idx %arg7[%add3A_1352, %add3A_1405] : memref<512x128xf32, #tpu.memory_space<vmem>>[vector<16xi32>, vector<16xi32>], vector<16xf32>,
      tpu.vector_store_idx %arg8[%shift_right_arithmetic3A_1359, %add3A_1406], %gather3A_1407 : memref<256x128xf32, #tpu.memory_space<vmem>>[vector<16xi32>, vector<16xi32>], vector<16xf32>,
      %add3A_1408 = arith.addi %add3A_1405, %broadcast_in_dim3A_1376 : vector<16xi32>
      %add3A_1409 = arith.addi %add3A_1406, %broadcast_in_dim3A_1376 : vector<16xi32>
      %gather3A_1410 = tpu.vector_load_idx %arg7[%add3A_1352, %add3A_1408] : memref<512x128xf32, #tpu.memory_space<vmem>>[vector<16xi32>, vector<16xi32>], vector<16xf32>,
      tpu.vector_store_idx %arg8[%shift_right_arithmetic3A_1359, %add3A_1409], %gather3A_1410 : memref<256x128xf32, #tpu.memory_space<vmem>>[vector<16xi32>, vector<16xi32>], vector<16xf32>,
      %add3A_1411 = arith.addi %add3A_1408, %broadcast_in_dim3A_1376 : vector<16xi32>
      %add3A_1412 = arith.addi %add3A_1409, %broadcast_in_dim3A_1376 : vector<16xi32>
      %gather3A_1413 = tpu.vector_load_idx %arg7[%add3A_1352, %add3A_1411] : memref<512x128xf32, #tpu.memory_space<vmem>>[vector<16xi32>, vector<16xi32>], vector<16xf32>,
      tpu.vector_store_idx %arg8[%shift_right_arithmetic3A_1359, %add3A_1412], %gather3A_1413 : memref<256x128xf32, #tpu.memory_space<vmem>>[vector<16xi32>, vector<16xi32>], vector<16xf32>,
      %add3A_1414 = arith.addi %add3A_1411, %broadcast_in_dim3A_1376 : vector<16xi32>
      %add3A_1415 = arith.addi %add3A_1412, %broadcast_in_dim3A_1376 : vector<16xi32>
      %gather3A_1416 = tpu.vector_load_idx %arg7[%add3A_1352, %add3A_1414] : memref<512x128xf32, #tpu.memory_space<vmem>>[vector<16xi32>, vector<16xi32>], vector<16xf32>,
      tpu.vector_store_idx %arg8[%shift_right_arithmetic3A_1359, %add3A_1415], %gather3A_1416 : memref<256x128xf32, #tpu.memory_space<vmem>>[vector<16xi32>, vector<16xi32>], vector<16xf32>,
      %add3A_1417 = arith.addi %add3A_1414, %broadcast_in_dim3A_1376 : vector<16xi32>
      %add3A_1418 = arith.addi %add3A_1415, %broadcast_in_dim3A_1376 : vector<16xi32>
      %gather3A_1419 = tpu.vector_load_idx %arg7[%add3A_1352, %add3A_1417] : memref<512x128xf32, #tpu.memory_space<vmem>>[vector<16xi32>, vector<16xi32>], vector<16xf32>,
      tpu.vector_store_idx %arg8[%shift_right_arithmetic3A_1359, %add3A_1418], %gather3A_1419 : memref<256x128xf32, #tpu.memory_space<vmem>>[vector<16xi32>, vector<16xi32>], vector<16xf32>,
      %add3A_1420 = arith.addi %add3A_1417, %broadcast_in_dim3A_1376 : vector<16xi32>
      %add3A_1421 = arith.addi %add3A_1418, %broadcast_in_dim3A_1376 : vector<16xi32>
      %gather3A_1422 = tpu.vector_load_idx %arg7[%add3A_1352, %add3A_1420] : memref<512x128xf32, #tpu.memory_space<vmem>>[vector<16xi32>, vector<16xi32>], vector<16xf32>,
      tpu.vector_store_idx %arg8[%shift_right_arithmetic3A_1359, %add3A_1421], %gather3A_1422 : memref<256x128xf32, #tpu.memory_space<vmem>>[vector<16xi32>, vector<16xi32>], vector<16xf32>,
      %add3A_1423 = arith.addi %add3A_1420, %broadcast_in_dim3A_1376 : vector<16xi32>
      %add3A_1424 = arith.addi %add3A_1421, %broadcast_in_dim3A_1376 : vector<16xi32>
      %gather3A_1425 = tpu.vector_load_idx %arg7[%add3A_1352, %add3A_1423] : memref<512x128xf32, #tpu.memory_space<vmem>>[vector<16xi32>, vector<16xi32>], vector<16xf32>,
      tpu.vector_store_idx %arg8[%shift_right_arithmetic3A_1359, %add3A_1424], %gather3A_1425 : memref<256x128xf32, #tpu.memory_space<vmem>>[vector<16xi32>, vector<16xi32>], vector<16xf32>,
      %add3A_1426 = arith.addi %add3A_1423, %broadcast_in_dim3A_1376 : vector<16xi32>
      %add3A_1427 = arith.addi %add3A_1424, %broadcast_in_dim3A_1376 : vector<16xi32>
      %gather3A_1428 = tpu.vector_load_idx %arg7[%add3A_1352, %add3A_1426] : memref<512x128xf32, #tpu.memory_space<vmem>>[vector<16xi32>, vector<16xi32>], vector<16xf32>,
      tpu.vector_store_idx %arg8[%shift_right_arithmetic3A_1359, %add3A_1427], %gather3A_1428 : memref<256x128xf32, #tpu.memory_space<vmem>>[vector<16xi32>, vector<16xi32>], vector<16xf32>,
      %add3A_1429 = arith.addi %add3A_1426, %broadcast_in_dim3A_1376 : vector<16xi32>
      %add3A_1430 = arith.addi %add3A_1427, %broadcast_in_dim3A_1376 : vector<16xi32>
      %gather3A_1431 = tpu.vector_load_idx %arg7[%add3A_1352, %add3A_1429] : memref<512x128xf32, #tpu.memory_space<vmem>>[vector<16xi32>, vector<16xi32>], vector<16xf32>,
      tpu.vector_store_idx %arg8[%shift_right_arithmetic3A_1359, %add3A_1430], %gather3A_1431 : memref<256x128xf32, #tpu.memory_space<vmem>>[vector<16xi32>, vector<16xi32>], vector<16xf32>,
      %add3A_1432 = arith.addi %add3A_1429, %broadcast_in_dim3A_1376 : vector<16xi32>
      %add3A_1433 = arith.addi %add3A_1430, %broadcast_in_dim3A_1376 : vector<16xi32>
      %gather3A_1434 = tpu.vector_load_idx %arg7[%add3A_1352, %add3A_1432] : memref<512x128xf32, #tpu.memory_space<vmem>>[vector<16xi32>, vector<16xi32>], vector<16xf32>,
      tpu.vector_store_idx %arg8[%shift_right_arithmetic3A_1359, %add3A_1433], %gather3A_1434 : memref<256x128xf32, #tpu.memory_space<vmem>>[vector<16xi32>, vector<16xi32>], vector<16xf32>,
      %add3A_1435 = arith.addi %add3A_1432, %broadcast_in_dim3A_1376 : vector<16xi32>
      %add3A_1436 = arith.addi %add3A_1433, %broadcast_in_dim3A_1376 : vector<16xi32>
      %gather3A_1437 = tpu.vector_load_idx %arg7[%add3A_1352, %add3A_1435] : memref<512x128xf32, #tpu.memory_space<vmem>>[vector<16xi32>, vector<16xi32>], vector<16xf32>,
      tpu.vector_store_idx %arg8[%shift_right_arithmetic3A_1359, %add3A_1436], %gather3A_1437 : memref<256x128xf32, #tpu.memory_space<vmem>>[vector<16xi32>, vector<16xi32>], vector<16xf32>,
      %add3A_1438 = arith.addi %add3A_1435, %broadcast_in_dim3A_1376 : vector<16xi32>
      %add3A_1439 = arith.addi %add3A_1436, %broadcast_in_dim3A_1376 : vector<16xi32>
      %gather3A_1440 = tpu.vector_load_idx %arg7[%add3A_1352, %add3A_1438] : memref<512x128xf32, #tpu.memory_space<vmem>>[vector<16xi32>, vector<16xi32>], vector<16xf32>,
      tpu.vector_store_idx %arg8[%shift_right_arithmetic3A_1359, %add3A_1439], %gather3A_1440 : memref<256x128xf32, #tpu.memory_space<vmem>>[vector<16xi32>, vector<16xi32>], vector<16xf32>,
      %add3A_1441 = arith.addi %add3A_1438, %broadcast_in_dim3A_1376 : vector<16xi32>
      %add3A_1442 = arith.addi %add3A_1439, %broadcast_in_dim3A_1376 : vector<16xi32>
      %gather3A_1443 = tpu.vector_load_idx %arg7[%add3A_1352, %add3A_1441] : memref<512x128xf32, #tpu.memory_space<vmem>>[vector<16xi32>, vector<16xi32>], vector<16xf32>,
      tpu.vector_store_idx %arg8[%shift_right_arithmetic3A_1359, %add3A_1442], %gather3A_1443 : memref<256x128xf32, #tpu.memory_space<vmem>>[vector<16xi32>, vector<16xi32>], vector<16xf32>,
      %add3A_1444 = arith.addi %add3A_1441, %broadcast_in_dim3A_1376 : vector<16xi32>
      %add3A_1445 = arith.addi %add3A_1442, %broadcast_in_dim3A_1376 : vector<16xi32>
      %gather3A_1446 = tpu.vector_load_idx %arg7[%add3A_1352, %add3A_1444] : memref<512x128xf32, #tpu.memory_space<vmem>>[vector<16xi32>, vector<16xi32>], vector<16xf32>,
      tpu.vector_store_idx %arg8[%shift_right_arithmetic3A_1359, %add3A_1445], %gather3A_1446 : memref<256x128xf32, #tpu.memory_space<vmem>>[vector<16xi32>, vector<16xi32>], vector<16xf32>,
      %add3A_1447 = arith.addi %add3A_1444, %broadcast_in_dim3A_1376 : vector<16xi32>
      %add3A_1448 = arith.addi %add3A_1445, %broadcast_in_dim3A_1376 : vector<16xi32>
      %gather3A_1449 = tpu.vector_load_idx %arg7[%add3A_1352, %add3A_1447] : memref<512x128xf32, #tpu.memory_space<vmem>>[vector<16xi32>, vector<16xi32>], vector<16xf32>,
      tpu.vector_store_idx %arg8[%shift_right_arithmetic3A_1359, %add3A_1448], %gather3A_1449 : memref<256x128xf32, #tpu.memory_space<vmem>>[vector<16xi32>, vector<16xi32>], vector<16xf32>,
      %add3A_1450 = arith.addi %add3A_1447, %broadcast_in_dim3A_1376 : vector<16xi32>
      %add3A_1451 = arith.addi %add3A_1448, %broadcast_in_dim3A_1376 : vector<16xi32>
      %gather3A_1452 = tpu.vector_load_idx %arg7[%add3A_1352, %add3A_1450] : memref<512x128xf32, #tpu.memory_space<vmem>>[vector<16xi32>, vector<16xi32>], vector<16xf32>,
      tpu.vector_store_idx %arg8[%shift_right_arithmetic3A_1359, %add3A_1451], %gather3A_1452 : memref<256x128xf32, #tpu.memory_space<vmem>>[vector<16xi32>, vector<16xi32>], vector<16xf32>,
      %add3A_1453 = arith.addi %add3A_1450, %broadcast_in_dim3A_1376 : vector<16xi32>
      %add3A_1454 = arith.addi %add3A_1451, %broadcast_in_dim3A_1376 : vector<16xi32>
      %gather3A_1455 = tpu.vector_load_idx %arg7[%add3A_1352, %add3A_1453] : memref<512x128xf32, #tpu.memory_space<vmem>>[vector<16xi32>, vector<16xi32>], vector<16xf32>,
      tpu.vector_store_idx %arg8[%shift_right_arithmetic3A_1359, %add3A_1454], %gather3A_1455 : memref<256x128xf32, #tpu.memory_space<vmem>>[vector<16xi32>, vector<16xi32>], vector<16xf32>,
      %add3A_1456 = arith.addi %add3A_1453, %broadcast_in_dim3A_1376 : vector<16xi32>
      %add3A_1457 = arith.addi %add3A_1454, %broadcast_in_dim3A_1376 : vector<16xi32>
      %gather3A_1458 = tpu.vector_load_idx %arg7[%add3A_1352, %add3A_1456] : memref<512x128xf32, #tpu.memory_space<vmem>>[vector<16xi32>, vector<16xi32>], vector<16xf32>,
      tpu.vector_store_idx %arg8[%shift_right_arithmetic3A_1359, %add3A_1457], %gather3A_1458 : memref<256x128xf32, #tpu.memory_space<vmem>>[vector<16xi32>, vector<16xi32>], vector<16xf32>,
      %add3A_1459 = arith.addi %add3A_1456, %broadcast_in_dim3A_1376 : vector<16xi32>
      %add3A_1460 = arith.addi %add3A_1457, %broadcast_in_dim3A_1376 : vector<16xi32>
      %gather3A_1461 = tpu.vector_load_idx %arg7[%add3A_1352, %add3A_1459] : memref<512x128xf32, #tpu.memory_space<vmem>>[vector<16xi32>, vector<16xi32>], vector<16xf32>,
      tpu.vector_store_idx %arg8[%shift_right_arithmetic3A_1359, %add3A_1460], %gather3A_1461 : memref<256x128xf32, #tpu.memory_space<vmem>>[vector<16xi32>, vector<16xi32>], vector<16xf32>,
      %add3A_1462 = arith.addi %add3A_1459, %broadcast_in_dim3A_1376 : vector<16xi32>
      %add3A_1463 = arith.addi %add3A_1460, %broadcast_in_dim3A_1376 : vector<16xi32>
      %gather3A_1464 = tpu.vector_load_idx %arg7[%add3A_1352, %add3A_1462] : memref<512x128xf32, #tpu.memory_space<vmem>>[vector<16xi32>, vector<16xi32>], vector<16xf32>,
      tpu.vector_store_idx %arg8[%shift_right_arithmetic3A_1359, %add3A_1463], %gather3A_1464 : memref<256x128xf32, #tpu.memory_space<vmem>>[vector<16xi32>, vector<16xi32>], vector<16xf32>,
      %add3A_1465 = arith.addi %add3A_1462, %broadcast_in_dim3A_1376 : vector<16xi32>
      %add3A_1466 = arith.addi %add3A_1463, %broadcast_in_dim3A_1376 : vector<16xi32>
      %gather3A_1467 = tpu.vector_load_idx %arg7[%add3A_1352, %add3A_1465] : memref<512x128xf32, #tpu.memory_space<vmem>>[vector<16xi32>, vector<16xi32>], vector<16xf32>,
      tpu.vector_store_idx %arg8[%shift_right_arithmetic3A_1359, %add3A_1466], %gather3A_1467 : memref<256x128xf32, #tpu.memory_space<vmem>>[vector<16xi32>, vector<16xi32>], vector<16xf32>,
      %add3A_1468 = arith.addi %add3A_1465, %broadcast_in_dim3A_1376 : vector<16xi32>
      %add3A_1469 = arith.addi %add3A_1466, %broadcast_in_dim3A_1376 : vector<16xi32>
      %gather3A_1470 = tpu.vector_load_idx %arg7[%add3A_1352, %add3A_1468] : memref<512x128xf32, #tpu.memory_space<vmem>>[vector<16xi32>, vector<16xi32>], vector<16xf32>,
      tpu.vector_store_idx %arg8[%shift_right_arithmetic3A_1359, %add3A_1469], %gather3A_1470 : memref<256x128xf32, #tpu.memory_space<vmem>>[vector<16xi32>, vector<16xi32>], vector<16xf32>,
      %add3A_1471 = arith.addi %add3A_1468, %broadcast_in_dim3A_1376 : vector<16xi32>
      %add3A_1472 = arith.addi %add3A_1469, %broadcast_in_dim3A_1376 : vector<16xi32>
      %gather3A_1473 = tpu.vector_load_idx %arg7[%add3A_1352, %add3A_1471] : memref<512x128xf32, #tpu.memory_space<vmem>>[vector<16xi32>, vector<16xi32>], vector<16xf32>,
      tpu.vector_store_idx %arg8[%shift_right_arithmetic3A_1359, %add3A_1472], %gather3A_1473 : memref<256x128xf32, #tpu.memory_space<vmem>>[vector<16xi32>, vector<16xi32>], vector<16xf32>,
      %add3A_1474 = arith.addi %add3A_1471, %broadcast_in_dim3A_1376 : vector<16xi32>
      %add3A_1475 = arith.addi %add3A_1472, %broadcast_in_dim3A_1376 : vector<16xi32>
      %gather3A_1476 = tpu.vector_load_idx %arg7[%add3A_1352, %add3A_1474] : memref<512x128xf32, #tpu.memory_space<vmem>>[vector<16xi32>, vector<16xi32>], vector<16xf32>,
      tpu.vector_store_idx %arg8[%shift_right_arithmetic3A_1359, %add3A_1475], %gather3A_1476 : memref<256x128xf32, #tpu.memory_space<vmem>>[vector<16xi32>, vector<16xi32>], vector<16xf32>,
      %add3A_1477 = arith.addi %add3A_1474, %broadcast_in_dim3A_1376 : vector<16xi32>
      %add3A_1478 = arith.addi %add3A_1475, %broadcast_in_dim3A_1376 : vector<16xi32>
      %gather3A_1479 = tpu.vector_load_idx %arg7[%add3A_1352, %add3A_1477] : memref<512x128xf32, #tpu.memory_space<vmem>>[vector<16xi32>, vector<16xi32>], vector<16xf32>,
      tpu.vector_store_idx %arg8[%shift_right_arithmetic3A_1359, %add3A_1478], %gather3A_1479 : memref<256x128xf32, #tpu.memory_space<vmem>>[vector<16xi32>, vector<16xi32>], vector<16xf32>,
      %add3A_1480 = arith.addi %add3A_1477, %broadcast_in_dim3A_1376 : vector<16xi32>
      %add3A_1481 = arith.addi %add3A_1478, %broadcast_in_dim3A_1376 : vector<16xi32>
      %gather3A_1482 = tpu.vector_load_idx %arg7[%add3A_1352, %add3A_1480] : memref<512x128xf32, #tpu.memory_space<vmem>>[vector<16xi32>, vector<16xi32>], vector<16xf32>,
      tpu.vector_store_idx %arg8[%shift_right_arithmetic3A_1359, %add3A_1481], %gather3A_1482 : memref<256x128xf32, #tpu.memory_space<vmem>>[vector<16xi32>, vector<16xi32>], vector<16xf32>,
      %add3A_1483 = arith.addi %add3A_1480, %broadcast_in_dim3A_1376 : vector<16xi32>
      %add3A_1484 = arith.addi %add3A_1481, %broadcast_in_dim3A_1376 : vector<16xi32>
      %gather3A_1485 = tpu.vector_load_idx %arg7[%add3A_1352, %add3A_1483] : memref<512x128xf32, #tpu.memory_space<vmem>>[vector<16xi32>, vector<16xi32>], vector<16xf32>,
      tpu.vector_store_idx %arg8[%shift_right_arithmetic3A_1359, %add3A_1484], %gather3A_1485 : memref<256x128xf32, #tpu.memory_space<vmem>>[vector<16xi32>, vector<16xi32>], vector<16xf32>,
      %add3A_1486 = arith.addi %add3A_1483, %broadcast_in_dim3A_1376 : vector<16xi32>
      %add3A_1487 = arith.addi %add3A_1484, %broadcast_in_dim3A_1376 : vector<16xi32>
      %gather3A_1488 = tpu.vector_load_idx %arg7[%add3A_1352, %add3A_1486] : memref<512x128xf32, #tpu.memory_space<vmem>>[vector<16xi32>, vector<16xi32>], vector<16xf32>,
      tpu.vector_store_idx %arg8[%shift_right_arithmetic3A_1359, %add3A_1487], %gather3A_1488 : memref<256x128xf32, #tpu.memory_space<vmem>>[vector<16xi32>, vector<16xi32>], vector<16xf32>,
      %add3A_1489 = arith.addi %add3A_1486, %broadcast_in_dim3A_1376 : vector<16xi32>
      %add3A_1490 = arith.addi %add3A_1487, %broadcast_in_dim3A_1376 : vector<16xi32>
      %gather3A_1491 = tpu.vector_load_idx %arg7[%add3A_1352, %add3A_1489] : memref<512x128xf32, #tpu.memory_space<vmem>>[vector<16xi32>, vector<16xi32>], vector<16xf32>,
      tpu.vector_store_idx %arg8[%shift_right_arithmetic3A_1359, %add3A_1490], %gather3A_1491 : memref<256x128xf32, #tpu.memory_space<vmem>>[vector<16xi32>, vector<16xi32>], vector<16xf32>,
      %add3A_1492 = arith.addi %add3A_1489, %broadcast_in_dim3A_1376 : vector<16xi32>
      %add3A_1493 = arith.addi %add3A_1490, %broadcast_in_dim3A_1376 : vector<16xi32>
      %gather3A_1494 = tpu.vector_load_idx %arg7[%add3A_1352, %add3A_1492] : memref<512x128xf32, #tpu.memory_space<vmem>>[vector<16xi32>, vector<16xi32>], vector<16xf32>,
      tpu.vector_store_idx %arg8[%shift_right_arithmetic3A_1359, %add3A_1493], %gather3A_1494 : memref<256x128xf32, #tpu.memory_space<vmem>>[vector<16xi32>, vector<16xi32>], vector<16xf32>,
      %add3A_1495 = arith.addi %add3A_1492, %broadcast_in_dim3A_1376 : vector<16xi32>
      %add3A_1496 = arith.addi %add3A_1493, %broadcast_in_dim3A_1376 : vector<16xi32>
      %gather3A_1497 = tpu.vector_load_idx %arg7[%add3A_1352, %add3A_1495] : memref<512x128xf32, #tpu.memory_space<vmem>>[vector<16xi32>, vector<16xi32>], vector<16xf32>,
      tpu.vector_store_idx %arg8[%shift_right_arithmetic3A_1359, %add3A_1496], %gather3A_1497 : memref<256x128xf32, #tpu.memory_space<vmem>>[vector<16xi32>, vector<16xi32>], vector<16xf32>,
      %add3A_1498 = arith.addi %add3A_1495, %broadcast_in_dim3A_1376 : vector<16xi32>
      %add3A_1499 = arith.addi %add3A_1496, %broadcast_in_dim3A_1376 : vector<16xi32>
      %gather3A_1500 = tpu.vector_load_idx %arg7[%add3A_1352, %add3A_1498] : memref<512x128xf32, #tpu.memory_space<vmem>>[vector<16xi32>, vector<16xi32>], vector<16xf32>,
      tpu.vector_store_idx %arg8[%shift_right_arithmetic3A_1359, %add3A_1499], %gather3A_1500 : memref<256x128xf32, #tpu.memory_space<vmem>>[vector<16xi32>, vector<16xi32>], vector<16xf32>,
      %add3A_1501 = arith.addi %add3A_1498, %broadcast_in_dim3A_1376 : vector<16xi32>
      %add3A_1502 = arith.addi %add3A_1499, %broadcast_in_dim3A_1376 : vector<16xi32>
      %gather3A_1503 = tpu.vector_load_idx %arg7[%add3A_1352, %add3A_1501] : memref<512x128xf32, #tpu.memory_space<vmem>>[vector<16xi32>, vector<16xi32>], vector<16xf32>,
      tpu.vector_store_idx %arg8[%shift_right_arithmetic3A_1359, %add3A_1502], %gather3A_1503 : memref<256x128xf32, #tpu.memory_space<vmem>>[vector<16xi32>, vector<16xi32>], vector<16xf32>,
      %add3A_1504 = arith.addi %add3A_1501, %broadcast_in_dim3A_1376 : vector<16xi32>
      %add3A_1505 = arith.addi %add3A_1502, %broadcast_in_dim3A_1376 : vector<16xi32>
      %gather3A_1506 = tpu.vector_load_idx %arg7[%add3A_1352, %add3A_1504] : memref<512x128xf32, #tpu.memory_space<vmem>>[vector<16xi32>, vector<16xi32>], vector<16xf32>,
      tpu.vector_store_idx %arg8[%shift_right_arithmetic3A_1359, %add3A_1505], %gather3A_1506 : memref<256x128xf32, #tpu.memory_space<vmem>>[vector<16xi32>, vector<16xi32>], vector<16xf32>,
      %add3A_1507 = arith.addi %add3A_1504, %broadcast_in_dim3A_1376 : vector<16xi32>
      %add3A_1508 = arith.addi %add3A_1505, %broadcast_in_dim3A_1376 : vector<16xi32>
      %gather3A_1509 = tpu.vector_load_idx %arg7[%add3A_1352, %add3A_1507] : memref<512x128xf32, #tpu.memory_space<vmem>>[vector<16xi32>, vector<16xi32>], vector<16xf32>,
      tpu.vector_store_idx %arg8[%shift_right_arithmetic3A_1359, %add3A_1508], %gather3A_1509 : memref<256x128xf32, #tpu.memory_space<vmem>>[vector<16xi32>, vector<16xi32>], vector<16xf32>,
      %add3A_1510 = arith.addi %add3A_1507, %broadcast_in_dim3A_1376 : vector<16xi32>
      %add3A_1511 = arith.addi %add3A_1508, %broadcast_in_dim3A_1376 : vector<16xi32>
      %gather3A_1512 = tpu.vector_load_idx %arg7[%add3A_1352, %add3A_1510] : memref<512x128xf32, #tpu.memory_space<vmem>>[vector<16xi32>, vector<16xi32>], vector<16xf32>,
      tpu.vector_store_idx %arg8[%shift_right_arithmetic3A_1359, %add3A_1511], %gather3A_1512 : memref<256x128xf32, #tpu.memory_space<vmem>>[vector<16xi32>, vector<16xi32>], vector<16xf32>,
      %add3A_1513 = arith.addi %add3A_1510, %broadcast_in_dim3A_1376 : vector<16xi32>
      %add3A_1514 = arith.addi %add3A_1511, %broadcast_in_dim3A_1376 : vector<16xi32>
      %gather3A_1515 = tpu.vector_load_idx %arg7[%add3A_1352, %add3A_1513] : memref<512x128xf32, #tpu.memory_space<vmem>>[vector<16xi32>, vector<16xi32>], vector<16xf32>,
      tpu.vector_store_idx %arg8[%shift_right_arithmetic3A_1359, %add3A_1514], %gather3A_1515 : memref<256x128xf32, #tpu.memory_space<vmem>>[vector<16xi32>, vector<16xi32>], vector<16xf32>,
      %add3A_1516 = arith.addi %add3A_1513, %broadcast_in_dim3A_1376 : vector<16xi32>
      %add3A_1517 = arith.addi %add3A_1514, %broadcast_in_dim3A_1376 : vector<16xi32>
      %gather3A_1518 = tpu.vector_load_idx %arg7[%add3A_1352, %add3A_1516] : memref<512x128xf32, #tpu.memory_space<vmem>>[vector<16xi32>, vector<16xi32>], vector<16xf32>,
      tpu.vector_store_idx %arg8[%shift_right_arithmetic3A_1359, %add3A_1517], %gather3A_1518 : memref<256x128xf32, #tpu.memory_space<vmem>>[vector<16xi32>, vector<16xi32>], vector<16xf32>,
      %add3A_1519 = arith.addi %add3A_1516, %broadcast_in_dim3A_1376 : vector<16xi32>
      %add3A_1520 = arith.addi %add3A_1517, %broadcast_in_dim3A_1376 : vector<16xi32>
      %gather3A_1521 = tpu.vector_load_idx %arg7[%add3A_1352, %add3A_1519] : memref<512x128xf32, #tpu.memory_space<vmem>>[vector<16xi32>, vector<16xi32>], vector<16xf32>,
      tpu.vector_store_idx %arg8[%shift_right_arithmetic3A_1359, %add3A_1520], %gather3A_1521 : memref<256x128xf32, #tpu.memory_space<vmem>>[vector<16xi32>, vector<16xi32>], vector<16xf32>,
      %add3A_1522 = arith.addi %add3A_1519, %broadcast_in_dim3A_1376 : vector<16xi32>
      %add3A_1523 = arith.addi %add3A_1520, %broadcast_in_dim3A_1376 : vector<16xi32>
      %gather3A_1524 = tpu.vector_load_idx %arg7[%add3A_1352, %add3A_1522] : memref<512x128xf32, #tpu.memory_space<vmem>>[vector<16xi32>, vector<16xi32>], vector<16xf32>,
      tpu.vector_store_idx %arg8[%shift_right_arithmetic3A_1359, %add3A_1523], %gather3A_1524 : memref<256x128xf32, #tpu.memory_space<vmem>>[vector<16xi32>, vector<16xi32>], vector<16xf32>,
      %add3A_1525 = arith.addi %add3A_1522, %broadcast_in_dim3A_1376 : vector<16xi32>
      %add3A_1526 = arith.addi %add3A_1523, %broadcast_in_dim3A_1376 : vector<16xi32>
      %gather3A_1527 = tpu.vector_load_idx %arg7[%add3A_1352, %add3A_1525] : memref<512x128xf32, #tpu.memory_space<vmem>>[vector<16xi32>, vector<16xi32>], vector<16xf32>,
      tpu.vector_store_idx %arg8[%shift_right_arithmetic3A_1359, %add3A_1526], %gather3A_1527 : memref<256x128xf32, #tpu.memory_space<vmem>>[vector<16xi32>, vector<16xi32>], vector<16xf32>,
      %add3A_1528 = arith.addi %add3A_1525, %broadcast_in_dim3A_1376 : vector<16xi32>
      %add3A_1529 = arith.addi %add3A_1526, %broadcast_in_dim3A_1376 : vector<16xi32>
      %gather3A_1530 = tpu.vector_load_idx %arg7[%add3A_1352, %add3A_1528] : memref<512x128xf32, #tpu.memory_space<vmem>>[vector<16xi32>, vector<16xi32>], vector<16xf32>,
      tpu.vector_store_idx %arg8[%shift_right_arithmetic3A_1359, %add3A_1529], %gather3A_1530 : memref<256x128xf32, #tpu.memory_space<vmem>>[vector<16xi32>, vector<16xi32>], vector<16xf32>,
      %add3A_1531 = arith.addi %add3A_1528, %broadcast_in_dim3A_1376 : vector<16xi32>
      %add3A_1532 = arith.addi %add3A_1529, %broadcast_in_dim3A_1376 : vector<16xi32>
      %gather3A_1533 = tpu.vector_load_idx %arg7[%add3A_1352, %add3A_1531] : memref<512x128xf32, #tpu.memory_space<vmem>>[vector<16xi32>, vector<16xi32>], vector<16xf32>,
      tpu.vector_store_idx %arg8[%shift_right_arithmetic3A_1359, %add3A_1532], %gather3A_1533 : memref<256x128xf32, #tpu.memory_space<vmem>>[vector<16xi32>, vector<16xi32>], vector<16xf32>,
      %add3A_1534 = arith.addi %add3A_1531, %broadcast_in_dim3A_1376 : vector<16xi32>
      %add3A_1535 = arith.addi %add3A_1532, %broadcast_in_dim3A_1376 : vector<16xi32>
      %gather3A_1536 = tpu.vector_load_idx %arg7[%add3A_1352, %add3A_1534] : memref<512x128xf32, #tpu.memory_space<vmem>>[vector<16xi32>, vector<16xi32>], vector<16xf32>,
      tpu.vector_store_idx %arg8[%shift_right_arithmetic3A_1359, %add3A_1535], %gather3A_1536 : memref<256x128xf32, #tpu.memory_space<vmem>>[vector<16xi32>, vector<16xi32>], vector<16xf32>,
      %add3A_1537 = arith.addi %add3A_1534, %broadcast_in_dim3A_1376 : vector<16xi32>
      %add3A_1538 = arith.addi %add3A_1535, %broadcast_in_dim3A_1376 : vector<16xi32>
      %gather3A_1539 = tpu.vector_load_idx %arg7[%add3A_1352, %add3A_1537] : memref<512x128xf32, #tpu.memory_space<vmem>>[vector<16xi32>, vector<16xi32>], vector<16xf32>,
      tpu.vector_store_idx %arg8[%shift_right_arithmetic3A_1359, %add3A_1538], %gather3A_1539 : memref<256x128xf32, #tpu.memory_space<vmem>>[vector<16xi32>, vector<16xi32>], vector<16xf32>,
      %add3A_1540 = arith.addi %add3A_1537, %broadcast_in_dim3A_1376 : vector<16xi32>
      %add3A_1541 = arith.addi %add3A_1538, %broadcast_in_dim3A_1376 : vector<16xi32>
      %gather3A_1542 = tpu.vector_load_idx %arg7[%add3A_1352, %add3A_1540] : memref<512x128xf32, #tpu.memory_space<vmem>>[vector<16xi32>, vector<16xi32>], vector<16xf32>,
      tpu.vector_store_idx %arg8[%shift_right_arithmetic3A_1359, %add3A_1541], %gather3A_1542 : memref<256x128xf32, #tpu.memory_space<vmem>>[vector<16xi32>, vector<16xi32>], vector<16xf32>,
      %add3A_1543 = arith.addi %add3A_1540, %broadcast_in_dim3A_1376 : vector<16xi32>
      %add3A_1544 = arith.addi %add3A_1541, %broadcast_in_dim3A_1376 : vector<16xi32>
      %gather3A_1545 = tpu.vector_load_idx %arg7[%add3A_1352, %add3A_1543] : memref<512x128xf32, #tpu.memory_space<vmem>>[vector<16xi32>, vector<16xi32>], vector<16xf32>,
      tpu.vector_store_idx %arg8[%shift_right_arithmetic3A_1359, %add3A_1544], %gather3A_1545 : memref<256x128xf32, #tpu.memory_space<vmem>>[vector<16xi32>, vector<16xi32>], vector<16xf32>,
      %add3A_1546 = arith.addi %add3A_1543, %broadcast_in_dim3A_1376 : vector<16xi32>
      %add3A_1547 = arith.addi %add3A_1544, %broadcast_in_dim3A_1376 : vector<16xi32>
      %gather3A_1548 = tpu.vector_load_idx %arg7[%add3A_1352, %add3A_1546] : memref<512x128xf32, #tpu.memory_space<vmem>>[vector<16xi32>, vector<16xi32>], vector<16xf32>,
      tpu.vector_store_idx %arg8[%shift_right_arithmetic3A_1359, %add3A_1547], %gather3A_1548 : memref<256x128xf32, #tpu.memory_space<vmem>>[vector<16xi32>, vector<16xi32>], vector<16xf32>,
      %add3A_1549 = arith.addi %add3A_1546, %broadcast_in_dim3A_1376 : vector<16xi32>
      %add3A_1550 = arith.addi %add3A_1547, %broadcast_in_dim3A_1376 : vector<16xi32>
      %gather3A_1551 = tpu.vector_load_idx %arg7[%add3A_1352, %add3A_1549] : memref<512x128xf32, #tpu.memory_space<vmem>>[vector<16xi32>, vector<16xi32>], vector<16xf32>,
      tpu.vector_store_idx %arg8[%shift_right_arithmetic3A_1359, %add3A_1550], %gather3A_1551 : memref<256x128xf32, #tpu.memory_space<vmem>>[vector<16xi32>, vector<16xi32>], vector<16xf32>,
      %add3A_1552 = arith.addi %add3A_1549, %broadcast_in_dim3A_1376 : vector<16xi32>
      %add3A_1553 = arith.addi %add3A_1550, %broadcast_in_dim3A_1376 : vector<16xi32>
      %gather3A_1554 = tpu.vector_load_idx %arg7[%add3A_1352, %add3A_1552] : memref<512x128xf32, #tpu.memory_space<vmem>>[vector<16xi32>, vector<16xi32>], vector<16xf32>,
      tpu.vector_store_idx %arg8[%shift_right_arithmetic3A_1359, %add3A_1553], %gather3A_1554 : memref<256x128xf32, #tpu.memory_space<vmem>>[vector<16xi32>, vector<16xi32>], vector<16xf32>,
      %add3A_1555 = arith.addi %add3A_1552, %broadcast_in_dim3A_1376 : vector<16xi32>
      %add3A_1556 = arith.addi %add3A_1553, %broadcast_in_dim3A_1376 : vector<16xi32>
      %gather3A_1557 = tpu.vector_load_idx %arg7[%add3A_1352, %add3A_1555] : memref<512x128xf32, #tpu.memory_space<vmem>>[vector<16xi32>, vector<16xi32>], vector<16xf32>,
      tpu.vector_store_idx %arg8[%shift_right_arithmetic3A_1359, %add3A_1556], %gather3A_1557 : memref<256x128xf32, #tpu.memory_space<vmem>>[vector<16xi32>, vector<16xi32>], vector<16xf32>,
      %add3A_1558 = arith.addi %add3A_1555, %broadcast_in_dim3A_1376 : vector<16xi32>
      %add3A_1559 = arith.addi %add3A_1556, %broadcast_in_dim3A_1376 : vector<16xi32>
      %gather3A_1560 = tpu.vector_load_idx %arg7[%add3A_1352, %add3A_1558] : memref<512x128xf32, #tpu.memory_space<vmem>>[vector<16xi32>, vector<16xi32>], vector<16xf32>,
      tpu.vector_store_idx %arg8[%shift_right_arithmetic3A_1359, %add3A_1559], %gather3A_1560 : memref<256x128xf32, #tpu.memory_space<vmem>>[vector<16xi32>, vector<16xi32>], vector<16xf32>,
      %add3A_1561 = arith.addi %add3A_1558, %broadcast_in_dim3A_1376 : vector<16xi32>
      %add3A_1562 = arith.addi %add3A_1559, %broadcast_in_dim3A_1376 : vector<16xi32>
      %gather3A_1563 = tpu.vector_load_idx %arg7[%add3A_1352, %add3A_1561] : memref<512x128xf32, #tpu.memory_space<vmem>>[vector<16xi32>, vector<16xi32>], vector<16xf32>,
      tpu.vector_store_idx %arg8[%shift_right_arithmetic3A_1359, %add3A_1562], %gather3A_1563 : memref<256x128xf32, #tpu.memory_space<vmem>>[vector<16xi32>, vector<16xi32>], vector<16xf32>,
      %add3A_1564 = arith.addi %add3A_1561, %broadcast_in_dim3A_1376 : vector<16xi32>
      %add3A_1565 = arith.addi %add3A_1562, %broadcast_in_dim3A_1376 : vector<16xi32>
      %gather3A_1566 = tpu.vector_load_idx %arg7[%add3A_1352, %add3A_1564] : memref<512x128xf32, #tpu.memory_space<vmem>>[vector<16xi32>, vector<16xi32>], vector<16xf32>,
      tpu.vector_store_idx %arg8[%shift_right_arithmetic3A_1359, %add3A_1565], %gather3A_1566 : memref<256x128xf32, #tpu.memory_space<vmem>>[vector<16xi32>, vector<16xi32>], vector<16xf32>,
      %iota3A_1567 = tpu.iota {dimensions = array<i32: 0>} : vector<16xi32>
      %add3A_1568 = vector.broadcast %mul3A_469 : i32 to vector<16xi32>
      %add3A_1569 = arith.addi %iota3A_1567, %add3A_1568 : vector<16xi32>
      %add3A_1570 = arith.constant 80 : i32
      %add3A_1571 = vector.broadcast %add3A_1570 : i32 to vector<16xi32>
      %add3A_1572 = arith.addi %add3A_1569, %add3A_1571 : vector<16xi32>
      %add3A_1573 = arith.constant 80 : i32
      %add3A_1574 = arith.addi %mul3A_469, %add3A_1573 : i32
      %get3A_1575 = arith.index_cast %add3A_1574 : i32 to index
      %get3A_1576 = tpu.vector_load %arg5[%get3A_1575] {strides = array<i32>} : memref<512xi32, #tpu.memory_space<vmem>>, vector<16xi32>,
      %shift_right_arithmetic3A_1577 = arith.constant 1 : i32
      %shift_right_arithmetic3A_1578 = vector.broadcast %shift_right_arithmetic3A_1577 : i32 to vector<16xi32>
      %shift_right_arithmetic3A_1579 = arith.shrsi %add3A_1572, %shift_right_arithmetic3A_1578 : vector<16xi32>
      %shift_right_arithmetic3A_1580 = arith.constant 13 : i32
      %shift_right_arithmetic3A_1581 = vector.broadcast %shift_right_arithmetic3A_1580 : i32 to vector<16xi32>
      %shift_right_arithmetic3A_1582 = arith.shrsi %get3A_1576, %shift_right_arithmetic3A_1581 : vector<16xi32>
      %and3A_1583 = arith.constant 1 : i32
      %and3A_1584 = vector.broadcast %and3A_1583 : i32 to vector<16xi32>
      %and3A_1585 = arith.andi %shift_right_arithmetic3A_1582, %and3A_1584 : vector<16xi32>
      %mul3A_1586 = arith.constant 64 : i32
      %mul3A_1587 = vector.broadcast %mul3A_1586 : i32 to vector<16xi32>
      %mul3A_1588 = arith.muli %and3A_1585, %mul3A_1587 : vector<16xi32>
      %and3A_1589 = arith.constant 1 : i32
      %and3A_1590 = vector.broadcast %and3A_1589 : i32 to vector<16xi32>
      %and3A_1591 = arith.andi %add3A_1572, %and3A_1590 : vector<16xi32>
      %mul3A_1592 = arith.constant 64 : i32
      %mul3A_1593 = vector.broadcast %mul3A_1592 : i32 to vector<16xi32>
      %mul3A_1594 = arith.muli %and3A_1591, %mul3A_1593 : vector<16xi32>
      %broadcast_in_dim3A_1595 = arith.constant 1 : i32
      %broadcast_in_dim3A_1596 = vector.broadcast %broadcast_in_dim3A_1595 : i32 to vector<16xi32>
      %gather3A_1597 = tpu.vector_load_idx %arg7[%add3A_1572, %mul3A_1588] : memref<512x128xf32, #tpu.memory_space<vmem>>[vector<16xi32>, vector<16xi32>], vector<16xf32>,
      tpu.vector_store_idx %arg8[%shift_right_arithmetic3A_1579, %mul3A_1594], %gather3A_1597 : memref<256x128xf32, #tpu.memory_space<vmem>>[vector<16xi32>, vector<16xi32>], vector<16xf32>,
      %add3A_1598 = arith.addi %mul3A_1588, %broadcast_in_dim3A_1596 : vector<16xi32>
      %add3A_1599 = arith.addi %mul3A_1594, %broadcast_in_dim3A_1596 : vector<16xi32>
      %gather3A_1600 = tpu.vector_load_idx %arg7[%add3A_1572, %add3A_1598] : memref<512x128xf32, #tpu.memory_space<vmem>>[vector<16xi32>, vector<16xi32>], vector<16xf32>,
      tpu.vector_store_idx %arg8[%shift_right_arithmetic3A_1579, %add3A_1599], %gather3A_1600 : memref<256x128xf32, #tpu.memory_space<vmem>>[vector<16xi32>, vector<16xi32>], vector<16xf32>,
      %add3A_1601 = arith.addi %add3A_1598, %broadcast_in_dim3A_1596 : vector<16xi32>
      %add3A_1602 = arith.addi %add3A_1599, %broadcast_in_dim3A_1596 : vector<16xi32>
      %gather3A_1603 = tpu.vector_load_idx %arg7[%add3A_1572, %add3A_1601] : memref<512x128xf32, #tpu.memory_space<vmem>>[vector<16xi32>, vector<16xi32>], vector<16xf32>,
      tpu.vector_store_idx %arg8[%shift_right_arithmetic3A_1579, %add3A_1602], %gather3A_1603 : memref<256x128xf32, #tpu.memory_space<vmem>>[vector<16xi32>, vector<16xi32>], vector<16xf32>,
      %add3A_1604 = arith.addi %add3A_1601, %broadcast_in_dim3A_1596 : vector<16xi32>
      %add3A_1605 = arith.addi %add3A_1602, %broadcast_in_dim3A_1596 : vector<16xi32>
      %gather3A_1606 = tpu.vector_load_idx %arg7[%add3A_1572, %add3A_1604] : memref<512x128xf32, #tpu.memory_space<vmem>>[vector<16xi32>, vector<16xi32>], vector<16xf32>,
      tpu.vector_store_idx %arg8[%shift_right_arithmetic3A_1579, %add3A_1605], %gather3A_1606 : memref<256x128xf32, #tpu.memory_space<vmem>>[vector<16xi32>, vector<16xi32>], vector<16xf32>,
      %add3A_1607 = arith.addi %add3A_1604, %broadcast_in_dim3A_1596 : vector<16xi32>
      %add3A_1608 = arith.addi %add3A_1605, %broadcast_in_dim3A_1596 : vector<16xi32>
      %gather3A_1609 = tpu.vector_load_idx %arg7[%add3A_1572, %add3A_1607] : memref<512x128xf32, #tpu.memory_space<vmem>>[vector<16xi32>, vector<16xi32>], vector<16xf32>,
      tpu.vector_store_idx %arg8[%shift_right_arithmetic3A_1579, %add3A_1608], %gather3A_1609 : memref<256x128xf32, #tpu.memory_space<vmem>>[vector<16xi32>, vector<16xi32>], vector<16xf32>,
      %add3A_1610 = arith.addi %add3A_1607, %broadcast_in_dim3A_1596 : vector<16xi32>
      %add3A_1611 = arith.addi %add3A_1608, %broadcast_in_dim3A_1596 : vector<16xi32>
      %gather3A_1612 = tpu.vector_load_idx %arg7[%add3A_1572, %add3A_1610] : memref<512x128xf32, #tpu.memory_space<vmem>>[vector<16xi32>, vector<16xi32>], vector<16xf32>,
      tpu.vector_store_idx %arg8[%shift_right_arithmetic3A_1579, %add3A_1611], %gather3A_1612 : memref<256x128xf32, #tpu.memory_space<vmem>>[vector<16xi32>, vector<16xi32>], vector<16xf32>,
      %add3A_1613 = arith.addi %add3A_1610, %broadcast_in_dim3A_1596 : vector<16xi32>
      %add3A_1614 = arith.addi %add3A_1611, %broadcast_in_dim3A_1596 : vector<16xi32>
      %gather3A_1615 = tpu.vector_load_idx %arg7[%add3A_1572, %add3A_1613] : memref<512x128xf32, #tpu.memory_space<vmem>>[vector<16xi32>, vector<16xi32>], vector<16xf32>,
      tpu.vector_store_idx %arg8[%shift_right_arithmetic3A_1579, %add3A_1614], %gather3A_1615 : memref<256x128xf32, #tpu.memory_space<vmem>>[vector<16xi32>, vector<16xi32>], vector<16xf32>,
      %add3A_1616 = arith.addi %add3A_1613, %broadcast_in_dim3A_1596 : vector<16xi32>
      %add3A_1617 = arith.addi %add3A_1614, %broadcast_in_dim3A_1596 : vector<16xi32>
      %gather3A_1618 = tpu.vector_load_idx %arg7[%add3A_1572, %add3A_1616] : memref<512x128xf32, #tpu.memory_space<vmem>>[vector<16xi32>, vector<16xi32>], vector<16xf32>,
      tpu.vector_store_idx %arg8[%shift_right_arithmetic3A_1579, %add3A_1617], %gather3A_1618 : memref<256x128xf32, #tpu.memory_space<vmem>>[vector<16xi32>, vector<16xi32>], vector<16xf32>,
      %add3A_1619 = arith.addi %add3A_1616, %broadcast_in_dim3A_1596 : vector<16xi32>
      %add3A_1620 = arith.addi %add3A_1617, %broadcast_in_dim3A_1596 : vector<16xi32>
      %gather3A_1621 = tpu.vector_load_idx %arg7[%add3A_1572, %add3A_1619] : memref<512x128xf32, #tpu.memory_space<vmem>>[vector<16xi32>, vector<16xi32>], vector<16xf32>,
      tpu.vector_store_idx %arg8[%shift_right_arithmetic3A_1579, %add3A_1620], %gather3A_1621 : memref<256x128xf32, #tpu.memory_space<vmem>>[vector<16xi32>, vector<16xi32>], vector<16xf32>,
      %add3A_1622 = arith.addi %add3A_1619, %broadcast_in_dim3A_1596 : vector<16xi32>
      %add3A_1623 = arith.addi %add3A_1620, %broadcast_in_dim3A_1596 : vector<16xi32>
      %gather3A_1624 = tpu.vector_load_idx %arg7[%add3A_1572, %add3A_1622] : memref<512x128xf32, #tpu.memory_space<vmem>>[vector<16xi32>, vector<16xi32>], vector<16xf32>,
      tpu.vector_store_idx %arg8[%shift_right_arithmetic3A_1579, %add3A_1623], %gather3A_1624 : memref<256x128xf32, #tpu.memory_space<vmem>>[vector<16xi32>, vector<16xi32>], vector<16xf32>,
      %add3A_1625 = arith.addi %add3A_1622, %broadcast_in_dim3A_1596 : vector<16xi32>
      %add3A_1626 = arith.addi %add3A_1623, %broadcast_in_dim3A_1596 : vector<16xi32>
      %gather3A_1627 = tpu.vector_load_idx %arg7[%add3A_1572, %add3A_1625] : memref<512x128xf32, #tpu.memory_space<vmem>>[vector<16xi32>, vector<16xi32>], vector<16xf32>,
      tpu.vector_store_idx %arg8[%shift_right_arithmetic3A_1579, %add3A_1626], %gather3A_1627 : memref<256x128xf32, #tpu.memory_space<vmem>>[vector<16xi32>, vector<16xi32>], vector<16xf32>,
      %add3A_1628 = arith.addi %add3A_1625, %broadcast_in_dim3A_1596 : vector<16xi32>
      %add3A_1629 = arith.addi %add3A_1626, %broadcast_in_dim3A_1596 : vector<16xi32>
      %gather3A_1630 = tpu.vector_load_idx %arg7[%add3A_1572, %add3A_1628] : memref<512x128xf32, #tpu.memory_space<vmem>>[vector<16xi32>, vector<16xi32>], vector<16xf32>,
      tpu.vector_store_idx %arg8[%shift_right_arithmetic3A_1579, %add3A_1629], %gather3A_1630 : memref<256x128xf32, #tpu.memory_space<vmem>>[vector<16xi32>, vector<16xi32>], vector<16xf32>,
      %add3A_1631 = arith.addi %add3A_1628, %broadcast_in_dim3A_1596 : vector<16xi32>
      %add3A_1632 = arith.addi %add3A_1629, %broadcast_in_dim3A_1596 : vector<16xi32>
      %gather3A_1633 = tpu.vector_load_idx %arg7[%add3A_1572, %add3A_1631] : memref<512x128xf32, #tpu.memory_space<vmem>>[vector<16xi32>, vector<16xi32>], vector<16xf32>,
      tpu.vector_store_idx %arg8[%shift_right_arithmetic3A_1579, %add3A_1632], %gather3A_1633 : memref<256x128xf32, #tpu.memory_space<vmem>>[vector<16xi32>, vector<16xi32>], vector<16xf32>,
      %add3A_1634 = arith.addi %add3A_1631, %broadcast_in_dim3A_1596 : vector<16xi32>
      %add3A_1635 = arith.addi %add3A_1632, %broadcast_in_dim3A_1596 : vector<16xi32>
      %gather3A_1636 = tpu.vector_load_idx %arg7[%add3A_1572, %add3A_1634] : memref<512x128xf32, #tpu.memory_space<vmem>>[vector<16xi32>, vector<16xi32>], vector<16xf32>,
      tpu.vector_store_idx %arg8[%shift_right_arithmetic3A_1579, %add3A_1635], %gather3A_1636 : memref<256x128xf32, #tpu.memory_space<vmem>>[vector<16xi32>, vector<16xi32>], vector<16xf32>,
      %add3A_1637 = arith.addi %add3A_1634, %broadcast_in_dim3A_1596 : vector<16xi32>
      %add3A_1638 = arith.addi %add3A_1635, %broadcast_in_dim3A_1596 : vector<16xi32>
      %gather3A_1639 = tpu.vector_load_idx %arg7[%add3A_1572, %add3A_1637] : memref<512x128xf32, #tpu.memory_space<vmem>>[vector<16xi32>, vector<16xi32>], vector<16xf32>,
      tpu.vector_store_idx %arg8[%shift_right_arithmetic3A_1579, %add3A_1638], %gather3A_1639 : memref<256x128xf32, #tpu.memory_space<vmem>>[vector<16xi32>, vector<16xi32>], vector<16xf32>,
      %add3A_1640 = arith.addi %add3A_1637, %broadcast_in_dim3A_1596 : vector<16xi32>
      %add3A_1641 = arith.addi %add3A_1638, %broadcast_in_dim3A_1596 : vector<16xi32>
      %gather3A_1642 = tpu.vector_load_idx %arg7[%add3A_1572, %add3A_1640] : memref<512x128xf32, #tpu.memory_space<vmem>>[vector<16xi32>, vector<16xi32>], vector<16xf32>,
      tpu.vector_store_idx %arg8[%shift_right_arithmetic3A_1579, %add3A_1641], %gather3A_1642 : memref<256x128xf32, #tpu.memory_space<vmem>>[vector<16xi32>, vector<16xi32>], vector<16xf32>,
      %add3A_1643 = arith.addi %add3A_1640, %broadcast_in_dim3A_1596 : vector<16xi32>
      %add3A_1644 = arith.addi %add3A_1641, %broadcast_in_dim3A_1596 : vector<16xi32>
      %gather3A_1645 = tpu.vector_load_idx %arg7[%add3A_1572, %add3A_1643] : memref<512x128xf32, #tpu.memory_space<vmem>>[vector<16xi32>, vector<16xi32>], vector<16xf32>,
      tpu.vector_store_idx %arg8[%shift_right_arithmetic3A_1579, %add3A_1644], %gather3A_1645 : memref<256x128xf32, #tpu.memory_space<vmem>>[vector<16xi32>, vector<16xi32>], vector<16xf32>,
      %add3A_1646 = arith.addi %add3A_1643, %broadcast_in_dim3A_1596 : vector<16xi32>
      %add3A_1647 = arith.addi %add3A_1644, %broadcast_in_dim3A_1596 : vector<16xi32>
      %gather3A_1648 = tpu.vector_load_idx %arg7[%add3A_1572, %add3A_1646] : memref<512x128xf32, #tpu.memory_space<vmem>>[vector<16xi32>, vector<16xi32>], vector<16xf32>,
      tpu.vector_store_idx %arg8[%shift_right_arithmetic3A_1579, %add3A_1647], %gather3A_1648 : memref<256x128xf32, #tpu.memory_space<vmem>>[vector<16xi32>, vector<16xi32>], vector<16xf32>,
      %add3A_1649 = arith.addi %add3A_1646, %broadcast_in_dim3A_1596 : vector<16xi32>
      %add3A_1650 = arith.addi %add3A_1647, %broadcast_in_dim3A_1596 : vector<16xi32>
      %gather3A_1651 = tpu.vector_load_idx %arg7[%add3A_1572, %add3A_1649] : memref<512x128xf32, #tpu.memory_space<vmem>>[vector<16xi32>, vector<16xi32>], vector<16xf32>,
      tpu.vector_store_idx %arg8[%shift_right_arithmetic3A_1579, %add3A_1650], %gather3A_1651 : memref<256x128xf32, #tpu.memory_space<vmem>>[vector<16xi32>, vector<16xi32>], vector<16xf32>,
      %add3A_1652 = arith.addi %add3A_1649, %broadcast_in_dim3A_1596 : vector<16xi32>
      %add3A_1653 = arith.addi %add3A_1650, %broadcast_in_dim3A_1596 : vector<16xi32>
      %gather3A_1654 = tpu.vector_load_idx %arg7[%add3A_1572, %add3A_1652] : memref<512x128xf32, #tpu.memory_space<vmem>>[vector<16xi32>, vector<16xi32>], vector<16xf32>,
      tpu.vector_store_idx %arg8[%shift_right_arithmetic3A_1579, %add3A_1653], %gather3A_1654 : memref<256x128xf32, #tpu.memory_space<vmem>>[vector<16xi32>, vector<16xi32>], vector<16xf32>,
      %add3A_1655 = arith.addi %add3A_1652, %broadcast_in_dim3A_1596 : vector<16xi32>
      %add3A_1656 = arith.addi %add3A_1653, %broadcast_in_dim3A_1596 : vector<16xi32>
      %gather3A_1657 = tpu.vector_load_idx %arg7[%add3A_1572, %add3A_1655] : memref<512x128xf32, #tpu.memory_space<vmem>>[vector<16xi32>, vector<16xi32>], vector<16xf32>,
      tpu.vector_store_idx %arg8[%shift_right_arithmetic3A_1579, %add3A_1656], %gather3A_1657 : memref<256x128xf32, #tpu.memory_space<vmem>>[vector<16xi32>, vector<16xi32>], vector<16xf32>,
      %add3A_1658 = arith.addi %add3A_1655, %broadcast_in_dim3A_1596 : vector<16xi32>
      %add3A_1659 = arith.addi %add3A_1656, %broadcast_in_dim3A_1596 : vector<16xi32>
      %gather3A_1660 = tpu.vector_load_idx %arg7[%add3A_1572, %add3A_1658] : memref<512x128xf32, #tpu.memory_space<vmem>>[vector<16xi32>, vector<16xi32>], vector<16xf32>,
      tpu.vector_store_idx %arg8[%shift_right_arithmetic3A_1579, %add3A_1659], %gather3A_1660 : memref<256x128xf32, #tpu.memory_space<vmem>>[vector<16xi32>, vector<16xi32>], vector<16xf32>,
      %add3A_1661 = arith.addi %add3A_1658, %broadcast_in_dim3A_1596 : vector<16xi32>
      %add3A_1662 = arith.addi %add3A_1659, %broadcast_in_dim3A_1596 : vector<16xi32>
      %gather3A_1663 = tpu.vector_load_idx %arg7[%add3A_1572, %add3A_1661] : memref<512x128xf32, #tpu.memory_space<vmem>>[vector<16xi32>, vector<16xi32>], vector<16xf32>,
      tpu.vector_store_idx %arg8[%shift_right_arithmetic3A_1579, %add3A_1662], %gather3A_1663 : memref<256x128xf32, #tpu.memory_space<vmem>>[vector<16xi32>, vector<16xi32>], vector<16xf32>,
      %add3A_1664 = arith.addi %add3A_1661, %broadcast_in_dim3A_1596 : vector<16xi32>
      %add3A_1665 = arith.addi %add3A_1662, %broadcast_in_dim3A_1596 : vector<16xi32>
      %gather3A_1666 = tpu.vector_load_idx %arg7[%add3A_1572, %add3A_1664] : memref<512x128xf32, #tpu.memory_space<vmem>>[vector<16xi32>, vector<16xi32>], vector<16xf32>,
      tpu.vector_store_idx %arg8[%shift_right_arithmetic3A_1579, %add3A_1665], %gather3A_1666 : memref<256x128xf32, #tpu.memory_space<vmem>>[vector<16xi32>, vector<16xi32>], vector<16xf32>,
      %add3A_1667 = arith.addi %add3A_1664, %broadcast_in_dim3A_1596 : vector<16xi32>
      %add3A_1668 = arith.addi %add3A_1665, %broadcast_in_dim3A_1596 : vector<16xi32>
      %gather3A_1669 = tpu.vector_load_idx %arg7[%add3A_1572, %add3A_1667] : memref<512x128xf32, #tpu.memory_space<vmem>>[vector<16xi32>, vector<16xi32>], vector<16xf32>,
      tpu.vector_store_idx %arg8[%shift_right_arithmetic3A_1579, %add3A_1668], %gather3A_1669 : memref<256x128xf32, #tpu.memory_space<vmem>>[vector<16xi32>, vector<16xi32>], vector<16xf32>,
      %add3A_1670 = arith.addi %add3A_1667, %broadcast_in_dim3A_1596 : vector<16xi32>
      %add3A_1671 = arith.addi %add3A_1668, %broadcast_in_dim3A_1596 : vector<16xi32>
      %gather3A_1672 = tpu.vector_load_idx %arg7[%add3A_1572, %add3A_1670] : memref<512x128xf32, #tpu.memory_space<vmem>>[vector<16xi32>, vector<16xi32>], vector<16xf32>,
      tpu.vector_store_idx %arg8[%shift_right_arithmetic3A_1579, %add3A_1671], %gather3A_1672 : memref<256x128xf32, #tpu.memory_space<vmem>>[vector<16xi32>, vector<16xi32>], vector<16xf32>,
      %add3A_1673 = arith.addi %add3A_1670, %broadcast_in_dim3A_1596 : vector<16xi32>
      %add3A_1674 = arith.addi %add3A_1671, %broadcast_in_dim3A_1596 : vector<16xi32>
      %gather3A_1675 = tpu.vector_load_idx %arg7[%add3A_1572, %add3A_1673] : memref<512x128xf32, #tpu.memory_space<vmem>>[vector<16xi32>, vector<16xi32>], vector<16xf32>,
      tpu.vector_store_idx %arg8[%shift_right_arithmetic3A_1579, %add3A_1674], %gather3A_1675 : memref<256x128xf32, #tpu.memory_space<vmem>>[vector<16xi32>, vector<16xi32>], vector<16xf32>,
      %add3A_1676 = arith.addi %add3A_1673, %broadcast_in_dim3A_1596 : vector<16xi32>
      %add3A_1677 = arith.addi %add3A_1674, %broadcast_in_dim3A_1596 : vector<16xi32>
      %gather3A_1678 = tpu.vector_load_idx %arg7[%add3A_1572, %add3A_1676] : memref<512x128xf32, #tpu.memory_space<vmem>>[vector<16xi32>, vector<16xi32>], vector<16xf32>,
      tpu.vector_store_idx %arg8[%shift_right_arithmetic3A_1579, %add3A_1677], %gather3A_1678 : memref<256x128xf32, #tpu.memory_space<vmem>>[vector<16xi32>, vector<16xi32>], vector<16xf32>,
      %add3A_1679 = arith.addi %add3A_1676, %broadcast_in_dim3A_1596 : vector<16xi32>
      %add3A_1680 = arith.addi %add3A_1677, %broadcast_in_dim3A_1596 : vector<16xi32>
      %gather3A_1681 = tpu.vector_load_idx %arg7[%add3A_1572, %add3A_1679] : memref<512x128xf32, #tpu.memory_space<vmem>>[vector<16xi32>, vector<16xi32>], vector<16xf32>,
      tpu.vector_store_idx %arg8[%shift_right_arithmetic3A_1579, %add3A_1680], %gather3A_1681 : memref<256x128xf32, #tpu.memory_space<vmem>>[vector<16xi32>, vector<16xi32>], vector<16xf32>,
      %add3A_1682 = arith.addi %add3A_1679, %broadcast_in_dim3A_1596 : vector<16xi32>
      %add3A_1683 = arith.addi %add3A_1680, %broadcast_in_dim3A_1596 : vector<16xi32>
      %gather3A_1684 = tpu.vector_load_idx %arg7[%add3A_1572, %add3A_1682] : memref<512x128xf32, #tpu.memory_space<vmem>>[vector<16xi32>, vector<16xi32>], vector<16xf32>,
      tpu.vector_store_idx %arg8[%shift_right_arithmetic3A_1579, %add3A_1683], %gather3A_1684 : memref<256x128xf32, #tpu.memory_space<vmem>>[vector<16xi32>, vector<16xi32>], vector<16xf32>,
      %add3A_1685 = arith.addi %add3A_1682, %broadcast_in_dim3A_1596 : vector<16xi32>
      %add3A_1686 = arith.addi %add3A_1683, %broadcast_in_dim3A_1596 : vector<16xi32>
      %gather3A_1687 = tpu.vector_load_idx %arg7[%add3A_1572, %add3A_1685] : memref<512x128xf32, #tpu.memory_space<vmem>>[vector<16xi32>, vector<16xi32>], vector<16xf32>,
      tpu.vector_store_idx %arg8[%shift_right_arithmetic3A_1579, %add3A_1686], %gather3A_1687 : memref<256x128xf32, #tpu.memory_space<vmem>>[vector<16xi32>, vector<16xi32>], vector<16xf32>,
      %add3A_1688 = arith.addi %add3A_1685, %broadcast_in_dim3A_1596 : vector<16xi32>
      %add3A_1689 = arith.addi %add3A_1686, %broadcast_in_dim3A_1596 : vector<16xi32>
      %gather3A_1690 = tpu.vector_load_idx %arg7[%add3A_1572, %add3A_1688] : memref<512x128xf32, #tpu.memory_space<vmem>>[vector<16xi32>, vector<16xi32>], vector<16xf32>,
      tpu.vector_store_idx %arg8[%shift_right_arithmetic3A_1579, %add3A_1689], %gather3A_1690 : memref<256x128xf32, #tpu.memory_space<vmem>>[vector<16xi32>, vector<16xi32>], vector<16xf32>,
      %add3A_1691 = arith.addi %add3A_1688, %broadcast_in_dim3A_1596 : vector<16xi32>
      %add3A_1692 = arith.addi %add3A_1689, %broadcast_in_dim3A_1596 : vector<16xi32>
      %gather3A_1693 = tpu.vector_load_idx %arg7[%add3A_1572, %add3A_1691] : memref<512x128xf32, #tpu.memory_space<vmem>>[vector<16xi32>, vector<16xi32>], vector<16xf32>,
      tpu.vector_store_idx %arg8[%shift_right_arithmetic3A_1579, %add3A_1692], %gather3A_1693 : memref<256x128xf32, #tpu.memory_space<vmem>>[vector<16xi32>, vector<16xi32>], vector<16xf32>,
      %add3A_1694 = arith.addi %add3A_1691, %broadcast_in_dim3A_1596 : vector<16xi32>
      %add3A_1695 = arith.addi %add3A_1692, %broadcast_in_dim3A_1596 : vector<16xi32>
      %gather3A_1696 = tpu.vector_load_idx %arg7[%add3A_1572, %add3A_1694] : memref<512x128xf32, #tpu.memory_space<vmem>>[vector<16xi32>, vector<16xi32>], vector<16xf32>,
      tpu.vector_store_idx %arg8[%shift_right_arithmetic3A_1579, %add3A_1695], %gather3A_1696 : memref<256x128xf32, #tpu.memory_space<vmem>>[vector<16xi32>, vector<16xi32>], vector<16xf32>,
      %add3A_1697 = arith.addi %add3A_1694, %broadcast_in_dim3A_1596 : vector<16xi32>
      %add3A_1698 = arith.addi %add3A_1695, %broadcast_in_dim3A_1596 : vector<16xi32>
      %gather3A_1699 = tpu.vector_load_idx %arg7[%add3A_1572, %add3A_1697] : memref<512x128xf32, #tpu.memory_space<vmem>>[vector<16xi32>, vector<16xi32>], vector<16xf32>,
      tpu.vector_store_idx %arg8[%shift_right_arithmetic3A_1579, %add3A_1698], %gather3A_1699 : memref<256x128xf32, #tpu.memory_space<vmem>>[vector<16xi32>, vector<16xi32>], vector<16xf32>,
      %add3A_1700 = arith.addi %add3A_1697, %broadcast_in_dim3A_1596 : vector<16xi32>
      %add3A_1701 = arith.addi %add3A_1698, %broadcast_in_dim3A_1596 : vector<16xi32>
      %gather3A_1702 = tpu.vector_load_idx %arg7[%add3A_1572, %add3A_1700] : memref<512x128xf32, #tpu.memory_space<vmem>>[vector<16xi32>, vector<16xi32>], vector<16xf32>,
      tpu.vector_store_idx %arg8[%shift_right_arithmetic3A_1579, %add3A_1701], %gather3A_1702 : memref<256x128xf32, #tpu.memory_space<vmem>>[vector<16xi32>, vector<16xi32>], vector<16xf32>,
      %add3A_1703 = arith.addi %add3A_1700, %broadcast_in_dim3A_1596 : vector<16xi32>
      %add3A_1704 = arith.addi %add3A_1701, %broadcast_in_dim3A_1596 : vector<16xi32>
      %gather3A_1705 = tpu.vector_load_idx %arg7[%add3A_1572, %add3A_1703] : memref<512x128xf32, #tpu.memory_space<vmem>>[vector<16xi32>, vector<16xi32>], vector<16xf32>,
      tpu.vector_store_idx %arg8[%shift_right_arithmetic3A_1579, %add3A_1704], %gather3A_1705 : memref<256x128xf32, #tpu.memory_space<vmem>>[vector<16xi32>, vector<16xi32>], vector<16xf32>,
      %add3A_1706 = arith.addi %add3A_1703, %broadcast_in_dim3A_1596 : vector<16xi32>
      %add3A_1707 = arith.addi %add3A_1704, %broadcast_in_dim3A_1596 : vector<16xi32>
      %gather3A_1708 = tpu.vector_load_idx %arg7[%add3A_1572, %add3A_1706] : memref<512x128xf32, #tpu.memory_space<vmem>>[vector<16xi32>, vector<16xi32>], vector<16xf32>,
      tpu.vector_store_idx %arg8[%shift_right_arithmetic3A_1579, %add3A_1707], %gather3A_1708 : memref<256x128xf32, #tpu.memory_space<vmem>>[vector<16xi32>, vector<16xi32>], vector<16xf32>,
      %add3A_1709 = arith.addi %add3A_1706, %broadcast_in_dim3A_1596 : vector<16xi32>
      %add3A_1710 = arith.addi %add3A_1707, %broadcast_in_dim3A_1596 : vector<16xi32>
      %gather3A_1711 = tpu.vector_load_idx %arg7[%add3A_1572, %add3A_1709] : memref<512x128xf32, #tpu.memory_space<vmem>>[vector<16xi32>, vector<16xi32>], vector<16xf32>,
      tpu.vector_store_idx %arg8[%shift_right_arithmetic3A_1579, %add3A_1710], %gather3A_1711 : memref<256x128xf32, #tpu.memory_space<vmem>>[vector<16xi32>, vector<16xi32>], vector<16xf32>,
      %add3A_1712 = arith.addi %add3A_1709, %broadcast_in_dim3A_1596 : vector<16xi32>
      %add3A_1713 = arith.addi %add3A_1710, %broadcast_in_dim3A_1596 : vector<16xi32>
      %gather3A_1714 = tpu.vector_load_idx %arg7[%add3A_1572, %add3A_1712] : memref<512x128xf32, #tpu.memory_space<vmem>>[vector<16xi32>, vector<16xi32>], vector<16xf32>,
      tpu.vector_store_idx %arg8[%shift_right_arithmetic3A_1579, %add3A_1713], %gather3A_1714 : memref<256x128xf32, #tpu.memory_space<vmem>>[vector<16xi32>, vector<16xi32>], vector<16xf32>,
      %add3A_1715 = arith.addi %add3A_1712, %broadcast_in_dim3A_1596 : vector<16xi32>
      %add3A_1716 = arith.addi %add3A_1713, %broadcast_in_dim3A_1596 : vector<16xi32>
      %gather3A_1717 = tpu.vector_load_idx %arg7[%add3A_1572, %add3A_1715] : memref<512x128xf32, #tpu.memory_space<vmem>>[vector<16xi32>, vector<16xi32>], vector<16xf32>,
      tpu.vector_store_idx %arg8[%shift_right_arithmetic3A_1579, %add3A_1716], %gather3A_1717 : memref<256x128xf32, #tpu.memory_space<vmem>>[vector<16xi32>, vector<16xi32>], vector<16xf32>,
      %add3A_1718 = arith.addi %add3A_1715, %broadcast_in_dim3A_1596 : vector<16xi32>
      %add3A_1719 = arith.addi %add3A_1716, %broadcast_in_dim3A_1596 : vector<16xi32>
      %gather3A_1720 = tpu.vector_load_idx %arg7[%add3A_1572, %add3A_1718] : memref<512x128xf32, #tpu.memory_space<vmem>>[vector<16xi32>, vector<16xi32>], vector<16xf32>,
      tpu.vector_store_idx %arg8[%shift_right_arithmetic3A_1579, %add3A_1719], %gather3A_1720 : memref<256x128xf32, #tpu.memory_space<vmem>>[vector<16xi32>, vector<16xi32>], vector<16xf32>,
      %add3A_1721 = arith.addi %add3A_1718, %broadcast_in_dim3A_1596 : vector<16xi32>
      %add3A_1722 = arith.addi %add3A_1719, %broadcast_in_dim3A_1596 : vector<16xi32>
      %gather3A_1723 = tpu.vector_load_idx %arg7[%add3A_1572, %add3A_1721] : memref<512x128xf32, #tpu.memory_space<vmem>>[vector<16xi32>, vector<16xi32>], vector<16xf32>,
      tpu.vector_store_idx %arg8[%shift_right_arithmetic3A_1579, %add3A_1722], %gather3A_1723 : memref<256x128xf32, #tpu.memory_space<vmem>>[vector<16xi32>, vector<16xi32>], vector<16xf32>,
      %add3A_1724 = arith.addi %add3A_1721, %broadcast_in_dim3A_1596 : vector<16xi32>
      %add3A_1725 = arith.addi %add3A_1722, %broadcast_in_dim3A_1596 : vector<16xi32>
      %gather3A_1726 = tpu.vector_load_idx %arg7[%add3A_1572, %add3A_1724] : memref<512x128xf32, #tpu.memory_space<vmem>>[vector<16xi32>, vector<16xi32>], vector<16xf32>,
      tpu.vector_store_idx %arg8[%shift_right_arithmetic3A_1579, %add3A_1725], %gather3A_1726 : memref<256x128xf32, #tpu.memory_space<vmem>>[vector<16xi32>, vector<16xi32>], vector<16xf32>,
      %add3A_1727 = arith.addi %add3A_1724, %broadcast_in_dim3A_1596 : vector<16xi32>
      %add3A_1728 = arith.addi %add3A_1725, %broadcast_in_dim3A_1596 : vector<16xi32>
      %gather3A_1729 = tpu.vector_load_idx %arg7[%add3A_1572, %add3A_1727] : memref<512x128xf32, #tpu.memory_space<vmem>>[vector<16xi32>, vector<16xi32>], vector<16xf32>,
      tpu.vector_store_idx %arg8[%shift_right_arithmetic3A_1579, %add3A_1728], %gather3A_1729 : memref<256x128xf32, #tpu.memory_space<vmem>>[vector<16xi32>, vector<16xi32>], vector<16xf32>,
      %add3A_1730 = arith.addi %add3A_1727, %broadcast_in_dim3A_1596 : vector<16xi32>
      %add3A_1731 = arith.addi %add3A_1728, %broadcast_in_dim3A_1596 : vector<16xi32>
      %gather3A_1732 = tpu.vector_load_idx %arg7[%add3A_1572, %add3A_1730] : memref<512x128xf32, #tpu.memory_space<vmem>>[vector<16xi32>, vector<16xi32>], vector<16xf32>,
      tpu.vector_store_idx %arg8[%shift_right_arithmetic3A_1579, %add3A_1731], %gather3A_1732 : memref<256x128xf32, #tpu.memory_space<vmem>>[vector<16xi32>, vector<16xi32>], vector<16xf32>,
      %add3A_1733 = arith.addi %add3A_1730, %broadcast_in_dim3A_1596 : vector<16xi32>
      %add3A_1734 = arith.addi %add3A_1731, %broadcast_in_dim3A_1596 : vector<16xi32>
      %gather3A_1735 = tpu.vector_load_idx %arg7[%add3A_1572, %add3A_1733] : memref<512x128xf32, #tpu.memory_space<vmem>>[vector<16xi32>, vector<16xi32>], vector<16xf32>,
      tpu.vector_store_idx %arg8[%shift_right_arithmetic3A_1579, %add3A_1734], %gather3A_1735 : memref<256x128xf32, #tpu.memory_space<vmem>>[vector<16xi32>, vector<16xi32>], vector<16xf32>,
      %add3A_1736 = arith.addi %add3A_1733, %broadcast_in_dim3A_1596 : vector<16xi32>
      %add3A_1737 = arith.addi %add3A_1734, %broadcast_in_dim3A_1596 : vector<16xi32>
      %gather3A_1738 = tpu.vector_load_idx %arg7[%add3A_1572, %add3A_1736] : memref<512x128xf32, #tpu.memory_space<vmem>>[vector<16xi32>, vector<16xi32>], vector<16xf32>,
      tpu.vector_store_idx %arg8[%shift_right_arithmetic3A_1579, %add3A_1737], %gather3A_1738 : memref<256x128xf32, #tpu.memory_space<vmem>>[vector<16xi32>, vector<16xi32>], vector<16xf32>,
      %add3A_1739 = arith.addi %add3A_1736, %broadcast_in_dim3A_1596 : vector<16xi32>
      %add3A_1740 = arith.addi %add3A_1737, %broadcast_in_dim3A_1596 : vector<16xi32>
      %gather3A_1741 = tpu.vector_load_idx %arg7[%add3A_1572, %add3A_1739] : memref<512x128xf32, #tpu.memory_space<vmem>>[vector<16xi32>, vector<16xi32>], vector<16xf32>,
      tpu.vector_store_idx %arg8[%shift_right_arithmetic3A_1579, %add3A_1740], %gather3A_1741 : memref<256x128xf32, #tpu.memory_space<vmem>>[vector<16xi32>, vector<16xi32>], vector<16xf32>,
      %add3A_1742 = arith.addi %add3A_1739, %broadcast_in_dim3A_1596 : vector<16xi32>
      %add3A_1743 = arith.addi %add3A_1740, %broadcast_in_dim3A_1596 : vector<16xi32>
      %gather3A_1744 = tpu.vector_load_idx %arg7[%add3A_1572, %add3A_1742] : memref<512x128xf32, #tpu.memory_space<vmem>>[vector<16xi32>, vector<16xi32>], vector<16xf32>,
      tpu.vector_store_idx %arg8[%shift_right_arithmetic3A_1579, %add3A_1743], %gather3A_1744 : memref<256x128xf32, #tpu.memory_space<vmem>>[vector<16xi32>, vector<16xi32>], vector<16xf32>,
      %add3A_1745 = arith.addi %add3A_1742, %broadcast_in_dim3A_1596 : vector<16xi32>
      %add3A_1746 = arith.addi %add3A_1743, %broadcast_in_dim3A_1596 : vector<16xi32>
      %gather3A_1747 = tpu.vector_load_idx %arg7[%add3A_1572, %add3A_1745] : memref<512x128xf32, #tpu.memory_space<vmem>>[vector<16xi32>, vector<16xi32>], vector<16xf32>,
      tpu.vector_store_idx %arg8[%shift_right_arithmetic3A_1579, %add3A_1746], %gather3A_1747 : memref<256x128xf32, #tpu.memory_space<vmem>>[vector<16xi32>, vector<16xi32>], vector<16xf32>,
      %add3A_1748 = arith.addi %add3A_1745, %broadcast_in_dim3A_1596 : vector<16xi32>
      %add3A_1749 = arith.addi %add3A_1746, %broadcast_in_dim3A_1596 : vector<16xi32>
      %gather3A_1750 = tpu.vector_load_idx %arg7[%add3A_1572, %add3A_1748] : memref<512x128xf32, #tpu.memory_space<vmem>>[vector<16xi32>, vector<16xi32>], vector<16xf32>,
      tpu.vector_store_idx %arg8[%shift_right_arithmetic3A_1579, %add3A_1749], %gather3A_1750 : memref<256x128xf32, #tpu.memory_space<vmem>>[vector<16xi32>, vector<16xi32>], vector<16xf32>,
      %add3A_1751 = arith.addi %add3A_1748, %broadcast_in_dim3A_1596 : vector<16xi32>
      %add3A_1752 = arith.addi %add3A_1749, %broadcast_in_dim3A_1596 : vector<16xi32>
      %gather3A_1753 = tpu.vector_load_idx %arg7[%add3A_1572, %add3A_1751] : memref<512x128xf32, #tpu.memory_space<vmem>>[vector<16xi32>, vector<16xi32>], vector<16xf32>,
      tpu.vector_store_idx %arg8[%shift_right_arithmetic3A_1579, %add3A_1752], %gather3A_1753 : memref<256x128xf32, #tpu.memory_space<vmem>>[vector<16xi32>, vector<16xi32>], vector<16xf32>,
      %add3A_1754 = arith.addi %add3A_1751, %broadcast_in_dim3A_1596 : vector<16xi32>
      %add3A_1755 = arith.addi %add3A_1752, %broadcast_in_dim3A_1596 : vector<16xi32>
      %gather3A_1756 = tpu.vector_load_idx %arg7[%add3A_1572, %add3A_1754] : memref<512x128xf32, #tpu.memory_space<vmem>>[vector<16xi32>, vector<16xi32>], vector<16xf32>,
      tpu.vector_store_idx %arg8[%shift_right_arithmetic3A_1579, %add3A_1755], %gather3A_1756 : memref<256x128xf32, #tpu.memory_space<vmem>>[vector<16xi32>, vector<16xi32>], vector<16xf32>,
      %add3A_1757 = arith.addi %add3A_1754, %broadcast_in_dim3A_1596 : vector<16xi32>
      %add3A_1758 = arith.addi %add3A_1755, %broadcast_in_dim3A_1596 : vector<16xi32>
      %gather3A_1759 = tpu.vector_load_idx %arg7[%add3A_1572, %add3A_1757] : memref<512x128xf32, #tpu.memory_space<vmem>>[vector<16xi32>, vector<16xi32>], vector<16xf32>,
      tpu.vector_store_idx %arg8[%shift_right_arithmetic3A_1579, %add3A_1758], %gather3A_1759 : memref<256x128xf32, #tpu.memory_space<vmem>>[vector<16xi32>, vector<16xi32>], vector<16xf32>,
      %add3A_1760 = arith.addi %add3A_1757, %broadcast_in_dim3A_1596 : vector<16xi32>
      %add3A_1761 = arith.addi %add3A_1758, %broadcast_in_dim3A_1596 : vector<16xi32>
      %gather3A_1762 = tpu.vector_load_idx %arg7[%add3A_1572, %add3A_1760] : memref<512x128xf32, #tpu.memory_space<vmem>>[vector<16xi32>, vector<16xi32>], vector<16xf32>,
      tpu.vector_store_idx %arg8[%shift_right_arithmetic3A_1579, %add3A_1761], %gather3A_1762 : memref<256x128xf32, #tpu.memory_space<vmem>>[vector<16xi32>, vector<16xi32>], vector<16xf32>,
      %add3A_1763 = arith.addi %add3A_1760, %broadcast_in_dim3A_1596 : vector<16xi32>
      %add3A_1764 = arith.addi %add3A_1761, %broadcast_in_dim3A_1596 : vector<16xi32>
      %gather3A_1765 = tpu.vector_load_idx %arg7[%add3A_1572, %add3A_1763] : memref<512x128xf32, #tpu.memory_space<vmem>>[vector<16xi32>, vector<16xi32>], vector<16xf32>,
      tpu.vector_store_idx %arg8[%shift_right_arithmetic3A_1579, %add3A_1764], %gather3A_1765 : memref<256x128xf32, #tpu.memory_space<vmem>>[vector<16xi32>, vector<16xi32>], vector<16xf32>,
      %add3A_1766 = arith.addi %add3A_1763, %broadcast_in_dim3A_1596 : vector<16xi32>
      %add3A_1767 = arith.addi %add3A_1764, %broadcast_in_dim3A_1596 : vector<16xi32>
      %gather3A_1768 = tpu.vector_load_idx %arg7[%add3A_1572, %add3A_1766] : memref<512x128xf32, #tpu.memory_space<vmem>>[vector<16xi32>, vector<16xi32>], vector<16xf32>,
      tpu.vector_store_idx %arg8[%shift_right_arithmetic3A_1579, %add3A_1767], %gather3A_1768 : memref<256x128xf32, #tpu.memory_space<vmem>>[vector<16xi32>, vector<16xi32>], vector<16xf32>,
      %add3A_1769 = arith.addi %add3A_1766, %broadcast_in_dim3A_1596 : vector<16xi32>
      %add3A_1770 = arith.addi %add3A_1767, %broadcast_in_dim3A_1596 : vector<16xi32>
      %gather3A_1771 = tpu.vector_load_idx %arg7[%add3A_1572, %add3A_1769] : memref<512x128xf32, #tpu.memory_space<vmem>>[vector<16xi32>, vector<16xi32>], vector<16xf32>,
      tpu.vector_store_idx %arg8[%shift_right_arithmetic3A_1579, %add3A_1770], %gather3A_1771 : memref<256x128xf32, #tpu.memory_space<vmem>>[vector<16xi32>, vector<16xi32>], vector<16xf32>,
      %add3A_1772 = arith.addi %add3A_1769, %broadcast_in_dim3A_1596 : vector<16xi32>
      %add3A_1773 = arith.addi %add3A_1770, %broadcast_in_dim3A_1596 : vector<16xi32>
      %gather3A_1774 = tpu.vector_load_idx %arg7[%add3A_1572, %add3A_1772] : memref<512x128xf32, #tpu.memory_space<vmem>>[vector<16xi32>, vector<16xi32>], vector<16xf32>,
      tpu.vector_store_idx %arg8[%shift_right_arithmetic3A_1579, %add3A_1773], %gather3A_1774 : memref<256x128xf32, #tpu.memory_space<vmem>>[vector<16xi32>, vector<16xi32>], vector<16xf32>,
      %add3A_1775 = arith.addi %add3A_1772, %broadcast_in_dim3A_1596 : vector<16xi32>
      %add3A_1776 = arith.addi %add3A_1773, %broadcast_in_dim3A_1596 : vector<16xi32>
      %gather3A_1777 = tpu.vector_load_idx %arg7[%add3A_1572, %add3A_1775] : memref<512x128xf32, #tpu.memory_space<vmem>>[vector<16xi32>, vector<16xi32>], vector<16xf32>,
      tpu.vector_store_idx %arg8[%shift_right_arithmetic3A_1579, %add3A_1776], %gather3A_1777 : memref<256x128xf32, #tpu.memory_space<vmem>>[vector<16xi32>, vector<16xi32>], vector<16xf32>,
      %add3A_1778 = arith.addi %add3A_1775, %broadcast_in_dim3A_1596 : vector<16xi32>
      %add3A_1779 = arith.addi %add3A_1776, %broadcast_in_dim3A_1596 : vector<16xi32>
      %gather3A_1780 = tpu.vector_load_idx %arg7[%add3A_1572, %add3A_1778] : memref<512x128xf32, #tpu.memory_space<vmem>>[vector<16xi32>, vector<16xi32>], vector<16xf32>,
      tpu.vector_store_idx %arg8[%shift_right_arithmetic3A_1579, %add3A_1779], %gather3A_1780 : memref<256x128xf32, #tpu.memory_space<vmem>>[vector<16xi32>, vector<16xi32>], vector<16xf32>,
      %add3A_1781 = arith.addi %add3A_1778, %broadcast_in_dim3A_1596 : vector<16xi32>
      %add3A_1782 = arith.addi %add3A_1779, %broadcast_in_dim3A_1596 : vector<16xi32>
      %gather3A_1783 = tpu.vector_load_idx %arg7[%add3A_1572, %add3A_1781] : memref<512x128xf32, #tpu.memory_space<vmem>>[vector<16xi32>, vector<16xi32>], vector<16xf32>,
      tpu.vector_store_idx %arg8[%shift_right_arithmetic3A_1579, %add3A_1782], %gather3A_1783 : memref<256x128xf32, #tpu.memory_space<vmem>>[vector<16xi32>, vector<16xi32>], vector<16xf32>,
      %add3A_1784 = arith.addi %add3A_1781, %broadcast_in_dim3A_1596 : vector<16xi32>
      %add3A_1785 = arith.addi %add3A_1782, %broadcast_in_dim3A_1596 : vector<16xi32>
      %gather3A_1786 = tpu.vector_load_idx %arg7[%add3A_1572, %add3A_1784] : memref<512x128xf32, #tpu.memory_space<vmem>>[vector<16xi32>, vector<16xi32>], vector<16xf32>,
      tpu.vector_store_idx %arg8[%shift_right_arithmetic3A_1579, %add3A_1785], %gather3A_1786 : memref<256x128xf32, #tpu.memory_space<vmem>>[vector<16xi32>, vector<16xi32>], vector<16xf32>,
      %iota3A_1787 = tpu.iota {dimensions = array<i32: 0>} : vector<16xi32>
      %add3A_1788 = vector.broadcast %mul3A_469 : i32 to vector<16xi32>
      %add3A_1789 = arith.addi %iota3A_1787, %add3A_1788 : vector<16xi32>
      %add3A_1790 = arith.constant 96 : i32
      %add3A_1791 = vector.broadcast %add3A_1790 : i32 to vector<16xi32>
      %add3A_1792 = arith.addi %add3A_1789, %add3A_1791 : vector<16xi32>
      %add3A_1793 = arith.constant 96 : i32
      %add3A_1794 = arith.addi %mul3A_469, %add3A_1793 : i32
      %get3A_1795 = arith.index_cast %add3A_1794 : i32 to index
      %get3A_1796 = tpu.vector_load %arg5[%get3A_1795] {strides = array<i32>} : memref<512xi32, #tpu.memory_space<vmem>>, vector<16xi32>,
      %shift_right_arithmetic3A_1797 = arith.constant 1 : i32
      %shift_right_arithmetic3A_1798 = vector.broadcast %shift_right_arithmetic3A_1797 : i32 to vector<16xi32>
      %shift_right_arithmetic3A_1799 = arith.shrsi %add3A_1792, %shift_right_arithmetic3A_1798 : vector<16xi32>
      %shift_right_arithmetic3A_1800 = arith.constant 13 : i32
      %shift_right_arithmetic3A_1801 = vector.broadcast %shift_right_arithmetic3A_1800 : i32 to vector<16xi32>
      %shift_right_arithmetic3A_1802 = arith.shrsi %get3A_1796, %shift_right_arithmetic3A_1801 : vector<16xi32>
      %and3A_1803 = arith.constant 1 : i32
      %and3A_1804 = vector.broadcast %and3A_1803 : i32 to vector<16xi32>
      %and3A_1805 = arith.andi %shift_right_arithmetic3A_1802, %and3A_1804 : vector<16xi32>
      %mul3A_1806 = arith.constant 64 : i32
      %mul3A_1807 = vector.broadcast %mul3A_1806 : i32 to vector<16xi32>
      %mul3A_1808 = arith.muli %and3A_1805, %mul3A_1807 : vector<16xi32>
      %and3A_1809 = arith.constant 1 : i32
      %and3A_1810 = vector.broadcast %and3A_1809 : i32 to vector<16xi32>
      %and3A_1811 = arith.andi %add3A_1792, %and3A_1810 : vector<16xi32>
      %mul3A_1812 = arith.constant 64 : i32
      %mul3A_1813 = vector.broadcast %mul3A_1812 : i32 to vector<16xi32>
      %mul3A_1814 = arith.muli %and3A_1811, %mul3A_1813 : vector<16xi32>
      %broadcast_in_dim3A_1815 = arith.constant 1 : i32
      %broadcast_in_dim3A_1816 = vector.broadcast %broadcast_in_dim3A_1815 : i32 to vector<16xi32>
      %gather3A_1817 = tpu.vector_load_idx %arg7[%add3A_1792, %mul3A_1808] : memref<512x128xf32, #tpu.memory_space<vmem>>[vector<16xi32>, vector<16xi32>], vector<16xf32>,
      tpu.vector_store_idx %arg8[%shift_right_arithmetic3A_1799, %mul3A_1814], %gather3A_1817 : memref<256x128xf32, #tpu.memory_space<vmem>>[vector<16xi32>, vector<16xi32>], vector<16xf32>,
      %add3A_1818 = arith.addi %mul3A_1808, %broadcast_in_dim3A_1816 : vector<16xi32>
      %add3A_1819 = arith.addi %mul3A_1814, %broadcast_in_dim3A_1816 : vector<16xi32>
      %gather3A_1820 = tpu.vector_load_idx %arg7[%add3A_1792, %add3A_1818] : memref<512x128xf32, #tpu.memory_space<vmem>>[vector<16xi32>, vector<16xi32>], vector<16xf32>,
      tpu.vector_store_idx %arg8[%shift_right_arithmetic3A_1799, %add3A_1819], %gather3A_1820 : memref<256x128xf32, #tpu.memory_space<vmem>>[vector<16xi32>, vector<16xi32>], vector<16xf32>,
      %add3A_1821 = arith.addi %add3A_1818, %broadcast_in_dim3A_1816 : vector<16xi32>
      %add3A_1822 = arith.addi %add3A_1819, %broadcast_in_dim3A_1816 : vector<16xi32>
      %gather3A_1823 = tpu.vector_load_idx %arg7[%add3A_1792, %add3A_1821] : memref<512x128xf32, #tpu.memory_space<vmem>>[vector<16xi32>, vector<16xi32>], vector<16xf32>,
      tpu.vector_store_idx %arg8[%shift_right_arithmetic3A_1799, %add3A_1822], %gather3A_1823 : memref<256x128xf32, #tpu.memory_space<vmem>>[vector<16xi32>, vector<16xi32>], vector<16xf32>,
      %add3A_1824 = arith.addi %add3A_1821, %broadcast_in_dim3A_1816 : vector<16xi32>
      %add3A_1825 = arith.addi %add3A_1822, %broadcast_in_dim3A_1816 : vector<16xi32>
      %gather3A_1826 = tpu.vector_load_idx %arg7[%add3A_1792, %add3A_1824] : memref<512x128xf32, #tpu.memory_space<vmem>>[vector<16xi32>, vector<16xi32>], vector<16xf32>,
      tpu.vector_store_idx %arg8[%shift_right_arithmetic3A_1799, %add3A_1825], %gather3A_1826 : memref<256x128xf32, #tpu.memory_space<vmem>>[vector<16xi32>, vector<16xi32>], vector<16xf32>,
      %add3A_1827 = arith.addi %add3A_1824, %broadcast_in_dim3A_1816 : vector<16xi32>
      %add3A_1828 = arith.addi %add3A_1825, %broadcast_in_dim3A_1816 : vector<16xi32>
      %gather3A_1829 = tpu.vector_load_idx %arg7[%add3A_1792, %add3A_1827] : memref<512x128xf32, #tpu.memory_space<vmem>>[vector<16xi32>, vector<16xi32>], vector<16xf32>,
      tpu.vector_store_idx %arg8[%shift_right_arithmetic3A_1799, %add3A_1828], %gather3A_1829 : memref<256x128xf32, #tpu.memory_space<vmem>>[vector<16xi32>, vector<16xi32>], vector<16xf32>,
      %add3A_1830 = arith.addi %add3A_1827, %broadcast_in_dim3A_1816 : vector<16xi32>
      %add3A_1831 = arith.addi %add3A_1828, %broadcast_in_dim3A_1816 : vector<16xi32>
      %gather3A_1832 = tpu.vector_load_idx %arg7[%add3A_1792, %add3A_1830] : memref<512x128xf32, #tpu.memory_space<vmem>>[vector<16xi32>, vector<16xi32>], vector<16xf32>,
      tpu.vector_store_idx %arg8[%shift_right_arithmetic3A_1799, %add3A_1831], %gather3A_1832 : memref<256x128xf32, #tpu.memory_space<vmem>>[vector<16xi32>, vector<16xi32>], vector<16xf32>,
      %add3A_1833 = arith.addi %add3A_1830, %broadcast_in_dim3A_1816 : vector<16xi32>
      %add3A_1834 = arith.addi %add3A_1831, %broadcast_in_dim3A_1816 : vector<16xi32>
      %gather3A_1835 = tpu.vector_load_idx %arg7[%add3A_1792, %add3A_1833] : memref<512x128xf32, #tpu.memory_space<vmem>>[vector<16xi32>, vector<16xi32>], vector<16xf32>,
      tpu.vector_store_idx %arg8[%shift_right_arithmetic3A_1799, %add3A_1834], %gather3A_1835 : memref<256x128xf32, #tpu.memory_space<vmem>>[vector<16xi32>, vector<16xi32>], vector<16xf32>,
      %add3A_1836 = arith.addi %add3A_1833, %broadcast_in_dim3A_1816 : vector<16xi32>
      %add3A_1837 = arith.addi %add3A_1834, %broadcast_in_dim3A_1816 : vector<16xi32>
      %gather3A_1838 = tpu.vector_load_idx %arg7[%add3A_1792, %add3A_1836] : memref<512x128xf32, #tpu.memory_space<vmem>>[vector<16xi32>, vector<16xi32>], vector<16xf32>,
      tpu.vector_store_idx %arg8[%shift_right_arithmetic3A_1799, %add3A_1837], %gather3A_1838 : memref<256x128xf32, #tpu.memory_space<vmem>>[vector<16xi32>, vector<16xi32>], vector<16xf32>,
      %add3A_1839 = arith.addi %add3A_1836, %broadcast_in_dim3A_1816 : vector<16xi32>
      %add3A_1840 = arith.addi %add3A_1837, %broadcast_in_dim3A_1816 : vector<16xi32>
      %gather3A_1841 = tpu.vector_load_idx %arg7[%add3A_1792, %add3A_1839] : memref<512x128xf32, #tpu.memory_space<vmem>>[vector<16xi32>, vector<16xi32>], vector<16xf32>,
      tpu.vector_store_idx %arg8[%shift_right_arithmetic3A_1799, %add3A_1840], %gather3A_1841 : memref<256x128xf32, #tpu.memory_space<vmem>>[vector<16xi32>, vector<16xi32>], vector<16xf32>,
      %add3A_1842 = arith.addi %add3A_1839, %broadcast_in_dim3A_1816 : vector<16xi32>
      %add3A_1843 = arith.addi %add3A_1840, %broadcast_in_dim3A_1816 : vector<16xi32>
      %gather3A_1844 = tpu.vector_load_idx %arg7[%add3A_1792, %add3A_1842] : memref<512x128xf32, #tpu.memory_space<vmem>>[vector<16xi32>, vector<16xi32>], vector<16xf32>,
      tpu.vector_store_idx %arg8[%shift_right_arithmetic3A_1799, %add3A_1843], %gather3A_1844 : memref<256x128xf32, #tpu.memory_space<vmem>>[vector<16xi32>, vector<16xi32>], vector<16xf32>,
      %add3A_1845 = arith.addi %add3A_1842, %broadcast_in_dim3A_1816 : vector<16xi32>
      %add3A_1846 = arith.addi %add3A_1843, %broadcast_in_dim3A_1816 : vector<16xi32>
      %gather3A_1847 = tpu.vector_load_idx %arg7[%add3A_1792, %add3A_1845] : memref<512x128xf32, #tpu.memory_space<vmem>>[vector<16xi32>, vector<16xi32>], vector<16xf32>,
      tpu.vector_store_idx %arg8[%shift_right_arithmetic3A_1799, %add3A_1846], %gather3A_1847 : memref<256x128xf32, #tpu.memory_space<vmem>>[vector<16xi32>, vector<16xi32>], vector<16xf32>,
      %add3A_1848 = arith.addi %add3A_1845, %broadcast_in_dim3A_1816 : vector<16xi32>
      %add3A_1849 = arith.addi %add3A_1846, %broadcast_in_dim3A_1816 : vector<16xi32>
      %gather3A_1850 = tpu.vector_load_idx %arg7[%add3A_1792, %add3A_1848] : memref<512x128xf32, #tpu.memory_space<vmem>>[vector<16xi32>, vector<16xi32>], vector<16xf32>,
      tpu.vector_store_idx %arg8[%shift_right_arithmetic3A_1799, %add3A_1849], %gather3A_1850 : memref<256x128xf32, #tpu.memory_space<vmem>>[vector<16xi32>, vector<16xi32>], vector<16xf32>,
      %add3A_1851 = arith.addi %add3A_1848, %broadcast_in_dim3A_1816 : vector<16xi32>
      %add3A_1852 = arith.addi %add3A_1849, %broadcast_in_dim3A_1816 : vector<16xi32>
      %gather3A_1853 = tpu.vector_load_idx %arg7[%add3A_1792, %add3A_1851] : memref<512x128xf32, #tpu.memory_space<vmem>>[vector<16xi32>, vector<16xi32>], vector<16xf32>,
      tpu.vector_store_idx %arg8[%shift_right_arithmetic3A_1799, %add3A_1852], %gather3A_1853 : memref<256x128xf32, #tpu.memory_space<vmem>>[vector<16xi32>, vector<16xi32>], vector<16xf32>,
      %add3A_1854 = arith.addi %add3A_1851, %broadcast_in_dim3A_1816 : vector<16xi32>
      %add3A_1855 = arith.addi %add3A_1852, %broadcast_in_dim3A_1816 : vector<16xi32>
      %gather3A_1856 = tpu.vector_load_idx %arg7[%add3A_1792, %add3A_1854] : memref<512x128xf32, #tpu.memory_space<vmem>>[vector<16xi32>, vector<16xi32>], vector<16xf32>,
      tpu.vector_store_idx %arg8[%shift_right_arithmetic3A_1799, %add3A_1855], %gather3A_1856 : memref<256x128xf32, #tpu.memory_space<vmem>>[vector<16xi32>, vector<16xi32>], vector<16xf32>,
      %add3A_1857 = arith.addi %add3A_1854, %broadcast_in_dim3A_1816 : vector<16xi32>
      %add3A_1858 = arith.addi %add3A_1855, %broadcast_in_dim3A_1816 : vector<16xi32>
      %gather3A_1859 = tpu.vector_load_idx %arg7[%add3A_1792, %add3A_1857] : memref<512x128xf32, #tpu.memory_space<vmem>>[vector<16xi32>, vector<16xi32>], vector<16xf32>,
      tpu.vector_store_idx %arg8[%shift_right_arithmetic3A_1799, %add3A_1858], %gather3A_1859 : memref<256x128xf32, #tpu.memory_space<vmem>>[vector<16xi32>, vector<16xi32>], vector<16xf32>,
      %add3A_1860 = arith.addi %add3A_1857, %broadcast_in_dim3A_1816 : vector<16xi32>
      %add3A_1861 = arith.addi %add3A_1858, %broadcast_in_dim3A_1816 : vector<16xi32>
      %gather3A_1862 = tpu.vector_load_idx %arg7[%add3A_1792, %add3A_1860] : memref<512x128xf32, #tpu.memory_space<vmem>>[vector<16xi32>, vector<16xi32>], vector<16xf32>,
      tpu.vector_store_idx %arg8[%shift_right_arithmetic3A_1799, %add3A_1861], %gather3A_1862 : memref<256x128xf32, #tpu.memory_space<vmem>>[vector<16xi32>, vector<16xi32>], vector<16xf32>,
      %add3A_1863 = arith.addi %add3A_1860, %broadcast_in_dim3A_1816 : vector<16xi32>
      %add3A_1864 = arith.addi %add3A_1861, %broadcast_in_dim3A_1816 : vector<16xi32>
      %gather3A_1865 = tpu.vector_load_idx %arg7[%add3A_1792, %add3A_1863] : memref<512x128xf32, #tpu.memory_space<vmem>>[vector<16xi32>, vector<16xi32>], vector<16xf32>,
      tpu.vector_store_idx %arg8[%shift_right_arithmetic3A_1799, %add3A_1864], %gather3A_1865 : memref<256x128xf32, #tpu.memory_space<vmem>>[vector<16xi32>, vector<16xi32>], vector<16xf32>,
      %add3A_1866 = arith.addi %add3A_1863, %broadcast_in_dim3A_1816 : vector<16xi32>
      %add3A_1867 = arith.addi %add3A_1864, %broadcast_in_dim3A_1816 : vector<16xi32>
      %gather3A_1868 = tpu.vector_load_idx %arg7[%add3A_1792, %add3A_1866] : memref<512x128xf32, #tpu.memory_space<vmem>>[vector<16xi32>, vector<16xi32>], vector<16xf32>,
      tpu.vector_store_idx %arg8[%shift_right_arithmetic3A_1799, %add3A_1867], %gather3A_1868 : memref<256x128xf32, #tpu.memory_space<vmem>>[vector<16xi32>, vector<16xi32>], vector<16xf32>,
      %add3A_1869 = arith.addi %add3A_1866, %broadcast_in_dim3A_1816 : vector<16xi32>
      %add3A_1870 = arith.addi %add3A_1867, %broadcast_in_dim3A_1816 : vector<16xi32>
      %gather3A_1871 = tpu.vector_load_idx %arg7[%add3A_1792, %add3A_1869] : memref<512x128xf32, #tpu.memory_space<vmem>>[vector<16xi32>, vector<16xi32>], vector<16xf32>,
      tpu.vector_store_idx %arg8[%shift_right_arithmetic3A_1799, %add3A_1870], %gather3A_1871 : memref<256x128xf32, #tpu.memory_space<vmem>>[vector<16xi32>, vector<16xi32>], vector<16xf32>,
      %add3A_1872 = arith.addi %add3A_1869, %broadcast_in_dim3A_1816 : vector<16xi32>
      %add3A_1873 = arith.addi %add3A_1870, %broadcast_in_dim3A_1816 : vector<16xi32>
      %gather3A_1874 = tpu.vector_load_idx %arg7[%add3A_1792, %add3A_1872] : memref<512x128xf32, #tpu.memory_space<vmem>>[vector<16xi32>, vector<16xi32>], vector<16xf32>,
      tpu.vector_store_idx %arg8[%shift_right_arithmetic3A_1799, %add3A_1873], %gather3A_1874 : memref<256x128xf32, #tpu.memory_space<vmem>>[vector<16xi32>, vector<16xi32>], vector<16xf32>,
      %add3A_1875 = arith.addi %add3A_1872, %broadcast_in_dim3A_1816 : vector<16xi32>
      %add3A_1876 = arith.addi %add3A_1873, %broadcast_in_dim3A_1816 : vector<16xi32>
      %gather3A_1877 = tpu.vector_load_idx %arg7[%add3A_1792, %add3A_1875] : memref<512x128xf32, #tpu.memory_space<vmem>>[vector<16xi32>, vector<16xi32>], vector<16xf32>,
      tpu.vector_store_idx %arg8[%shift_right_arithmetic3A_1799, %add3A_1876], %gather3A_1877 : memref<256x128xf32, #tpu.memory_space<vmem>>[vector<16xi32>, vector<16xi32>], vector<16xf32>,
      %add3A_1878 = arith.addi %add3A_1875, %broadcast_in_dim3A_1816 : vector<16xi32>
      %add3A_1879 = arith.addi %add3A_1876, %broadcast_in_dim3A_1816 : vector<16xi32>
      %gather3A_1880 = tpu.vector_load_idx %arg7[%add3A_1792, %add3A_1878] : memref<512x128xf32, #tpu.memory_space<vmem>>[vector<16xi32>, vector<16xi32>], vector<16xf32>,
      tpu.vector_store_idx %arg8[%shift_right_arithmetic3A_1799, %add3A_1879], %gather3A_1880 : memref<256x128xf32, #tpu.memory_space<vmem>>[vector<16xi32>, vector<16xi32>], vector<16xf32>,
      %add3A_1881 = arith.addi %add3A_1878, %broadcast_in_dim3A_1816 : vector<16xi32>
      %add3A_1882 = arith.addi %add3A_1879, %broadcast_in_dim3A_1816 : vector<16xi32>
      %gather3A_1883 = tpu.vector_load_idx %arg7[%add3A_1792, %add3A_1881] : memref<512x128xf32, #tpu.memory_space<vmem>>[vector<16xi32>, vector<16xi32>], vector<16xf32>,
      tpu.vector_store_idx %arg8[%shift_right_arithmetic3A_1799, %add3A_1882], %gather3A_1883 : memref<256x128xf32, #tpu.memory_space<vmem>>[vector<16xi32>, vector<16xi32>], vector<16xf32>,
      %add3A_1884 = arith.addi %add3A_1881, %broadcast_in_dim3A_1816 : vector<16xi32>
      %add3A_1885 = arith.addi %add3A_1882, %broadcast_in_dim3A_1816 : vector<16xi32>
      %gather3A_1886 = tpu.vector_load_idx %arg7[%add3A_1792, %add3A_1884] : memref<512x128xf32, #tpu.memory_space<vmem>>[vector<16xi32>, vector<16xi32>], vector<16xf32>,
      tpu.vector_store_idx %arg8[%shift_right_arithmetic3A_1799, %add3A_1885], %gather3A_1886 : memref<256x128xf32, #tpu.memory_space<vmem>>[vector<16xi32>, vector<16xi32>], vector<16xf32>,
      %add3A_1887 = arith.addi %add3A_1884, %broadcast_in_dim3A_1816 : vector<16xi32>
      %add3A_1888 = arith.addi %add3A_1885, %broadcast_in_dim3A_1816 : vector<16xi32>
      %gather3A_1889 = tpu.vector_load_idx %arg7[%add3A_1792, %add3A_1887] : memref<512x128xf32, #tpu.memory_space<vmem>>[vector<16xi32>, vector<16xi32>], vector<16xf32>,
      tpu.vector_store_idx %arg8[%shift_right_arithmetic3A_1799, %add3A_1888], %gather3A_1889 : memref<256x128xf32, #tpu.memory_space<vmem>>[vector<16xi32>, vector<16xi32>], vector<16xf32>,
      %add3A_1890 = arith.addi %add3A_1887, %broadcast_in_dim3A_1816 : vector<16xi32>
      %add3A_1891 = arith.addi %add3A_1888, %broadcast_in_dim3A_1816 : vector<16xi32>
      %gather3A_1892 = tpu.vector_load_idx %arg7[%add3A_1792, %add3A_1890] : memref<512x128xf32, #tpu.memory_space<vmem>>[vector<16xi32>, vector<16xi32>], vector<16xf32>,
      tpu.vector_store_idx %arg8[%shift_right_arithmetic3A_1799, %add3A_1891], %gather3A_1892 : memref<256x128xf32, #tpu.memory_space<vmem>>[vector<16xi32>, vector<16xi32>], vector<16xf32>,
      %add3A_1893 = arith.addi %add3A_1890, %broadcast_in_dim3A_1816 : vector<16xi32>
      %add3A_1894 = arith.addi %add3A_1891, %broadcast_in_dim3A_1816 : vector<16xi32>
      %gather3A_1895 = tpu.vector_load_idx %arg7[%add3A_1792, %add3A_1893] : memref<512x128xf32, #tpu.memory_space<vmem>>[vector<16xi32>, vector<16xi32>], vector<16xf32>,
      tpu.vector_store_idx %arg8[%shift_right_arithmetic3A_1799, %add3A_1894], %gather3A_1895 : memref<256x128xf32, #tpu.memory_space<vmem>>[vector<16xi32>, vector<16xi32>], vector<16xf32>,
      %add3A_1896 = arith.addi %add3A_1893, %broadcast_in_dim3A_1816 : vector<16xi32>
      %add3A_1897 = arith.addi %add3A_1894, %broadcast_in_dim3A_1816 : vector<16xi32>
      %gather3A_1898 = tpu.vector_load_idx %arg7[%add3A_1792, %add3A_1896] : memref<512x128xf32, #tpu.memory_space<vmem>>[vector<16xi32>, vector<16xi32>], vector<16xf32>,
      tpu.vector_store_idx %arg8[%shift_right_arithmetic3A_1799, %add3A_1897], %gather3A_1898 : memref<256x128xf32, #tpu.memory_space<vmem>>[vector<16xi32>, vector<16xi32>], vector<16xf32>,
      %add3A_1899 = arith.addi %add3A_1896, %broadcast_in_dim3A_1816 : vector<16xi32>
      %add3A_1900 = arith.addi %add3A_1897, %broadcast_in_dim3A_1816 : vector<16xi32>
      %gather3A_1901 = tpu.vector_load_idx %arg7[%add3A_1792, %add3A_1899] : memref<512x128xf32, #tpu.memory_space<vmem>>[vector<16xi32>, vector<16xi32>], vector<16xf32>,
      tpu.vector_store_idx %arg8[%shift_right_arithmetic3A_1799, %add3A_1900], %gather3A_1901 : memref<256x128xf32, #tpu.memory_space<vmem>>[vector<16xi32>, vector<16xi32>], vector<16xf32>,
      %add3A_1902 = arith.addi %add3A_1899, %broadcast_in_dim3A_1816 : vector<16xi32>
      %add3A_1903 = arith.addi %add3A_1900, %broadcast_in_dim3A_1816 : vector<16xi32>
      %gather3A_1904 = tpu.vector_load_idx %arg7[%add3A_1792, %add3A_1902] : memref<512x128xf32, #tpu.memory_space<vmem>>[vector<16xi32>, vector<16xi32>], vector<16xf32>,
      tpu.vector_store_idx %arg8[%shift_right_arithmetic3A_1799, %add3A_1903], %gather3A_1904 : memref<256x128xf32, #tpu.memory_space<vmem>>[vector<16xi32>, vector<16xi32>], vector<16xf32>,
      %add3A_1905 = arith.addi %add3A_1902, %broadcast_in_dim3A_1816 : vector<16xi32>
      %add3A_1906 = arith.addi %add3A_1903, %broadcast_in_dim3A_1816 : vector<16xi32>
      %gather3A_1907 = tpu.vector_load_idx %arg7[%add3A_1792, %add3A_1905] : memref<512x128xf32, #tpu.memory_space<vmem>>[vector<16xi32>, vector<16xi32>], vector<16xf32>,
      tpu.vector_store_idx %arg8[%shift_right_arithmetic3A_1799, %add3A_1906], %gather3A_1907 : memref<256x128xf32, #tpu.memory_space<vmem>>[vector<16xi32>, vector<16xi32>], vector<16xf32>,
      %add3A_1908 = arith.addi %add3A_1905, %broadcast_in_dim3A_1816 : vector<16xi32>
      %add3A_1909 = arith.addi %add3A_1906, %broadcast_in_dim3A_1816 : vector<16xi32>
      %gather3A_1910 = tpu.vector_load_idx %arg7[%add3A_1792, %add3A_1908] : memref<512x128xf32, #tpu.memory_space<vmem>>[vector<16xi32>, vector<16xi32>], vector<16xf32>,
      tpu.vector_store_idx %arg8[%shift_right_arithmetic3A_1799, %add3A_1909], %gather3A_1910 : memref<256x128xf32, #tpu.memory_space<vmem>>[vector<16xi32>, vector<16xi32>], vector<16xf32>,
      %add3A_1911 = arith.addi %add3A_1908, %broadcast_in_dim3A_1816 : vector<16xi32>
      %add3A_1912 = arith.addi %add3A_1909, %broadcast_in_dim3A_1816 : vector<16xi32>
      %gather3A_1913 = tpu.vector_load_idx %arg7[%add3A_1792, %add3A_1911] : memref<512x128xf32, #tpu.memory_space<vmem>>[vector<16xi32>, vector<16xi32>], vector<16xf32>,
      tpu.vector_store_idx %arg8[%shift_right_arithmetic3A_1799, %add3A_1912], %gather3A_1913 : memref<256x128xf32, #tpu.memory_space<vmem>>[vector<16xi32>, vector<16xi32>], vector<16xf32>,
      %add3A_1914 = arith.addi %add3A_1911, %broadcast_in_dim3A_1816 : vector<16xi32>
      %add3A_1915 = arith.addi %add3A_1912, %broadcast_in_dim3A_1816 : vector<16xi32>
      %gather3A_1916 = tpu.vector_load_idx %arg7[%add3A_1792, %add3A_1914] : memref<512x128xf32, #tpu.memory_space<vmem>>[vector<16xi32>, vector<16xi32>], vector<16xf32>,
      tpu.vector_store_idx %arg8[%shift_right_arithmetic3A_1799, %add3A_1915], %gather3A_1916 : memref<256x128xf32, #tpu.memory_space<vmem>>[vector<16xi32>, vector<16xi32>], vector<16xf32>,
      %add3A_1917 = arith.addi %add3A_1914, %broadcast_in_dim3A_1816 : vector<16xi32>
      %add3A_1918 = arith.addi %add3A_1915, %broadcast_in_dim3A_1816 : vector<16xi32>
      %gather3A_1919 = tpu.vector_load_idx %arg7[%add3A_1792, %add3A_1917] : memref<512x128xf32, #tpu.memory_space<vmem>>[vector<16xi32>, vector<16xi32>], vector<16xf32>,
      tpu.vector_store_idx %arg8[%shift_right_arithmetic3A_1799, %add3A_1918], %gather3A_1919 : memref<256x128xf32, #tpu.memory_space<vmem>>[vector<16xi32>, vector<16xi32>], vector<16xf32>,
      %add3A_1920 = arith.addi %add3A_1917, %broadcast_in_dim3A_1816 : vector<16xi32>
      %add3A_1921 = arith.addi %add3A_1918, %broadcast_in_dim3A_1816 : vector<16xi32>
      %gather3A_1922 = tpu.vector_load_idx %arg7[%add3A_1792, %add3A_1920] : memref<512x128xf32, #tpu.memory_space<vmem>>[vector<16xi32>, vector<16xi32>], vector<16xf32>,
      tpu.vector_store_idx %arg8[%shift_right_arithmetic3A_1799, %add3A_1921], %gather3A_1922 : memref<256x128xf32, #tpu.memory_space<vmem>>[vector<16xi32>, vector<16xi32>], vector<16xf32>,
      %add3A_1923 = arith.addi %add3A_1920, %broadcast_in_dim3A_1816 : vector<16xi32>
      %add3A_1924 = arith.addi %add3A_1921, %broadcast_in_dim3A_1816 : vector<16xi32>
      %gather3A_1925 = tpu.vector_load_idx %arg7[%add3A_1792, %add3A_1923] : memref<512x128xf32, #tpu.memory_space<vmem>>[vector<16xi32>, vector<16xi32>], vector<16xf32>,
      tpu.vector_store_idx %arg8[%shift_right_arithmetic3A_1799, %add3A_1924], %gather3A_1925 : memref<256x128xf32, #tpu.memory_space<vmem>>[vector<16xi32>, vector<16xi32>], vector<16xf32>,
      %add3A_1926 = arith.addi %add3A_1923, %broadcast_in_dim3A_1816 : vector<16xi32>
      %add3A_1927 = arith.addi %add3A_1924, %broadcast_in_dim3A_1816 : vector<16xi32>
      %gather3A_1928 = tpu.vector_load_idx %arg7[%add3A_1792, %add3A_1926] : memref<512x128xf32, #tpu.memory_space<vmem>>[vector<16xi32>, vector<16xi32>], vector<16xf32>,
      tpu.vector_store_idx %arg8[%shift_right_arithmetic3A_1799, %add3A_1927], %gather3A_1928 : memref<256x128xf32, #tpu.memory_space<vmem>>[vector<16xi32>, vector<16xi32>], vector<16xf32>,
      %add3A_1929 = arith.addi %add3A_1926, %broadcast_in_dim3A_1816 : vector<16xi32>
      %add3A_1930 = arith.addi %add3A_1927, %broadcast_in_dim3A_1816 : vector<16xi32>
      %gather3A_1931 = tpu.vector_load_idx %arg7[%add3A_1792, %add3A_1929] : memref<512x128xf32, #tpu.memory_space<vmem>>[vector<16xi32>, vector<16xi32>], vector<16xf32>,
      tpu.vector_store_idx %arg8[%shift_right_arithmetic3A_1799, %add3A_1930], %gather3A_1931 : memref<256x128xf32, #tpu.memory_space<vmem>>[vector<16xi32>, vector<16xi32>], vector<16xf32>,
      %add3A_1932 = arith.addi %add3A_1929, %broadcast_in_dim3A_1816 : vector<16xi32>
      %add3A_1933 = arith.addi %add3A_1930, %broadcast_in_dim3A_1816 : vector<16xi32>
      %gather3A_1934 = tpu.vector_load_idx %arg7[%add3A_1792, %add3A_1932] : memref<512x128xf32, #tpu.memory_space<vmem>>[vector<16xi32>, vector<16xi32>], vector<16xf32>,
      tpu.vector_store_idx %arg8[%shift_right_arithmetic3A_1799, %add3A_1933], %gather3A_1934 : memref<256x128xf32, #tpu.memory_space<vmem>>[vector<16xi32>, vector<16xi32>], vector<16xf32>,
      %add3A_1935 = arith.addi %add3A_1932, %broadcast_in_dim3A_1816 : vector<16xi32>
      %add3A_1936 = arith.addi %add3A_1933, %broadcast_in_dim3A_1816 : vector<16xi32>
      %gather3A_1937 = tpu.vector_load_idx %arg7[%add3A_1792, %add3A_1935] : memref<512x128xf32, #tpu.memory_space<vmem>>[vector<16xi32>, vector<16xi32>], vector<16xf32>,
      tpu.vector_store_idx %arg8[%shift_right_arithmetic3A_1799, %add3A_1936], %gather3A_1937 : memref<256x128xf32, #tpu.memory_space<vmem>>[vector<16xi32>, vector<16xi32>], vector<16xf32>,
      %add3A_1938 = arith.addi %add3A_1935, %broadcast_in_dim3A_1816 : vector<16xi32>
      %add3A_1939 = arith.addi %add3A_1936, %broadcast_in_dim3A_1816 : vector<16xi32>
      %gather3A_1940 = tpu.vector_load_idx %arg7[%add3A_1792, %add3A_1938] : memref<512x128xf32, #tpu.memory_space<vmem>>[vector<16xi32>, vector<16xi32>], vector<16xf32>,
      tpu.vector_store_idx %arg8[%shift_right_arithmetic3A_1799, %add3A_1939], %gather3A_1940 : memref<256x128xf32, #tpu.memory_space<vmem>>[vector<16xi32>, vector<16xi32>], vector<16xf32>,
      %add3A_1941 = arith.addi %add3A_1938, %broadcast_in_dim3A_1816 : vector<16xi32>
      %add3A_1942 = arith.addi %add3A_1939, %broadcast_in_dim3A_1816 : vector<16xi32>
      %gather3A_1943 = tpu.vector_load_idx %arg7[%add3A_1792, %add3A_1941] : memref<512x128xf32, #tpu.memory_space<vmem>>[vector<16xi32>, vector<16xi32>], vector<16xf32>,
      tpu.vector_store_idx %arg8[%shift_right_arithmetic3A_1799, %add3A_1942], %gather3A_1943 : memref<256x128xf32, #tpu.memory_space<vmem>>[vector<16xi32>, vector<16xi32>], vector<16xf32>,
      %add3A_1944 = arith.addi %add3A_1941, %broadcast_in_dim3A_1816 : vector<16xi32>
      %add3A_1945 = arith.addi %add3A_1942, %broadcast_in_dim3A_1816 : vector<16xi32>
      %gather3A_1946 = tpu.vector_load_idx %arg7[%add3A_1792, %add3A_1944] : memref<512x128xf32, #tpu.memory_space<vmem>>[vector<16xi32>, vector<16xi32>], vector<16xf32>,
      tpu.vector_store_idx %arg8[%shift_right_arithmetic3A_1799, %add3A_1945], %gather3A_1946 : memref<256x128xf32, #tpu.memory_space<vmem>>[vector<16xi32>, vector<16xi32>], vector<16xf32>,
      %add3A_1947 = arith.addi %add3A_1944, %broadcast_in_dim3A_1816 : vector<16xi32>
      %add3A_1948 = arith.addi %add3A_1945, %broadcast_in_dim3A_1816 : vector<16xi32>
      %gather3A_1949 = tpu.vector_load_idx %arg7[%add3A_1792, %add3A_1947] : memref<512x128xf32, #tpu.memory_space<vmem>>[vector<16xi32>, vector<16xi32>], vector<16xf32>,
      tpu.vector_store_idx %arg8[%shift_right_arithmetic3A_1799, %add3A_1948], %gather3A_1949 : memref<256x128xf32, #tpu.memory_space<vmem>>[vector<16xi32>, vector<16xi32>], vector<16xf32>,
      %add3A_1950 = arith.addi %add3A_1947, %broadcast_in_dim3A_1816 : vector<16xi32>
      %add3A_1951 = arith.addi %add3A_1948, %broadcast_in_dim3A_1816 : vector<16xi32>
      %gather3A_1952 = tpu.vector_load_idx %arg7[%add3A_1792, %add3A_1950] : memref<512x128xf32, #tpu.memory_space<vmem>>[vector<16xi32>, vector<16xi32>], vector<16xf32>,
      tpu.vector_store_idx %arg8[%shift_right_arithmetic3A_1799, %add3A_1951], %gather3A_1952 : memref<256x128xf32, #tpu.memory_space<vmem>>[vector<16xi32>, vector<16xi32>], vector<16xf32>,
      %add3A_1953 = arith.addi %add3A_1950, %broadcast_in_dim3A_1816 : vector<16xi32>
      %add3A_1954 = arith.addi %add3A_1951, %broadcast_in_dim3A_1816 : vector<16xi32>
      %gather3A_1955 = tpu.vector_load_idx %arg7[%add3A_1792, %add3A_1953] : memref<512x128xf32, #tpu.memory_space<vmem>>[vector<16xi32>, vector<16xi32>], vector<16xf32>,
      tpu.vector_store_idx %arg8[%shift_right_arithmetic3A_1799, %add3A_1954], %gather3A_1955 : memref<256x128xf32, #tpu.memory_space<vmem>>[vector<16xi32>, vector<16xi32>], vector<16xf32>,
      %add3A_1956 = arith.addi %add3A_1953, %broadcast_in_dim3A_1816 : vector<16xi32>
      %add3A_1957 = arith.addi %add3A_1954, %broadcast_in_dim3A_1816 : vector<16xi32>
      %gather3A_1958 = tpu.vector_load_idx %arg7[%add3A_1792, %add3A_1956] : memref<512x128xf32, #tpu.memory_space<vmem>>[vector<16xi32>, vector<16xi32>], vector<16xf32>,
      tpu.vector_store_idx %arg8[%shift_right_arithmetic3A_1799, %add3A_1957], %gather3A_1958 : memref<256x128xf32, #tpu.memory_space<vmem>>[vector<16xi32>, vector<16xi32>], vector<16xf32>,
      %add3A_1959 = arith.addi %add3A_1956, %broadcast_in_dim3A_1816 : vector<16xi32>
      %add3A_1960 = arith.addi %add3A_1957, %broadcast_in_dim3A_1816 : vector<16xi32>
      %gather3A_1961 = tpu.vector_load_idx %arg7[%add3A_1792, %add3A_1959] : memref<512x128xf32, #tpu.memory_space<vmem>>[vector<16xi32>, vector<16xi32>], vector<16xf32>,
      tpu.vector_store_idx %arg8[%shift_right_arithmetic3A_1799, %add3A_1960], %gather3A_1961 : memref<256x128xf32, #tpu.memory_space<vmem>>[vector<16xi32>, vector<16xi32>], vector<16xf32>,
      %add3A_1962 = arith.addi %add3A_1959, %broadcast_in_dim3A_1816 : vector<16xi32>
      %add3A_1963 = arith.addi %add3A_1960, %broadcast_in_dim3A_1816 : vector<16xi32>
      %gather3A_1964 = tpu.vector_load_idx %arg7[%add3A_1792, %add3A_1962] : memref<512x128xf32, #tpu.memory_space<vmem>>[vector<16xi32>, vector<16xi32>], vector<16xf32>,
      tpu.vector_store_idx %arg8[%shift_right_arithmetic3A_1799, %add3A_1963], %gather3A_1964 : memref<256x128xf32, #tpu.memory_space<vmem>>[vector<16xi32>, vector<16xi32>], vector<16xf32>,
      %add3A_1965 = arith.addi %add3A_1962, %broadcast_in_dim3A_1816 : vector<16xi32>
      %add3A_1966 = arith.addi %add3A_1963, %broadcast_in_dim3A_1816 : vector<16xi32>
      %gather3A_1967 = tpu.vector_load_idx %arg7[%add3A_1792, %add3A_1965] : memref<512x128xf32, #tpu.memory_space<vmem>>[vector<16xi32>, vector<16xi32>], vector<16xf32>,
      tpu.vector_store_idx %arg8[%shift_right_arithmetic3A_1799, %add3A_1966], %gather3A_1967 : memref<256x128xf32, #tpu.memory_space<vmem>>[vector<16xi32>, vector<16xi32>], vector<16xf32>,
      %add3A_1968 = arith.addi %add3A_1965, %broadcast_in_dim3A_1816 : vector<16xi32>
      %add3A_1969 = arith.addi %add3A_1966, %broadcast_in_dim3A_1816 : vector<16xi32>
      %gather3A_1970 = tpu.vector_load_idx %arg7[%add3A_1792, %add3A_1968] : memref<512x128xf32, #tpu.memory_space<vmem>>[vector<16xi32>, vector<16xi32>], vector<16xf32>,
      tpu.vector_store_idx %arg8[%shift_right_arithmetic3A_1799, %add3A_1969], %gather3A_1970 : memref<256x128xf32, #tpu.memory_space<vmem>>[vector<16xi32>, vector<16xi32>], vector<16xf32>,
      %add3A_1971 = arith.addi %add3A_1968, %broadcast_in_dim3A_1816 : vector<16xi32>
      %add3A_1972 = arith.addi %add3A_1969, %broadcast_in_dim3A_1816 : vector<16xi32>
      %gather3A_1973 = tpu.vector_load_idx %arg7[%add3A_1792, %add3A_1971] : memref<512x128xf32, #tpu.memory_space<vmem>>[vector<16xi32>, vector<16xi32>], vector<16xf32>,
      tpu.vector_store_idx %arg8[%shift_right_arithmetic3A_1799, %add3A_1972], %gather3A_1973 : memref<256x128xf32, #tpu.memory_space<vmem>>[vector<16xi32>, vector<16xi32>], vector<16xf32>,
      %add3A_1974 = arith.addi %add3A_1971, %broadcast_in_dim3A_1816 : vector<16xi32>
      %add3A_1975 = arith.addi %add3A_1972, %broadcast_in_dim3A_1816 : vector<16xi32>
      %gather3A_1976 = tpu.vector_load_idx %arg7[%add3A_1792, %add3A_1974] : memref<512x128xf32, #tpu.memory_space<vmem>>[vector<16xi32>, vector<16xi32>], vector<16xf32>,
      tpu.vector_store_idx %arg8[%shift_right_arithmetic3A_1799, %add3A_1975], %gather3A_1976 : memref<256x128xf32, #tpu.memory_space<vmem>>[vector<16xi32>, vector<16xi32>], vector<16xf32>,
      %add3A_1977 = arith.addi %add3A_1974, %broadcast_in_dim3A_1816 : vector<16xi32>
      %add3A_1978 = arith.addi %add3A_1975, %broadcast_in_dim3A_1816 : vector<16xi32>
      %gather3A_1979 = tpu.vector_load_idx %arg7[%add3A_1792, %add3A_1977] : memref<512x128xf32, #tpu.memory_space<vmem>>[vector<16xi32>, vector<16xi32>], vector<16xf32>,
      tpu.vector_store_idx %arg8[%shift_right_arithmetic3A_1799, %add3A_1978], %gather3A_1979 : memref<256x128xf32, #tpu.memory_space<vmem>>[vector<16xi32>, vector<16xi32>], vector<16xf32>,
      %add3A_1980 = arith.addi %add3A_1977, %broadcast_in_dim3A_1816 : vector<16xi32>
      %add3A_1981 = arith.addi %add3A_1978, %broadcast_in_dim3A_1816 : vector<16xi32>
      %gather3A_1982 = tpu.vector_load_idx %arg7[%add3A_1792, %add3A_1980] : memref<512x128xf32, #tpu.memory_space<vmem>>[vector<16xi32>, vector<16xi32>], vector<16xf32>,
      tpu.vector_store_idx %arg8[%shift_right_arithmetic3A_1799, %add3A_1981], %gather3A_1982 : memref<256x128xf32, #tpu.memory_space<vmem>>[vector<16xi32>, vector<16xi32>], vector<16xf32>,
      %add3A_1983 = arith.addi %add3A_1980, %broadcast_in_dim3A_1816 : vector<16xi32>
      %add3A_1984 = arith.addi %add3A_1981, %broadcast_in_dim3A_1816 : vector<16xi32>
      %gather3A_1985 = tpu.vector_load_idx %arg7[%add3A_1792, %add3A_1983] : memref<512x128xf32, #tpu.memory_space<vmem>>[vector<16xi32>, vector<16xi32>], vector<16xf32>,
      tpu.vector_store_idx %arg8[%shift_right_arithmetic3A_1799, %add3A_1984], %gather3A_1985 : memref<256x128xf32, #tpu.memory_space<vmem>>[vector<16xi32>, vector<16xi32>], vector<16xf32>,
      %add3A_1986 = arith.addi %add3A_1983, %broadcast_in_dim3A_1816 : vector<16xi32>
      %add3A_1987 = arith.addi %add3A_1984, %broadcast_in_dim3A_1816 : vector<16xi32>
      %gather3A_1988 = tpu.vector_load_idx %arg7[%add3A_1792, %add3A_1986] : memref<512x128xf32, #tpu.memory_space<vmem>>[vector<16xi32>, vector<16xi32>], vector<16xf32>,
      tpu.vector_store_idx %arg8[%shift_right_arithmetic3A_1799, %add3A_1987], %gather3A_1988 : memref<256x128xf32, #tpu.memory_space<vmem>>[vector<16xi32>, vector<16xi32>], vector<16xf32>,
      %add3A_1989 = arith.addi %add3A_1986, %broadcast_in_dim3A_1816 : vector<16xi32>
      %add3A_1990 = arith.addi %add3A_1987, %broadcast_in_dim3A_1816 : vector<16xi32>
      %gather3A_1991 = tpu.vector_load_idx %arg7[%add3A_1792, %add3A_1989] : memref<512x128xf32, #tpu.memory_space<vmem>>[vector<16xi32>, vector<16xi32>], vector<16xf32>,
      tpu.vector_store_idx %arg8[%shift_right_arithmetic3A_1799, %add3A_1990], %gather3A_1991 : memref<256x128xf32, #tpu.memory_space<vmem>>[vector<16xi32>, vector<16xi32>], vector<16xf32>,
      %add3A_1992 = arith.addi %add3A_1989, %broadcast_in_dim3A_1816 : vector<16xi32>
      %add3A_1993 = arith.addi %add3A_1990, %broadcast_in_dim3A_1816 : vector<16xi32>
      %gather3A_1994 = tpu.vector_load_idx %arg7[%add3A_1792, %add3A_1992] : memref<512x128xf32, #tpu.memory_space<vmem>>[vector<16xi32>, vector<16xi32>], vector<16xf32>,
      tpu.vector_store_idx %arg8[%shift_right_arithmetic3A_1799, %add3A_1993], %gather3A_1994 : memref<256x128xf32, #tpu.memory_space<vmem>>[vector<16xi32>, vector<16xi32>], vector<16xf32>,
      %add3A_1995 = arith.addi %add3A_1992, %broadcast_in_dim3A_1816 : vector<16xi32>
      %add3A_1996 = arith.addi %add3A_1993, %broadcast_in_dim3A_1816 : vector<16xi32>
      %gather3A_1997 = tpu.vector_load_idx %arg7[%add3A_1792, %add3A_1995] : memref<512x128xf32, #tpu.memory_space<vmem>>[vector<16xi32>, vector<16xi32>], vector<16xf32>,
      tpu.vector_store_idx %arg8[%shift_right_arithmetic3A_1799, %add3A_1996], %gather3A_1997 : memref<256x128xf32, #tpu.memory_space<vmem>>[vector<16xi32>, vector<16xi32>], vector<16xf32>,
      %add3A_1998 = arith.addi %add3A_1995, %broadcast_in_dim3A_1816 : vector<16xi32>
      %add3A_1999 = arith.addi %add3A_1996, %broadcast_in_dim3A_1816 : vector<16xi32>
      %gather3A_2000 = tpu.vector_load_idx %arg7[%add3A_1792, %add3A_1998] : memref<512x128xf32, #tpu.memory_space<vmem>>[vector<16xi32>, vector<16xi32>], vector<16xf32>,
      tpu.vector_store_idx %arg8[%shift_right_arithmetic3A_1799, %add3A_1999], %gather3A_2000 : memref<256x128xf32, #tpu.memory_space<vmem>>[vector<16xi32>, vector<16xi32>], vector<16xf32>,
      %add3A_2001 = arith.addi %add3A_1998, %broadcast_in_dim3A_1816 : vector<16xi32>
      %add3A_2002 = arith.addi %add3A_1999, %broadcast_in_dim3A_1816 : vector<16xi32>
      %gather3A_2003 = tpu.vector_load_idx %arg7[%add3A_1792, %add3A_2001] : memref<512x128xf32, #tpu.memory_space<vmem>>[vector<16xi32>, vector<16xi32>], vector<16xf32>,
      tpu.vector_store_idx %arg8[%shift_right_arithmetic3A_1799, %add3A_2002], %gather3A_2003 : memref<256x128xf32, #tpu.memory_space<vmem>>[vector<16xi32>, vector<16xi32>], vector<16xf32>,
      %add3A_2004 = arith.addi %add3A_2001, %broadcast_in_dim3A_1816 : vector<16xi32>
      %add3A_2005 = arith.addi %add3A_2002, %broadcast_in_dim3A_1816 : vector<16xi32>
      %gather3A_2006 = tpu.vector_load_idx %arg7[%add3A_1792, %add3A_2004] : memref<512x128xf32, #tpu.memory_space<vmem>>[vector<16xi32>, vector<16xi32>], vector<16xf32>,
      tpu.vector_store_idx %arg8[%shift_right_arithmetic3A_1799, %add3A_2005], %gather3A_2006 : memref<256x128xf32, #tpu.memory_space<vmem>>[vector<16xi32>, vector<16xi32>], vector<16xf32>,
      %iota3A_2007 = tpu.iota {dimensions = array<i32: 0>} : vector<16xi32>
      %add3A_2008 = vector.broadcast %mul3A_469 : i32 to vector<16xi32>
      %add3A_2009 = arith.addi %iota3A_2007, %add3A_2008 : vector<16xi32>
      %add3A_2010 = arith.constant 112 : i32
      %add3A_2011 = vector.broadcast %add3A_2010 : i32 to vector<16xi32>
      %add3A_2012 = arith.addi %add3A_2009, %add3A_2011 : vector<16xi32>
      %add3A_2013 = arith.constant 112 : i32
      %add3A_2014 = arith.addi %mul3A_469, %add3A_2013 : i32
      %get3A_2015 = arith.index_cast %add3A_2014 : i32 to index
      %get3A_2016 = tpu.vector_load %arg5[%get3A_2015] {strides = array<i32>} : memref<512xi32, #tpu.memory_space<vmem>>, vector<16xi32>,
      %shift_right_arithmetic3A_2017 = arith.constant 1 : i32
      %shift_right_arithmetic3A_2018 = vector.broadcast %shift_right_arithmetic3A_2017 : i32 to vector<16xi32>
      %shift_right_arithmetic3A_2019 = arith.shrsi %add3A_2012, %shift_right_arithmetic3A_2018 : vector<16xi32>
      %shift_right_arithmetic3A_2020 = arith.constant 13 : i32
      %shift_right_arithmetic3A_2021 = vector.broadcast %shift_right_arithmetic3A_2020 : i32 to vector<16xi32>
      %shift_right_arithmetic3A_2022 = arith.shrsi %get3A_2016, %shift_right_arithmetic3A_2021 : vector<16xi32>
      %and3A_2023 = arith.constant 1 : i32
      %and3A_2024 = vector.broadcast %and3A_2023 : i32 to vector<16xi32>
      %and3A_2025 = arith.andi %shift_right_arithmetic3A_2022, %and3A_2024 : vector<16xi32>
      %mul3A_2026 = arith.constant 64 : i32
      %mul3A_2027 = vector.broadcast %mul3A_2026 : i32 to vector<16xi32>
      %mul3A_2028 = arith.muli %and3A_2025, %mul3A_2027 : vector<16xi32>
      %and3A_2029 = arith.constant 1 : i32
      %and3A_2030 = vector.broadcast %and3A_2029 : i32 to vector<16xi32>
      %and3A_2031 = arith.andi %add3A_2012, %and3A_2030 : vector<16xi32>
      %mul3A_2032 = arith.constant 64 : i32
      %mul3A_2033 = vector.broadcast %mul3A_2032 : i32 to vector<16xi32>
      %mul3A_2034 = arith.muli %and3A_2031, %mul3A_2033 : vector<16xi32>
      %broadcast_in_dim3A_2035 = arith.constant 1 : i32
      %broadcast_in_dim3A_2036 = vector.broadcast %broadcast_in_dim3A_2035 : i32 to vector<16xi32>
      %gather3A_2037 = tpu.vector_load_idx %arg7[%add3A_2012, %mul3A_2028] : memref<512x128xf32, #tpu.memory_space<vmem>>[vector<16xi32>, vector<16xi32>], vector<16xf32>,
      tpu.vector_store_idx %arg8[%shift_right_arithmetic3A_2019, %mul3A_2034], %gather3A_2037 : memref<256x128xf32, #tpu.memory_space<vmem>>[vector<16xi32>, vector<16xi32>], vector<16xf32>,
      %add3A_2038 = arith.addi %mul3A_2028, %broadcast_in_dim3A_2036 : vector<16xi32>
      %add3A_2039 = arith.addi %mul3A_2034, %broadcast_in_dim3A_2036 : vector<16xi32>
      %gather3A_2040 = tpu.vector_load_idx %arg7[%add3A_2012, %add3A_2038] : memref<512x128xf32, #tpu.memory_space<vmem>>[vector<16xi32>, vector<16xi32>], vector<16xf32>,
      tpu.vector_store_idx %arg8[%shift_right_arithmetic3A_2019, %add3A_2039], %gather3A_2040 : memref<256x128xf32, #tpu.memory_space<vmem>>[vector<16xi32>, vector<16xi32>], vector<16xf32>,
      %add3A_2041 = arith.addi %add3A_2038, %broadcast_in_dim3A_2036 : vector<16xi32>
      %add3A_2042 = arith.addi %add3A_2039, %broadcast_in_dim3A_2036 : vector<16xi32>
      %gather3A_2043 = tpu.vector_load_idx %arg7[%add3A_2012, %add3A_2041] : memref<512x128xf32, #tpu.memory_space<vmem>>[vector<16xi32>, vector<16xi32>], vector<16xf32>,
      tpu.vector_store_idx %arg8[%shift_right_arithmetic3A_2019, %add3A_2042], %gather3A_2043 : memref<256x128xf32, #tpu.memory_space<vmem>>[vector<16xi32>, vector<16xi32>], vector<16xf32>,
      %add3A_2044 = arith.addi %add3A_2041, %broadcast_in_dim3A_2036 : vector<16xi32>
      %add3A_2045 = arith.addi %add3A_2042, %broadcast_in_dim3A_2036 : vector<16xi32>
      %gather3A_2046 = tpu.vector_load_idx %arg7[%add3A_2012, %add3A_2044] : memref<512x128xf32, #tpu.memory_space<vmem>>[vector<16xi32>, vector<16xi32>], vector<16xf32>,
      tpu.vector_store_idx %arg8[%shift_right_arithmetic3A_2019, %add3A_2045], %gather3A_2046 : memref<256x128xf32, #tpu.memory_space<vmem>>[vector<16xi32>, vector<16xi32>], vector<16xf32>,
      %add3A_2047 = arith.addi %add3A_2044, %broadcast_in_dim3A_2036 : vector<16xi32>
      %add3A_2048 = arith.addi %add3A_2045, %broadcast_in_dim3A_2036 : vector<16xi32>
      %gather3A_2049 = tpu.vector_load_idx %arg7[%add3A_2012, %add3A_2047] : memref<512x128xf32, #tpu.memory_space<vmem>>[vector<16xi32>, vector<16xi32>], vector<16xf32>,
      tpu.vector_store_idx %arg8[%shift_right_arithmetic3A_2019, %add3A_2048], %gather3A_2049 : memref<256x128xf32, #tpu.memory_space<vmem>>[vector<16xi32>, vector<16xi32>], vector<16xf32>,
      %add3A_2050 = arith.addi %add3A_2047, %broadcast_in_dim3A_2036 : vector<16xi32>
      %add3A_2051 = arith.addi %add3A_2048, %broadcast_in_dim3A_2036 : vector<16xi32>
      %gather3A_2052 = tpu.vector_load_idx %arg7[%add3A_2012, %add3A_2050] : memref<512x128xf32, #tpu.memory_space<vmem>>[vector<16xi32>, vector<16xi32>], vector<16xf32>,
      tpu.vector_store_idx %arg8[%shift_right_arithmetic3A_2019, %add3A_2051], %gather3A_2052 : memref<256x128xf32, #tpu.memory_space<vmem>>[vector<16xi32>, vector<16xi32>], vector<16xf32>,
      %add3A_2053 = arith.addi %add3A_2050, %broadcast_in_dim3A_2036 : vector<16xi32>
      %add3A_2054 = arith.addi %add3A_2051, %broadcast_in_dim3A_2036 : vector<16xi32>
      %gather3A_2055 = tpu.vector_load_idx %arg7[%add3A_2012, %add3A_2053] : memref<512x128xf32, #tpu.memory_space<vmem>>[vector<16xi32>, vector<16xi32>], vector<16xf32>,
      tpu.vector_store_idx %arg8[%shift_right_arithmetic3A_2019, %add3A_2054], %gather3A_2055 : memref<256x128xf32, #tpu.memory_space<vmem>>[vector<16xi32>, vector<16xi32>], vector<16xf32>,
      %add3A_2056 = arith.addi %add3A_2053, %broadcast_in_dim3A_2036 : vector<16xi32>
      %add3A_2057 = arith.addi %add3A_2054, %broadcast_in_dim3A_2036 : vector<16xi32>
      %gather3A_2058 = tpu.vector_load_idx %arg7[%add3A_2012, %add3A_2056] : memref<512x128xf32, #tpu.memory_space<vmem>>[vector<16xi32>, vector<16xi32>], vector<16xf32>,
      tpu.vector_store_idx %arg8[%shift_right_arithmetic3A_2019, %add3A_2057], %gather3A_2058 : memref<256x128xf32, #tpu.memory_space<vmem>>[vector<16xi32>, vector<16xi32>], vector<16xf32>,
      %add3A_2059 = arith.addi %add3A_2056, %broadcast_in_dim3A_2036 : vector<16xi32>
      %add3A_2060 = arith.addi %add3A_2057, %broadcast_in_dim3A_2036 : vector<16xi32>
      %gather3A_2061 = tpu.vector_load_idx %arg7[%add3A_2012, %add3A_2059] : memref<512x128xf32, #tpu.memory_space<vmem>>[vector<16xi32>, vector<16xi32>], vector<16xf32>,
      tpu.vector_store_idx %arg8[%shift_right_arithmetic3A_2019, %add3A_2060], %gather3A_2061 : memref<256x128xf32, #tpu.memory_space<vmem>>[vector<16xi32>, vector<16xi32>], vector<16xf32>,
      %add3A_2062 = arith.addi %add3A_2059, %broadcast_in_dim3A_2036 : vector<16xi32>
      %add3A_2063 = arith.addi %add3A_2060, %broadcast_in_dim3A_2036 : vector<16xi32>
      %gather3A_2064 = tpu.vector_load_idx %arg7[%add3A_2012, %add3A_2062] : memref<512x128xf32, #tpu.memory_space<vmem>>[vector<16xi32>, vector<16xi32>], vector<16xf32>,
      tpu.vector_store_idx %arg8[%shift_right_arithmetic3A_2019, %add3A_2063], %gather3A_2064 : memref<256x128xf32, #tpu.memory_space<vmem>>[vector<16xi32>, vector<16xi32>], vector<16xf32>,
      %add3A_2065 = arith.addi %add3A_2062, %broadcast_in_dim3A_2036 : vector<16xi32>
      %add3A_2066 = arith.addi %add3A_2063, %broadcast_in_dim3A_2036 : vector<16xi32>
      %gather3A_2067 = tpu.vector_load_idx %arg7[%add3A_2012, %add3A_2065] : memref<512x128xf32, #tpu.memory_space<vmem>>[vector<16xi32>, vector<16xi32>], vector<16xf32>,
      tpu.vector_store_idx %arg8[%shift_right_arithmetic3A_2019, %add3A_2066], %gather3A_2067 : memref<256x128xf32, #tpu.memory_space<vmem>>[vector<16xi32>, vector<16xi32>], vector<16xf32>,
      %add3A_2068 = arith.addi %add3A_2065, %broadcast_in_dim3A_2036 : vector<16xi32>
      %add3A_2069 = arith.addi %add3A_2066, %broadcast_in_dim3A_2036 : vector<16xi32>
      %gather3A_2070 = tpu.vector_load_idx %arg7[%add3A_2012, %add3A_2068] : memref<512x128xf32, #tpu.memory_space<vmem>>[vector<16xi32>, vector<16xi32>], vector<16xf32>,
      tpu.vector_store_idx %arg8[%shift_right_arithmetic3A_2019, %add3A_2069], %gather3A_2070 : memref<256x128xf32, #tpu.memory_space<vmem>>[vector<16xi32>, vector<16xi32>], vector<16xf32>,
      %add3A_2071 = arith.addi %add3A_2068, %broadcast_in_dim3A_2036 : vector<16xi32>
      %add3A_2072 = arith.addi %add3A_2069, %broadcast_in_dim3A_2036 : vector<16xi32>
      %gather3A_2073 = tpu.vector_load_idx %arg7[%add3A_2012, %add3A_2071] : memref<512x128xf32, #tpu.memory_space<vmem>>[vector<16xi32>, vector<16xi32>], vector<16xf32>,
      tpu.vector_store_idx %arg8[%shift_right_arithmetic3A_2019, %add3A_2072], %gather3A_2073 : memref<256x128xf32, #tpu.memory_space<vmem>>[vector<16xi32>, vector<16xi32>], vector<16xf32>,
      %add3A_2074 = arith.addi %add3A_2071, %broadcast_in_dim3A_2036 : vector<16xi32>
      %add3A_2075 = arith.addi %add3A_2072, %broadcast_in_dim3A_2036 : vector<16xi32>
      %gather3A_2076 = tpu.vector_load_idx %arg7[%add3A_2012, %add3A_2074] : memref<512x128xf32, #tpu.memory_space<vmem>>[vector<16xi32>, vector<16xi32>], vector<16xf32>,
      tpu.vector_store_idx %arg8[%shift_right_arithmetic3A_2019, %add3A_2075], %gather3A_2076 : memref<256x128xf32, #tpu.memory_space<vmem>>[vector<16xi32>, vector<16xi32>], vector<16xf32>,
      %add3A_2077 = arith.addi %add3A_2074, %broadcast_in_dim3A_2036 : vector<16xi32>
      %add3A_2078 = arith.addi %add3A_2075, %broadcast_in_dim3A_2036 : vector<16xi32>
      %gather3A_2079 = tpu.vector_load_idx %arg7[%add3A_2012, %add3A_2077] : memref<512x128xf32, #tpu.memory_space<vmem>>[vector<16xi32>, vector<16xi32>], vector<16xf32>,
      tpu.vector_store_idx %arg8[%shift_right_arithmetic3A_2019, %add3A_2078], %gather3A_2079 : memref<256x128xf32, #tpu.memory_space<vmem>>[vector<16xi32>, vector<16xi32>], vector<16xf32>,
      %add3A_2080 = arith.addi %add3A_2077, %broadcast_in_dim3A_2036 : vector<16xi32>
      %add3A_2081 = arith.addi %add3A_2078, %broadcast_in_dim3A_2036 : vector<16xi32>
      %gather3A_2082 = tpu.vector_load_idx %arg7[%add3A_2012, %add3A_2080] : memref<512x128xf32, #tpu.memory_space<vmem>>[vector<16xi32>, vector<16xi32>], vector<16xf32>,
      tpu.vector_store_idx %arg8[%shift_right_arithmetic3A_2019, %add3A_2081], %gather3A_2082 : memref<256x128xf32, #tpu.memory_space<vmem>>[vector<16xi32>, vector<16xi32>], vector<16xf32>,
      %add3A_2083 = arith.addi %add3A_2080, %broadcast_in_dim3A_2036 : vector<16xi32>
      %add3A_2084 = arith.addi %add3A_2081, %broadcast_in_dim3A_2036 : vector<16xi32>
      %gather3A_2085 = tpu.vector_load_idx %arg7[%add3A_2012, %add3A_2083] : memref<512x128xf32, #tpu.memory_space<vmem>>[vector<16xi32>, vector<16xi32>], vector<16xf32>,
      tpu.vector_store_idx %arg8[%shift_right_arithmetic3A_2019, %add3A_2084], %gather3A_2085 : memref<256x128xf32, #tpu.memory_space<vmem>>[vector<16xi32>, vector<16xi32>], vector<16xf32>,
      %add3A_2086 = arith.addi %add3A_2083, %broadcast_in_dim3A_2036 : vector<16xi32>
      %add3A_2087 = arith.addi %add3A_2084, %broadcast_in_dim3A_2036 : vector<16xi32>
      %gather3A_2088 = tpu.vector_load_idx %arg7[%add3A_2012, %add3A_2086] : memref<512x128xf32, #tpu.memory_space<vmem>>[vector<16xi32>, vector<16xi32>], vector<16xf32>,
      tpu.vector_store_idx %arg8[%shift_right_arithmetic3A_2019, %add3A_2087], %gather3A_2088 : memref<256x128xf32, #tpu.memory_space<vmem>>[vector<16xi32>, vector<16xi32>], vector<16xf32>,
      %add3A_2089 = arith.addi %add3A_2086, %broadcast_in_dim3A_2036 : vector<16xi32>
      %add3A_2090 = arith.addi %add3A_2087, %broadcast_in_dim3A_2036 : vector<16xi32>
      %gather3A_2091 = tpu.vector_load_idx %arg7[%add3A_2012, %add3A_2089] : memref<512x128xf32, #tpu.memory_space<vmem>>[vector<16xi32>, vector<16xi32>], vector<16xf32>,
      tpu.vector_store_idx %arg8[%shift_right_arithmetic3A_2019, %add3A_2090], %gather3A_2091 : memref<256x128xf32, #tpu.memory_space<vmem>>[vector<16xi32>, vector<16xi32>], vector<16xf32>,
      %add3A_2092 = arith.addi %add3A_2089, %broadcast_in_dim3A_2036 : vector<16xi32>
      %add3A_2093 = arith.addi %add3A_2090, %broadcast_in_dim3A_2036 : vector<16xi32>
      %gather3A_2094 = tpu.vector_load_idx %arg7[%add3A_2012, %add3A_2092] : memref<512x128xf32, #tpu.memory_space<vmem>>[vector<16xi32>, vector<16xi32>], vector<16xf32>,
      tpu.vector_store_idx %arg8[%shift_right_arithmetic3A_2019, %add3A_2093], %gather3A_2094 : memref<256x128xf32, #tpu.memory_space<vmem>>[vector<16xi32>, vector<16xi32>], vector<16xf32>,
      %add3A_2095 = arith.addi %add3A_2092, %broadcast_in_dim3A_2036 : vector<16xi32>
      %add3A_2096 = arith.addi %add3A_2093, %broadcast_in_dim3A_2036 : vector<16xi32>
      %gather3A_2097 = tpu.vector_load_idx %arg7[%add3A_2012, %add3A_2095] : memref<512x128xf32, #tpu.memory_space<vmem>>[vector<16xi32>, vector<16xi32>], vector<16xf32>,
      tpu.vector_store_idx %arg8[%shift_right_arithmetic3A_2019, %add3A_2096], %gather3A_2097 : memref<256x128xf32, #tpu.memory_space<vmem>>[vector<16xi32>, vector<16xi32>], vector<16xf32>,
      %add3A_2098 = arith.addi %add3A_2095, %broadcast_in_dim3A_2036 : vector<16xi32>
      %add3A_2099 = arith.addi %add3A_2096, %broadcast_in_dim3A_2036 : vector<16xi32>
      %gather3A_2100 = tpu.vector_load_idx %arg7[%add3A_2012, %add3A_2098] : memref<512x128xf32, #tpu.memory_space<vmem>>[vector<16xi32>, vector<16xi32>], vector<16xf32>,
      tpu.vector_store_idx %arg8[%shift_right_arithmetic3A_2019, %add3A_2099], %gather3A_2100 : memref<256x128xf32, #tpu.memory_space<vmem>>[vector<16xi32>, vector<16xi32>], vector<16xf32>,
      %add3A_2101 = arith.addi %add3A_2098, %broadcast_in_dim3A_2036 : vector<16xi32>
      %add3A_2102 = arith.addi %add3A_2099, %broadcast_in_dim3A_2036 : vector<16xi32>
      %gather3A_2103 = tpu.vector_load_idx %arg7[%add3A_2012, %add3A_2101] : memref<512x128xf32, #tpu.memory_space<vmem>>[vector<16xi32>, vector<16xi32>], vector<16xf32>,
      tpu.vector_store_idx %arg8[%shift_right_arithmetic3A_2019, %add3A_2102], %gather3A_2103 : memref<256x128xf32, #tpu.memory_space<vmem>>[vector<16xi32>, vector<16xi32>], vector<16xf32>,
      %add3A_2104 = arith.addi %add3A_2101, %broadcast_in_dim3A_2036 : vector<16xi32>
      %add3A_2105 = arith.addi %add3A_2102, %broadcast_in_dim3A_2036 : vector<16xi32>
      %gather3A_2106 = tpu.vector_load_idx %arg7[%add3A_2012, %add3A_2104] : memref<512x128xf32, #tpu.memory_space<vmem>>[vector<16xi32>, vector<16xi32>], vector<16xf32>,
      tpu.vector_store_idx %arg8[%shift_right_arithmetic3A_2019, %add3A_2105], %gather3A_2106 : memref<256x128xf32, #tpu.memory_space<vmem>>[vector<16xi32>, vector<16xi32>], vector<16xf32>,
      %add3A_2107 = arith.addi %add3A_2104, %broadcast_in_dim3A_2036 : vector<16xi32>
      %add3A_2108 = arith.addi %add3A_2105, %broadcast_in_dim3A_2036 : vector<16xi32>
      %gather3A_2109 = tpu.vector_load_idx %arg7[%add3A_2012, %add3A_2107] : memref<512x128xf32, #tpu.memory_space<vmem>>[vector<16xi32>, vector<16xi32>], vector<16xf32>,
      tpu.vector_store_idx %arg8[%shift_right_arithmetic3A_2019, %add3A_2108], %gather3A_2109 : memref<256x128xf32, #tpu.memory_space<vmem>>[vector<16xi32>, vector<16xi32>], vector<16xf32>,
      %add3A_2110 = arith.addi %add3A_2107, %broadcast_in_dim3A_2036 : vector<16xi32>
      %add3A_2111 = arith.addi %add3A_2108, %broadcast_in_dim3A_2036 : vector<16xi32>
      %gather3A_2112 = tpu.vector_load_idx %arg7[%add3A_2012, %add3A_2110] : memref<512x128xf32, #tpu.memory_space<vmem>>[vector<16xi32>, vector<16xi32>], vector<16xf32>,
      tpu.vector_store_idx %arg8[%shift_right_arithmetic3A_2019, %add3A_2111], %gather3A_2112 : memref<256x128xf32, #tpu.memory_space<vmem>>[vector<16xi32>, vector<16xi32>], vector<16xf32>,
      %add3A_2113 = arith.addi %add3A_2110, %broadcast_in_dim3A_2036 : vector<16xi32>
      %add3A_2114 = arith.addi %add3A_2111, %broadcast_in_dim3A_2036 : vector<16xi32>
      %gather3A_2115 = tpu.vector_load_idx %arg7[%add3A_2012, %add3A_2113] : memref<512x128xf32, #tpu.memory_space<vmem>>[vector<16xi32>, vector<16xi32>], vector<16xf32>,
      tpu.vector_store_idx %arg8[%shift_right_arithmetic3A_2019, %add3A_2114], %gather3A_2115 : memref<256x128xf32, #tpu.memory_space<vmem>>[vector<16xi32>, vector<16xi32>], vector<16xf32>,
      %add3A_2116 = arith.addi %add3A_2113, %broadcast_in_dim3A_2036 : vector<16xi32>
      %add3A_2117 = arith.addi %add3A_2114, %broadcast_in_dim3A_2036 : vector<16xi32>
      %gather3A_2118 = tpu.vector_load_idx %arg7[%add3A_2012, %add3A_2116] : memref<512x128xf32, #tpu.memory_space<vmem>>[vector<16xi32>, vector<16xi32>], vector<16xf32>,
      tpu.vector_store_idx %arg8[%shift_right_arithmetic3A_2019, %add3A_2117], %gather3A_2118 : memref<256x128xf32, #tpu.memory_space<vmem>>[vector<16xi32>, vector<16xi32>], vector<16xf32>,
      %add3A_2119 = arith.addi %add3A_2116, %broadcast_in_dim3A_2036 : vector<16xi32>
      %add3A_2120 = arith.addi %add3A_2117, %broadcast_in_dim3A_2036 : vector<16xi32>
      %gather3A_2121 = tpu.vector_load_idx %arg7[%add3A_2012, %add3A_2119] : memref<512x128xf32, #tpu.memory_space<vmem>>[vector<16xi32>, vector<16xi32>], vector<16xf32>,
      tpu.vector_store_idx %arg8[%shift_right_arithmetic3A_2019, %add3A_2120], %gather3A_2121 : memref<256x128xf32, #tpu.memory_space<vmem>>[vector<16xi32>, vector<16xi32>], vector<16xf32>,
      %add3A_2122 = arith.addi %add3A_2119, %broadcast_in_dim3A_2036 : vector<16xi32>
      %add3A_2123 = arith.addi %add3A_2120, %broadcast_in_dim3A_2036 : vector<16xi32>
      %gather3A_2124 = tpu.vector_load_idx %arg7[%add3A_2012, %add3A_2122] : memref<512x128xf32, #tpu.memory_space<vmem>>[vector<16xi32>, vector<16xi32>], vector<16xf32>,
      tpu.vector_store_idx %arg8[%shift_right_arithmetic3A_2019, %add3A_2123], %gather3A_2124 : memref<256x128xf32, #tpu.memory_space<vmem>>[vector<16xi32>, vector<16xi32>], vector<16xf32>,
      %add3A_2125 = arith.addi %add3A_2122, %broadcast_in_dim3A_2036 : vector<16xi32>
      %add3A_2126 = arith.addi %add3A_2123, %broadcast_in_dim3A_2036 : vector<16xi32>
      %gather3A_2127 = tpu.vector_load_idx %arg7[%add3A_2012, %add3A_2125] : memref<512x128xf32, #tpu.memory_space<vmem>>[vector<16xi32>, vector<16xi32>], vector<16xf32>,
      tpu.vector_store_idx %arg8[%shift_right_arithmetic3A_2019, %add3A_2126], %gather3A_2127 : memref<256x128xf32, #tpu.memory_space<vmem>>[vector<16xi32>, vector<16xi32>], vector<16xf32>,
      %add3A_2128 = arith.addi %add3A_2125, %broadcast_in_dim3A_2036 : vector<16xi32>
      %add3A_2129 = arith.addi %add3A_2126, %broadcast_in_dim3A_2036 : vector<16xi32>
      %gather3A_2130 = tpu.vector_load_idx %arg7[%add3A_2012, %add3A_2128] : memref<512x128xf32, #tpu.memory_space<vmem>>[vector<16xi32>, vector<16xi32>], vector<16xf32>,
      tpu.vector_store_idx %arg8[%shift_right_arithmetic3A_2019, %add3A_2129], %gather3A_2130 : memref<256x128xf32, #tpu.memory_space<vmem>>[vector<16xi32>, vector<16xi32>], vector<16xf32>,
      %add3A_2131 = arith.addi %add3A_2128, %broadcast_in_dim3A_2036 : vector<16xi32>
      %add3A_2132 = arith.addi %add3A_2129, %broadcast_in_dim3A_2036 : vector<16xi32>
      %gather3A_2133 = tpu.vector_load_idx %arg7[%add3A_2012, %add3A_2131] : memref<512x128xf32, #tpu.memory_space<vmem>>[vector<16xi32>, vector<16xi32>], vector<16xf32>,
      tpu.vector_store_idx %arg8[%shift_right_arithmetic3A_2019, %add3A_2132], %gather3A_2133 : memref<256x128xf32, #tpu.memory_space<vmem>>[vector<16xi32>, vector<16xi32>], vector<16xf32>,
      %add3A_2134 = arith.addi %add3A_2131, %broadcast_in_dim3A_2036 : vector<16xi32>
      %add3A_2135 = arith.addi %add3A_2132, %broadcast_in_dim3A_2036 : vector<16xi32>
      %gather3A_2136 = tpu.vector_load_idx %arg7[%add3A_2012, %add3A_2134] : memref<512x128xf32, #tpu.memory_space<vmem>>[vector<16xi32>, vector<16xi32>], vector<16xf32>,
      tpu.vector_store_idx %arg8[%shift_right_arithmetic3A_2019, %add3A_2135], %gather3A_2136 : memref<256x128xf32, #tpu.memory_space<vmem>>[vector<16xi32>, vector<16xi32>], vector<16xf32>,
      %add3A_2137 = arith.addi %add3A_2134, %broadcast_in_dim3A_2036 : vector<16xi32>
      %add3A_2138 = arith.addi %add3A_2135, %broadcast_in_dim3A_2036 : vector<16xi32>
      %gather3A_2139 = tpu.vector_load_idx %arg7[%add3A_2012, %add3A_2137] : memref<512x128xf32, #tpu.memory_space<vmem>>[vector<16xi32>, vector<16xi32>], vector<16xf32>,
      tpu.vector_store_idx %arg8[%shift_right_arithmetic3A_2019, %add3A_2138], %gather3A_2139 : memref<256x128xf32, #tpu.memory_space<vmem>>[vector<16xi32>, vector<16xi32>], vector<16xf32>,
      %add3A_2140 = arith.addi %add3A_2137, %broadcast_in_dim3A_2036 : vector<16xi32>
      %add3A_2141 = arith.addi %add3A_2138, %broadcast_in_dim3A_2036 : vector<16xi32>
      %gather3A_2142 = tpu.vector_load_idx %arg7[%add3A_2012, %add3A_2140] : memref<512x128xf32, #tpu.memory_space<vmem>>[vector<16xi32>, vector<16xi32>], vector<16xf32>,
      tpu.vector_store_idx %arg8[%shift_right_arithmetic3A_2019, %add3A_2141], %gather3A_2142 : memref<256x128xf32, #tpu.memory_space<vmem>>[vector<16xi32>, vector<16xi32>], vector<16xf32>,
      %add3A_2143 = arith.addi %add3A_2140, %broadcast_in_dim3A_2036 : vector<16xi32>
      %add3A_2144 = arith.addi %add3A_2141, %broadcast_in_dim3A_2036 : vector<16xi32>
      %gather3A_2145 = tpu.vector_load_idx %arg7[%add3A_2012, %add3A_2143] : memref<512x128xf32, #tpu.memory_space<vmem>>[vector<16xi32>, vector<16xi32>], vector<16xf32>,
      tpu.vector_store_idx %arg8[%shift_right_arithmetic3A_2019, %add3A_2144], %gather3A_2145 : memref<256x128xf32, #tpu.memory_space<vmem>>[vector<16xi32>, vector<16xi32>], vector<16xf32>,
      %add3A_2146 = arith.addi %add3A_2143, %broadcast_in_dim3A_2036 : vector<16xi32>
      %add3A_2147 = arith.addi %add3A_2144, %broadcast_in_dim3A_2036 : vector<16xi32>
      %gather3A_2148 = tpu.vector_load_idx %arg7[%add3A_2012, %add3A_2146] : memref<512x128xf32, #tpu.memory_space<vmem>>[vector<16xi32>, vector<16xi32>], vector<16xf32>,
      tpu.vector_store_idx %arg8[%shift_right_arithmetic3A_2019, %add3A_2147], %gather3A_2148 : memref<256x128xf32, #tpu.memory_space<vmem>>[vector<16xi32>, vector<16xi32>], vector<16xf32>,
      %add3A_2149 = arith.addi %add3A_2146, %broadcast_in_dim3A_2036 : vector<16xi32>
      %add3A_2150 = arith.addi %add3A_2147, %broadcast_in_dim3A_2036 : vector<16xi32>
      %gather3A_2151 = tpu.vector_load_idx %arg7[%add3A_2012, %add3A_2149] : memref<512x128xf32, #tpu.memory_space<vmem>>[vector<16xi32>, vector<16xi32>], vector<16xf32>,
      tpu.vector_store_idx %arg8[%shift_right_arithmetic3A_2019, %add3A_2150], %gather3A_2151 : memref<256x128xf32, #tpu.memory_space<vmem>>[vector<16xi32>, vector<16xi32>], vector<16xf32>,
      %add3A_2152 = arith.addi %add3A_2149, %broadcast_in_dim3A_2036 : vector<16xi32>
      %add3A_2153 = arith.addi %add3A_2150, %broadcast_in_dim3A_2036 : vector<16xi32>
      %gather3A_2154 = tpu.vector_load_idx %arg7[%add3A_2012, %add3A_2152] : memref<512x128xf32, #tpu.memory_space<vmem>>[vector<16xi32>, vector<16xi32>], vector<16xf32>,
      tpu.vector_store_idx %arg8[%shift_right_arithmetic3A_2019, %add3A_2153], %gather3A_2154 : memref<256x128xf32, #tpu.memory_space<vmem>>[vector<16xi32>, vector<16xi32>], vector<16xf32>,
      %add3A_2155 = arith.addi %add3A_2152, %broadcast_in_dim3A_2036 : vector<16xi32>
      %add3A_2156 = arith.addi %add3A_2153, %broadcast_in_dim3A_2036 : vector<16xi32>
      %gather3A_2157 = tpu.vector_load_idx %arg7[%add3A_2012, %add3A_2155] : memref<512x128xf32, #tpu.memory_space<vmem>>[vector<16xi32>, vector<16xi32>], vector<16xf32>,
      tpu.vector_store_idx %arg8[%shift_right_arithmetic3A_2019, %add3A_2156], %gather3A_2157 : memref<256x128xf32, #tpu.memory_space<vmem>>[vector<16xi32>, vector<16xi32>], vector<16xf32>,
      %add3A_2158 = arith.addi %add3A_2155, %broadcast_in_dim3A_2036 : vector<16xi32>
      %add3A_2159 = arith.addi %add3A_2156, %broadcast_in_dim3A_2036 : vector<16xi32>
      %gather3A_2160 = tpu.vector_load_idx %arg7[%add3A_2012, %add3A_2158] : memref<512x128xf32, #tpu.memory_space<vmem>>[vector<16xi32>, vector<16xi32>], vector<16xf32>,
      tpu.vector_store_idx %arg8[%shift_right_arithmetic3A_2019, %add3A_2159], %gather3A_2160 : memref<256x128xf32, #tpu.memory_space<vmem>>[vector<16xi32>, vector<16xi32>], vector<16xf32>,
      %add3A_2161 = arith.addi %add3A_2158, %broadcast_in_dim3A_2036 : vector<16xi32>
      %add3A_2162 = arith.addi %add3A_2159, %broadcast_in_dim3A_2036 : vector<16xi32>
      %gather3A_2163 = tpu.vector_load_idx %arg7[%add3A_2012, %add3A_2161] : memref<512x128xf32, #tpu.memory_space<vmem>>[vector<16xi32>, vector<16xi32>], vector<16xf32>,
      tpu.vector_store_idx %arg8[%shift_right_arithmetic3A_2019, %add3A_2162], %gather3A_2163 : memref<256x128xf32, #tpu.memory_space<vmem>>[vector<16xi32>, vector<16xi32>], vector<16xf32>,
      %add3A_2164 = arith.addi %add3A_2161, %broadcast_in_dim3A_2036 : vector<16xi32>
      %add3A_2165 = arith.addi %add3A_2162, %broadcast_in_dim3A_2036 : vector<16xi32>
      %gather3A_2166 = tpu.vector_load_idx %arg7[%add3A_2012, %add3A_2164] : memref<512x128xf32, #tpu.memory_space<vmem>>[vector<16xi32>, vector<16xi32>], vector<16xf32>,
      tpu.vector_store_idx %arg8[%shift_right_arithmetic3A_2019, %add3A_2165], %gather3A_2166 : memref<256x128xf32, #tpu.memory_space<vmem>>[vector<16xi32>, vector<16xi32>], vector<16xf32>,
      %add3A_2167 = arith.addi %add3A_2164, %broadcast_in_dim3A_2036 : vector<16xi32>
      %add3A_2168 = arith.addi %add3A_2165, %broadcast_in_dim3A_2036 : vector<16xi32>
      %gather3A_2169 = tpu.vector_load_idx %arg7[%add3A_2012, %add3A_2167] : memref<512x128xf32, #tpu.memory_space<vmem>>[vector<16xi32>, vector<16xi32>], vector<16xf32>,
      tpu.vector_store_idx %arg8[%shift_right_arithmetic3A_2019, %add3A_2168], %gather3A_2169 : memref<256x128xf32, #tpu.memory_space<vmem>>[vector<16xi32>, vector<16xi32>], vector<16xf32>,
      %add3A_2170 = arith.addi %add3A_2167, %broadcast_in_dim3A_2036 : vector<16xi32>
      %add3A_2171 = arith.addi %add3A_2168, %broadcast_in_dim3A_2036 : vector<16xi32>
      %gather3A_2172 = tpu.vector_load_idx %arg7[%add3A_2012, %add3A_2170] : memref<512x128xf32, #tpu.memory_space<vmem>>[vector<16xi32>, vector<16xi32>], vector<16xf32>,
      tpu.vector_store_idx %arg8[%shift_right_arithmetic3A_2019, %add3A_2171], %gather3A_2172 : memref<256x128xf32, #tpu.memory_space<vmem>>[vector<16xi32>, vector<16xi32>], vector<16xf32>,
      %add3A_2173 = arith.addi %add3A_2170, %broadcast_in_dim3A_2036 : vector<16xi32>
      %add3A_2174 = arith.addi %add3A_2171, %broadcast_in_dim3A_2036 : vector<16xi32>
      %gather3A_2175 = tpu.vector_load_idx %arg7[%add3A_2012, %add3A_2173] : memref<512x128xf32, #tpu.memory_space<vmem>>[vector<16xi32>, vector<16xi32>], vector<16xf32>,
      tpu.vector_store_idx %arg8[%shift_right_arithmetic3A_2019, %add3A_2174], %gather3A_2175 : memref<256x128xf32, #tpu.memory_space<vmem>>[vector<16xi32>, vector<16xi32>], vector<16xf32>,
      %add3A_2176 = arith.addi %add3A_2173, %broadcast_in_dim3A_2036 : vector<16xi32>
      %add3A_2177 = arith.addi %add3A_2174, %broadcast_in_dim3A_2036 : vector<16xi32>
      %gather3A_2178 = tpu.vector_load_idx %arg7[%add3A_2012, %add3A_2176] : memref<512x128xf32, #tpu.memory_space<vmem>>[vector<16xi32>, vector<16xi32>], vector<16xf32>,
      tpu.vector_store_idx %arg8[%shift_right_arithmetic3A_2019, %add3A_2177], %gather3A_2178 : memref<256x128xf32, #tpu.memory_space<vmem>>[vector<16xi32>, vector<16xi32>], vector<16xf32>,
      %add3A_2179 = arith.addi %add3A_2176, %broadcast_in_dim3A_2036 : vector<16xi32>
      %add3A_2180 = arith.addi %add3A_2177, %broadcast_in_dim3A_2036 : vector<16xi32>
      %gather3A_2181 = tpu.vector_load_idx %arg7[%add3A_2012, %add3A_2179] : memref<512x128xf32, #tpu.memory_space<vmem>>[vector<16xi32>, vector<16xi32>], vector<16xf32>,
      tpu.vector_store_idx %arg8[%shift_right_arithmetic3A_2019, %add3A_2180], %gather3A_2181 : memref<256x128xf32, #tpu.memory_space<vmem>>[vector<16xi32>, vector<16xi32>], vector<16xf32>,
      %add3A_2182 = arith.addi %add3A_2179, %broadcast_in_dim3A_2036 : vector<16xi32>
      %add3A_2183 = arith.addi %add3A_2180, %broadcast_in_dim3A_2036 : vector<16xi32>
      %gather3A_2184 = tpu.vector_load_idx %arg7[%add3A_2012, %add3A_2182] : memref<512x128xf32, #tpu.memory_space<vmem>>[vector<16xi32>, vector<16xi32>], vector<16xf32>,
      tpu.vector_store_idx %arg8[%shift_right_arithmetic3A_2019, %add3A_2183], %gather3A_2184 : memref<256x128xf32, #tpu.memory_space<vmem>>[vector<16xi32>, vector<16xi32>], vector<16xf32>,
      %add3A_2185 = arith.addi %add3A_2182, %broadcast_in_dim3A_2036 : vector<16xi32>
      %add3A_2186 = arith.addi %add3A_2183, %broadcast_in_dim3A_2036 : vector<16xi32>
      %gather3A_2187 = tpu.vector_load_idx %arg7[%add3A_2012, %add3A_2185] : memref<512x128xf32, #tpu.memory_space<vmem>>[vector<16xi32>, vector<16xi32>], vector<16xf32>,
      tpu.vector_store_idx %arg8[%shift_right_arithmetic3A_2019, %add3A_2186], %gather3A_2187 : memref<256x128xf32, #tpu.memory_space<vmem>>[vector<16xi32>, vector<16xi32>], vector<16xf32>,
      %add3A_2188 = arith.addi %add3A_2185, %broadcast_in_dim3A_2036 : vector<16xi32>
      %add3A_2189 = arith.addi %add3A_2186, %broadcast_in_dim3A_2036 : vector<16xi32>
      %gather3A_2190 = tpu.vector_load_idx %arg7[%add3A_2012, %add3A_2188] : memref<512x128xf32, #tpu.memory_space<vmem>>[vector<16xi32>, vector<16xi32>], vector<16xf32>,
      tpu.vector_store_idx %arg8[%shift_right_arithmetic3A_2019, %add3A_2189], %gather3A_2190 : memref<256x128xf32, #tpu.memory_space<vmem>>[vector<16xi32>, vector<16xi32>], vector<16xf32>,
      %add3A_2191 = arith.addi %add3A_2188, %broadcast_in_dim3A_2036 : vector<16xi32>
      %add3A_2192 = arith.addi %add3A_2189, %broadcast_in_dim3A_2036 : vector<16xi32>
      %gather3A_2193 = tpu.vector_load_idx %arg7[%add3A_2012, %add3A_2191] : memref<512x128xf32, #tpu.memory_space<vmem>>[vector<16xi32>, vector<16xi32>], vector<16xf32>,
      tpu.vector_store_idx %arg8[%shift_right_arithmetic3A_2019, %add3A_2192], %gather3A_2193 : memref<256x128xf32, #tpu.memory_space<vmem>>[vector<16xi32>, vector<16xi32>], vector<16xf32>,
      %add3A_2194 = arith.addi %add3A_2191, %broadcast_in_dim3A_2036 : vector<16xi32>
      %add3A_2195 = arith.addi %add3A_2192, %broadcast_in_dim3A_2036 : vector<16xi32>
      %gather3A_2196 = tpu.vector_load_idx %arg7[%add3A_2012, %add3A_2194] : memref<512x128xf32, #tpu.memory_space<vmem>>[vector<16xi32>, vector<16xi32>], vector<16xf32>,
      tpu.vector_store_idx %arg8[%shift_right_arithmetic3A_2019, %add3A_2195], %gather3A_2196 : memref<256x128xf32, #tpu.memory_space<vmem>>[vector<16xi32>, vector<16xi32>], vector<16xf32>,
      %add3A_2197 = arith.addi %add3A_2194, %broadcast_in_dim3A_2036 : vector<16xi32>
      %add3A_2198 = arith.addi %add3A_2195, %broadcast_in_dim3A_2036 : vector<16xi32>
      %gather3A_2199 = tpu.vector_load_idx %arg7[%add3A_2012, %add3A_2197] : memref<512x128xf32, #tpu.memory_space<vmem>>[vector<16xi32>, vector<16xi32>], vector<16xf32>,
      tpu.vector_store_idx %arg8[%shift_right_arithmetic3A_2019, %add3A_2198], %gather3A_2199 : memref<256x128xf32, #tpu.memory_space<vmem>>[vector<16xi32>, vector<16xi32>], vector<16xf32>,
      %add3A_2200 = arith.addi %add3A_2197, %broadcast_in_dim3A_2036 : vector<16xi32>
      %add3A_2201 = arith.addi %add3A_2198, %broadcast_in_dim3A_2036 : vector<16xi32>
      %gather3A_2202 = tpu.vector_load_idx %arg7[%add3A_2012, %add3A_2200] : memref<512x128xf32, #tpu.memory_space<vmem>>[vector<16xi32>, vector<16xi32>], vector<16xf32>,
      tpu.vector_store_idx %arg8[%shift_right_arithmetic3A_2019, %add3A_2201], %gather3A_2202 : memref<256x128xf32, #tpu.memory_space<vmem>>[vector<16xi32>, vector<16xi32>], vector<16xf32>,
      %add3A_2203 = arith.addi %add3A_2200, %broadcast_in_dim3A_2036 : vector<16xi32>
      %add3A_2204 = arith.addi %add3A_2201, %broadcast_in_dim3A_2036 : vector<16xi32>
      %gather3A_2205 = tpu.vector_load_idx %arg7[%add3A_2012, %add3A_2203] : memref<512x128xf32, #tpu.memory_space<vmem>>[vector<16xi32>, vector<16xi32>], vector<16xf32>,
      tpu.vector_store_idx %arg8[%shift_right_arithmetic3A_2019, %add3A_2204], %gather3A_2205 : memref<256x128xf32, #tpu.memory_space<vmem>>[vector<16xi32>, vector<16xi32>], vector<16xf32>,
      %add3A_2206 = arith.addi %add3A_2203, %broadcast_in_dim3A_2036 : vector<16xi32>
      %add3A_2207 = arith.addi %add3A_2204, %broadcast_in_dim3A_2036 : vector<16xi32>
      %gather3A_2208 = tpu.vector_load_idx %arg7[%add3A_2012, %add3A_2206] : memref<512x128xf32, #tpu.memory_space<vmem>>[vector<16xi32>, vector<16xi32>], vector<16xf32>,
      tpu.vector_store_idx %arg8[%shift_right_arithmetic3A_2019, %add3A_2207], %gather3A_2208 : memref<256x128xf32, #tpu.memory_space<vmem>>[vector<16xi32>, vector<16xi32>], vector<16xf32>,
      %add3A_2209 = arith.addi %add3A_2206, %broadcast_in_dim3A_2036 : vector<16xi32>
      %add3A_2210 = arith.addi %add3A_2207, %broadcast_in_dim3A_2036 : vector<16xi32>
      %gather3A_2211 = tpu.vector_load_idx %arg7[%add3A_2012, %add3A_2209] : memref<512x128xf32, #tpu.memory_space<vmem>>[vector<16xi32>, vector<16xi32>], vector<16xf32>,
      tpu.vector_store_idx %arg8[%shift_right_arithmetic3A_2019, %add3A_2210], %gather3A_2211 : memref<256x128xf32, #tpu.memory_space<vmem>>[vector<16xi32>, vector<16xi32>], vector<16xf32>,
      %add3A_2212 = arith.addi %add3A_2209, %broadcast_in_dim3A_2036 : vector<16xi32>
      %add3A_2213 = arith.addi %add3A_2210, %broadcast_in_dim3A_2036 : vector<16xi32>
      %gather3A_2214 = tpu.vector_load_idx %arg7[%add3A_2012, %add3A_2212] : memref<512x128xf32, #tpu.memory_space<vmem>>[vector<16xi32>, vector<16xi32>], vector<16xf32>,
      tpu.vector_store_idx %arg8[%shift_right_arithmetic3A_2019, %add3A_2213], %gather3A_2214 : memref<256x128xf32, #tpu.memory_space<vmem>>[vector<16xi32>, vector<16xi32>], vector<16xf32>,
      %add3A_2215 = arith.addi %add3A_2212, %broadcast_in_dim3A_2036 : vector<16xi32>
      %add3A_2216 = arith.addi %add3A_2213, %broadcast_in_dim3A_2036 : vector<16xi32>
      %gather3A_2217 = tpu.vector_load_idx %arg7[%add3A_2012, %add3A_2215] : memref<512x128xf32, #tpu.memory_space<vmem>>[vector<16xi32>, vector<16xi32>], vector<16xf32>,
      tpu.vector_store_idx %arg8[%shift_right_arithmetic3A_2019, %add3A_2216], %gather3A_2217 : memref<256x128xf32, #tpu.memory_space<vmem>>[vector<16xi32>, vector<16xi32>], vector<16xf32>,
      %add3A_2218 = arith.addi %add3A_2215, %broadcast_in_dim3A_2036 : vector<16xi32>
      %add3A_2219 = arith.addi %add3A_2216, %broadcast_in_dim3A_2036 : vector<16xi32>
      %gather3A_2220 = tpu.vector_load_idx %arg7[%add3A_2012, %add3A_2218] : memref<512x128xf32, #tpu.memory_space<vmem>>[vector<16xi32>, vector<16xi32>], vector<16xf32>,
      tpu.vector_store_idx %arg8[%shift_right_arithmetic3A_2019, %add3A_2219], %gather3A_2220 : memref<256x128xf32, #tpu.memory_space<vmem>>[vector<16xi32>, vector<16xi32>], vector<16xf32>,
      %add3A_2221 = arith.addi %add3A_2218, %broadcast_in_dim3A_2036 : vector<16xi32>
      %add3A_2222 = arith.addi %add3A_2219, %broadcast_in_dim3A_2036 : vector<16xi32>
      %gather3A_2223 = tpu.vector_load_idx %arg7[%add3A_2012, %add3A_2221] : memref<512x128xf32, #tpu.memory_space<vmem>>[vector<16xi32>, vector<16xi32>], vector<16xf32>,
      tpu.vector_store_idx %arg8[%shift_right_arithmetic3A_2019, %add3A_2222], %gather3A_2223 : memref<256x128xf32, #tpu.memory_space<vmem>>[vector<16xi32>, vector<16xi32>], vector<16xf32>,
      %add3A_2224 = arith.addi %add3A_2221, %broadcast_in_dim3A_2036 : vector<16xi32>
      %add3A_2225 = arith.addi %add3A_2222, %broadcast_in_dim3A_2036 : vector<16xi32>
      %gather3A_2226 = tpu.vector_load_idx %arg7[%add3A_2012, %add3A_2224] : memref<512x128xf32, #tpu.memory_space<vmem>>[vector<16xi32>, vector<16xi32>], vector<16xf32>,
      tpu.vector_store_idx %arg8[%shift_right_arithmetic3A_2019, %add3A_2225], %gather3A_2226 : memref<256x128xf32, #tpu.memory_space<vmem>>[vector<16xi32>, vector<16xi32>], vector<16xf32>,
    }
    %scan3A_452 = arith.constant 4 : i32
    %mul3A_453 = arith.constant 256 : i32
    %mul3A_454 = arith.muli %add3A, %mul3A_453 : i32
    %dma_start3A_455 = arith.constant 0 : i32
    %dma_start3A_456 = tpu.memref_slice %arg4[%mul3A_454, %dma_start3A_455] : memref<8192x128xf32, #tpu.memory_space<hbm>> -> memref<256x128xf32, #tpu.memory_space<hbm>>
    %dma_start3A_457 = arith.constant 0 : i32
    %dma_start3A_458 = tpu.memref_slice %arg4[%mul3A_454, %dma_start3A_457] : memref<8192x128xf32, #tpu.memory_space<hbm>> -> memref<256x128xf32, #tpu.memory_space<hbm>>
    tpu.enqueue_dma source(%arg8 : memref<256x128xf32, #tpu.memory_space<vmem>>) target(%dma_start3A_458 : memref<256x128xf32, #tpu.memory_space<hbm>>) target_semaphore(%arg10 : memref<!tpu.dma_semaphore, #tpu.memory_space<semaphore_mem>>)
    %dma_wait3A_459 = arith.constant 0 : i32
    %dma_wait3A_460 = tpu.memref_slice %arg4[%mul3A_454, %dma_wait3A_459] : memref<8192x128xf32, #tpu.memory_space<hbm>> -> memref<256x128xf32, #tpu.memory_space<hbm>>
    %dma_wait3A_461 = arith.constant 0 : i32
    %dma_wait3A_462 = tpu.memref_slice %arg4[%mul3A_454, %dma_wait3A_461] : memref<8192x128xf32, #tpu.memory_space<hbm>> -> memref<256x128xf32, #tpu.memory_space<hbm>>
    tpu.wait_dma2 semaphore(%arg10 : memref<!tpu.dma_semaphore, #tpu.memory_space<semaphore_mem>>) src(%arg8 : memref<256x128xf32, #tpu.memory_space<vmem>>) dst(%dma_wait3A_462 : memref<256x128xf32, #tpu.memory_space<hbm>>)
    return
  }
}

module attributes {stable_mosaic.version = 14 : i64} {
  func.func @_transpose_body(%arg0: i32, %arg1: memref<64x8192xf32, #tpu.memory_space<vmem>>, %arg2: memref<64x8192xf32, #tpu.memory_space<vmem>>, %arg3: memref<8192x128xf32, #tpu.memory_space<vmem>>) attributes {dimension_semantics = [#tpu.dimension_semantics<arbitrary>], iteration_bounds = array<i64: 62>, scalar_prefetch = 0 : i64, scratch_operands = 0 : i64, tpu.core_type = #tpu.core_type<tc>, window_params = [{transform_indices = @transform_0, window_bounds = array<i64: 64, 8192>}, {transform_indices = @transform_1, window_bounds = array<i64: 64, 8192>}, {transform_indices = @transform_2, window_bounds = array<i64: 8192, 128>}]} {
    %get3A = arith.constant 0 : index
    %get3A_0 = arith.constant 0 : index
    %get3A_1 = vector.load %arg1[%get3A, %get3A_0] : memref<64x8192xf32, #tpu.memory_space<vmem>>, vector<64x8192xf32>
    %transpose3A = tpu.transpose %get3A_1, [1, 0] : vector<64x8192xf32> -> vector<8192x64xf32>
    %get3A_2 = arith.constant 0 : index
    %get3A_3 = arith.constant 0 : index
    %get3A_4 = vector.load %arg2[%get3A_2, %get3A_3] : memref<64x8192xf32, #tpu.memory_space<vmem>>, vector<64x8192xf32>
    %transpose3A_5 = tpu.transpose %get3A_4, [1, 0] : vector<64x8192xf32> -> vector<8192x64xf32>
    %concatenate3A = tpu.concatenate %transpose3A, %transpose3A_5 in 1 : vector<8192x64xf32>, vector<8192x64xf32> -> vector<8192x128xf32>
    %swap3A = arith.constant 0 : index
    %swap3A_6 = arith.constant 0 : index
    %swap3A_7 = vector.load %arg3[%swap3A, %swap3A_6] : memref<8192x128xf32, #tpu.memory_space<vmem>>, vector<8192x128xf32>
    tpu.vector_store %arg3[%swap3A, %swap3A_6], %concatenate3A {strides = array<i32>} : memref<8192x128xf32, #tpu.memory_space<vmem>>, vector<8192x128xf32>,
    return
  }
  func.func @transform_0(%arg0: i32) -> (i32, i32) {
    %mul3A = arith.constant 2 : i32
    %mul3A_0 = arith.muli %mul3A, %arg0 : i32
    %c0_i32 = arith.constant 0 : i32
    %c0_i32_1 = arith.constant 0 : i32
    return %c0_i32, %mul3A_0 : i32, i32
  }
  func.func @transform_1(%arg0: i32) -> (i32, i32) {
    %mul3A = arith.constant 2 : i32
    %mul3A_0 = arith.muli %mul3A, %arg0 : i32
    %add3A = arith.constant 1 : i32
    %add3A_1 = arith.addi %mul3A_0, %add3A : i32
    %min3A = arith.constant 122 : i32
    %min3A_2 = arith.minsi %add3A_1, %min3A : i32
    %c0_i32 = arith.constant 0 : i32
    %c0_i32_3 = arith.constant 0 : i32
    return %c0_i32, %min3A_2 : i32, i32
  }
  func.func @transform_2(%arg0: i32) -> (i32, i32) {
    %c0_i32 = arith.constant 0 : i32
    %c0_i32_0 = arith.constant 0 : i32
    return %arg0, %c0_i32 : i32, i32
  }
}

</mosaic_0001>

<sc_bundles>
// kernel: kernel.4.cloned.1.call-start
scs
__scs_entry_jumppad:
0x0: {  	(pc) =	sbr.rel $0x88, $3  }
0x1: {  	(tag) =	ssettag $0x0;
	lr =	simm.s32 $0x1  }
0x2: {  	[smem:$0x3F9F] =	sst lr;
	_ =	strace $0xD0000000  }
0x3: {  	_ = 	snop  }
0x4: {  	_ = 	snop  }
0x5: {  	_ = 	snop  }
0x6: {  	_ = 	snop  }
0x7: {  	_ = 	snop  }
__scs_overlays_trampoline_lowered:
0x8: {  	[smem:$0x3FAE] =	sst s0  }
0x9: {  	[smem:$0x3FAF] =	sst s1  }
0xa: {  	[smem:$0x3FB0] =	sst s2  }
0xb: {  	[smem:$0x3FB1] =	sst s3  }
0xc: {  	[smem:$0x3FB2] =	sst s4  }
0xd: {  	[smem:$0x3FB3] =	sst s5  }
0xe: {  	[smem:$0x3FB4] =	sst s6  }
0xf: {  	[smem:$0x3FB5] =	sst s7  }
0x10: {  	[smem:$0x3FB6] =	sst s8  }
0x11: {  	[smem:$0x3FB7] =	sst s9;
	s0 =	simm.s32 @!p0 $0x0  }
0x12: {  	s1 =	sld [smem:$0x3F9D];
	s0 =	simm.s32 @p0 $0x1  }
0x13: {  	[smem:$0x3FB8] =	sst s0;
	s0 =	simm.s32 @!p1 $0x0  }
0x14: {  	s2 =	sld [smem:$0x3F9C];
	s0 =	simm.s32 @p1 $0x1  }
0x15: {  	[smem:$0x3FB9] =	sst s0;
	s0 =	simm.s32 @!p2 $0x0  }
0x16: {  	s3 =	sld [smem:$0x3FDB];
	s0 =	simm.s32 @p2 $0x1  }
0x17: {  	s4 =	simm.s32 $0x1BF5;
	[smem:$0x3FBB] =	sst s0  }
0x18: {  	s0 =	sld [smem:$0x3F9E];
	_ =	swait.ge [sflag:s4], $0x0  }
0x19: {  	s7 =	sld [smem:$0x3F9F]  }
0x1a: {  	s8 =	sadd.s32 $0xFFFFE003, lr  }
0x1b: {  	s9 =	sadd.s32 $0xFFFFFEF7, lr;
	s5 =	simm.s32 $0xFFFFFFFF;
	p2 =	slt.u32 s8, $0xFFFFF086  }
0x1c: {  	p1 =	slt.u32 s9, $0xF7A;
	s5 =	simm.s32 @!p2 $0x0  }
0x1d: {  	s5 =	simm.s32 @p1 $0x1;
	p0 =	seq.s32 s7, s2  }
0x1e: {  	s7 =	smul.u32 @!p0 $0xF7A, s2;
	p2 =	seq.s32 @!p0 s5, $0x0  }
0x1f: {  	s9 =	smul.u32 $0xF7A, s1;
	s8 =	simm.s32 @!p0 $0x1BF5;
	p2 =	por !p2, p0  }
0x20: {  	[sflag:s8] =	ssyncset.s32 @!p0 $0xFFFFF086;
	s6 =	sadd.s32 @!p0 s3, s7;
	s7 =	simm.s32 @!p0 $0x108  }
0x21: {  	s3 =	sadd.s32 s3, s9;
	s6 =	sadd.s32 @!p0 $0x88, s6;
	s7 =	simm.s32 @p2 $0x1082  }
0x22: {  	[simem:s7], [sflag:s8] =	dma.local @!p0 [hbm:s6], $0xF7A  }
0x23: {  	s9 =	sor.u32 $0xD0000000, s2;
	s6 =	simm.s32 $0x108;
	_ =	swait.ge @!p0 [sflag:s8], $0x0  }
0x24: {  	s3 =	sadd.s32 $0x88, s3;
	s6 =	simm.s32 @!p1 $0x1082;
	[sflag:s4] =	ssyncset.s32 $0xFFFFF086  }
0x25: {  	[simem:s6], [sflag:s4] =	dma.local [hbm:s3], $0xF7A  }
0x26: {  	[smem:$0x3F9F] =	sst s1;
	(tag) =	ssettag s2;
	_ =	strace s9  }
0x27: {  	s1 =	sld [smem:$0x3FAF]  }
0x28: {  	s2 =	sld [smem:$0x3FB0]  }
0x29: {  	s4 =	sld [smem:$0x3FB2]  }
0x2a: {  	p0 =	seq.s32 s5, $0x0;
	s5 =	sld [smem:$0x3FB3]  }
0x2b: {  	s6 =	sld [smem:$0x3FB4]  }
0x2c: {  	s7 =	sld [smem:$0x3FB5]  }
0x2d: {  	s3 =	simm.s32 $0x108;
	s8 =	sld [smem:$0x3FB6]  }
0x2e: {  	s3 =	simm.s32 @!p0 $0x1082;
	s9 =	sld [smem:$0x3FB7]  }
0x2f: {  	lr =	sadd.s32 s0, s3;
	s0 =	sld [smem:$0x3FAE]  }
0x30: {  	s3 =	sld [smem:$0x3FB1]  }
0x31: {  	[smem:$0x3FBA] =	sst s10  }
0x32: {  	s10 =	sld [smem:$0x3FB8];
	_ =	sdelay $0x3  }
0x33: {  	p0 =	seq.s32 s10, $0x1;
	s10 =	sld [smem:$0x3FBA];
	_ =	sdelay $0x3  }
0x34: {  	[smem:$0x3FBA] =	sst s10  }
0x35: {  	s10 =	sld [smem:$0x3FB9];
	_ =	sdelay $0x3  }
0x36: {  	p1 =	seq.s32 s10, $0x1;
	s10 =	sld [smem:$0x3FBA];
	_ =	sdelay $0x3  }
0x37: {  	[smem:$0x3FBA] =	sst s10  }
0x38: {  	s10 =	sld [smem:$0x3FBB]  }
0x39: {  	_ = 	snop;
	(pc) =	sbr.ind lr, $3  }
0x3a: {  	_ = 	snop  }
0x3b: {  	_ = 	snop  }
0x3c: {  	p2 =	seq.s32 s10, $0x1;
	s10 =	sld [smem:$0x3FBA]  }
0x3d: {  	_ =	shalt  }
0x3e: {  	_ =	shalt  }
0x3f: {  	_ =	shalt  }
0x40: {  	_ =	shalt  }
0x41: {  	_ =	shalt  }
0x42: {  	_ =	shalt  }
0x43: {  	_ =	shalt  }
0x44: {  	_ =	shalt  }
0x45: {  	_ =	shalt  }
0x46: {  	_ =	shalt  }
0x47: {  	_ =	shalt  }
0x48: {  	_ =	shalt  }
0x49: {  	_ =	shalt  }
0x4a: {  	_ =	shalt  }
0x4b: {  	_ =	shalt  }
0x4c: {  	_ =	shalt  }
0x4d: {  	_ =	shalt  }
0x4e: {  	_ =	shalt  }
0x4f: {  	_ =	shalt  }
0x50: {  	_ =	shalt  }
0x51: {  	_ =	shalt  }
0x52: {  	_ =	shalt  }
0x53: {  	_ =	shalt  }
0x54: {  	_ =	shalt  }
0x55: {  	_ =	shalt  }
0x56: {  	_ =	shalt  }
0x57: {  	_ =	shalt  }
0x58: {  	_ =	shalt  }
0x59: {  	_ =	shalt  }
0x5a: {  	_ =	shalt  }
0x5b: {  	_ =	shalt  }
0x5c: {  	_ =	shalt  }
0x5d: {  	_ =	shalt  }
0x5e: {  	_ =	shalt  }
0x5f: {  	_ =	shalt  }
0x60: {  	_ =	shalt  }
0x61: {  	_ =	shalt  }
0x62: {  	_ =	shalt  }
0x63: {  	_ =	shalt  }
0x64: {  	_ =	shalt  }
0x65: {  	_ =	shalt  }
0x66: {  	_ =	shalt  }
0x67: {  	_ =	shalt  }
0x68: {  	_ =	shalt  }
0x69: {  	_ =	shalt  }
0x6a: {  	_ =	shalt  }
0x6b: {  	_ =	shalt  }
0x6c: {  	_ =	shalt  }
0x6d: {  	_ =	shalt  }
0x6e: {  	_ =	shalt  }
0x6f: {  	_ =	shalt  }
0x70: {  	_ =	shalt  }
0x71: {  	_ =	shalt  }
0x72: {  	_ =	shalt  }
0x73: {  	_ =	shalt  }
0x74: {  	_ =	shalt  }
0x75: {  	_ =	shalt  }
0x76: {  	_ =	shalt  }
0x77: {  	_ =	shalt  }
0x78: {  	_ =	shalt  }
0x79: {  	_ =	shalt  }
0x7a: {  	_ =	shalt  }
0x7b: {  	_ =	shalt  }
0x7c: {  	_ =	shalt  }
0x7d: {  	_ =	shalt  }
0x7e: {  	_ =	shalt  }
0x7f: {  	_ =	shalt  }
0x80: {  	_ =	shalt  }
0x81: {  	_ =	shalt  }
0x82: {  	_ =	shalt  }
0x83: {  	_ =	shalt  }
0x84: {  	_ =	shalt  }
0x85: {  	_ =	shalt  }
0x86: {  	_ =	shalt  }
0x87: {  	_ =	shalt  }
.Lfunc_end0:
.L_simem_size_0:
called_computation_lowered:
.L_overlay_start_0:
0x88: {  	s2 =	sld [smem:$0x3FD9]  }
0x89: {  	s3 =	sld [smem:$0x3FFE];
	_ =	sdelay $0x1  }
0x8a: {  	s1 =	srdreg.scid  }
0x8b: {  	s0 =	sand.u32 $0x1, s1  }
0x8c: {  	s17 =	sshll.u32 s0, $0xA;
	s2 =	sadd.s32 s3, s2  }
0x8d: {  	s2 =	sadd.s32 s2, s17  }
0x8e: {  	[smem:$0x3FC6] =	sst s2  }
0x8f: {  	_ = 	snop  }
0x90: {  	s2 =	sld [smem:$0x3FC9]  }
0x91: {  	s18 =	sld [smem:$0x3FD0];
	(tm) =	ssettm $0x1  }
0x92: {  	s4 =	sld [smem:$0x3FFB];
	_ =	sdelay $0x3  }
0x93: {  	_ =	strace s4  }
0x94: {  	s4 =	sld [smem:$0x3FFC];
	_ =	sdelay $0x3  }
0x95: {  	_ =	strace s4  }
0x96: {  	s4 =	sld [smem:$0x3FFD];
	_ =	sdelay $0x3  }
0x97: {  	_ =	strace s4  }
0x98: {  	_ =	strace $0x8FFFFFFF  }
0x99: {  	s19 =	sld [smem:$0x3FDB];
	_ =	sdelay $0x1  }
0x9a: {  	s5 =	simm.s32 $_scs_section_size  }
0x9b: {  	s6 =	simm.s32 $_size__tile_overlayer_lowered;
	s7 =	simm.s32 $_tile_overlayer_lowered  }
0x9c: {  	s22 =	simm.s32 $0x1BFF;
	s21 =	sshll.u32 s7, $0x1;
	s4 =	sadd.s32 s5, s19  }
0x9d: {  	s8 =	simm.s32 $0x0;
	s20 =	sshll.u32 s6, $0x1;
	s6 =	sadd.s32 s21, s4  }
0x9e: {  	[timem:s8], [sflag:s22] =	dma.local [hbm:s6], s20  }
0x9f: {  	_ =	swait.ge [sflag:s22], s20  }
0xa0: {  	s5 =	ssub.s32 $0x0, s20;
	[sflag:s22] =	ssyncset.done $0x0  }
0xa1: {  	[sflag:s22] =	ssyncadd.s32 s5;
	_ =	sdelay $0x1  }
0xa2: {  	s23 =	simm.s32 $0x1B8B  }
0xa3: {  	_ =	swait.ge [sflag:s23], $0x1  }
0xa4: {  	[sflag:s23] =	ssyncset.done $0x0  }
0xa5: {  	s25 =	simm.s32 $0x1B8E;
	s24 =	sld [smem:$0x3FFE];
	[sflag:s23] =	ssyncadd.s32 $0xFFFFFFFF  }
0xa6: {  	s26 =	simm.s32 $execute0_lowered;
	[smem:$0x3FD2] =	sst s25  }
0xa7: {  	s6 =	sshll.u32 s26, $0x1;
	_ =	strace $0x80000046;
	[dreg:$0x1] =	wrdreg $0xFFFFFFFF  }
0xa8: {  	s28 =	simm.s32 $_size_execute0_lowered;
	s4 =	sadd.s32 s4, s6;
	[dreg:$0x0] =	wrdreg $0x0  }
0xa9: {  	s6 =	sshll.u32 s28, $0x1;
	[dreg:$0x2] =	wrdreg s4  }
0xaa: {  	[dreg:$0x3] =	wrdreg s6  }
0xab: {  	[dreg:$0x4] =	wrdreg $0xC0  }
0xac: {  	_ =	task [dreg:s8], $0x5FFFF  }
0xad: {  	[dreg:$0x1] =	wrdreg $0xFFFFFFFF  }
0xae: {  	[dreg:$0x0] =	wrdreg $0x60  }
0xaf: {  	[dreg:$0x2] =	wrdreg s24  }
0xb0: {  	[dreg:$0x3] =	wrdreg s2  }
0xb1: {  	[dreg:$0x4] =	wrdreg s18  }
0xb2: {  	[dreg:$0x5] =	wrdreg $0x9  }
0xb3: {  	_ =	task.clear_ibuf [dreg:s8], $0x6FFFF;
	_ =	strace $0x90000046  }
0xb4: {  	s29 =	simm.s32 $0x9;
	_ =	strace $0x80000048  }
0xb5: {  	_ =	swait.ge [sflag:s29], $0x1  }
0xb6: {  	[sflag:s29] =	ssyncadd.s32 $0xFFFFFFFF  }
0xb7: {  	_ =	strace $0x90000048  }
0xb8: {  	_ =	sfence  }
0xb9: {  	s30 =	sld [smem:$0x0];
	_ =	sdelay $0x2  }
0xba: {  	s31 =	sshll.u32 s1, $0xD;
	s1 =	sshrl.u32 s1, $0x2  }
0xbb: {  	s3 =	sand.u32 $0x4000, s31;
	s1 =	sadd.s32 s1, s30  }
0xbc: {  	s0 =	sor.u32 s3, s0;
	s1 =	sshll.u32 s1, $0x11  }
0xbd: {  	s0 =	sor.u32 s1, s0  }
0xbe: {  	s0 =	sadd.s32 $0x8F2B, s0  }
0xbf: {  	[sflag:s0] =	ssyncadd.remote.s32 $0x1  }
0xc0: {  	_ =	sfence.sel $0xFFFF  }
0xc1: {  	[dreg:$0x0] =	wrdreg $0xFFFFFFFF;
	(pc) =	sbr.abs _section_cstart, $3  }
0xc2: {  	[dreg:$0x1] =	wrdreg $0xFFFFFFFF  }
0xc3: {  	_ =	task.clear_ibuf [dreg:s8], $0x2FFFF;
	_ =	strace $0x9FFFFFFF  }
0xc4: {  	(tm) =	ssettm $0x7FFFFFFF  }
0xc5: {  	_ =	shalt  }
tec
execute0_lowered:
.L_overlay_start_1:
0x0: {  	(tag) =	ssettag $0x1  }
0x1: {  	v4 =	vlaneseq.u32  }
0x2: {  	s3 =	rddreg [dreg:$0x0];
	v0 =	vand.u32 $0x1, v4  }
0x3: {  	s4 =	rddreg [dreg:$0x1];
	v1 =	vmul.u32 $0x40, v0  }
0x4: {  	s5 =	rddreg [dreg:$0x2];
	s2 =	simm.s32 $0x0  }
0x5: {  	[smem:$0x7FF] =	sst s2;
	v45 =	vor.u32 $0x1C, v1  }
0x6: {  	s0 =	rddreg [dreg:$0x3];
	_ =	strace $0x80000047;
	v46 =	vor.u32 $0x1D, v1;
	[tilespmem:$0x1FF30] =	vst v45  }
0x7: {  	v47 =	vor.u32 $0x1E, v1;
	[tilespmem:$0x1FF40] =	vst v46  }
0x8: {  	v7 =	vor.u32 $0x1, v1;
	[tilespmem:$0x1FF50] =	vst v47  }
0x9: {  	v8 =	vor.u32 $0x2, v1;
	[tilespmem:$0x1FF60] =	vst v7  }
0xa: {  	v9 =	vor.u32 $0x3, v1;
	[tilespmem:$0x1FF70] =	vst v8  }
0xb: {  	v10 =	vor.u32 $0x4, v1;
	v11 =	vor.u32 $0x5, v1;
	v12 =	vor.u32 $0x6, v1;
	[tilespmem:$0x1FF80] =	vst v9  }
0xc: {  	s6 =	srdreg.scid;
	s1 =	stileid.u32;
	s10 =	simm.s32 $0x1;
	v13 =	vor.u32 $0x7, v1;
	v14 =	vor.u32 $0x8, v1;
	v15 =	vor.u32 $0x9, v1;
	[tilespmem:$0x1FF90] =	vst v10  }
0xd: {  	s11 =	simm.s32 $0x10400;
	s12 =	simm.s32 $0x2;
	s6 =	sand.u32 $0x1, s6;
	v16 =	vor.u32 $0xA, v1;
	v17 =	vor.u32 $0xB, v1;
	v18 =	vor.u32 $0xC, v1;
	[tilespmem:$0x1FFA0] =	vst v11  }
0xe: {  	s13 =	simm.s32 $0x0;
	s7 =	sshll.u32 s1, $0x1;
	s8 =	ssub.s32 $0x2, s6;
	v19 =	vor.u32 $0xD, v1;
	v20 =	vor.u32 $0xE, v1;
	v21 =	vor.u32 $0xF, v1;
	[tilespmem:$0x1FFB0] =	vst v12  }
0xf: {  	s3 =	sadd.s32 $0x400, s3;
	s6 =	sor.u32 s6, s7;
	s31 =	sshrl.u32 s8, $0x1;
	v22 =	vor.u32 $0x10, v1;
	v23 =	vor.u32 $0x11, v1;
	v24 =	vor.u32 $0x12, v1;
	[tilespmem:$0x1FFC0] =	vst v13  }
0x10: {  	s9 =	sshll.u32 s6, $0x6;
	s6 =	sshll.u32 s6, $0xC;
	s7 =	ssub.s32 s8, s31;
	v25 =	vor.u32 $0x13, v1;
	v26 =	vor.u32 $0x14, v1;
	v27 =	vor.u32 $0x15, v1;
	[tilespmem:$0x1FFD0] =	vst v14  }
0x11: {  	s4 =	sadd.s32 s4, s9;
	s5 =	sadd.s32 s5, s6;
	v28 =	vor.u32 $0x16, v1;
	v29 =	vor.u32 $0x17, v1;
	v30 =	vor.u32 $0x18, v1;
	s8 =	simm.s32 $0x200;
	[tilespmem:$0x1FFE0] =	vst v15  }
0x12: {  	s9 =	simm.s32 $0x400;
	v31 =	vor.u32 $0x19, v1;
	v5 =	vor.u32 $0x1A, v1;
	v6 =	vor.u32 $0x1B, v1;
	s6 =	smax.u32 s7, $0x1;
	s7 =	simm.s32 $0x3;
	[tilespmem:$0x1FFF0] =	vst v16  }
.LBB2_1:
0x13: {  	[tilespmem:s2], [sflag:$0x3] =	stream.linear.gather [hbm4b:s4+s2], $0x200, $0x38;
	[tilespmem:$0x18400] =	vst v63  }
0x14: {  	_ =	swait.ge [sflag:s7], $0x200  }
0x15: {  	[sflag:s7] =	ssyncset.done $0x0  }
0x16: {  	[sflag:s7] =	ssyncadd.s32 $0xFFFFFE00  }
0x17: {  	v0 =	vld [tilespmem:$0x0]  }
0x18: {  	v2 =	vld [tilespmem:$0x10]  }
0x19: {  	v3 =	vld [tilespmem:$0x20]  }
0x1a: {  	v32 =	vld [tilespmem:$0x30]  }
0x1b: {  	v34 =	vld [tilespmem:$0x40]  }
0x1c: {  	v36 =	vld [tilespmem:$0x50]  }
0x1d: {  	v37 =	vld [tilespmem:$0x60]  }
0x1e: {  	v63 =	vld [tilespmem:$0x70]  }
0x1f: {  	v39 =	vld [tilespmem:$0x80]  }
0x20: {  	v40 =	vld [tilespmem:$0x90];
	v33 =	vshra.s32 v0, $0x1  }
0x21: {  	v50 =	vld [tilespmem:$0xA0];
	v0 =	vand.u32 $0x1FFF, v0;
	v35 =	vshra.s32 v2, $0x1;
	v61 =	vshra.s32 v3, $0x1  }
0x22: {  	v42 =	vld [tilespmem:$0xB0];
	v2 =	vand.u32 $0x1FFF, v2;
	v3 =	vand.u32 $0x1FFF, v3;
	v62 =	vshra.s32 v32, $0x1  }
0x23: {  	v32 =	vand.u32 $0x1FFF, v32;
	v38 =	vshra.s32 v34, $0x1;
	v48 =	vshra.s32 v36, $0x1  }
0x24: {  	v34 =	vand.u32 $0x1FFF, v34;
	v36 =	vand.u32 $0x1FFF, v36;
	v49 =	vshra.s32 v37, $0x1  }
0x25: {  	v43 =	vld [tilespmem:$0xC0];
	v37 =	vand.u32 $0x1FFF, v37;
	v41 =	vshra.s32 v63, $0x1;
	v52 =	vshra.s32 v39, $0x1  }
0x26: {  	v54 =	vld [tilespmem:$0xD0];
	v39 =	vand.u32 $0x1FFF, v39;
	v53 =	vshra.s32 v40, $0x1;
	v55 =	vand.u32 $0x1FFF, v40  }
0x27: {  	v56 =	vshra.s32 v50, $0x1;
	v57 =	vshra.s32 v42, $0x1;
	v59 =	vand.u32 $0x1FFF, v42  }
0x28: {  	v33 =	vand.u32 $0xFFFFE000, v33;
	v60 =	vand.u32 $0xFFFFE000, v35;
	v35 =	vand.u32 $0xFFFFE000, v61  }
0x29: {  	v44 =	vand.u32 $0xFFFFE000, v38;
	v38 =	vand.u32 $0xFFFFE000, v48;
	v51 =	vand.u32 $0xFFFFE000, v41  }
0x2a: {  	v41 =	vand.u32 $0xFFFFE000, v52;
	v58 =	vand.u32 $0xFFFFE000, v57;
	v61 =	vshra.s32 v43, $0x1  }
0x2b: {  	v48 =	vshra.s32 v54, $0x1;
	v52 =	vand.u32 $0x1FFF, v54;
	v0 =	vor.u32 v0, v33  }
0x2c: {  	v54 =	vld [tilespmem:$0x120];
	v2 =	vor.u32 v2, v60;
	v3 =	vor.u32 v3, v35;
	v33 =	vand.u32 $0xFFFFE000, v62  }
0x2d: {  	v35 =	vand.u32 $0x1FFF, v63;
	v60 =	vld [tilespmem:$0xF0];
	v63 =	vand.u32 $0x1FFF, v43;
	v32 =	vor.u32 v32, v33;
	[tilespmem:$0x200] =	vst v0  }
0x2e: {  	v62 =	vld [tilespmem:$0x100];
	v33 =	vor.u32 v34, v44;
	v34 =	vor.u32 v36, v38;
	v36 =	vand.u32 $0xFFFFE000, v49;
	[tilespmem:$0x210] =	vst v2  }
0x2f: {  	v35 =	vor.u32 v35, v51;
	v0 =	vand.u32 $0xFFFFE000, v53;
	v44 =	vld [tilespmem:$0xE0];
	v2 =	vand.u32 $0xFFFFE000, v56;
	[tilespmem:$0x220] =	vst v3  }
0x30: {  	v3 =	vand.u32 $0x1FFF, v50;
	v49 =	vld [tilespmem:$0x110];
	v50 =	vand.u32 $0xFFFFE000, v48;
	v36 =	vor.u32 v37, v36;
	[tilespmem:$0x230] =	vst v32  }
0x31: {  	v56 =	vld [tilespmem:$0x130];
	v37 =	vor.u32 v39, v41;
	v0 =	vor.u32 v55, v0;
	v2 =	vor.u32 v3, v2;
	[tilespmem:$0x240] =	vst v33  }
0x32: {  	v48 =	vld [tilespmem:$0x160];
	v3 =	vor.u32 v59, v58;
	v32 =	vand.u32 $0xFFFFE000, v61;
	[tilespmem:$0x250] =	vst v34;
	v33 =	vor.u32 v52, v50  }
0x33: {  	[tilespmem:$0x270] =	vst v35;
	v32 =	vor.u32 v63, v32;
	v50 =	vand.u32 $0x1FFF, v54;
	v55 =	vshra.s32 v60, $0x1  }
0x34: {  	v59 =	vld [tilespmem:$0x140];
	[tilespmem:$0x2A0] =	vst v2;
	v57 =	vand.u32 $0x1FFF, v60;
	v58 =	vshra.s32 v62, $0x1;
	v2 =	vand.u32 $0x1FFF, v62  }
0x35: {  	v52 =	vld [tilespmem:$0x170];
	[tilespmem:$0x260] =	vst v36;
	v51 =	vshra.s32 v44, $0x1;
	v53 =	vand.u32 $0x1FFF, v44;
	v35 =	vand.u32 $0xFFFFE000, v55  }
0x36: {  	[tilespmem:$0x280] =	vst v37;
	v60 =	vand.u32 $0xFFFFE000, v58;
	v61 =	vshra.s32 v49, $0x1;
	v62 =	vand.u32 $0x1FFF, v49  }
0x37: {  	[tilespmem:$0x290] =	vst v0;
	v44 =	vshra.s32 v54, $0x1;
	v55 =	vand.u32 $0x1FFF, v56;
	v42 =	vand.u32 $0x1FFF, v48  }
0x38: {  	v63 =	vld [tilespmem:$0x150];
	[tilespmem:$0x2B0] =	vst v3;
	v34 =	vand.u32 $0xFFFFE000, v51;
	v0 =	vor.u32 v57, v35;
	v37 =	vand.u32 $0xFFFFE000, v61  }
0x39: {  	[tilespmem:$0x2D0] =	vst v33;
	v2 =	vor.u32 v2, v60;
	v49 =	vand.u32 $0xFFFFE000, v44;
	v51 =	vshra.s32 v56, $0x1  }
0x3a: {  	[tilespmem:$0x2C0] =	vst v32;
	v54 =	vshra.s32 v59, $0x1;
	v56 =	vand.u32 $0x1FFF, v59;
	v57 =	vld [tilespmem:$0x180];
	v40 =	vshra.s32 v52, $0x1  }
0x3b: {  	v60 =	vld [tilespmem:$0x190];
	v43 =	vand.u32 $0x1FFF, v52;
	v34 =	vor.u32 v53, v34;
	v3 =	vor.u32 v62, v37;
	[tilespmem:$0x2F0] =	vst v0  }
0x3c: {  	v44 =	vld [tilespmem:$0x1B0];
	v32 =	vor.u32 v50, v49;
	v53 =	vand.u32 $0xFFFFE000, v51;
	v35 =	vand.u32 $0xFFFFE000, v54;
	[tilespmem:$0x300] =	vst v2  }
0x3d: {  	v52 =	vld [tilespmem:$0x1D0];
	v59 =	vshra.s32 v63, $0x1;
	v61 =	vand.u32 $0x1FFF, v63;
	v62 =	vshra.s32 v48, $0x1;
	[tilespmem:$0x2E0] =	vst v34  }
0x3e: {  	v0 =	vor.u32 v55, v53;
	v58 =	vor.u32 v56, v35;
	v2 =	vand.u32 $0xFFFFE000, v59;
	[tilespmem:$0x310] =	vst v3  }
0x3f: {  	v63 =	vld [tilespmem:$0x1A0];
	v3 =	vand.u32 $0xFFFFE000, v62;
	[tilespmem:$0x320] =	vst v32;
	v34 =	vand.u32 $0xFFFFE000, v40;
	v2 =	vor.u32 v61, v2  }
0x40: {  	v49 =	vld [tilespmem:$0x1C0];
	[tilespmem:$0x330] =	vst v0;
	v0 =	vor.u32 v42, v3;
	v3 =	vor.u32 v43, v34;
	v48 =	vshra.s32 v57, $0x1  }
0x41: {  	[tilespmem:$0x360] =	vst v0;
	v50 =	vand.u32 $0x1FFF, v57;
	v51 =	vshra.s32 v60, $0x1;
	v0 =	vand.u32 $0x1FFF, v60  }
0x42: {  	v56 =	vld [tilespmem:$0x1E0];
	[tilespmem:$0x340] =	vst v58;
	v57 =	vshra.s32 v44, $0x1;
	v59 =	vand.u32 $0x1FFF, v44;
	v61 =	vshra.s32 v52, $0x1  }
0x43: {  	v58 =	vld [tilespmem:$0x1F0];
	[tilespmem:$0x350] =	vst v2;
	v62 =	vand.u32 $0x1FFF, v52;
	v32 =	vand.u32 $0xFFFFE000, v48;
	v53 =	vand.u32 $0xFFFFE000, v51  }
0x44: {  	[tilespmem:$0x370] =	vst v3;
	v54 =	vshra.s32 v63, $0x1;
	v55 =	vand.u32 $0x1FFF, v63;
	v2 =	vor.u32 v50, v32  }
0x45: {  	v60 =	vshra.s32 v49, $0x1;
	v33 =	vand.u32 $0xFFFFE000, v54;
	v0 =	vor.u32 v0, v53;
	[tilespmem:$0x380] =	vst v2  }
0x46: {  	v32 =	vand.u32 $0xFFFFE000, v61;
	v3 =	vor.u32 v55, v33;
	v2 =	vand.u32 $0xFFFFE000, v57;
	[tilespmem:$0x390] =	vst v0  }
0x47: {  	v0 =	vor.u32 v59, v2;
	v2 =	vand.u32 $0xFFFFE000, v60;
	[tilespmem:$0x3A0] =	vst v3;
	v3 =	vand.u32 $0x1FFF, v49  }
0x48: {  	v63 =	vshra.s32 v58, $0x1;
	[tilespmem:$0x3B0] =	vst v0;
	v0 =	vor.u32 v3, v2;
	v3 =	vshra.s32 v56, $0x1  }
0x49: {  	v2 =	vor.u32 v62, v32;
	[tilespmem:$0x3C0] =	vst v0;
	v0 =	vand.u32 $0xFFFFE000, v3;
	v3 =	vand.u32 $0x1FFF, v56  }
0x4a: {  	[tilespmem:$0x3D0] =	vst v2;
	v2 =	vand.u32 $0xFFFFE000, v63;
	v0 =	vor.u32 v3, v0;
	v3 =	vand.u32 $0x1FFF, v58  }
0x4b: {  	[tilespmem:$0x3E0] =	vst v0;
	v0 =	vor.u32 v3, v2  }
0x4c: {  	[tilespmem:$0x3F0] =	vst v0  }
0x4d: {  	[tilespmem:s9], [sflag:$0x1] =	stream.indirect.gather [hbm4b:s3+s8], $0x80, s8, s8, $0xb8;
	[tilespmem:$0x18400] =	vst v63  }
0x4e: {  	_ =	swait.ge [sflag:s10], $0x10000  }
0x4f: {  	[sflag:s10] =	ssyncset.done $0x0  }
0x50: {  	s14 =	simm.s32 $0x40;
	s15 =	simm.s32 $0x0;
	[sflag:s10] =	ssyncadd.s32 $0xFFFF0000  }
.LBB2_2:
0x51: {  	v0 =	vld [tilespmem:s14+$0xFFFFFFC0];
	_ =	sdelay $0x4  }
0x52: {  	v2 =	vor.u32 s15, v4;
	v0 =	vshrl.u32 v0, $0x7  }
0x53: {  	v3 =	vshll.u32 v2, $0x7;
	v0 =	vand.u32 $0x40, v0  }
0x54: {  	v0 =	vor.u32 v3, v0;
	_ =	sdelay $0x2  }
0x55: {  	v2 =	vshll.u32 v2, $0x6  }
0x56: {  	v2 =	vand.u32 $0x6380, v2  }
0x57: {  	v32 =	vor.u32 v1, v2;
	v3 =	vld.idx.msk [tilespmem:v0+s9+$0x0], $0xffff  }
0x58: {  	v33 =	vor.u32 $0x1, v0;
	_ =	sdelay $0x3  }
0x59: {  	[tilespmem:v32+s11+$0x0] =	vst.idx.msk $0xffff, v3  }
0x5a: {  	v40 =	vor.u32 v7, v2;
	v3 =	vld.idx.msk [tilespmem:v33+s9+$0x0], $0xffff  }
0x5b: {  	v41 =	vor.u32 $0x2, v0;
	_ =	sdelay $0x3  }
0x5c: {  	[tilespmem:v40+s11+$0x0] =	vst.idx.msk $0xffff, v3  }
0x5d: {  	v42 =	vor.u32 v8, v2;
	v3 =	vld.idx.msk [tilespmem:v41+s9+$0x0], $0xffff  }
0x5e: {  	v43 =	vor.u32 $0x3, v0;
	_ =	sdelay $0x3  }
0x5f: {  	[tilespmem:v42+s11+$0x0] =	vst.idx.msk $0xffff, v3  }
0x60: {  	v44 =	vor.u32 v9, v2;
	v3 =	vld.idx.msk [tilespmem:v43+s9+$0x0], $0xffff  }
0x61: {  	v48 =	vor.u32 $0x4, v0;
	_ =	sdelay $0x3  }
0x62: {  	[tilespmem:v44+s11+$0x0] =	vst.idx.msk $0xffff, v3  }
0x63: {  	v49 =	vor.u32 v10, v2;
	v3 =	vld.idx.msk [tilespmem:v48+s9+$0x0], $0xffff  }
0x64: {  	v50 =	vor.u32 $0x5, v0;
	_ =	sdelay $0x3  }
0x65: {  	[tilespmem:v49+s11+$0x0] =	vst.idx.msk $0xffff, v3  }
0x66: {  	v51 =	vor.u32 v11, v2;
	v3 =	vld.idx.msk [tilespmem:v50+s9+$0x0], $0xffff  }
0x67: {  	v52 =	vor.u32 $0x6, v0;
	_ =	sdelay $0x3  }
0x68: {  	[tilespmem:v51+s11+$0x0] =	vst.idx.msk $0xffff, v3  }
0x69: {  	v53 =	vor.u32 v12, v2;
	v3 =	vld.idx.msk [tilespmem:v52+s9+$0x0], $0xffff  }
0x6a: {  	v54 =	vor.u32 $0x7, v0;
	_ =	sdelay $0x3  }
0x6b: {  	[tilespmem:v53+s11+$0x0] =	vst.idx.msk $0xffff, v3  }
0x6c: {  	v55 =	vor.u32 v13, v2;
	v3 =	vld.idx.msk [tilespmem:v54+s9+$0x0], $0xffff  }
0x6d: {  	v56 =	vor.u32 $0x8, v0;
	_ =	sdelay $0x3  }
0x6e: {  	[tilespmem:v55+s11+$0x0] =	vst.idx.msk $0xffff, v3  }
0x6f: {  	v57 =	vor.u32 v14, v2;
	v3 =	vld.idx.msk [tilespmem:v56+s9+$0x0], $0xffff  }
0x70: {  	v58 =	vor.u32 $0x9, v0;
	_ =	sdelay $0x3  }
0x71: {  	[tilespmem:v57+s11+$0x0] =	vst.idx.msk $0xffff, v3  }
0x72: {  	v59 =	vor.u32 v15, v2;
	v3 =	vld.idx.msk [tilespmem:v58+s9+$0x0], $0xffff  }
0x73: {  	v60 =	vor.u32 $0xA, v0;
	_ =	sdelay $0x3  }
0x74: {  	[tilespmem:v59+s11+$0x0] =	vst.idx.msk $0xffff, v3  }
0x75: {  	v61 =	vor.u32 v16, v2;
	v3 =	vld.idx.msk [tilespmem:v60+s9+$0x0], $0xffff  }
0x76: {  	v62 =	vor.u32 $0xB, v0;
	_ =	sdelay $0x3  }
0x77: {  	[tilespmem:v61+s11+$0x0] =	vst.idx.msk $0xffff, v3  }
0x78: {  	v63 =	vor.u32 v17, v2;
	v3 =	vld.idx.msk [tilespmem:v62+s9+$0x0], $0xffff  }
0x79: {  	v36 =	vor.u32 $0xC, v0;
	_ =	sdelay $0x3  }
0x7a: {  	[tilespmem:v63+s11+$0x0] =	vst.idx.msk $0xffff, v3  }
0x7b: {  	v37 =	vor.u32 v18, v2;
	v3 =	vld.idx.msk [tilespmem:v36+s9+$0x0], $0xffff  }
0x7c: {  	v38 =	vor.u32 $0xD, v0;
	_ =	sdelay $0x3  }
0x7d: {  	[tilespmem:v37+s11+$0x0] =	vst.idx.msk $0xffff, v3  }
0x7e: {  	v39 =	vor.u32 v19, v2;
	v3 =	vld.idx.msk [tilespmem:v38+s9+$0x0], $0xffff  }
0x7f: {  	v40 =	vor.u32 $0xE, v0;
	_ =	sdelay $0x3  }
0x80: {  	[tilespmem:v39+s11+$0x0] =	vst.idx.msk $0xffff, v3  }
0x81: {  	v41 =	vor.u32 v20, v2;
	v3 =	vld.idx.msk [tilespmem:v40+s9+$0x0], $0xffff  }
0x82: {  	v42 =	vor.u32 $0xF, v0;
	_ =	sdelay $0x3  }
0x83: {  	[tilespmem:v41+s11+$0x0] =	vst.idx.msk $0xffff, v3  }
0x84: {  	v43 =	vor.u32 v21, v2;
	v3 =	vld.idx.msk [tilespmem:v42+s9+$0x0], $0xffff  }
0x85: {  	v44 =	vor.u32 $0x10, v0;
	_ =	sdelay $0x3  }
0x86: {  	[tilespmem:v43+s11+$0x0] =	vst.idx.msk $0xffff, v3  }
0x87: {  	v48 =	vor.u32 v22, v2;
	v3 =	vld.idx.msk [tilespmem:v44+s9+$0x0], $0xffff  }
0x88: {  	v49 =	vor.u32 $0x11, v0;
	_ =	sdelay $0x3  }
0x89: {  	[tilespmem:v48+s11+$0x0] =	vst.idx.msk $0xffff, v3  }
0x8a: {  	v50 =	vor.u32 v23, v2;
	v3 =	vld.idx.msk [tilespmem:v49+s9+$0x0], $0xffff  }
0x8b: {  	v51 =	vor.u32 $0x12, v0;
	_ =	sdelay $0x3  }
0x8c: {  	[tilespmem:v50+s11+$0x0] =	vst.idx.msk $0xffff, v3  }
0x8d: {  	v52 =	vor.u32 v24, v2;
	v3 =	vld.idx.msk [tilespmem:v51+s9+$0x0], $0xffff  }
0x8e: {  	v53 =	vor.u32 $0x13, v0;
	_ =	sdelay $0x3  }
0x8f: {  	[tilespmem:v52+s11+$0x0] =	vst.idx.msk $0xffff, v3  }
0x90: {  	v54 =	vor.u32 v25, v2;
	v3 =	vld.idx.msk [tilespmem:v53+s9+$0x0], $0xffff  }
0x91: {  	v55 =	vor.u32 $0x14, v0;
	_ =	sdelay $0x3  }
0x92: {  	[tilespmem:v54+s11+$0x0] =	vst.idx.msk $0xffff, v3  }
0x93: {  	v56 =	vor.u32 v26, v2;
	v3 =	vld.idx.msk [tilespmem:v55+s9+$0x0], $0xffff  }
0x94: {  	v57 =	vor.u32 $0x15, v0;
	_ =	sdelay $0x3  }
0x95: {  	[tilespmem:v56+s11+$0x0] =	vst.idx.msk $0xffff, v3  }
0x96: {  	v58 =	vor.u32 v27, v2;
	v3 =	vld.idx.msk [tilespmem:v57+s9+$0x0], $0xffff  }
0x97: {  	v59 =	vor.u32 $0x16, v0;
	_ =	sdelay $0x3  }
0x98: {  	[tilespmem:v58+s11+$0x0] =	vst.idx.msk $0xffff, v3  }
0x99: {  	v60 =	vor.u32 v28, v2;
	v3 =	vld.idx.msk [tilespmem:v59+s9+$0x0], $0xffff  }
0x9a: {  	v61 =	vor.u32 $0x17, v0;
	_ =	sdelay $0x3  }
0x9b: {  	[tilespmem:v60+s11+$0x0] =	vst.idx.msk $0xffff, v3  }
0x9c: {  	v62 =	vor.u32 v29, v2;
	v3 =	vld.idx.msk [tilespmem:v61+s9+$0x0], $0xffff  }
0x9d: {  	v63 =	vor.u32 $0x18, v0;
	_ =	sdelay $0x3  }
0x9e: {  	[tilespmem:v62+s11+$0x0] =	vst.idx.msk $0xffff, v3  }
0x9f: {  	v36 =	vor.u32 v30, v2;
	v3 =	vld.idx.msk [tilespmem:v63+s9+$0x0], $0xffff  }
0xa0: {  	v37 =	vor.u32 $0x19, v0;
	_ =	sdelay $0x3  }
0xa1: {  	[tilespmem:v36+s11+$0x0] =	vst.idx.msk $0xffff, v3  }
0xa2: {  	v38 =	vor.u32 v31, v2;
	v3 =	vld.idx.msk [tilespmem:v37+s9+$0x0], $0xffff  }
0xa3: {  	v39 =	vor.u32 $0x1A, v0;
	_ =	sdelay $0x3  }
0xa4: {  	[tilespmem:v38+s11+$0x0] =	vst.idx.msk $0xffff, v3  }
0xa5: {  	v40 =	vor.u32 v5, v2;
	v3 =	vld.idx.msk [tilespmem:v39+s9+$0x0], $0xffff  }
0xa6: {  	v41 =	vor.u32 $0x1B, v0;
	_ =	sdelay $0x3  }
0xa7: {  	[tilespmem:v40+s11+$0x0] =	vst.idx.msk $0xffff, v3  }
0xa8: {  	v42 =	vor.u32 v6, v2;
	v3 =	vld.idx.msk [tilespmem:v41+s9+$0x0], $0xffff  }
0xa9: {  	v43 =	vor.u32 $0x1C, v0;
	_ =	sdelay $0x3  }
0xaa: {  	[tilespmem:v42+s11+$0x0] =	vst.idx.msk $0xffff, v3  }
0xab: {  	v44 =	vor.u32 v45, v2;
	v3 =	vld.idx.msk [tilespmem:v43+s9+$0x0], $0xffff  }
0xac: {  	v45 =	vor.u32 $0x1D, v0;
	_ =	sdelay $0x3  }
0xad: {  	[tilespmem:v44+s11+$0x0] =	vst.idx.msk $0xffff, v3  }
0xae: {  	v48 =	vor.u32 v46, v2;
	v3 =	vld.idx.msk [tilespmem:v45+s9+$0x0], $0xffff  }
0xaf: {  	v49 =	vor.u32 $0x1E, v0;
	_ =	sdelay $0x3  }
0xb0: {  	[tilespmem:v48+s11+$0x0] =	vst.idx.msk $0xffff, v3  }
0xb1: {  	v50 =	vor.u32 v47, v2;
	v3 =	vld.idx.msk [tilespmem:v49+s9+$0x0], $0xffff  }
0xb2: {  	v51 =	vor.u32 $0x1F, v0;
	_ =	sdelay $0x3  }
0xb3: {  	v32 =	vor.u32 $0x1F, v1;
	[tilespmem:v50+s11+$0x0] =	vst.idx.msk $0xffff, v3  }
0xb4: {  	v52 =	vor.u32 v32, v2;
	v3 =	vld.idx.msk [tilespmem:v51+s9+$0x0], $0xffff  }
0xb5: {  	v34 =	vor.u32 $0x20, v0;
	_ =	sdelay $0x3  }
0xb6: {  	v12 =	vor.u32 $0x20, v1;
	[tilespmem:v52+s11+$0x0] =	vst.idx.msk $0xffff, v3  }
0xb7: {  	v53 =	vor.u32 v12, v2;
	v3 =	vld.idx.msk [tilespmem:v34+s9+$0x0], $0xffff  }
0xb8: {  	v35 =	vor.u32 $0x21, v0;
	_ =	sdelay $0x3  }
0xb9: {  	v4 =	vor.u32 $0x21, v1;
	[tilespmem:v53+s11+$0x0] =	vst.idx.msk $0xffff, v3  }
0xba: {  	v54 =	vor.u32 v4, v2;
	v3 =	vld.idx.msk [tilespmem:v35+s9+$0x0], $0xffff  }
0xbb: {  	v36 =	vor.u32 $0x22, v0;
	_ =	sdelay $0x3  }
0xbc: {  	v13 =	vor.u32 $0x22, v1;
	[tilespmem:v54+s11+$0x0] =	vst.idx.msk $0xffff, v3  }
0xbd: {  	v55 =	vor.u32 v13, v2;
	v3 =	vld.idx.msk [tilespmem:v36+s9+$0x0], $0xffff  }
0xbe: {  	v37 =	vor.u32 $0x23, v0;
	_ =	sdelay $0x3  }
0xbf: {  	v7 =	vor.u32 $0x23, v1;
	[tilespmem:v55+s11+$0x0] =	vst.idx.msk $0xffff, v3  }
0xc0: {  	v56 =	vor.u32 v7, v2;
	v3 =	vld.idx.msk [tilespmem:v37+s9+$0x0], $0xffff  }
0xc1: {  	v38 =	vor.u32 $0x24, v0;
	_ =	sdelay $0x3  }
0xc2: {  	v35 =	vor.u32 $0x24, v1;
	[tilespmem:v56+s11+$0x0] =	vst.idx.msk $0xffff, v3  }
0xc3: {  	v57 =	vor.u32 v35, v2;
	v3 =	vld.idx.msk [tilespmem:v38+s9+$0x0], $0xffff  }
0xc4: {  	v39 =	vor.u32 $0x25, v0;
	_ =	sdelay $0x3  }
0xc5: {  	v14 =	vor.u32 $0x25, v1;
	[tilespmem:v57+s11+$0x0] =	vst.idx.msk $0xffff, v3  }
0xc6: {  	v58 =	vor.u32 v14, v2;
	v3 =	vld.idx.msk [tilespmem:v39+s9+$0x0], $0xffff  }
0xc7: {  	v40 =	vor.u32 $0x26, v0;
	_ =	sdelay $0x2  }
0xc8: {  	[tilespmem:$0x1FF10] =	vst v4  }
0xc9: {  	v4 =	vor.u32 $0x26, v1;
	[tilespmem:v58+s11+$0x0] =	vst.idx.msk $0xffff, v3  }
0xca: {  	v59 =	vor.u32 v4, v2;
	v3 =	vld.idx.msk [tilespmem:v40+s9+$0x0], $0xffff  }
0xcb: {  	v41 =	vor.u32 $0x27, v0;
	_ =	sdelay $0x3  }
0xcc: {  	v15 =	vor.u32 $0x27, v1;
	[tilespmem:v59+s11+$0x0] =	vst.idx.msk $0xffff, v3  }
0xcd: {  	v60 =	vor.u32 v15, v2;
	v3 =	vld.idx.msk [tilespmem:v41+s9+$0x0], $0xffff  }
0xce: {  	v42 =	vor.u32 $0x28, v0;
	_ =	sdelay $0x3  }
0xcf: {  	v8 =	vor.u32 $0x28, v1;
	[tilespmem:v60+s11+$0x0] =	vst.idx.msk $0xffff, v3  }
0xd0: {  	v61 =	vor.u32 v8, v2;
	v3 =	vld.idx.msk [tilespmem:v42+s9+$0x0], $0xffff  }
0xd1: {  	v43 =	vor.u32 $0x29, v0;
	_ =	sdelay $0x3  }
0xd2: {  	v10 =	vor.u32 $0x29, v1;
	[tilespmem:v61+s11+$0x0] =	vst.idx.msk $0xffff, v3  }
0xd3: {  	v62 =	vor.u32 v10, v2;
	v3 =	vld.idx.msk [tilespmem:v43+s9+$0x0], $0xffff  }
0xd4: {  	v44 =	vor.u32 $0x2A, v0;
	_ =	sdelay $0x3  }
0xd5: {  	v41 =	vor.u32 $0x2A, v1;
	[tilespmem:v62+s11+$0x0] =	vst.idx.msk $0xffff, v3  }
0xd6: {  	v63 =	vor.u32 v41, v2;
	v3 =	vld.idx.msk [tilespmem:v44+s9+$0x0], $0xffff  }
0xd7: {  	v33 =	vor.u32 $0x2B, v0;
	_ =	sdelay $0x3  }
0xd8: {  	v16 =	vor.u32 $0x2B, v1;
	[tilespmem:v63+s11+$0x0] =	vst.idx.msk $0xffff, v3  }
0xd9: {  	v34 =	vor.u32 v16, v2;
	v3 =	vld.idx.msk [tilespmem:v33+s9+$0x0], $0xffff  }
0xda: {  	v36 =	vor.u32 $0x2C, v0;
	_ =	sdelay $0x3  }
0xdb: {  	v9 =	vor.u32 $0x2C, v1;
	[tilespmem:v34+s11+$0x0] =	vst.idx.msk $0xffff, v3  }
0xdc: {  	v37 =	vor.u32 v9, v2;
	v3 =	vld.idx.msk [tilespmem:v36+s9+$0x0], $0xffff  }
0xdd: {  	v38 =	vor.u32 $0x2D, v0;
	_ =	sdelay $0x3  }
0xde: {  	v40 =	vor.u32 $0x2D, v1;
	[tilespmem:v37+s11+$0x0] =	vst.idx.msk $0xffff, v3  }
0xdf: {  	v43 =	vor.u32 v40, v2;
	v3 =	vld.idx.msk [tilespmem:v38+s9+$0x0], $0xffff  }
0xe0: {  	v48 =	vor.u32 $0x2E, v0;
	_ =	sdelay $0x3  }
0xe1: {  	v38 =	vor.u32 $0x2E, v1;
	[tilespmem:v43+s11+$0x0] =	vst.idx.msk $0xffff, v3  }
0xe2: {  	v44 =	vor.u32 v38, v2;
	v3 =	vld.idx.msk [tilespmem:v48+s9+$0x0], $0xffff  }
0xe3: {  	v49 =	vor.u32 $0x2F, v0;
	_ =	sdelay $0x3  }
0xe4: {  	v11 =	vor.u32 $0x2F, v1;
	[tilespmem:v44+s11+$0x0] =	vst.idx.msk $0xffff, v3  }
0xe5: {  	v45 =	vor.u32 v11, v2;
	v3 =	vld.idx.msk [tilespmem:v49+s9+$0x0], $0xffff  }
0xe6: {  	v50 =	vor.u32 $0x30, v0;
	_ =	sdelay $0x3  }
0xe7: {  	v37 =	vor.u32 $0x30, v1;
	[tilespmem:v45+s11+$0x0] =	vst.idx.msk $0xffff, v3  }
0xe8: {  	v46 =	vor.u32 v37, v2;
	v3 =	vld.idx.msk [tilespmem:v50+s9+$0x0], $0xffff  }
0xe9: {  	v51 =	vor.u32 $0x31, v0;
	_ =	sdelay $0x3  }
0xea: {  	v36 =	vor.u32 $0x31, v1;
	[tilespmem:v46+s11+$0x0] =	vst.idx.msk $0xffff, v3  }
0xeb: {  	v47 =	vor.u32 v36, v2;
	v3 =	vld.idx.msk [tilespmem:v51+s9+$0x0], $0xffff  }
0xec: {  	v52 =	vor.u32 $0x32, v0;
	_ =	sdelay $0x3  }
0xed: {  	v46 =	vor.u32 $0x32, v1;
	[tilespmem:v47+s11+$0x0] =	vst.idx.msk $0xffff, v3  }
0xee: {  	v48 =	vor.u32 v46, v2;
	v3 =	vld.idx.msk [tilespmem:v52+s9+$0x0], $0xffff  }
0xef: {  	v53 =	vor.u32 $0x33, v0;
	_ =	sdelay $0x3  }
0xf0: {  	v45 =	vor.u32 $0x33, v1;
	[tilespmem:v48+s11+$0x0] =	vst.idx.msk $0xffff, v3  }
0xf1: {  	v49 =	vor.u32 v45, v2;
	v3 =	vld.idx.msk [tilespmem:v53+s9+$0x0], $0xffff  }
0xf2: {  	v54 =	vor.u32 $0x34, v0;
	_ =	sdelay $0x3  }
0xf3: {  	v34 =	vor.u32 $0x34, v1;
	[tilespmem:v49+s11+$0x0] =	vst.idx.msk $0xffff, v3  }
0xf4: {  	v50 =	vor.u32 v34, v2;
	v3 =	vld.idx.msk [tilespmem:v54+s9+$0x0], $0xffff  }
0xf5: {  	v55 =	vor.u32 $0x35, v0;
	_ =	sdelay $0x3  }
0xf6: {  	v44 =	vor.u32 $0x35, v1;
	[tilespmem:v50+s11+$0x0] =	vst.idx.msk $0xffff, v3  }
0xf7: {  	v51 =	vor.u32 v44, v2;
	v3 =	vld.idx.msk [tilespmem:v55+s9+$0x0], $0xffff  }
0xf8: {  	v56 =	vor.u32 $0x36, v0;
	_ =	sdelay $0x3  }
0xf9: {  	v39 =	vor.u32 $0x36, v1;
	[tilespmem:v51+s11+$0x0] =	vst.idx.msk $0xffff, v3  }
0xfa: {  	v52 =	vor.u32 v39, v2;
	v3 =	vld.idx.msk [tilespmem:v56+s9+$0x0], $0xffff  }
0xfb: {  	v57 =	vor.u32 $0x37, v0;
	_ =	sdelay $0x3  }
0xfc: {  	v33 =	vor.u32 $0x37, v1;
	[tilespmem:v52+s11+$0x0] =	vst.idx.msk $0xffff, v3  }
0xfd: {  	v53 =	vor.u32 v33, v2;
	v3 =	vld.idx.msk [tilespmem:v57+s9+$0x0], $0xffff  }
0xfe: {  	v58 =	vor.u32 $0x38, v0;
	_ =	sdelay $0x3  }
0xff: {  	v43 =	vor.u32 $0x38, v1;
	[tilespmem:v53+s11+$0x0] =	vst.idx.msk $0xffff, v3  }
0x100: {  	v54 =	vor.u32 v43, v2;
	v3 =	vld.idx.msk [tilespmem:v58+s9+$0x0], $0xffff  }
0x101: {  	v59 =	vor.u32 $0x39, v0;
	_ =	sdelay $0x3  }
0x102: {  	v51 =	vor.u32 $0x39, v1;
	[tilespmem:v54+s11+$0x0] =	vst.idx.msk $0xffff, v3  }
0x103: {  	v55 =	vor.u32 v51, v2;
	v3 =	vld.idx.msk [tilespmem:v59+s9+$0x0], $0xffff  }
0x104: {  	v60 =	vor.u32 $0x3A, v0;
	_ =	sdelay $0x3  }
0x105: {  	v47 =	vor.u32 $0x3A, v1;
	[tilespmem:v55+s11+$0x0] =	vst.idx.msk $0xffff, v3  }
0x106: {  	v56 =	vor.u32 v47, v2;
	v3 =	vld.idx.msk [tilespmem:v60+s9+$0x0], $0xffff  }
0x107: {  	v61 =	vor.u32 $0x3B, v0;
	_ =	sdelay $0x3  }
0x108: {  	v50 =	vor.u32 $0x3B, v1;
	[tilespmem:v56+s11+$0x0] =	vst.idx.msk $0xffff, v3  }
0x109: {  	v57 =	vor.u32 v50, v2;
	v3 =	vld.idx.msk [tilespmem:v61+s9+$0x0], $0xffff  }
0x10a: {  	v62 =	vor.u32 $0x3C, v0;
	_ =	sdelay $0x3  }
0x10b: {  	v49 =	vor.u32 $0x3C, v1;
	[tilespmem:v57+s11+$0x0] =	vst.idx.msk $0xffff, v3  }
0x10c: {  	v58 =	vor.u32 v49, v2;
	v3 =	vld.idx.msk [tilespmem:v62+s9+$0x0], $0xffff  }
0x10d: {  	v63 =	vor.u32 $0x3D, v0;
	_ =	sdelay $0x3  }
0x10e: {  	v42 =	vor.u32 $0x3D, v1;
	[tilespmem:v58+s11+$0x0] =	vst.idx.msk $0xffff, v3  }
0x10f: {  	v59 =	vor.u32 v42, v2;
	v3 =	vld.idx.msk [tilespmem:v63+s9+$0x0], $0xffff  }
0x110: {  	[tilespmem:$0x1FF20] =	vst v4;
	v4 =	vor.u32 $0x3E, v0;
	_ =	sdelay $0x3  }
0x111: {  	v48 =	vor.u32 $0x3E, v1;
	[tilespmem:v59+s11+$0x0] =	vst.idx.msk $0xffff, v3  }
0x112: {  	v3 =	vld.idx.msk [tilespmem:v4+s9+$0x0], $0xffff;
	v4 =	vor.u32 v48, v2  }
0x113: {  	v53 =	vmov v28;
	v28 =	vmov v5;
	v5 =	vor.u32 $0x3F, v0;
	_ =	sdelay $0x3  }
0x114: {  	v57 =	vmov v24;
	v24 =	vor.u32 $0x3F, v1;
	[tilespmem:v4+s11+$0x0] =	vst.idx.msk $0xffff, v3  }
0x115: {  	v2 =	vor.u32 v24, v2;
	v3 =	vld.idx.msk [tilespmem:v5+s9+$0x0], $0xffff;
	_ =	sdelay $0x4  }
0x116: {  	[tilespmem:v2+s11+$0x0] =	vst.idx.msk $0xffff, v3  }
0x117: {  	v2 =	vld [tilespmem:s14+$0xFFFFFFD0];
	_ =	sdelay $0x2  }
0x118: {  	v3 =	vlaneseq.u32  }
0x119: {  	v3 =	vor.u32 $0x10, v3  }
0x11a: {  	v4 =	vor.u32 s15, v3;
	v2 =	vshrl.u32 v2, $0x7  }
0x11b: {  	v3 =	vshll.u32 v4, $0x7;
	v2 =	vand.u32 $0x40, v2  }
0x11c: {  	v3 =	vor.u32 v3, v2;
	_ =	sdelay $0x2  }
0x11d: {  	v2 =	vshll.u32 v4, $0x6  }
0x11e: {  	v2 =	vand.u32 $0x6780, v2  }
0x11f: {  	v5 =	vor.u32 v1, v2;
	v4 =	vld.idx.msk [tilespmem:v3+s9+$0x0], $0xffff  }
0x120: {  	v52 =	vmov v27;
	v27 =	vmov v6;
	v0 =	vld [tilespmem:$0x1FF60];
	v6 =	vor.u32 $0x1, v3;
	_ =	sdelay $0x3  }
0x121: {  	[tilespmem:v5+s11+$0x0] =	vst.idx.msk $0xffff, v4  }
0x122: {  	v5 =	vor.u32 v0, v2;
	v4 =	vld.idx.msk [tilespmem:v6+s9+$0x0], $0xffff  }
0x123: {  	v0 =	vld [tilespmem:$0x1FF70];
	v6 =	vor.u32 $0x2, v3;
	_ =	sdelay $0x3  }
0x124: {  	[tilespmem:v5+s11+$0x0] =	vst.idx.msk $0xffff, v4  }
0x125: {  	v5 =	vor.u32 v0, v2;
	v4 =	vld.idx.msk [tilespmem:v6+s9+$0x0], $0xffff  }
0x126: {  	v6 =	vor.u32 $0x3, v3;
	_ =	sdelay $0x3  }
0x127: {  	[tilespmem:v5+s11+$0x0] =	vst.idx.msk $0xffff, v4  }
0x128: {  	v4 =	vld.idx.msk [tilespmem:v6+s9+$0x0], $0xffff  }
0x129: {  	v0 =	vld [tilespmem:$0x1FF80];
	_ =	sdelay $0x4  }
0x12a: {  	v5 =	vor.u32 v0, v2  }
0x12b: {  	v6 =	vor.u32 $0x4, v3;
	v0 =	vld [tilespmem:$0x1FF90];
	_ =	sdelay $0x3  }
0x12c: {  	[tilespmem:v5+s11+$0x0] =	vst.idx.msk $0xffff, v4  }
0x12d: {  	v5 =	vor.u32 v0, v2;
	v4 =	vld.idx.msk [tilespmem:v6+s9+$0x0], $0xffff  }
0x12e: {  	v0 =	vld [tilespmem:$0x1FFA0];
	v6 =	vor.u32 $0x5, v3;
	_ =	sdelay $0x3  }
0x12f: {  	[tilespmem:v5+s11+$0x0] =	vst.idx.msk $0xffff, v4  }
0x130: {  	v5 =	vor.u32 v0, v2;
	v4 =	vld.idx.msk [tilespmem:v6+s9+$0x0], $0xffff  }
0x131: {  	v0 =	vld [tilespmem:$0x1FFB0];
	v6 =	vor.u32 $0x6, v3;
	_ =	sdelay $0x3  }
0x132: {  	[tilespmem:v5+s11+$0x0] =	vst.idx.msk $0xffff, v4  }
0x133: {  	v5 =	vor.u32 v0, v2;
	v4 =	vld.idx.msk [tilespmem:v6+s9+$0x0], $0xffff  }
0x134: {  	v0 =	vld [tilespmem:$0x1FFC0];
	v6 =	vor.u32 $0x7, v3;
	_ =	sdelay $0x3  }
0x135: {  	[tilespmem:v5+s11+$0x0] =	vst.idx.msk $0xffff, v4  }
0x136: {  	v5 =	vor.u32 v0, v2;
	v4 =	vld.idx.msk [tilespmem:v6+s9+$0x0], $0xffff  }
0x137: {  	v0 =	vld [tilespmem:$0x1FFD0];
	v6 =	vor.u32 $0x8, v3;
	_ =	sdelay $0x3  }
0x138: {  	[tilespmem:v5+s11+$0x0] =	vst.idx.msk $0xffff, v4  }
0x139: {  	v5 =	vor.u32 v0, v2;
	v4 =	vld.idx.msk [tilespmem:v6+s9+$0x0], $0xffff  }
0x13a: {  	v0 =	vld [tilespmem:$0x1FFE0];
	v6 =	vor.u32 $0x9, v3;
	_ =	sdelay $0x3  }
0x13b: {  	[tilespmem:v5+s11+$0x0] =	vst.idx.msk $0xffff, v4  }
0x13c: {  	v5 =	vor.u32 v0, v2;
	v4 =	vld.idx.msk [tilespmem:v6+s9+$0x0], $0xffff  }
0x13d: {  	v0 =	vld [tilespmem:$0x1FFF0];
	v6 =	vor.u32 $0xA, v3;
	_ =	sdelay $0x3  }
0x13e: {  	[tilespmem:v5+s11+$0x0] =	vst.idx.msk $0xffff, v4  }
0x13f: {  	v5 =	vor.u32 v0, v2;
	v4 =	vld.idx.msk [tilespmem:v6+s9+$0x0], $0xffff  }
0x140: {  	v6 =	vor.u32 $0xB, v3;
	_ =	sdelay $0x3  }
0x141: {  	[tilespmem:v5+s11+$0x0] =	vst.idx.msk $0xffff, v4  }
0x142: {  	v5 =	vor.u32 v17, v2;
	v4 =	vld.idx.msk [tilespmem:v6+s9+$0x0], $0xffff  }
0x143: {  	v6 =	vor.u32 $0xC, v3;
	_ =	sdelay $0x3  }
0x144: {  	[tilespmem:v5+s11+$0x0] =	vst.idx.msk $0xffff, v4  }
0x145: {  	v5 =	vor.u32 v18, v2;
	v4 =	vld.idx.msk [tilespmem:v6+s9+$0x0], $0xffff  }
0x146: {  	v6 =	vor.u32 $0xD, v3;
	_ =	sdelay $0x3  }
0x147: {  	[tilespmem:v5+s11+$0x0] =	vst.idx.msk $0xffff, v4  }
0x148: {  	v5 =	vor.u32 v19, v2;
	v4 =	vld.idx.msk [tilespmem:v6+s9+$0x0], $0xffff  }
0x149: {  	v6 =	vor.u32 $0xE, v3;
	_ =	sdelay $0x3  }
0x14a: {  	[tilespmem:v5+s11+$0x0] =	vst.idx.msk $0xffff, v4  }
0x14b: {  	v5 =	vor.u32 v20, v2;
	v4 =	vld.idx.msk [tilespmem:v6+s9+$0x0], $0xffff  }
0x14c: {  	v6 =	vor.u32 $0xF, v3;
	_ =	sdelay $0x3  }
0x14d: {  	[tilespmem:v5+s11+$0x0] =	vst.idx.msk $0xffff, v4  }
0x14e: {  	v5 =	vor.u32 v21, v2;
	v4 =	vld.idx.msk [tilespmem:v6+s9+$0x0], $0xffff  }
0x14f: {  	v6 =	vor.u32 $0x10, v3;
	_ =	sdelay $0x3  }
0x150: {  	[tilespmem:v5+s11+$0x0] =	vst.idx.msk $0xffff, v4  }
0x151: {  	v5 =	vor.u32 v22, v2;
	v4 =	vld.idx.msk [tilespmem:v6+s9+$0x0], $0xffff  }
0x152: {  	v6 =	vor.u32 $0x11, v3;
	_ =	sdelay $0x3  }
0x153: {  	[tilespmem:v5+s11+$0x0] =	vst.idx.msk $0xffff, v4  }
0x154: {  	v5 =	vor.u32 v23, v2;
	v4 =	vld.idx.msk [tilespmem:v6+s9+$0x0], $0xffff  }
0x155: {  	v6 =	vor.u32 $0x12, v3;
	_ =	sdelay $0x3  }
0x156: {  	[tilespmem:v5+s11+$0x0] =	vst.idx.msk $0xffff, v4  }
0x157: {  	v5 =	vor.u32 v57, v2;
	v4 =	vld.idx.msk [tilespmem:v6+s9+$0x0], $0xffff  }
0x158: {  	v6 =	vor.u32 $0x13, v3;
	_ =	sdelay $0x3  }
0x159: {  	[tilespmem:v5+s11+$0x0] =	vst.idx.msk $0xffff, v4  }
0x15a: {  	v5 =	vor.u32 v25, v2;
	v4 =	vld.idx.msk [tilespmem:v6+s9+$0x0], $0xffff  }
0x15b: {  	v6 =	vor.u32 $0x14, v3;
	_ =	sdelay $0x3  }
0x15c: {  	[tilespmem:v5+s11+$0x0] =	vst.idx.msk $0xffff, v4  }
0x15d: {  	v5 =	vor.u32 v26, v2;
	v4 =	vld.idx.msk [tilespmem:v6+s9+$0x0], $0xffff  }
0x15e: {  	v6 =	vor.u32 $0x15, v3;
	_ =	sdelay $0x3  }
0x15f: {  	[tilespmem:v5+s11+$0x0] =	vst.idx.msk $0xffff, v4  }
0x160: {  	v5 =	vor.u32 v52, v2;
	v4 =	vld.idx.msk [tilespmem:v6+s9+$0x0], $0xffff  }
0x161: {  	v6 =	vor.u32 $0x16, v3;
	_ =	sdelay $0x3  }
0x162: {  	[tilespmem:v5+s11+$0x0] =	vst.idx.msk $0xffff, v4  }
0x163: {  	v5 =	vor.u32 v53, v2;
	v4 =	vld.idx.msk [tilespmem:v6+s9+$0x0], $0xffff  }
0x164: {  	v6 =	vor.u32 $0x17, v3;
	_ =	sdelay $0x3  }
0x165: {  	[tilespmem:v5+s11+$0x0] =	vst.idx.msk $0xffff, v4  }
0x166: {  	v5 =	vor.u32 v29, v2;
	v4 =	vld.idx.msk [tilespmem:v6+s9+$0x0], $0xffff  }
0x167: {  	v6 =	vor.u32 $0x18, v3;
	_ =	sdelay $0x3  }
0x168: {  	[tilespmem:v5+s11+$0x0] =	vst.idx.msk $0xffff, v4  }
0x169: {  	v5 =	vor.u32 v30, v2;
	v4 =	vld.idx.msk [tilespmem:v6+s9+$0x0], $0xffff  }
0x16a: {  	v6 =	vor.u32 $0x19, v3;
	_ =	sdelay $0x3  }
0x16b: {  	[tilespmem:v5+s11+$0x0] =	vst.idx.msk $0xffff, v4  }
0x16c: {  	v5 =	vor.u32 v31, v2;
	v4 =	vld.idx.msk [tilespmem:v6+s9+$0x0], $0xffff  }
0x16d: {  	v6 =	vor.u32 $0x1A, v3;
	_ =	sdelay $0x3  }
0x16e: {  	[tilespmem:v5+s11+$0x0] =	vst.idx.msk $0xffff, v4  }
0x16f: {  	v5 =	vor.u32 v28, v2;
	v4 =	vld.idx.msk [tilespmem:v6+s9+$0x0], $0xffff  }
0x170: {  	v6 =	vor.u32 $0x1B, v3;
	_ =	sdelay $0x3  }
0x171: {  	[tilespmem:v5+s11+$0x0] =	vst.idx.msk $0xffff, v4  }
0x172: {  	v5 =	vor.u32 v27, v2;
	v4 =	vld.idx.msk [tilespmem:v6+s9+$0x0], $0xffff  }
0x173: {  	v0 =	vld [tilespmem:$0x1FF30];
	v6 =	vor.u32 $0x1C, v3;
	_ =	sdelay $0x3  }
0x174: {  	[tilespmem:v5+s11+$0x0] =	vst.idx.msk $0xffff, v4  }
0x175: {  	v5 =	vor.u32 v0, v2;
	v4 =	vld.idx.msk [tilespmem:v6+s9+$0x0], $0xffff  }
0x176: {  	v0 =	vld [tilespmem:$0x1FF40];
	v6 =	vor.u32 $0x1D, v3;
	_ =	sdelay $0x3  }
0x177: {  	[tilespmem:v5+s11+$0x0] =	vst.idx.msk $0xffff, v4  }
0x178: {  	v5 =	vor.u32 v0, v2;
	v4 =	vld.idx.msk [tilespmem:v6+s9+$0x0], $0xffff  }
0x179: {  	v0 =	vld [tilespmem:$0x1FF50];
	v6 =	vor.u32 $0x1E, v3;
	_ =	sdelay $0x3  }
0x17a: {  	[tilespmem:v5+s11+$0x0] =	vst.idx.msk $0xffff, v4  }
0x17b: {  	v5 =	vor.u32 v0, v2;
	v4 =	vld.idx.msk [tilespmem:v6+s9+$0x0], $0xffff  }
0x17c: {  	v6 =	vor.u32 $0x1F, v3;
	_ =	sdelay $0x3  }
0x17d: {  	[tilespmem:v5+s11+$0x0] =	vst.idx.msk $0xffff, v4  }
0x17e: {  	v5 =	vor.u32 v32, v2;
	v4 =	vld.idx.msk [tilespmem:v6+s9+$0x0], $0xffff  }
0x17f: {  	v6 =	vor.u32 $0x20, v3;
	_ =	sdelay $0x3  }
0x180: {  	[tilespmem:v5+s11+$0x0] =	vst.idx.msk $0xffff, v4  }
0x181: {  	v5 =	vor.u32 v12, v2;
	v4 =	vld.idx.msk [tilespmem:v6+s9+$0x0], $0xffff  }
0x182: {  	v0 =	vld [tilespmem:$0x1FF10];
	v6 =	vor.u32 $0x21, v3;
	_ =	sdelay $0x3  }
0x183: {  	[tilespmem:v5+s11+$0x0] =	vst.idx.msk $0xffff, v4  }
0x184: {  	v5 =	vor.u32 v0, v2;
	v4 =	vld.idx.msk [tilespmem:v6+s9+$0x0], $0xffff  }
0x185: {  	v6 =	vor.u32 $0x22, v3;
	_ =	sdelay $0x3  }
0x186: {  	[tilespmem:v5+s11+$0x0] =	vst.idx.msk $0xffff, v4  }
0x187: {  	v5 =	vor.u32 v13, v2;
	v4 =	vld.idx.msk [tilespmem:v6+s9+$0x0], $0xffff  }
0x188: {  	v6 =	vor.u32 $0x23, v3;
	_ =	sdelay $0x3  }
0x189: {  	[tilespmem:v5+s11+$0x0] =	vst.idx.msk $0xffff, v4  }
0x18a: {  	v5 =	vor.u32 v7, v2;
	v4 =	vld.idx.msk [tilespmem:v6+s9+$0x0], $0xffff  }
0x18b: {  	v6 =	vor.u32 $0x24, v3;
	_ =	sdelay $0x3  }
0x18c: {  	[tilespmem:v5+s11+$0x0] =	vst.idx.msk $0xffff, v4  }
0x18d: {  	v5 =	vor.u32 v35, v2;
	v4 =	vld.idx.msk [tilespmem:v6+s9+$0x0], $0xffff  }
0x18e: {  	v6 =	vor.u32 $0x25, v3;
	_ =	sdelay $0x3  }
0x18f: {  	[tilespmem:v5+s11+$0x0] =	vst.idx.msk $0xffff, v4  }
0x190: {  	v5 =	vor.u32 v14, v2;
	v4 =	vld.idx.msk [tilespmem:v6+s9+$0x0], $0xffff  }
0x191: {  	v58 =	vmov v21;
	v21 =	vmov v7;
	v7 =	vld [tilespmem:$0x1FF20];
	v6 =	vor.u32 $0x26, v3;
	_ =	sdelay $0x3  }
0x192: {  	[tilespmem:v5+s11+$0x0] =	vst.idx.msk $0xffff, v4  }
0x193: {  	v5 =	vor.u32 v7, v2;
	v4 =	vld.idx.msk [tilespmem:v6+s9+$0x0], $0xffff  }
0x194: {  	v6 =	vor.u32 $0x27, v3;
	_ =	sdelay $0x3  }
0x195: {  	[tilespmem:v5+s11+$0x0] =	vst.idx.msk $0xffff, v4  }
0x196: {  	v5 =	vor.u32 v15, v2;
	v4 =	vld.idx.msk [tilespmem:v6+s9+$0x0], $0xffff  }
0x197: {  	v6 =	vor.u32 $0x28, v3;
	_ =	sdelay $0x3  }
0x198: {  	[tilespmem:v5+s11+$0x0] =	vst.idx.msk $0xffff, v4  }
0x199: {  	v5 =	vor.u32 v8, v2;
	v4 =	vld.idx.msk [tilespmem:v6+s9+$0x0], $0xffff  }
0x19a: {  	v6 =	vor.u32 $0x29, v3;
	_ =	sdelay $0x3  }
0x19b: {  	[tilespmem:v5+s11+$0x0] =	vst.idx.msk $0xffff, v4  }
0x19c: {  	v5 =	vor.u32 v10, v2;
	v4 =	vld.idx.msk [tilespmem:v6+s9+$0x0], $0xffff  }
0x19d: {  	v6 =	vor.u32 $0x2A, v3;
	_ =	sdelay $0x3  }
0x19e: {  	[tilespmem:v5+s11+$0x0] =	vst.idx.msk $0xffff, v4  }
0x19f: {  	v5 =	vor.u32 v41, v2;
	v4 =	vld.idx.msk [tilespmem:v6+s9+$0x0], $0xffff  }
0x1a0: {  	v6 =	vor.u32 $0x2B, v3;
	_ =	sdelay $0x3  }
0x1a1: {  	[tilespmem:v5+s11+$0x0] =	vst.idx.msk $0xffff, v4  }
0x1a2: {  	v5 =	vor.u32 v16, v2;
	v4 =	vld.idx.msk [tilespmem:v6+s9+$0x0], $0xffff  }
0x1a3: {  	v6 =	vor.u32 $0x2C, v3;
	_ =	sdelay $0x3  }
0x1a4: {  	[tilespmem:v5+s11+$0x0] =	vst.idx.msk $0xffff, v4  }
0x1a5: {  	v5 =	vor.u32 v9, v2;
	v4 =	vld.idx.msk [tilespmem:v6+s9+$0x0], $0xffff  }
0x1a6: {  	v6 =	vor.u32 $0x2D, v3;
	_ =	sdelay $0x3  }
0x1a7: {  	[tilespmem:v5+s11+$0x0] =	vst.idx.msk $0xffff, v4  }
0x1a8: {  	v5 =	vor.u32 v40, v2;
	v4 =	vld.idx.msk [tilespmem:v6+s9+$0x0], $0xffff  }
0x1a9: {  	v6 =	vor.u32 $0x2E, v3;
	_ =	sdelay $0x3  }
0x1aa: {  	[tilespmem:v5+s11+$0x0] =	vst.idx.msk $0xffff, v4  }
0x1ab: {  	v5 =	vor.u32 v38, v2;
	v4 =	vld.idx.msk [tilespmem:v6+s9+$0x0], $0xffff  }
0x1ac: {  	v6 =	vor.u32 $0x2F, v3;
	_ =	sdelay $0x3  }
0x1ad: {  	[tilespmem:v5+s11+$0x0] =	vst.idx.msk $0xffff, v4  }
0x1ae: {  	v5 =	vor.u32 v11, v2;
	v4 =	vld.idx.msk [tilespmem:v6+s9+$0x0], $0xffff  }
0x1af: {  	v6 =	vor.u32 $0x30, v3;
	_ =	sdelay $0x3  }
0x1b0: {  	[tilespmem:v5+s11+$0x0] =	vst.idx.msk $0xffff, v4  }
0x1b1: {  	v5 =	vor.u32 v37, v2;
	v4 =	vld.idx.msk [tilespmem:v6+s9+$0x0], $0xffff  }
0x1b2: {  	v6 =	vor.u32 $0x31, v3;
	_ =	sdelay $0x3  }
0x1b3: {  	[tilespmem:v5+s11+$0x0] =	vst.idx.msk $0xffff, v4  }
0x1b4: {  	v5 =	vor.u32 v36, v2;
	v4 =	vld.idx.msk [tilespmem:v6+s9+$0x0], $0xffff  }
0x1b5: {  	v6 =	vor.u32 $0x32, v3;
	_ =	sdelay $0x3  }
0x1b6: {  	[tilespmem:v5+s11+$0x0] =	vst.idx.msk $0xffff, v4  }
0x1b7: {  	v5 =	vor.u32 v46, v2;
	v4 =	vld.idx.msk [tilespmem:v6+s9+$0x0], $0xffff  }
0x1b8: {  	v6 =	vor.u32 $0x33, v3;
	_ =	sdelay $0x3  }
0x1b9: {  	[tilespmem:v5+s11+$0x0] =	vst.idx.msk $0xffff, v4  }
0x1ba: {  	v5 =	vor.u32 v45, v2;
	v4 =	vld.idx.msk [tilespmem:v6+s9+$0x0], $0xffff  }
0x1bb: {  	v6 =	vor.u32 $0x34, v3;
	_ =	sdelay $0x3  }
0x1bc: {  	[tilespmem:v5+s11+$0x0] =	vst.idx.msk $0xffff, v4  }
0x1bd: {  	v5 =	vor.u32 v34, v2;
	v4 =	vld.idx.msk [tilespmem:v6+s9+$0x0], $0xffff  }
0x1be: {  	v6 =	vor.u32 $0x35, v3;
	_ =	sdelay $0x3  }
0x1bf: {  	[tilespmem:v5+s11+$0x0] =	vst.idx.msk $0xffff, v4  }
0x1c0: {  	v5 =	vor.u32 v44, v2;
	v4 =	vld.idx.msk [tilespmem:v6+s9+$0x0], $0xffff  }
0x1c1: {  	v6 =	vor.u32 $0x36, v3;
	_ =	sdelay $0x3  }
0x1c2: {  	[tilespmem:v5+s11+$0x0] =	vst.idx.msk $0xffff, v4  }
0x1c3: {  	v5 =	vor.u32 v39, v2;
	v4 =	vld.idx.msk [tilespmem:v6+s9+$0x0], $0xffff  }
0x1c4: {  	v6 =	vor.u32 $0x37, v3;
	_ =	sdelay $0x3  }
0x1c5: {  	[tilespmem:v5+s11+$0x0] =	vst.idx.msk $0xffff, v4  }
0x1c6: {  	v5 =	vor.u32 v33, v2;
	v4 =	vld.idx.msk [tilespmem:v6+s9+$0x0], $0xffff  }
0x1c7: {  	v6 =	vor.u32 $0x38, v3;
	_ =	sdelay $0x3  }
0x1c8: {  	[tilespmem:v5+s11+$0x0] =	vst.idx.msk $0xffff, v4  }
0x1c9: {  	v5 =	vor.u32 v43, v2;
	v4 =	vld.idx.msk [tilespmem:v6+s9+$0x0], $0xffff  }
0x1ca: {  	v6 =	vor.u32 $0x39, v3;
	_ =	sdelay $0x3  }
0x1cb: {  	[tilespmem:v5+s11+$0x0] =	vst.idx.msk $0xffff, v4  }
0x1cc: {  	v5 =	vor.u32 v51, v2;
	v4 =	vld.idx.msk [tilespmem:v6+s9+$0x0], $0xffff  }
0x1cd: {  	v6 =	vor.u32 $0x3A, v3;
	_ =	sdelay $0x3  }
0x1ce: {  	[tilespmem:v5+s11+$0x0] =	vst.idx.msk $0xffff, v4  }
0x1cf: {  	v5 =	vor.u32 v47, v2;
	v4 =	vld.idx.msk [tilespmem:v6+s9+$0x0], $0xffff  }
0x1d0: {  	v6 =	vor.u32 $0x3B, v3;
	_ =	sdelay $0x3  }
0x1d1: {  	[tilespmem:v5+s11+$0x0] =	vst.idx.msk $0xffff, v4  }
0x1d2: {  	v5 =	vor.u32 v50, v2;
	v4 =	vld.idx.msk [tilespmem:v6+s9+$0x0], $0xffff  }
0x1d3: {  	v6 =	vor.u32 $0x3C, v3;
	_ =	sdelay $0x3  }
0x1d4: {  	[tilespmem:v5+s11+$0x0] =	vst.idx.msk $0xffff, v4  }
0x1d5: {  	v5 =	vor.u32 v49, v2;
	v4 =	vld.idx.msk [tilespmem:v6+s9+$0x0], $0xffff  }
0x1d6: {  	v6 =	vor.u32 $0x3D, v3;
	_ =	sdelay $0x3  }
0x1d7: {  	[tilespmem:v5+s11+$0x0] =	vst.idx.msk $0xffff, v4  }
0x1d8: {  	v5 =	vor.u32 v42, v2;
	v4 =	vld.idx.msk [tilespmem:v6+s9+$0x0], $0xffff  }
0x1d9: {  	v6 =	vor.u32 $0x3E, v3;
	_ =	sdelay $0x3  }
0x1da: {  	[tilespmem:v5+s11+$0x0] =	vst.idx.msk $0xffff, v4  }
0x1db: {  	v5 =	vor.u32 v48, v2;
	v4 =	vld.idx.msk [tilespmem:v6+s9+$0x0], $0xffff  }
0x1dc: {  	v3 =	vor.u32 $0x3F, v3;
	_ =	sdelay $0x3  }
0x1dd: {  	[tilespmem:v5+s11+$0x0] =	vst.idx.msk $0xffff, v4  }
0x1de: {  	v2 =	vor.u32 v24, v2;
	v3 =	vld.idx.msk [tilespmem:v3+s9+$0x0], $0xffff;
	_ =	sdelay $0x4  }
0x1df: {  	[tilespmem:v2+s11+$0x0] =	vst.idx.msk $0xffff, v3  }
0x1e0: {  	v2 =	vld [tilespmem:s14+$0xFFFFFFE0];
	_ =	sdelay $0x2  }
0x1e1: {  	v3 =	vlaneseq.u32  }
0x1e2: {  	v3 =	vor.u32 $0x20, v3  }
0x1e3: {  	v4 =	vor.u32 s15, v3;
	v2 =	vshrl.u32 v2, $0x7  }
0x1e4: {  	v3 =	vshll.u32 v4, $0x7;
	v2 =	vand.u32 $0x40, v2  }
0x1e5: {  	v3 =	vor.u32 v3, v2;
	_ =	sdelay $0x2  }
0x1e6: {  	v2 =	vshll.u32 v4, $0x6  }
0x1e7: {  	v2 =	vand.u32 $0x6B80, v2  }
0x1e8: {  	v5 =	vor.u32 v1, v2;
	v4 =	vld.idx.msk [tilespmem:v3+s9+$0x0], $0xffff;
	_ =	sdelay $0x4  }
0x1e9: {  	v6 =	vor.u32 $0x1, v3;
	[tilespmem:v5+s11+$0x0] =	vst.idx.msk $0xffff, v4;
	v5 =	vld [tilespmem:$0x1FF60];
	_ =	sdelay $0x4  }
0x1ea: {  	v4 =	vld.idx.msk [tilespmem:v6+s9+$0x0], $0xffff;
	v5 =	vor.u32 v5, v2;
	_ =	sdelay $0x4  }
0x1eb: {  	v6 =	vor.u32 $0x2, v3;
	[tilespmem:v5+s11+$0x0] =	vst.idx.msk $0xffff, v4;
	v5 =	vld [tilespmem:$0x1FF70];
	_ =	sdelay $0x4  }
0x1ec: {  	v4 =	vld.idx.msk [tilespmem:v6+s9+$0x0], $0xffff;
	v5 =	vor.u32 v5, v2;
	_ =	sdelay $0x4  }
0x1ed: {  	v6 =	vor.u32 $0x3, v3;
	[tilespmem:v5+s11+$0x0] =	vst.idx.msk $0xffff, v4;
	v5 =	vld [tilespmem:$0x1FF80];
	_ =	sdelay $0x4  }
0x1ee: {  	v4 =	vld.idx.msk [tilespmem:v6+s9+$0x0], $0xffff;
	v5 =	vor.u32 v5, v2;
	_ =	sdelay $0x4  }
0x1ef: {  	v6 =	vor.u32 $0x4, v3;
	[tilespmem:v5+s11+$0x0] =	vst.idx.msk $0xffff, v4;
	v5 =	vld [tilespmem:$0x1FF90];
	_ =	sdelay $0x4  }
0x1f0: {  	v4 =	vld.idx.msk [tilespmem:v6+s9+$0x0], $0xffff;
	v5 =	vor.u32 v5, v2;
	_ =	sdelay $0x4  }
0x1f1: {  	v6 =	vor.u32 $0x5, v3;
	[tilespmem:v5+s11+$0x0] =	vst.idx.msk $0xffff, v4;
	v5 =	vld [tilespmem:$0x1FFA0];
	_ =	sdelay $0x4  }
0x1f2: {  	v4 =	vld.idx.msk [tilespmem:v6+s9+$0x0], $0xffff;
	v5 =	vor.u32 v5, v2;
	_ =	sdelay $0x4  }
0x1f3: {  	v6 =	vor.u32 $0x6, v3;
	[tilespmem:v5+s11+$0x0] =	vst.idx.msk $0xffff, v4;
	v5 =	vld [tilespmem:$0x1FFB0];
	_ =	sdelay $0x4  }
0x1f4: {  	v4 =	vld.idx.msk [tilespmem:v6+s9+$0x0], $0xffff;
	v5 =	vor.u32 v5, v2;
	_ =	sdelay $0x4  }
0x1f5: {  	v6 =	vor.u32 $0x7, v3;
	[tilespmem:v5+s11+$0x0] =	vst.idx.msk $0xffff, v4;
	v5 =	vld [tilespmem:$0x1FFC0];
	_ =	sdelay $0x4  }
0x1f6: {  	v4 =	vld.idx.msk [tilespmem:v6+s9+$0x0], $0xffff;
	v5 =	vor.u32 v5, v2;
	_ =	sdelay $0x4  }
0x1f7: {  	v6 =	vor.u32 $0x8, v3;
	[tilespmem:v5+s11+$0x0] =	vst.idx.msk $0xffff, v4;
	v5 =	vld [tilespmem:$0x1FFD0];
	_ =	sdelay $0x4  }
0x1f8: {  	v4 =	vld.idx.msk [tilespmem:v6+s9+$0x0], $0xffff;
	v5 =	vor.u32 v5, v2;
	_ =	sdelay $0x4  }
0x1f9: {  	v6 =	vor.u32 $0x9, v3;
	[tilespmem:v5+s11+$0x0] =	vst.idx.msk $0xffff, v4;
	v5 =	vld [tilespmem:$0x1FFE0];
	_ =	sdelay $0x4  }
0x1fa: {  	v4 =	vld.idx.msk [tilespmem:v6+s9+$0x0], $0xffff;
	v5 =	vor.u32 v5, v2;
	_ =	sdelay $0x4  }
0x1fb: {  	v6 =	vor.u32 $0xA, v3;
	[tilespmem:v5+s11+$0x0] =	vst.idx.msk $0xffff, v4;
	v5 =	vld [tilespmem:$0x1FFF0];
	_ =	sdelay $0x4  }
0x1fc: {  	v4 =	vld.idx.msk [tilespmem:v6+s9+$0x0], $0xffff;
	v5 =	vor.u32 v5, v2  }
0x1fd: {  	v6 =	vor.u32 $0xB, v3;
	_ =	sdelay $0x3  }
0x1fe: {  	v62 =	vmov v17;
	[tilespmem:v5+s11+$0x0] =	vst.idx.msk $0xffff, v4  }
0x1ff: {  	v5 =	vor.u32 v62, v2;
	v4 =	vld.idx.msk [tilespmem:v6+s9+$0x0], $0xffff  }
0x200: {  	v6 =	vor.u32 $0xC, v3;
	_ =	sdelay $0x3  }
0x201: {  	v63 =	vmov v18;
	[tilespmem:v5+s11+$0x0] =	vst.idx.msk $0xffff, v4  }
0x202: {  	v5 =	vor.u32 v63, v2;
	v4 =	vld.idx.msk [tilespmem:v6+s9+$0x0], $0xffff  }
0x203: {  	v6 =	vor.u32 $0xD, v3;
	_ =	sdelay $0x3  }
0x204: {  	[tilespmem:v5+s11+$0x0] =	vst.idx.msk $0xffff, v4  }
0x205: {  	v5 =	vor.u32 v19, v2;
	v4 =	vld.idx.msk [tilespmem:v6+s9+$0x0], $0xffff  }
0x206: {  	v6 =	vor.u32 $0xE, v3;
	_ =	sdelay $0x3  }
0x207: {  	v61 =	vmov v20;
	[tilespmem:v5+s11+$0x0] =	vst.idx.msk $0xffff, v4  }
0x208: {  	v5 =	vor.u32 v61, v2;
	v4 =	vld.idx.msk [tilespmem:v6+s9+$0x0], $0xffff  }
0x209: {  	v6 =	vor.u32 $0xF, v3;
	_ =	sdelay $0x3  }
0x20a: {  	[tilespmem:v5+s11+$0x0] =	vst.idx.msk $0xffff, v4  }
0x20b: {  	v5 =	vor.u32 v58, v2;
	v4 =	vld.idx.msk [tilespmem:v6+s9+$0x0], $0xffff  }
0x20c: {  	v6 =	vor.u32 $0x10, v3;
	_ =	sdelay $0x3  }
0x20d: {  	v59 =	vmov v22;
	[tilespmem:v5+s11+$0x0] =	vst.idx.msk $0xffff, v4  }
0x20e: {  	v5 =	vor.u32 v59, v2;
	v4 =	vld.idx.msk [tilespmem:v6+s9+$0x0], $0xffff  }
0x20f: {  	v6 =	vor.u32 $0x11, v3;
	_ =	sdelay $0x3  }
0x210: {  	v56 =	vmov v23;
	[tilespmem:v5+s11+$0x0] =	vst.idx.msk $0xffff, v4  }
0x211: {  	v5 =	vor.u32 v56, v2;
	v4 =	vld.idx.msk [tilespmem:v6+s9+$0x0], $0xffff  }
0x212: {  	v6 =	vor.u32 $0x12, v3;
	_ =	sdelay $0x3  }
0x213: {  	[tilespmem:v5+s11+$0x0] =	vst.idx.msk $0xffff, v4  }
0x214: {  	v5 =	vor.u32 v57, v2;
	v4 =	vld.idx.msk [tilespmem:v6+s9+$0x0], $0xffff  }
0x215: {  	v6 =	vor.u32 $0x13, v3;
	_ =	sdelay $0x3  }
0x216: {  	v54 =	vmov v25;
	[tilespmem:v5+s11+$0x0] =	vst.idx.msk $0xffff, v4  }
0x217: {  	v5 =	vor.u32 v54, v2;
	v4 =	vld.idx.msk [tilespmem:v6+s9+$0x0], $0xffff  }
0x218: {  	v6 =	vor.u32 $0x14, v3;
	_ =	sdelay $0x3  }
0x219: {  	v55 =	vmov v26;
	[tilespmem:v5+s11+$0x0] =	vst.idx.msk $0xffff, v4  }
0x21a: {  	v5 =	vor.u32 v55, v2;
	v4 =	vld.idx.msk [tilespmem:v6+s9+$0x0], $0xffff  }
0x21b: {  	v6 =	vor.u32 $0x15, v3;
	_ =	sdelay $0x3  }
0x21c: {  	[tilespmem:v5+s11+$0x0] =	vst.idx.msk $0xffff, v4  }
0x21d: {  	v5 =	vor.u32 v52, v2;
	v4 =	vld.idx.msk [tilespmem:v6+s9+$0x0], $0xffff  }
0x21e: {  	v6 =	vor.u32 $0x16, v3;
	_ =	sdelay $0x3  }
0x21f: {  	[tilespmem:v5+s11+$0x0] =	vst.idx.msk $0xffff, v4  }
0x220: {  	v5 =	vor.u32 v53, v2;
	v4 =	vld.idx.msk [tilespmem:v6+s9+$0x0], $0xffff  }
0x221: {  	v6 =	vor.u32 $0x17, v3;
	_ =	sdelay $0x3  }
0x222: {  	[tilespmem:v5+s11+$0x0] =	vst.idx.msk $0xffff, v4  }
0x223: {  	v5 =	vor.u32 v29, v2;
	v4 =	vld.idx.msk [tilespmem:v6+s9+$0x0], $0xffff  }
0x224: {  	v6 =	vor.u32 $0x18, v3;
	_ =	sdelay $0x3  }
0x225: {  	[tilespmem:v5+s11+$0x0] =	vst.idx.msk $0xffff, v4  }
0x226: {  	v5 =	vor.u32 v30, v2;
	v4 =	vld.idx.msk [tilespmem:v6+s9+$0x0], $0xffff  }
0x227: {  	v6 =	vor.u32 $0x19, v3;
	_ =	sdelay $0x3  }
0x228: {  	[tilespmem:v5+s11+$0x0] =	vst.idx.msk $0xffff, v4  }
0x229: {  	v5 =	vor.u32 v31, v2;
	v4 =	vld.idx.msk [tilespmem:v6+s9+$0x0], $0xffff  }
0x22a: {  	v6 =	vor.u32 $0x1A, v3;
	_ =	sdelay $0x3  }
0x22b: {  	[tilespmem:v5+s11+$0x0] =	vst.idx.msk $0xffff, v4  }
0x22c: {  	v5 =	vor.u32 v28, v2;
	v4 =	vld.idx.msk [tilespmem:v6+s9+$0x0], $0xffff  }
0x22d: {  	v6 =	vor.u32 $0x1B, v3;
	_ =	sdelay $0x3  }
0x22e: {  	[tilespmem:v5+s11+$0x0] =	vst.idx.msk $0xffff, v4  }
0x22f: {  	v5 =	vor.u32 v27, v2;
	v4 =	vld.idx.msk [tilespmem:v6+s9+$0x0], $0xffff;
	_ =	sdelay $0x4  }
0x230: {  	v6 =	vor.u32 $0x1C, v3;
	[tilespmem:v5+s11+$0x0] =	vst.idx.msk $0xffff, v4;
	v5 =	vld [tilespmem:$0x1FF30];
	_ =	sdelay $0x4  }
0x231: {  	v4 =	vld.idx.msk [tilespmem:v6+s9+$0x0], $0xffff;
	v5 =	vor.u32 v5, v2;
	_ =	sdelay $0x4  }
0x232: {  	v6 =	vor.u32 $0x1D, v3;
	[tilespmem:v5+s11+$0x0] =	vst.idx.msk $0xffff, v4;
	v5 =	vld [tilespmem:$0x1FF40];
	_ =	sdelay $0x4  }
0x233: {  	v4 =	vld.idx.msk [tilespmem:v6+s9+$0x0], $0xffff;
	v5 =	vor.u32 v5, v2;
	_ =	sdelay $0x4  }
0x234: {  	v6 =	vor.u32 $0x1E, v3;
	[tilespmem:v5+s11+$0x0] =	vst.idx.msk $0xffff, v4;
	v5 =	vld [tilespmem:$0x1FF50];
	_ =	sdelay $0x4  }
0x235: {  	v4 =	vld.idx.msk [tilespmem:v6+s9+$0x0], $0xffff;
	v5 =	vor.u32 v5, v2  }
0x236: {  	v6 =	vor.u32 $0x1F, v3;
	_ =	sdelay $0x3  }
0x237: {  	[tilespmem:v5+s11+$0x0] =	vst.idx.msk $0xffff, v4  }
0x238: {  	v5 =	vor.u32 v32, v2;
	v4 =	vld.idx.msk [tilespmem:v6+s9+$0x0], $0xffff  }
0x239: {  	v6 =	vor.u32 $0x20, v3;
	_ =	sdelay $0x3  }
0x23a: {  	v20 =	vmov v12;
	[tilespmem:v5+s11+$0x0] =	vst.idx.msk $0xffff, v4  }
0x23b: {  	v5 =	vor.u32 v20, v2;
	v4 =	vld.idx.msk [tilespmem:v6+s9+$0x0], $0xffff  }
0x23c: {  	v6 =	vor.u32 $0x21, v3;
	_ =	sdelay $0x3  }
0x23d: {  	[tilespmem:v5+s11+$0x0] =	vst.idx.msk $0xffff, v4  }
0x23e: {  	v5 =	vor.u32 v0, v2;
	v4 =	vld.idx.msk [tilespmem:v6+s9+$0x0], $0xffff  }
0x23f: {  	v6 =	vor.u32 $0x22, v3;
	_ =	sdelay $0x3  }
0x240: {  	v22 =	vmov v13;
	[tilespmem:v5+s11+$0x0] =	vst.idx.msk $0xffff, v4  }
0x241: {  	v5 =	vor.u32 v22, v2;
	v4 =	vld.idx.msk [tilespmem:v6+s9+$0x0], $0xffff  }
0x242: {  	v6 =	vor.u32 $0x23, v3;
	_ =	sdelay $0x3  }
0x243: {  	[tilespmem:v5+s11+$0x0] =	vst.idx.msk $0xffff, v4  }
0x244: {  	v5 =	vor.u32 v21, v2;
	v4 =	vld.idx.msk [tilespmem:v6+s9+$0x0], $0xffff  }
0x245: {  	v6 =	vor.u32 $0x24, v3;
	_ =	sdelay $0x3  }
0x246: {  	[tilespmem:v5+s11+$0x0] =	vst.idx.msk $0xffff, v4  }
0x247: {  	v5 =	vor.u32 v35, v2;
	v4 =	vld.idx.msk [tilespmem:v6+s9+$0x0], $0xffff  }
0x248: {  	v6 =	vor.u32 $0x25, v3;
	_ =	sdelay $0x3  }
0x249: {  	v23 =	vmov v14;
	[tilespmem:v5+s11+$0x0] =	vst.idx.msk $0xffff, v4  }
0x24a: {  	v5 =	vor.u32 v23, v2;
	v4 =	vld.idx.msk [tilespmem:v6+s9+$0x0], $0xffff  }
0x24b: {  	v6 =	vor.u32 $0x26, v3;
	_ =	sdelay $0x3  }
0x24c: {  	[tilespmem:v5+s11+$0x0] =	vst.idx.msk $0xffff, v4  }
0x24d: {  	v5 =	vor.u32 v7, v2;
	v4 =	vld.idx.msk [tilespmem:v6+s9+$0x0], $0xffff  }
0x24e: {  	v6 =	vor.u32 $0x27, v3;
	_ =	sdelay $0x3  }
0x24f: {  	v25 =	vmov v15;
	[tilespmem:v5+s11+$0x0] =	vst.idx.msk $0xffff, v4  }
0x250: {  	v5 =	vor.u32 v25, v2;
	v4 =	vld.idx.msk [tilespmem:v6+s9+$0x0], $0xffff  }
0x251: {  	v6 =	vor.u32 $0x28, v3;
	_ =	sdelay $0x3  }
0x252: {  	v14 =	vmov v8;
	[tilespmem:v5+s11+$0x0] =	vst.idx.msk $0xffff, v4  }
0x253: {  	v5 =	vor.u32 v14, v2;
	v4 =	vld.idx.msk [tilespmem:v6+s9+$0x0], $0xffff  }
0x254: {  	v6 =	vor.u32 $0x29, v3;
	_ =	sdelay $0x3  }
0x255: {  	[tilespmem:v5+s11+$0x0] =	vst.idx.msk $0xffff, v4  }
0x256: {  	v5 =	vor.u32 v10, v2;
	v4 =	vld.idx.msk [tilespmem:v6+s9+$0x0], $0xffff  }
0x257: {  	v6 =	vor.u32 $0x2A, v3;
	_ =	sdelay $0x3  }
0x258: {  	v8 =	vmov v41;
	[tilespmem:v5+s11+$0x0] =	vst.idx.msk $0xffff, v4  }
0x259: {  	v5 =	vor.u32 v8, v2;
	v4 =	vld.idx.msk [tilespmem:v6+s9+$0x0], $0xffff  }
0x25a: {  	v6 =	vor.u32 $0x2B, v3;
	_ =	sdelay $0x3  }
0x25b: {  	v26 =	vmov v16;
	[tilespmem:v5+s11+$0x0] =	vst.idx.msk $0xffff, v4  }
0x25c: {  	v5 =	vor.u32 v26, v2;
	v4 =	vld.idx.msk [tilespmem:v6+s9+$0x0], $0xffff  }
0x25d: {  	v6 =	vor.u32 $0x2C, v3;
	_ =	sdelay $0x3  }
0x25e: {  	v13 =	vmov v9;
	[tilespmem:v5+s11+$0x0] =	vst.idx.msk $0xffff, v4  }
0x25f: {  	v5 =	vor.u32 v13, v2;
	v4 =	vld.idx.msk [tilespmem:v6+s9+$0x0], $0xffff  }
0x260: {  	v6 =	vor.u32 $0x2D, v3;
	_ =	sdelay $0x3  }
0x261: {  	[tilespmem:v5+s11+$0x0] =	vst.idx.msk $0xffff, v4  }
0x262: {  	v5 =	vor.u32 v40, v2;
	v4 =	vld.idx.msk [tilespmem:v6+s9+$0x0], $0xffff  }
0x263: {  	v6 =	vor.u32 $0x2E, v3;
	_ =	sdelay $0x3  }
0x264: {  	v15 =	vmov v38;
	[tilespmem:v5+s11+$0x0] =	vst.idx.msk $0xffff, v4  }
0x265: {  	v5 =	vor.u32 v15, v2;
	v4 =	vld.idx.msk [tilespmem:v6+s9+$0x0], $0xffff  }
0x266: {  	v6 =	vor.u32 $0x2F, v3;
	_ =	sdelay $0x3  }
0x267: {  	v16 =	vmov v11;
	[tilespmem:v5+s11+$0x0] =	vst.idx.msk $0xffff, v4  }
0x268: {  	v5 =	vor.u32 v16, v2;
	v4 =	vld.idx.msk [tilespmem:v6+s9+$0x0], $0xffff  }
0x269: {  	v6 =	vor.u32 $0x30, v3;
	_ =	sdelay $0x3  }
0x26a: {  	v17 =	vmov v37;
	[tilespmem:v5+s11+$0x0] =	vst.idx.msk $0xffff, v4  }
0x26b: {  	v5 =	vor.u32 v17, v2;
	v4 =	vld.idx.msk [tilespmem:v6+s9+$0x0], $0xffff  }
0x26c: {  	v6 =	vor.u32 $0x31, v3;
	_ =	sdelay $0x3  }
0x26d: {  	v9 =	vmov v36;
	[tilespmem:v5+s11+$0x0] =	vst.idx.msk $0xffff, v4  }
0x26e: {  	v5 =	vor.u32 v9, v2;
	v4 =	vld.idx.msk [tilespmem:v6+s9+$0x0], $0xffff  }
0x26f: {  	v6 =	vor.u32 $0x32, v3;
	_ =	sdelay $0x3  }
0x270: {  	[tilespmem:v5+s11+$0x0] =	vst.idx.msk $0xffff, v4  }
0x271: {  	v5 =	vor.u32 v46, v2;
	v4 =	vld.idx.msk [tilespmem:v6+s9+$0x0], $0xffff  }
0x272: {  	v6 =	vor.u32 $0x33, v3;
	_ =	sdelay $0x3  }
0x273: {  	[tilespmem:v5+s11+$0x0] =	vst.idx.msk $0xffff, v4  }
0x274: {  	v5 =	vor.u32 v45, v2;
	v4 =	vld.idx.msk [tilespmem:v6+s9+$0x0], $0xffff  }
0x275: {  	v6 =	vor.u32 $0x34, v3;
	_ =	sdelay $0x3  }
0x276: {  	v11 =	vmov v34;
	[tilespmem:v5+s11+$0x0] =	vst.idx.msk $0xffff, v4  }
0x277: {  	v5 =	vor.u32 v11, v2;
	v4 =	vld.idx.msk [tilespmem:v6+s9+$0x0], $0xffff  }
0x278: {  	v6 =	vor.u32 $0x35, v3;
	_ =	sdelay $0x3  }
0x279: {  	[tilespmem:v5+s11+$0x0] =	vst.idx.msk $0xffff, v4  }
0x27a: {  	v5 =	vor.u32 v44, v2;
	v4 =	vld.idx.msk [tilespmem:v6+s9+$0x0], $0xffff  }
0x27b: {  	v6 =	vor.u32 $0x36, v3;
	_ =	sdelay $0x3  }
0x27c: {  	[tilespmem:v5+s11+$0x0] =	vst.idx.msk $0xffff, v4  }
0x27d: {  	v5 =	vor.u32 v39, v2;
	v4 =	vld.idx.msk [tilespmem:v6+s9+$0x0], $0xffff  }
0x27e: {  	v6 =	vor.u32 $0x37, v3;
	_ =	sdelay $0x3  }
0x27f: {  	v12 =	vmov v33;
	[tilespmem:v5+s11+$0x0] =	vst.idx.msk $0xffff, v4  }
0x280: {  	v5 =	vor.u32 v12, v2;
	v4 =	vld.idx.msk [tilespmem:v6+s9+$0x0], $0xffff  }
0x281: {  	v6 =	vor.u32 $0x38, v3;
	_ =	sdelay $0x3  }
0x282: {  	[tilespmem:v5+s11+$0x0] =	vst.idx.msk $0xffff, v4  }
0x283: {  	v5 =	vor.u32 v43, v2;
	v4 =	vld.idx.msk [tilespmem:v6+s9+$0x0], $0xffff  }
0x284: {  	v6 =	vor.u32 $0x39, v3;
	_ =	sdelay $0x3  }
0x285: {  	[tilespmem:v5+s11+$0x0] =	vst.idx.msk $0xffff, v4  }
0x286: {  	v5 =	vor.u32 v51, v2;
	v4 =	vld.idx.msk [tilespmem:v6+s9+$0x0], $0xffff  }
0x287: {  	v6 =	vor.u32 $0x3A, v3;
	_ =	sdelay $0x3  }
0x288: {  	[tilespmem:v5+s11+$0x0] =	vst.idx.msk $0xffff, v4  }
0x289: {  	v5 =	vor.u32 v47, v2;
	v4 =	vld.idx.msk [tilespmem:v6+s9+$0x0], $0xffff  }
0x28a: {  	v6 =	vor.u32 $0x3B, v3;
	_ =	sdelay $0x3  }
0x28b: {  	[tilespmem:v5+s11+$0x0] =	vst.idx.msk $0xffff, v4  }
0x28c: {  	v5 =	vor.u32 v50, v2;
	v4 =	vld.idx.msk [tilespmem:v6+s9+$0x0], $0xffff  }
0x28d: {  	v6 =	vor.u32 $0x3C, v3;
	_ =	sdelay $0x3  }
0x28e: {  	[tilespmem:v5+s11+$0x0] =	vst.idx.msk $0xffff, v4  }
0x28f: {  	v5 =	vor.u32 v49, v2;
	v4 =	vld.idx.msk [tilespmem:v6+s9+$0x0], $0xffff  }
0x290: {  	v6 =	vor.u32 $0x3D, v3;
	_ =	sdelay $0x3  }
0x291: {  	v18 =	vmov v42;
	[tilespmem:v5+s11+$0x0] =	vst.idx.msk $0xffff, v4  }
0x292: {  	v5 =	vor.u32 v18, v2;
	v4 =	vld.idx.msk [tilespmem:v6+s9+$0x0], $0xffff  }
0x293: {  	v6 =	vor.u32 $0x3E, v3;
	_ =	sdelay $0x3  }
0x294: {  	[tilespmem:v5+s11+$0x0] =	vst.idx.msk $0xffff, v4  }
0x295: {  	v5 =	vor.u32 v48, v2;
	v4 =	vld.idx.msk [tilespmem:v6+s9+$0x0], $0xffff  }
0x296: {  	v3 =	vor.u32 $0x3F, v3;
	_ =	sdelay $0x3  }
0x297: {  	[tilespmem:v5+s11+$0x0] =	vst.idx.msk $0xffff, v4  }
0x298: {  	v2 =	vor.u32 v24, v2;
	v3 =	vld.idx.msk [tilespmem:v3+s9+$0x0], $0xffff;
	_ =	sdelay $0x4  }
0x299: {  	[tilespmem:v2+s11+$0x0] =	vst.idx.msk $0xffff, v3  }
0x29a: {  	v2 =	vld [tilespmem:s14+$0xFFFFFFF0];
	_ =	sdelay $0x2  }
0x29b: {  	v3 =	vlaneseq.u32  }
0x29c: {  	v3 =	vor.u32 $0x30, v3  }
0x29d: {  	v4 =	vor.u32 s15, v3;
	v2 =	vshrl.u32 v2, $0x7  }
0x29e: {  	v3 =	vshll.u32 v4, $0x7;
	v2 =	vand.u32 $0x40, v2  }
0x29f: {  	v3 =	vor.u32 v3, v2;
	_ =	sdelay $0x2  }
0x2a0: {  	v2 =	vshll.u32 v4, $0x6  }
0x2a1: {  	v2 =	vand.u32 $0x6F80, v2  }
0x2a2: {  	v5 =	vor.u32 v1, v2;
	v4 =	vld.idx.msk [tilespmem:v3+s9+$0x0], $0xffff  }
0x2a3: {  	v33 =	vmov v20;
	v20 =	vmov v0;
	v0 =	vld [tilespmem:$0x1FF60];
	v6 =	vor.u32 $0x1, v3;
	_ =	sdelay $0x3  }
0x2a4: {  	[tilespmem:v5+s11+$0x0] =	vst.idx.msk $0xffff, v4  }
0x2a5: {  	v5 =	vor.u32 v0, v2;
	v4 =	vld.idx.msk [tilespmem:v6+s9+$0x0], $0xffff  }
0x2a6: {  	v0 =	vld [tilespmem:$0x1FF70];
	v6 =	vor.u32 $0x2, v3;
	_ =	sdelay $0x3  }
0x2a7: {  	[tilespmem:v5+s11+$0x0] =	vst.idx.msk $0xffff, v4  }
0x2a8: {  	v5 =	vor.u32 v0, v2;
	v4 =	vld.idx.msk [tilespmem:v6+s9+$0x0], $0xffff  }
0x2a9: {  	v0 =	vld [tilespmem:$0x1FF80];
	v6 =	vor.u32 $0x3, v3;
	_ =	sdelay $0x3  }
0x2aa: {  	[tilespmem:v5+s11+$0x0] =	vst.idx.msk $0xffff, v4  }
0x2ab: {  	v5 =	vor.u32 v0, v2;
	v4 =	vld.idx.msk [tilespmem:v6+s9+$0x0], $0xffff  }
0x2ac: {  	v0 =	vld [tilespmem:$0x1FF90];
	v6 =	vor.u32 $0x4, v3;
	_ =	sdelay $0x3  }
0x2ad: {  	[tilespmem:v5+s11+$0x0] =	vst.idx.msk $0xffff, v4  }
0x2ae: {  	v5 =	vor.u32 v0, v2;
	v4 =	vld.idx.msk [tilespmem:v6+s9+$0x0], $0xffff  }
0x2af: {  	v0 =	vld [tilespmem:$0x1FFA0];
	v6 =	vor.u32 $0x5, v3;
	_ =	sdelay $0x3  }
0x2b0: {  	[tilespmem:v5+s11+$0x0] =	vst.idx.msk $0xffff, v4  }
0x2b1: {  	v5 =	vor.u32 v0, v2;
	v4 =	vld.idx.msk [tilespmem:v6+s9+$0x0], $0xffff  }
0x2b2: {  	v0 =	vld [tilespmem:$0x1FFB0];
	v6 =	vor.u32 $0x6, v3;
	_ =	sdelay $0x3  }
0x2b3: {  	[tilespmem:v5+s11+$0x0] =	vst.idx.msk $0xffff, v4  }
0x2b4: {  	v5 =	vor.u32 v0, v2;
	v4 =	vld.idx.msk [tilespmem:v6+s9+$0x0], $0xffff  }
0x2b5: {  	v0 =	vld [tilespmem:$0x1FFC0];
	v6 =	vor.u32 $0x7, v3;
	_ =	sdelay $0x3  }
0x2b6: {  	[tilespmem:v5+s11+$0x0] =	vst.idx.msk $0xffff, v4  }
0x2b7: {  	v5 =	vor.u32 v0, v2;
	v4 =	vld.idx.msk [tilespmem:v6+s9+$0x0], $0xffff  }
0x2b8: {  	v0 =	vld [tilespmem:$0x1FFD0];
	v6 =	vor.u32 $0x8, v3;
	_ =	sdelay $0x3  }
0x2b9: {  	[tilespmem:v5+s11+$0x0] =	vst.idx.msk $0xffff, v4  }
0x2ba: {  	v5 =	vor.u32 v0, v2;
	v4 =	vld.idx.msk [tilespmem:v6+s9+$0x0], $0xffff  }
0x2bb: {  	v0 =	vld [tilespmem:$0x1FFE0];
	v6 =	vor.u32 $0x9, v3;
	_ =	sdelay $0x3  }
0x2bc: {  	[tilespmem:v5+s11+$0x0] =	vst.idx.msk $0xffff, v4  }
0x2bd: {  	v5 =	vor.u32 v0, v2;
	v4 =	vld.idx.msk [tilespmem:v6+s9+$0x0], $0xffff  }
0x2be: {  	v0 =	vld [tilespmem:$0x1FFF0];
	v6 =	vor.u32 $0xA, v3;
	_ =	sdelay $0x3  }
0x2bf: {  	[tilespmem:v5+s11+$0x0] =	vst.idx.msk $0xffff, v4  }
0x2c0: {  	v5 =	vor.u32 v0, v2;
	v4 =	vld.idx.msk [tilespmem:v6+s9+$0x0], $0xffff  }
0x2c1: {  	v6 =	vor.u32 $0xB, v3;
	_ =	sdelay $0x3  }
0x2c2: {  	[tilespmem:v5+s11+$0x0] =	vst.idx.msk $0xffff, v4  }
0x2c3: {  	v5 =	vor.u32 v62, v2;
	v4 =	vld.idx.msk [tilespmem:v6+s9+$0x0], $0xffff  }
0x2c4: {  	v6 =	vor.u32 $0xC, v3;
	_ =	sdelay $0x3  }
0x2c5: {  	[tilespmem:v5+s11+$0x0] =	vst.idx.msk $0xffff, v4  }
0x2c6: {  	v5 =	vor.u32 v63, v2;
	v4 =	vld.idx.msk [tilespmem:v6+s9+$0x0], $0xffff  }
0x2c7: {  	v6 =	vor.u32 $0xD, v3;
	_ =	sdelay $0x3  }
0x2c8: {  	v60 =	vmov v19;
	[tilespmem:v5+s11+$0x0] =	vst.idx.msk $0xffff, v4  }
0x2c9: {  	v5 =	vor.u32 v60, v2;
	v4 =	vld.idx.msk [tilespmem:v6+s9+$0x0], $0xffff  }
0x2ca: {  	v6 =	vor.u32 $0xE, v3;
	_ =	sdelay $0x3  }
0x2cb: {  	[tilespmem:v5+s11+$0x0] =	vst.idx.msk $0xffff, v4  }
0x2cc: {  	v5 =	vor.u32 v61, v2;
	v4 =	vld.idx.msk [tilespmem:v6+s9+$0x0], $0xffff  }
0x2cd: {  	v6 =	vor.u32 $0xF, v3;
	_ =	sdelay $0x3  }
0x2ce: {  	[tilespmem:v5+s11+$0x0] =	vst.idx.msk $0xffff, v4  }
0x2cf: {  	v5 =	vor.u32 v58, v2;
	v4 =	vld.idx.msk [tilespmem:v6+s9+$0x0], $0xffff  }
0x2d0: {  	v6 =	vor.u32 $0x10, v3;
	_ =	sdelay $0x3  }
0x2d1: {  	[tilespmem:v5+s11+$0x0] =	vst.idx.msk $0xffff, v4  }
0x2d2: {  	v5 =	vor.u32 v59, v2;
	v4 =	vld.idx.msk [tilespmem:v6+s9+$0x0], $0xffff  }
0x2d3: {  	v6 =	vor.u32 $0x11, v3;
	_ =	sdelay $0x3  }
0x2d4: {  	[tilespmem:v5+s11+$0x0] =	vst.idx.msk $0xffff, v4  }
0x2d5: {  	v5 =	vor.u32 v56, v2;
	v4 =	vld.idx.msk [tilespmem:v6+s9+$0x0], $0xffff  }
0x2d6: {  	v6 =	vor.u32 $0x12, v3;
	_ =	sdelay $0x3  }
0x2d7: {  	[tilespmem:v5+s11+$0x0] =	vst.idx.msk $0xffff, v4  }
0x2d8: {  	v5 =	vor.u32 v57, v2;
	v4 =	vld.idx.msk [tilespmem:v6+s9+$0x0], $0xffff  }
0x2d9: {  	v6 =	vor.u32 $0x13, v3;
	_ =	sdelay $0x3  }
0x2da: {  	[tilespmem:v5+s11+$0x0] =	vst.idx.msk $0xffff, v4  }
0x2db: {  	v5 =	vor.u32 v54, v2;
	v4 =	vld.idx.msk [tilespmem:v6+s9+$0x0], $0xffff  }
0x2dc: {  	v6 =	vor.u32 $0x14, v3;
	_ =	sdelay $0x3  }
0x2dd: {  	[tilespmem:v5+s11+$0x0] =	vst.idx.msk $0xffff, v4  }
0x2de: {  	v5 =	vor.u32 v55, v2;
	v4 =	vld.idx.msk [tilespmem:v6+s9+$0x0], $0xffff  }
0x2df: {  	v6 =	vor.u32 $0x15, v3;
	_ =	sdelay $0x3  }
0x2e0: {  	[tilespmem:v5+s11+$0x0] =	vst.idx.msk $0xffff, v4  }
0x2e1: {  	v5 =	vor.u32 v52, v2;
	v4 =	vld.idx.msk [tilespmem:v6+s9+$0x0], $0xffff  }
0x2e2: {  	v6 =	vor.u32 $0x16, v3;
	_ =	sdelay $0x3  }
0x2e3: {  	[tilespmem:v5+s11+$0x0] =	vst.idx.msk $0xffff, v4  }
0x2e4: {  	v5 =	vor.u32 v53, v2;
	v4 =	vld.idx.msk [tilespmem:v6+s9+$0x0], $0xffff  }
0x2e5: {  	v6 =	vor.u32 $0x17, v3;
	_ =	sdelay $0x3  }
0x2e6: {  	[tilespmem:v5+s11+$0x0] =	vst.idx.msk $0xffff, v4  }
0x2e7: {  	v5 =	vor.u32 v29, v2;
	v4 =	vld.idx.msk [tilespmem:v6+s9+$0x0], $0xffff  }
0x2e8: {  	v6 =	vor.u32 $0x18, v3;
	_ =	sdelay $0x3  }
0x2e9: {  	[tilespmem:v5+s11+$0x0] =	vst.idx.msk $0xffff, v4  }
0x2ea: {  	v5 =	vor.u32 v30, v2;
	v4 =	vld.idx.msk [tilespmem:v6+s9+$0x0], $0xffff  }
0x2eb: {  	v6 =	vor.u32 $0x19, v3;
	_ =	sdelay $0x3  }
0x2ec: {  	[tilespmem:v5+s11+$0x0] =	vst.idx.msk $0xffff, v4  }
0x2ed: {  	v5 =	vor.u32 v31, v2;
	v4 =	vld.idx.msk [tilespmem:v6+s9+$0x0], $0xffff  }
0x2ee: {  	v6 =	vor.u32 $0x1A, v3;
	_ =	sdelay $0x3  }
0x2ef: {  	[tilespmem:v5+s11+$0x0] =	vst.idx.msk $0xffff, v4  }
0x2f0: {  	v5 =	vor.u32 v28, v2;
	v4 =	vld.idx.msk [tilespmem:v6+s9+$0x0], $0xffff  }
0x2f1: {  	v6 =	vor.u32 $0x1B, v3;
	_ =	sdelay $0x3  }
0x2f2: {  	[tilespmem:v5+s11+$0x0] =	vst.idx.msk $0xffff, v4  }
0x2f3: {  	v5 =	vor.u32 v27, v2;
	v4 =	vld.idx.msk [tilespmem:v6+s9+$0x0], $0xffff  }
0x2f4: {  	v0 =	vld [tilespmem:$0x1FF30];
	v6 =	vor.u32 $0x1C, v3;
	_ =	sdelay $0x3  }
0x2f5: {  	[tilespmem:v5+s11+$0x0] =	vst.idx.msk $0xffff, v4  }
0x2f6: {  	v5 =	vor.u32 v0, v2;
	v4 =	vld.idx.msk [tilespmem:v6+s9+$0x0], $0xffff  }
0x2f7: {  	v0 =	vld [tilespmem:$0x1FF40];
	v6 =	vor.u32 $0x1D, v3;
	_ =	sdelay $0x3  }
0x2f8: {  	[tilespmem:v5+s11+$0x0] =	vst.idx.msk $0xffff, v4  }
0x2f9: {  	v5 =	vor.u32 v0, v2;
	v4 =	vld.idx.msk [tilespmem:v6+s9+$0x0], $0xffff  }
0x2fa: {  	v0 =	vld [tilespmem:$0x1FF50];
	v6 =	vor.u32 $0x1E, v3;
	_ =	sdelay $0x3  }
0x2fb: {  	[tilespmem:v5+s11+$0x0] =	vst.idx.msk $0xffff, v4  }
0x2fc: {  	v5 =	vor.u32 v0, v2;
	v4 =	vld.idx.msk [tilespmem:v6+s9+$0x0], $0xffff  }
0x2fd: {  	v6 =	vor.u32 $0x1F, v3;
	_ =	sdelay $0x3  }
0x2fe: {  	[tilespmem:v5+s11+$0x0] =	vst.idx.msk $0xffff, v4  }
0x2ff: {  	v5 =	vor.u32 v32, v2;
	v4 =	vld.idx.msk [tilespmem:v6+s9+$0x0], $0xffff  }
0x300: {  	v6 =	vor.u32 $0x20, v3;
	_ =	sdelay $0x3  }
0x301: {  	[tilespmem:v5+s11+$0x0] =	vst.idx.msk $0xffff, v4  }
0x302: {  	v5 =	vor.u32 v33, v2;
	v4 =	vld.idx.msk [tilespmem:v6+s9+$0x0], $0xffff  }
0x303: {  	v6 =	vor.u32 $0x21, v3;
	_ =	sdelay $0x3  }
0x304: {  	[tilespmem:v5+s11+$0x0] =	vst.idx.msk $0xffff, v4  }
0x305: {  	v5 =	vor.u32 v20, v2;
	v4 =	vld.idx.msk [tilespmem:v6+s9+$0x0], $0xffff  }
0x306: {  	v6 =	vor.u32 $0x22, v3;
	_ =	sdelay $0x3  }
0x307: {  	v34 =	vmov v22;
	[tilespmem:v5+s11+$0x0] =	vst.idx.msk $0xffff, v4  }
0x308: {  	v5 =	vor.u32 v34, v2;
	v4 =	vld.idx.msk [tilespmem:v6+s9+$0x0], $0xffff  }
0x309: {  	v6 =	vor.u32 $0x23, v3;
	_ =	sdelay $0x3  }
0x30a: {  	[tilespmem:v5+s11+$0x0] =	vst.idx.msk $0xffff, v4  }
0x30b: {  	v5 =	vor.u32 v21, v2;
	v4 =	vld.idx.msk [tilespmem:v6+s9+$0x0], $0xffff  }
0x30c: {  	v6 =	vor.u32 $0x24, v3;
	_ =	sdelay $0x3  }
0x30d: {  	[tilespmem:v5+s11+$0x0] =	vst.idx.msk $0xffff, v4  }
0x30e: {  	v5 =	vor.u32 v35, v2;
	v4 =	vld.idx.msk [tilespmem:v6+s9+$0x0], $0xffff  }
0x30f: {  	v6 =	vor.u32 $0x25, v3;
	_ =	sdelay $0x3  }
0x310: {  	v36 =	vmov v23;
	[tilespmem:v5+s11+$0x0] =	vst.idx.msk $0xffff, v4  }
0x311: {  	v5 =	vor.u32 v36, v2;
	v4 =	vld.idx.msk [tilespmem:v6+s9+$0x0], $0xffff  }
0x312: {  	v6 =	vor.u32 $0x26, v3;
	_ =	sdelay $0x3  }
0x313: {  	[tilespmem:v5+s11+$0x0] =	vst.idx.msk $0xffff, v4  }
0x314: {  	v5 =	vor.u32 v7, v2;
	v4 =	vld.idx.msk [tilespmem:v6+s9+$0x0], $0xffff  }
0x315: {  	v6 =	vor.u32 $0x27, v3;
	_ =	sdelay $0x3  }
0x316: {  	[tilespmem:v5+s11+$0x0] =	vst.idx.msk $0xffff, v4  }
0x317: {  	v5 =	vor.u32 v25, v2;
	v4 =	vld.idx.msk [tilespmem:v6+s9+$0x0], $0xffff  }
0x318: {  	v6 =	vor.u32 $0x28, v3;
	_ =	sdelay $0x3  }
0x319: {  	v41 =	vmov v14;
	[tilespmem:v5+s11+$0x0] =	vst.idx.msk $0xffff, v4  }
0x31a: {  	v5 =	vor.u32 v41, v2;
	v4 =	vld.idx.msk [tilespmem:v6+s9+$0x0], $0xffff  }
0x31b: {  	v6 =	vor.u32 $0x29, v3;
	_ =	sdelay $0x3  }
0x31c: {  	v22 =	vmov v10;
	[tilespmem:v5+s11+$0x0] =	vst.idx.msk $0xffff, v4  }
0x31d: {  	v5 =	vor.u32 v22, v2;
	v4 =	vld.idx.msk [tilespmem:v6+s9+$0x0], $0xffff  }
0x31e: {  	v6 =	vor.u32 $0x2A, v3;
	_ =	sdelay $0x3  }
0x31f: {  	[tilespmem:v5+s11+$0x0] =	vst.idx.msk $0xffff, v4  }
0x320: {  	v5 =	vor.u32 v8, v2;
	v4 =	vld.idx.msk [tilespmem:v6+s9+$0x0], $0xffff  }
0x321: {  	v6 =	vor.u32 $0x2B, v3;
	_ =	sdelay $0x3  }
0x322: {  	[tilespmem:v5+s11+$0x0] =	vst.idx.msk $0xffff, v4  }
0x323: {  	v5 =	vor.u32 v26, v2;
	v4 =	vld.idx.msk [tilespmem:v6+s9+$0x0], $0xffff  }
0x324: {  	v6 =	vor.u32 $0x2C, v3;
	_ =	sdelay $0x3  }
0x325: {  	[tilespmem:v5+s11+$0x0] =	vst.idx.msk $0xffff, v4  }
0x326: {  	v5 =	vor.u32 v13, v2;
	v4 =	vld.idx.msk [tilespmem:v6+s9+$0x0], $0xffff  }
0x327: {  	v6 =	vor.u32 $0x2D, v3;
	_ =	sdelay $0x3  }
0x328: {  	[tilespmem:v5+s11+$0x0] =	vst.idx.msk $0xffff, v4  }
0x329: {  	v5 =	vor.u32 v40, v2;
	v4 =	vld.idx.msk [tilespmem:v6+s9+$0x0], $0xffff  }
0x32a: {  	v6 =	vor.u32 $0x2E, v3;
	_ =	sdelay $0x3  }
0x32b: {  	v42 =	vmov v15;
	[tilespmem:v5+s11+$0x0] =	vst.idx.msk $0xffff, v4  }
0x32c: {  	v5 =	vor.u32 v42, v2;
	v4 =	vld.idx.msk [tilespmem:v6+s9+$0x0], $0xffff  }
0x32d: {  	v6 =	vor.u32 $0x2F, v3;
	_ =	sdelay $0x3  }
0x32e: {  	[tilespmem:v5+s11+$0x0] =	vst.idx.msk $0xffff, v4  }
0x32f: {  	v5 =	vor.u32 v16, v2;
	v4 =	vld.idx.msk [tilespmem:v6+s9+$0x0], $0xffff  }
0x330: {  	v6 =	vor.u32 $0x30, v3;
	_ =	sdelay $0x3  }
0x331: {  	[tilespmem:v5+s11+$0x0] =	vst.idx.msk $0xffff, v4  }
0x332: {  	v5 =	vor.u32 v17, v2;
	v4 =	vld.idx.msk [tilespmem:v6+s9+$0x0], $0xffff  }
0x333: {  	v6 =	vor.u32 $0x31, v3;
	_ =	sdelay $0x3  }
0x334: {  	[tilespmem:v5+s11+$0x0] =	vst.idx.msk $0xffff, v4  }
0x335: {  	v5 =	vor.u32 v9, v2;
	v4 =	vld.idx.msk [tilespmem:v6+s9+$0x0], $0xffff  }
0x336: {  	v6 =	vor.u32 $0x32, v3;
	_ =	sdelay $0x3  }
0x337: {  	[tilespmem:v5+s11+$0x0] =	vst.idx.msk $0xffff, v4  }
0x338: {  	v5 =	vor.u32 v46, v2;
	v4 =	vld.idx.msk [tilespmem:v6+s9+$0x0], $0xffff  }
0x339: {  	v6 =	vor.u32 $0x33, v3;
	_ =	sdelay $0x3  }
0x33a: {  	[tilespmem:v5+s11+$0x0] =	vst.idx.msk $0xffff, v4  }
0x33b: {  	v5 =	vor.u32 v45, v2;
	v4 =	vld.idx.msk [tilespmem:v6+s9+$0x0], $0xffff  }
0x33c: {  	v6 =	vor.u32 $0x34, v3;
	_ =	sdelay $0x3  }
0x33d: {  	v10 =	vmov v11;
	[tilespmem:v5+s11+$0x0] =	vst.idx.msk $0xffff, v4  }
0x33e: {  	v5 =	vor.u32 v10, v2;
	v4 =	vld.idx.msk [tilespmem:v6+s9+$0x0], $0xffff  }
0x33f: {  	v6 =	vor.u32 $0x35, v3;
	_ =	sdelay $0x3  }
0x340: {  	v11 =	vmov v44;
	[tilespmem:v5+s11+$0x0] =	vst.idx.msk $0xffff, v4  }
0x341: {  	v5 =	vor.u32 v11, v2;
	v4 =	vld.idx.msk [tilespmem:v6+s9+$0x0], $0xffff  }
0x342: {  	v6 =	vor.u32 $0x36, v3;
	_ =	sdelay $0x3  }
0x343: {  	[tilespmem:v5+s11+$0x0] =	vst.idx.msk $0xffff, v4  }
0x344: {  	v5 =	vor.u32 v39, v2;
	v4 =	vld.idx.msk [tilespmem:v6+s9+$0x0], $0xffff  }
0x345: {  	v6 =	vor.u32 $0x37, v3;
	_ =	sdelay $0x3  }
0x346: {  	v15 =	vmov v12;
	[tilespmem:v5+s11+$0x0] =	vst.idx.msk $0xffff, v4  }
0x347: {  	v5 =	vor.u32 v15, v2;
	v4 =	vld.idx.msk [tilespmem:v6+s9+$0x0], $0xffff  }
0x348: {  	v6 =	vor.u32 $0x38, v3;
	_ =	sdelay $0x3  }
0x349: {  	v12 =	vmov v43;
	[tilespmem:v5+s11+$0x0] =	vst.idx.msk $0xffff, v4  }
0x34a: {  	v5 =	vor.u32 v12, v2;
	v4 =	vld.idx.msk [tilespmem:v6+s9+$0x0], $0xffff  }
0x34b: {  	v6 =	vor.u32 $0x39, v3;
	_ =	sdelay $0x3  }
0x34c: {  	[tilespmem:v5+s11+$0x0] =	vst.idx.msk $0xffff, v4  }
0x34d: {  	v5 =	vor.u32 v51, v2;
	v4 =	vld.idx.msk [tilespmem:v6+s9+$0x0], $0xffff  }
0x34e: {  	v6 =	vor.u32 $0x3A, v3;
	_ =	sdelay $0x3  }
0x34f: {  	[tilespmem:v5+s11+$0x0] =	vst.idx.msk $0xffff, v4  }
0x350: {  	v5 =	vor.u32 v47, v2;
	v4 =	vld.idx.msk [tilespmem:v6+s9+$0x0], $0xffff  }
0x351: {  	v6 =	vor.u32 $0x3B, v3;
	_ =	sdelay $0x3  }
0x352: {  	[tilespmem:v5+s11+$0x0] =	vst.idx.msk $0xffff, v4  }
0x353: {  	v5 =	vor.u32 v50, v2;
	v4 =	vld.idx.msk [tilespmem:v6+s9+$0x0], $0xffff  }
0x354: {  	v6 =	vor.u32 $0x3C, v3;
	_ =	sdelay $0x3  }
0x355: {  	[tilespmem:v5+s11+$0x0] =	vst.idx.msk $0xffff, v4  }
0x356: {  	v5 =	vor.u32 v49, v2;
	v4 =	vld.idx.msk [tilespmem:v6+s9+$0x0], $0xffff  }
0x357: {  	v6 =	vor.u32 $0x3D, v3;
	_ =	sdelay $0x3  }
0x358: {  	[tilespmem:v5+s11+$0x0] =	vst.idx.msk $0xffff, v4  }
0x359: {  	v5 =	vor.u32 v18, v2;
	v4 =	vld.idx.msk [tilespmem:v6+s9+$0x0], $0xffff  }
0x35a: {  	v6 =	vor.u32 $0x3E, v3;
	_ =	sdelay $0x3  }
0x35b: {  	[tilespmem:v5+s11+$0x0] =	vst.idx.msk $0xffff, v4  }
0x35c: {  	v5 =	vor.u32 v48, v2;
	v4 =	vld.idx.msk [tilespmem:v6+s9+$0x0], $0xffff  }
0x35d: {  	v3 =	vor.u32 $0x3F, v3;
	_ =	sdelay $0x3  }
0x35e: {  	[tilespmem:v5+s11+$0x0] =	vst.idx.msk $0xffff, v4  }
0x35f: {  	v2 =	vor.u32 v24, v2;
	v3 =	vld.idx.msk [tilespmem:v3+s9+$0x0], $0xffff;
	_ =	sdelay $0x4  }
0x360: {  	[tilespmem:v2+s11+$0x0] =	vst.idx.msk $0xffff, v3  }
0x361: {  	v2 =	vld [tilespmem:s14+$0x0];
	_ =	sdelay $0x2  }
0x362: {  	v3 =	vlaneseq.u32  }
0x363: {  	v3 =	vor.u32 $0x40, v3  }
0x364: {  	v4 =	vor.u32 s15, v3;
	v2 =	vshrl.u32 v2, $0x7  }
0x365: {  	v3 =	vshll.u32 v4, $0x7;
	v2 =	vand.u32 $0x40, v2  }
0x366: {  	v3 =	vor.u32 v3, v2;
	_ =	sdelay $0x2  }
0x367: {  	v2 =	vshll.u32 v4, $0x6  }
0x368: {  	v2 =	vand.u32 $0x7380, v2  }
0x369: {  	v5 =	vor.u32 v1, v2;
	v4 =	vld.idx.msk [tilespmem:v3+s9+$0x0], $0xffff;
	_ =	sdelay $0x4  }
0x36a: {  	v6 =	vor.u32 $0x1, v3;
	[tilespmem:v5+s11+$0x0] =	vst.idx.msk $0xffff, v4;
	v5 =	vld [tilespmem:$0x1FF60];
	_ =	sdelay $0x4  }
0x36b: {  	v4 =	vld.idx.msk [tilespmem:v6+s9+$0x0], $0xffff;
	v5 =	vor.u32 v5, v2;
	_ =	sdelay $0x4  }
0x36c: {  	v6 =	vor.u32 $0x2, v3;
	[tilespmem:v5+s11+$0x0] =	vst.idx.msk $0xffff, v4;
	v5 =	vld [tilespmem:$0x1FF70];
	_ =	sdelay $0x4  }
0x36d: {  	v4 =	vld.idx.msk [tilespmem:v6+s9+$0x0], $0xffff;
	v5 =	vor.u32 v5, v2;
	_ =	sdelay $0x4  }
0x36e: {  	v6 =	vor.u32 $0x3, v3;
	[tilespmem:v5+s11+$0x0] =	vst.idx.msk $0xffff, v4;
	v5 =	vld [tilespmem:$0x1FF80];
	_ =	sdelay $0x4  }
0x36f: {  	v4 =	vld.idx.msk [tilespmem:v6+s9+$0x0], $0xffff;
	v5 =	vor.u32 v5, v2;
	_ =	sdelay $0x4  }
0x370: {  	v6 =	vor.u32 $0x4, v3;
	[tilespmem:v5+s11+$0x0] =	vst.idx.msk $0xffff, v4;
	v5 =	vld [tilespmem:$0x1FF90];
	_ =	sdelay $0x4  }
0x371: {  	v4 =	vld.idx.msk [tilespmem:v6+s9+$0x0], $0xffff;
	v5 =	vor.u32 v5, v2;
	_ =	sdelay $0x4  }
0x372: {  	v6 =	vor.u32 $0x5, v3;
	[tilespmem:v5+s11+$0x0] =	vst.idx.msk $0xffff, v4;
	v5 =	vld [tilespmem:$0x1FFA0];
	_ =	sdelay $0x4  }
0x373: {  	v4 =	vld.idx.msk [tilespmem:v6+s9+$0x0], $0xffff;
	v5 =	vor.u32 v5, v2;
	_ =	sdelay $0x4  }
0x374: {  	v6 =	vor.u32 $0x6, v3;
	[tilespmem:v5+s11+$0x0] =	vst.idx.msk $0xffff, v4;
	v5 =	vld [tilespmem:$0x1FFB0];
	_ =	sdelay $0x4  }
0x375: {  	v4 =	vld.idx.msk [tilespmem:v6+s9+$0x0], $0xffff;
	v5 =	vor.u32 v5, v2;
	_ =	sdelay $0x4  }
0x376: {  	v6 =	vor.u32 $0x7, v3;
	[tilespmem:v5+s11+$0x0] =	vst.idx.msk $0xffff, v4;
	v5 =	vld [tilespmem:$0x1FFC0];
	_ =	sdelay $0x4  }
0x377: {  	v4 =	vld.idx.msk [tilespmem:v6+s9+$0x0], $0xffff;
	v5 =	vor.u32 v5, v2;
	_ =	sdelay $0x4  }
0x378: {  	v6 =	vor.u32 $0x8, v3;
	[tilespmem:v5+s11+$0x0] =	vst.idx.msk $0xffff, v4;
	v5 =	vld [tilespmem:$0x1FFD0];
	_ =	sdelay $0x4  }
0x379: {  	v4 =	vld.idx.msk [tilespmem:v6+s9+$0x0], $0xffff;
	v5 =	vor.u32 v5, v2;
	_ =	sdelay $0x4  }
0x37a: {  	v6 =	vor.u32 $0x9, v3;
	[tilespmem:v5+s11+$0x0] =	vst.idx.msk $0xffff, v4;
	v5 =	vld [tilespmem:$0x1FFE0];
	_ =	sdelay $0x4  }
0x37b: {  	v4 =	vld.idx.msk [tilespmem:v6+s9+$0x0], $0xffff;
	v5 =	vor.u32 v5, v2;
	_ =	sdelay $0x4  }
0x37c: {  	v6 =	vor.u32 $0xA, v3;
	[tilespmem:v5+s11+$0x0] =	vst.idx.msk $0xffff, v4;
	v5 =	vld [tilespmem:$0x1FFF0];
	_ =	sdelay $0x4  }
0x37d: {  	v4 =	vld.idx.msk [tilespmem:v6+s9+$0x0], $0xffff;
	v5 =	vor.u32 v5, v2  }
0x37e: {  	v6 =	vor.u32 $0xB, v3;
	_ =	sdelay $0x3  }
0x37f: {  	[tilespmem:v5+s11+$0x0] =	vst.idx.msk $0xffff, v4  }
0x380: {  	v5 =	vor.u32 v62, v2;
	v4 =	vld.idx.msk [tilespmem:v6+s9+$0x0], $0xffff  }
0x381: {  	v6 =	vor.u32 $0xC, v3;
	_ =	sdelay $0x3  }
0x382: {  	[tilespmem:v5+s11+$0x0] =	vst.idx.msk $0xffff, v4  }
0x383: {  	v5 =	vor.u32 v63, v2;
	v4 =	vld.idx.msk [tilespmem:v6+s9+$0x0], $0xffff  }
0x384: {  	v6 =	vor.u32 $0xD, v3;
	_ =	sdelay $0x3  }
0x385: {  	[tilespmem:v5+s11+$0x0] =	vst.idx.msk $0xffff, v4  }
0x386: {  	v5 =	vor.u32 v60, v2;
	v4 =	vld.idx.msk [tilespmem:v6+s9+$0x0], $0xffff  }
0x387: {  	v6 =	vor.u32 $0xE, v3;
	_ =	sdelay $0x3  }
0x388: {  	[tilespmem:v5+s11+$0x0] =	vst.idx.msk $0xffff, v4  }
0x389: {  	v5 =	vor.u32 v61, v2;
	v4 =	vld.idx.msk [tilespmem:v6+s9+$0x0], $0xffff  }
0x38a: {  	v6 =	vor.u32 $0xF, v3;
	_ =	sdelay $0x3  }
0x38b: {  	[tilespmem:v5+s11+$0x0] =	vst.idx.msk $0xffff, v4  }
0x38c: {  	v5 =	vor.u32 v58, v2;
	v4 =	vld.idx.msk [tilespmem:v6+s9+$0x0], $0xffff  }
0x38d: {  	v6 =	vor.u32 $0x10, v3;
	_ =	sdelay $0x3  }
0x38e: {  	[tilespmem:v5+s11+$0x0] =	vst.idx.msk $0xffff, v4  }
0x38f: {  	v5 =	vor.u32 v59, v2;
	v4 =	vld.idx.msk [tilespmem:v6+s9+$0x0], $0xffff  }
0x390: {  	v6 =	vor.u32 $0x11, v3;
	_ =	sdelay $0x3  }
0x391: {  	[tilespmem:v5+s11+$0x0] =	vst.idx.msk $0xffff, v4  }
0x392: {  	v5 =	vor.u32 v56, v2;
	v4 =	vld.idx.msk [tilespmem:v6+s9+$0x0], $0xffff  }
0x393: {  	v6 =	vor.u32 $0x12, v3;
	_ =	sdelay $0x3  }
0x394: {  	[tilespmem:v5+s11+$0x0] =	vst.idx.msk $0xffff, v4  }
0x395: {  	v5 =	vor.u32 v57, v2;
	v4 =	vld.idx.msk [tilespmem:v6+s9+$0x0], $0xffff  }
0x396: {  	v6 =	vor.u32 $0x13, v3;
	_ =	sdelay $0x3  }
0x397: {  	[tilespmem:v5+s11+$0x0] =	vst.idx.msk $0xffff, v4  }
0x398: {  	v5 =	vor.u32 v54, v2;
	v4 =	vld.idx.msk [tilespmem:v6+s9+$0x0], $0xffff  }
0x399: {  	v6 =	vor.u32 $0x14, v3;
	_ =	sdelay $0x3  }
0x39a: {  	[tilespmem:v5+s11+$0x0] =	vst.idx.msk $0xffff, v4  }
0x39b: {  	v5 =	vor.u32 v55, v2;
	v4 =	vld.idx.msk [tilespmem:v6+s9+$0x0], $0xffff  }
0x39c: {  	v6 =	vor.u32 $0x15, v3;
	_ =	sdelay $0x3  }
0x39d: {  	[tilespmem:v5+s11+$0x0] =	vst.idx.msk $0xffff, v4  }
0x39e: {  	v5 =	vor.u32 v52, v2;
	v4 =	vld.idx.msk [tilespmem:v6+s9+$0x0], $0xffff  }
0x39f: {  	v6 =	vor.u32 $0x16, v3;
	_ =	sdelay $0x3  }
0x3a0: {  	[tilespmem:v5+s11+$0x0] =	vst.idx.msk $0xffff, v4  }
0x3a1: {  	v5 =	vor.u32 v53, v2;
	v4 =	vld.idx.msk [tilespmem:v6+s9+$0x0], $0xffff  }
0x3a2: {  	v6 =	vor.u32 $0x17, v3;
	_ =	sdelay $0x3  }
0x3a3: {  	[tilespmem:v5+s11+$0x0] =	vst.idx.msk $0xffff, v4  }
0x3a4: {  	v5 =	vor.u32 v29, v2;
	v4 =	vld.idx.msk [tilespmem:v6+s9+$0x0], $0xffff  }
0x3a5: {  	v6 =	vor.u32 $0x18, v3;
	_ =	sdelay $0x3  }
0x3a6: {  	[tilespmem:v5+s11+$0x0] =	vst.idx.msk $0xffff, v4  }
0x3a7: {  	v5 =	vor.u32 v30, v2;
	v4 =	vld.idx.msk [tilespmem:v6+s9+$0x0], $0xffff  }
0x3a8: {  	v6 =	vor.u32 $0x19, v3;
	_ =	sdelay $0x3  }
0x3a9: {  	[tilespmem:v5+s11+$0x0] =	vst.idx.msk $0xffff, v4  }
0x3aa: {  	v5 =	vor.u32 v31, v2;
	v4 =	vld.idx.msk [tilespmem:v6+s9+$0x0], $0xffff  }
0x3ab: {  	v6 =	vor.u32 $0x1A, v3;
	_ =	sdelay $0x3  }
0x3ac: {  	[tilespmem:v5+s11+$0x0] =	vst.idx.msk $0xffff, v4  }
0x3ad: {  	v5 =	vor.u32 v28, v2;
	v4 =	vld.idx.msk [tilespmem:v6+s9+$0x0], $0xffff  }
0x3ae: {  	v6 =	vor.u32 $0x1B, v3;
	_ =	sdelay $0x3  }
0x3af: {  	[tilespmem:v5+s11+$0x0] =	vst.idx.msk $0xffff, v4  }
0x3b0: {  	v5 =	vor.u32 v27, v2;
	v4 =	vld.idx.msk [tilespmem:v6+s9+$0x0], $0xffff;
	_ =	sdelay $0x4  }
0x3b1: {  	v6 =	vor.u32 $0x1C, v3;
	[tilespmem:v5+s11+$0x0] =	vst.idx.msk $0xffff, v4;
	v5 =	vld [tilespmem:$0x1FF30];
	_ =	sdelay $0x4  }
0x3b2: {  	v4 =	vld.idx.msk [tilespmem:v6+s9+$0x0], $0xffff;
	v5 =	vor.u32 v5, v2;
	_ =	sdelay $0x4  }
0x3b3: {  	v6 =	vor.u32 $0x1D, v3;
	[tilespmem:v5+s11+$0x0] =	vst.idx.msk $0xffff, v4;
	v5 =	vld [tilespmem:$0x1FF40];
	_ =	sdelay $0x4  }
0x3b4: {  	v4 =	vld.idx.msk [tilespmem:v6+s9+$0x0], $0xffff;
	v5 =	vor.u32 v5, v2;
	_ =	sdelay $0x4  }
0x3b5: {  	v6 =	vor.u32 $0x1E, v3;
	[tilespmem:v5+s11+$0x0] =	vst.idx.msk $0xffff, v4;
	v5 =	vld [tilespmem:$0x1FF50];
	_ =	sdelay $0x4  }
0x3b6: {  	v4 =	vld.idx.msk [tilespmem:v6+s9+$0x0], $0xffff;
	v5 =	vor.u32 v5, v2  }
0x3b7: {  	v6 =	vor.u32 $0x1F, v3;
	_ =	sdelay $0x3  }
0x3b8: {  	[tilespmem:v5+s11+$0x0] =	vst.idx.msk $0xffff, v4  }
0x3b9: {  	v5 =	vor.u32 v32, v2;
	v4 =	vld.idx.msk [tilespmem:v6+s9+$0x0], $0xffff  }
0x3ba: {  	v6 =	vor.u32 $0x20, v3;
	_ =	sdelay $0x3  }
0x3bb: {  	[tilespmem:v5+s11+$0x0] =	vst.idx.msk $0xffff, v4  }
0x3bc: {  	v5 =	vor.u32 v33, v2;
	v4 =	vld.idx.msk [tilespmem:v6+s9+$0x0], $0xffff  }
0x3bd: {  	v6 =	vor.u32 $0x21, v3;
	_ =	sdelay $0x3  }
0x3be: {  	[tilespmem:v5+s11+$0x0] =	vst.idx.msk $0xffff, v4  }
0x3bf: {  	v5 =	vor.u32 v20, v2;
	v4 =	vld.idx.msk [tilespmem:v6+s9+$0x0], $0xffff  }
0x3c0: {  	v6 =	vor.u32 $0x22, v3;
	_ =	sdelay $0x3  }
0x3c1: {  	v43 =	vmov v34;
	[tilespmem:v5+s11+$0x0] =	vst.idx.msk $0xffff, v4  }
0x3c2: {  	v5 =	vor.u32 v43, v2;
	v4 =	vld.idx.msk [tilespmem:v6+s9+$0x0], $0xffff  }
0x3c3: {  	v6 =	vor.u32 $0x23, v3;
	_ =	sdelay $0x3  }
0x3c4: {  	[tilespmem:v5+s11+$0x0] =	vst.idx.msk $0xffff, v4  }
0x3c5: {  	v5 =	vor.u32 v21, v2;
	v4 =	vld.idx.msk [tilespmem:v6+s9+$0x0], $0xffff  }
0x3c6: {  	v6 =	vor.u32 $0x24, v3;
	_ =	sdelay $0x3  }
0x3c7: {  	[tilespmem:v5+s11+$0x0] =	vst.idx.msk $0xffff, v4  }
0x3c8: {  	v5 =	vor.u32 v35, v2;
	v4 =	vld.idx.msk [tilespmem:v6+s9+$0x0], $0xffff  }
0x3c9: {  	v6 =	vor.u32 $0x25, v3;
	_ =	sdelay $0x3  }
0x3ca: {  	[tilespmem:v5+s11+$0x0] =	vst.idx.msk $0xffff, v4  }
0x3cb: {  	v5 =	vor.u32 v36, v2;
	v4 =	vld.idx.msk [tilespmem:v6+s9+$0x0], $0xffff  }
0x3cc: {  	v6 =	vor.u32 $0x26, v3;
	_ =	sdelay $0x3  }
0x3cd: {  	[tilespmem:v5+s11+$0x0] =	vst.idx.msk $0xffff, v4  }
0x3ce: {  	v5 =	vor.u32 v7, v2;
	v4 =	vld.idx.msk [tilespmem:v6+s9+$0x0], $0xffff  }
0x3cf: {  	v6 =	vor.u32 $0x27, v3;
	_ =	sdelay $0x3  }
0x3d0: {  	v37 =	vmov v25;
	[tilespmem:v5+s11+$0x0] =	vst.idx.msk $0xffff, v4  }
0x3d1: {  	v5 =	vor.u32 v37, v2;
	v4 =	vld.idx.msk [tilespmem:v6+s9+$0x0], $0xffff  }
0x3d2: {  	v6 =	vor.u32 $0x28, v3;
	_ =	sdelay $0x3  }
0x3d3: {  	[tilespmem:v5+s11+$0x0] =	vst.idx.msk $0xffff, v4  }
0x3d4: {  	v5 =	vor.u32 v41, v2;
	v4 =	vld.idx.msk [tilespmem:v6+s9+$0x0], $0xffff  }
0x3d5: {  	v6 =	vor.u32 $0x29, v3;
	_ =	sdelay $0x3  }
0x3d6: {  	[tilespmem:v5+s11+$0x0] =	vst.idx.msk $0xffff, v4  }
0x3d7: {  	v5 =	vor.u32 v22, v2;
	v4 =	vld.idx.msk [tilespmem:v6+s9+$0x0], $0xffff  }
0x3d8: {  	v6 =	vor.u32 $0x2A, v3;
	_ =	sdelay $0x3  }
0x3d9: {  	v23 =	vmov v8;
	[tilespmem:v5+s11+$0x0] =	vst.idx.msk $0xffff, v4  }
0x3da: {  	v5 =	vor.u32 v23, v2;
	v4 =	vld.idx.msk [tilespmem:v6+s9+$0x0], $0xffff  }
0x3db: {  	v6 =	vor.u32 $0x2B, v3;
	_ =	sdelay $0x3  }
0x3dc: {  	v38 =	vmov v26;
	[tilespmem:v5+s11+$0x0] =	vst.idx.msk $0xffff, v4  }
0x3dd: {  	v5 =	vor.u32 v38, v2;
	v4 =	vld.idx.msk [tilespmem:v6+s9+$0x0], $0xffff  }
0x3de: {  	v6 =	vor.u32 $0x2C, v3;
	_ =	sdelay $0x3  }
0x3df: {  	[tilespmem:v5+s11+$0x0] =	vst.idx.msk $0xffff, v4  }
0x3e0: {  	v5 =	vor.u32 v13, v2;
	v4 =	vld.idx.msk [tilespmem:v6+s9+$0x0], $0xffff  }
0x3e1: {  	v6 =	vor.u32 $0x2D, v3;
	_ =	sdelay $0x3  }
0x3e2: {  	v19 =	vmov v40;
	[tilespmem:v5+s11+$0x0] =	vst.idx.msk $0xffff, v4  }
0x3e3: {  	v5 =	vor.u32 v19, v2;
	v4 =	vld.idx.msk [tilespmem:v6+s9+$0x0], $0xffff  }
0x3e4: {  	v6 =	vor.u32 $0x2E, v3;
	_ =	sdelay $0x3  }
0x3e5: {  	v0 =	vmov v42;
	[tilespmem:v5+s11+$0x0] =	vst.idx.msk $0xffff, v4  }
0x3e6: {  	v5 =	vor.u32 v0, v2;
	v4 =	vld.idx.msk [tilespmem:v6+s9+$0x0], $0xffff  }
0x3e7: {  	v6 =	vor.u32 $0x2F, v3;
	_ =	sdelay $0x3  }
0x3e8: {  	[tilespmem:v5+s11+$0x0] =	vst.idx.msk $0xffff, v4  }
0x3e9: {  	v5 =	vor.u32 v16, v2;
	v4 =	vld.idx.msk [tilespmem:v6+s9+$0x0], $0xffff  }
0x3ea: {  	v6 =	vor.u32 $0x30, v3;
	_ =	sdelay $0x3  }
0x3eb: {  	[tilespmem:v5+s11+$0x0] =	vst.idx.msk $0xffff, v4  }
0x3ec: {  	v5 =	vor.u32 v17, v2;
	v4 =	vld.idx.msk [tilespmem:v6+s9+$0x0], $0xffff  }
0x3ed: {  	v6 =	vor.u32 $0x31, v3;
	_ =	sdelay $0x3  }
0x3ee: {  	[tilespmem:v5+s11+$0x0] =	vst.idx.msk $0xffff, v4  }
0x3ef: {  	v5 =	vor.u32 v9, v2;
	v4 =	vld.idx.msk [tilespmem:v6+s9+$0x0], $0xffff  }
0x3f0: {  	v6 =	vor.u32 $0x32, v3;
	_ =	sdelay $0x3  }
0x3f1: {  	[tilespmem:v5+s11+$0x0] =	vst.idx.msk $0xffff, v4  }
0x3f2: {  	v5 =	vor.u32 v46, v2;
	v4 =	vld.idx.msk [tilespmem:v6+s9+$0x0], $0xffff  }
0x3f3: {  	v6 =	vor.u32 $0x33, v3;
	_ =	sdelay $0x3  }
0x3f4: {  	v42 =	vmov v45;
	[tilespmem:v5+s11+$0x0] =	vst.idx.msk $0xffff, v4  }
0x3f5: {  	v5 =	vor.u32 v42, v2;
	v4 =	vld.idx.msk [tilespmem:v6+s9+$0x0], $0xffff  }
0x3f6: {  	v6 =	vor.u32 $0x34, v3;
	_ =	sdelay $0x3  }
0x3f7: {  	v45 =	vmov v10;
	[tilespmem:v5+s11+$0x0] =	vst.idx.msk $0xffff, v4  }
0x3f8: {  	v5 =	vor.u32 v45, v2;
	v4 =	vld.idx.msk [tilespmem:v6+s9+$0x0], $0xffff  }
0x3f9: {  	v6 =	vor.u32 $0x35, v3;
	_ =	sdelay $0x3  }
0x3fa: {  	[tilespmem:v5+s11+$0x0] =	vst.idx.msk $0xffff, v4  }
0x3fb: {  	v5 =	vor.u32 v11, v2;
	v4 =	vld.idx.msk [tilespmem:v6+s9+$0x0], $0xffff  }
0x3fc: {  	v6 =	vor.u32 $0x36, v3;
	_ =	sdelay $0x3  }
0x3fd: {  	[tilespmem:v5+s11+$0x0] =	vst.idx.msk $0xffff, v4  }
0x3fe: {  	v5 =	vor.u32 v39, v2;
	v4 =	vld.idx.msk [tilespmem:v6+s9+$0x0], $0xffff  }
0x3ff: {  	v6 =	vor.u32 $0x37, v3;
	_ =	sdelay $0x3  }
0x400: {  	[tilespmem:v5+s11+$0x0] =	vst.idx.msk $0xffff, v4  }
0x401: {  	v5 =	vor.u32 v15, v2;
	v4 =	vld.idx.msk [tilespmem:v6+s9+$0x0], $0xffff  }
0x402: {  	v6 =	vor.u32 $0x38, v3;
	_ =	sdelay $0x3  }
0x403: {  	[tilespmem:v5+s11+$0x0] =	vst.idx.msk $0xffff, v4  }
0x404: {  	v5 =	vor.u32 v12, v2;
	v4 =	vld.idx.msk [tilespmem:v6+s9+$0x0], $0xffff  }
0x405: {  	v6 =	vor.u32 $0x39, v3;
	_ =	sdelay $0x3  }
0x406: {  	[tilespmem:v5+s11+$0x0] =	vst.idx.msk $0xffff, v4  }
0x407: {  	v5 =	vor.u32 v51, v2;
	v4 =	vld.idx.msk [tilespmem:v6+s9+$0x0], $0xffff  }
0x408: {  	v6 =	vor.u32 $0x3A, v3;
	_ =	sdelay $0x3  }
0x409: {  	[tilespmem:v5+s11+$0x0] =	vst.idx.msk $0xffff, v4  }
0x40a: {  	v5 =	vor.u32 v47, v2;
	v4 =	vld.idx.msk [tilespmem:v6+s9+$0x0], $0xffff  }
0x40b: {  	v6 =	vor.u32 $0x3B, v3;
	_ =	sdelay $0x3  }
0x40c: {  	[tilespmem:v5+s11+$0x0] =	vst.idx.msk $0xffff, v4  }
0x40d: {  	v5 =	vor.u32 v50, v2;
	v4 =	vld.idx.msk [tilespmem:v6+s9+$0x0], $0xffff  }
0x40e: {  	v6 =	vor.u32 $0x3C, v3;
	_ =	sdelay $0x3  }
0x40f: {  	v8 =	vmov v49;
	[tilespmem:v5+s11+$0x0] =	vst.idx.msk $0xffff, v4  }
0x410: {  	v5 =	vor.u32 v8, v2;
	v4 =	vld.idx.msk [tilespmem:v6+s9+$0x0], $0xffff  }
0x411: {  	v6 =	vor.u32 $0x3D, v3;
	_ =	sdelay $0x3  }
0x412: {  	[tilespmem:v5+s11+$0x0] =	vst.idx.msk $0xffff, v4  }
0x413: {  	v5 =	vor.u32 v18, v2;
	v4 =	vld.idx.msk [tilespmem:v6+s9+$0x0], $0xffff  }
0x414: {  	v6 =	vor.u32 $0x3E, v3;
	_ =	sdelay $0x3  }
0x415: {  	[tilespmem:v5+s11+$0x0] =	vst.idx.msk $0xffff, v4  }
0x416: {  	v5 =	vor.u32 v48, v2;
	v4 =	vld.idx.msk [tilespmem:v6+s9+$0x0], $0xffff  }
0x417: {  	v3 =	vor.u32 $0x3F, v3;
	_ =	sdelay $0x3  }
0x418: {  	[tilespmem:v5+s11+$0x0] =	vst.idx.msk $0xffff, v4  }
0x419: {  	v2 =	vor.u32 v24, v2;
	v3 =	vld.idx.msk [tilespmem:v3+s9+$0x0], $0xffff;
	_ =	sdelay $0x4  }
0x41a: {  	[tilespmem:v2+s11+$0x0] =	vst.idx.msk $0xffff, v3  }
0x41b: {  	v2 =	vld [tilespmem:s14+$0x10];
	_ =	sdelay $0x2  }
0x41c: {  	v3 =	vlaneseq.u32  }
0x41d: {  	v3 =	vor.u32 $0x50, v3  }
0x41e: {  	v4 =	vor.u32 s15, v3;
	v2 =	vshrl.u32 v2, $0x7  }
0x41f: {  	v3 =	vshll.u32 v4, $0x7;
	v2 =	vand.u32 $0x40, v2  }
0x420: {  	v3 =	vor.u32 v3, v2;
	_ =	sdelay $0x2  }
0x421: {  	v2 =	vshll.u32 v4, $0x6  }
0x422: {  	v2 =	vand.u32 $0x7780, v2  }
0x423: {  	v5 =	vor.u32 v1, v2;
	v4 =	vld.idx.msk [tilespmem:v3+s9+$0x0], $0xffff;
	_ =	sdelay $0x4  }
0x424: {  	v6 =	vor.u32 $0x1, v3;
	[tilespmem:v5+s11+$0x0] =	vst.idx.msk $0xffff, v4;
	v5 =	vld [tilespmem:$0x1FF60];
	_ =	sdelay $0x4  }
0x425: {  	v4 =	vld.idx.msk [tilespmem:v6+s9+$0x0], $0xffff;
	v5 =	vor.u32 v5, v2;
	_ =	sdelay $0x4  }
0x426: {  	v6 =	vor.u32 $0x2, v3;
	[tilespmem:v5+s11+$0x0] =	vst.idx.msk $0xffff, v4;
	v5 =	vld [tilespmem:$0x1FF70];
	_ =	sdelay $0x4  }
0x427: {  	v4 =	vld.idx.msk [tilespmem:v6+s9+$0x0], $0xffff;
	v5 =	vor.u32 v5, v2;
	_ =	sdelay $0x4  }
0x428: {  	v6 =	vor.u32 $0x3, v3;
	[tilespmem:v5+s11+$0x0] =	vst.idx.msk $0xffff, v4;
	v5 =	vld [tilespmem:$0x1FF80];
	_ =	sdelay $0x4  }
0x429: {  	v4 =	vld.idx.msk [tilespmem:v6+s9+$0x0], $0xffff;
	v5 =	vor.u32 v5, v2;
	_ =	sdelay $0x4  }
0x42a: {  	v6 =	vor.u32 $0x4, v3;
	[tilespmem:v5+s11+$0x0] =	vst.idx.msk $0xffff, v4;
	v5 =	vld [tilespmem:$0x1FF90];
	_ =	sdelay $0x4  }
0x42b: {  	v4 =	vld.idx.msk [tilespmem:v6+s9+$0x0], $0xffff;
	v5 =	vor.u32 v5, v2;
	_ =	sdelay $0x4  }
0x42c: {  	v6 =	vor.u32 $0x5, v3;
	[tilespmem:v5+s11+$0x0] =	vst.idx.msk $0xffff, v4;
	v5 =	vld [tilespmem:$0x1FFA0];
	_ =	sdelay $0x4  }
0x42d: {  	v4 =	vld.idx.msk [tilespmem:v6+s9+$0x0], $0xffff;
	v5 =	vor.u32 v5, v2;
	_ =	sdelay $0x4  }
0x42e: {  	v6 =	vor.u32 $0x6, v3;
	[tilespmem:v5+s11+$0x0] =	vst.idx.msk $0xffff, v4;
	v5 =	vld [tilespmem:$0x1FFB0];
	_ =	sdelay $0x4  }
0x42f: {  	v4 =	vld.idx.msk [tilespmem:v6+s9+$0x0], $0xffff;
	v5 =	vor.u32 v5, v2;
	_ =	sdelay $0x4  }
0x430: {  	v6 =	vor.u32 $0x7, v3;
	[tilespmem:v5+s11+$0x0] =	vst.idx.msk $0xffff, v4;
	v5 =	vld [tilespmem:$0x1FFC0];
	_ =	sdelay $0x4  }
0x431: {  	v4 =	vld.idx.msk [tilespmem:v6+s9+$0x0], $0xffff;
	v5 =	vor.u32 v5, v2;
	_ =	sdelay $0x4  }
0x432: {  	v6 =	vor.u32 $0x8, v3;
	[tilespmem:v5+s11+$0x0] =	vst.idx.msk $0xffff, v4;
	v5 =	vld [tilespmem:$0x1FFD0];
	_ =	sdelay $0x4  }
0x433: {  	v4 =	vld.idx.msk [tilespmem:v6+s9+$0x0], $0xffff;
	v5 =	vor.u32 v5, v2;
	_ =	sdelay $0x4  }
0x434: {  	v6 =	vor.u32 $0x9, v3;
	[tilespmem:v5+s11+$0x0] =	vst.idx.msk $0xffff, v4;
	v5 =	vld [tilespmem:$0x1FFE0];
	_ =	sdelay $0x4  }
0x435: {  	v4 =	vld.idx.msk [tilespmem:v6+s9+$0x0], $0xffff;
	v5 =	vor.u32 v5, v2;
	_ =	sdelay $0x4  }
0x436: {  	v6 =	vor.u32 $0xA, v3;
	[tilespmem:v5+s11+$0x0] =	vst.idx.msk $0xffff, v4;
	v5 =	vld [tilespmem:$0x1FFF0];
	_ =	sdelay $0x4  }
0x437: {  	v4 =	vld.idx.msk [tilespmem:v6+s9+$0x0], $0xffff;
	v5 =	vor.u32 v5, v2  }
0x438: {  	v6 =	vor.u32 $0xB, v3;
	_ =	sdelay $0x3  }
0x439: {  	[tilespmem:v5+s11+$0x0] =	vst.idx.msk $0xffff, v4  }
0x43a: {  	v5 =	vor.u32 v62, v2;
	v4 =	vld.idx.msk [tilespmem:v6+s9+$0x0], $0xffff  }
0x43b: {  	v6 =	vor.u32 $0xC, v3;
	_ =	sdelay $0x3  }
0x43c: {  	[tilespmem:v5+s11+$0x0] =	vst.idx.msk $0xffff, v4  }
0x43d: {  	v5 =	vor.u32 v63, v2;
	v4 =	vld.idx.msk [tilespmem:v6+s9+$0x0], $0xffff  }
0x43e: {  	v6 =	vor.u32 $0xD, v3;
	_ =	sdelay $0x3  }
0x43f: {  	[tilespmem:v5+s11+$0x0] =	vst.idx.msk $0xffff, v4  }
0x440: {  	v5 =	vor.u32 v60, v2;
	v4 =	vld.idx.msk [tilespmem:v6+s9+$0x0], $0xffff  }
0x441: {  	v6 =	vor.u32 $0xE, v3;
	_ =	sdelay $0x3  }
0x442: {  	[tilespmem:v5+s11+$0x0] =	vst.idx.msk $0xffff, v4  }
0x443: {  	v5 =	vor.u32 v61, v2;
	v4 =	vld.idx.msk [tilespmem:v6+s9+$0x0], $0xffff  }
0x444: {  	v6 =	vor.u32 $0xF, v3;
	_ =	sdelay $0x3  }
0x445: {  	[tilespmem:v5+s11+$0x0] =	vst.idx.msk $0xffff, v4  }
0x446: {  	v5 =	vor.u32 v58, v2;
	v4 =	vld.idx.msk [tilespmem:v6+s9+$0x0], $0xffff  }
0x447: {  	v6 =	vor.u32 $0x10, v3;
	_ =	sdelay $0x3  }
0x448: {  	[tilespmem:v5+s11+$0x0] =	vst.idx.msk $0xffff, v4  }
0x449: {  	v5 =	vor.u32 v59, v2;
	v4 =	vld.idx.msk [tilespmem:v6+s9+$0x0], $0xffff  }
0x44a: {  	v6 =	vor.u32 $0x11, v3;
	_ =	sdelay $0x3  }
0x44b: {  	[tilespmem:v5+s11+$0x0] =	vst.idx.msk $0xffff, v4  }
0x44c: {  	v5 =	vor.u32 v56, v2;
	v4 =	vld.idx.msk [tilespmem:v6+s9+$0x0], $0xffff  }
0x44d: {  	v6 =	vor.u32 $0x12, v3;
	_ =	sdelay $0x3  }
0x44e: {  	[tilespmem:v5+s11+$0x0] =	vst.idx.msk $0xffff, v4  }
0x44f: {  	v5 =	vor.u32 v57, v2;
	v4 =	vld.idx.msk [tilespmem:v6+s9+$0x0], $0xffff  }
0x450: {  	v6 =	vor.u32 $0x13, v3;
	_ =	sdelay $0x3  }
0x451: {  	[tilespmem:v5+s11+$0x0] =	vst.idx.msk $0xffff, v4  }
0x452: {  	v5 =	vor.u32 v54, v2;
	v4 =	vld.idx.msk [tilespmem:v6+s9+$0x0], $0xffff  }
0x453: {  	v6 =	vor.u32 $0x14, v3;
	_ =	sdelay $0x3  }
0x454: {  	[tilespmem:v5+s11+$0x0] =	vst.idx.msk $0xffff, v4  }
0x455: {  	v5 =	vor.u32 v55, v2;
	v4 =	vld.idx.msk [tilespmem:v6+s9+$0x0], $0xffff  }
0x456: {  	v6 =	vor.u32 $0x15, v3;
	_ =	sdelay $0x3  }
0x457: {  	[tilespmem:v5+s11+$0x0] =	vst.idx.msk $0xffff, v4  }
0x458: {  	v5 =	vor.u32 v52, v2;
	v4 =	vld.idx.msk [tilespmem:v6+s9+$0x0], $0xffff  }
0x459: {  	v6 =	vor.u32 $0x16, v3;
	_ =	sdelay $0x3  }
0x45a: {  	[tilespmem:v5+s11+$0x0] =	vst.idx.msk $0xffff, v4  }
0x45b: {  	v5 =	vor.u32 v53, v2;
	v4 =	vld.idx.msk [tilespmem:v6+s9+$0x0], $0xffff  }
0x45c: {  	v6 =	vor.u32 $0x17, v3;
	_ =	sdelay $0x3  }
0x45d: {  	[tilespmem:v5+s11+$0x0] =	vst.idx.msk $0xffff, v4  }
0x45e: {  	v5 =	vor.u32 v29, v2;
	v4 =	vld.idx.msk [tilespmem:v6+s9+$0x0], $0xffff  }
0x45f: {  	v6 =	vor.u32 $0x18, v3;
	_ =	sdelay $0x3  }
0x460: {  	[tilespmem:v5+s11+$0x0] =	vst.idx.msk $0xffff, v4  }
0x461: {  	v5 =	vor.u32 v30, v2;
	v4 =	vld.idx.msk [tilespmem:v6+s9+$0x0], $0xffff  }
0x462: {  	v6 =	vor.u32 $0x19, v3;
	_ =	sdelay $0x3  }
0x463: {  	[tilespmem:v5+s11+$0x0] =	vst.idx.msk $0xffff, v4  }
0x464: {  	v5 =	vor.u32 v31, v2;
	v4 =	vld.idx.msk [tilespmem:v6+s9+$0x0], $0xffff  }
0x465: {  	v6 =	vor.u32 $0x1A, v3;
	_ =	sdelay $0x3  }
0x466: {  	[tilespmem:v5+s11+$0x0] =	vst.idx.msk $0xffff, v4  }
0x467: {  	v5 =	vor.u32 v28, v2;
	v4 =	vld.idx.msk [tilespmem:v6+s9+$0x0], $0xffff  }
0x468: {  	v6 =	vor.u32 $0x1B, v3;
	_ =	sdelay $0x3  }
0x469: {  	[tilespmem:v5+s11+$0x0] =	vst.idx.msk $0xffff, v4  }
0x46a: {  	v5 =	vor.u32 v27, v2;
	v4 =	vld.idx.msk [tilespmem:v6+s9+$0x0], $0xffff;
	_ =	sdelay $0x4  }
0x46b: {  	v6 =	vor.u32 $0x1C, v3;
	[tilespmem:v5+s11+$0x0] =	vst.idx.msk $0xffff, v4;
	v5 =	vld [tilespmem:$0x1FF30];
	_ =	sdelay $0x4  }
0x46c: {  	v4 =	vld.idx.msk [tilespmem:v6+s9+$0x0], $0xffff;
	v5 =	vor.u32 v5, v2;
	_ =	sdelay $0x4  }
0x46d: {  	v6 =	vor.u32 $0x1D, v3;
	[tilespmem:v5+s11+$0x0] =	vst.idx.msk $0xffff, v4;
	v5 =	vld [tilespmem:$0x1FF40];
	_ =	sdelay $0x4  }
0x46e: {  	v4 =	vld.idx.msk [tilespmem:v6+s9+$0x0], $0xffff;
	v5 =	vor.u32 v5, v2;
	_ =	sdelay $0x4  }
0x46f: {  	v6 =	vor.u32 $0x1E, v3;
	[tilespmem:v5+s11+$0x0] =	vst.idx.msk $0xffff, v4;
	v5 =	vld [tilespmem:$0x1FF50];
	_ =	sdelay $0x4  }
0x470: {  	v4 =	vld.idx.msk [tilespmem:v6+s9+$0x0], $0xffff;
	v5 =	vor.u32 v5, v2  }
0x471: {  	v6 =	vor.u32 $0x1F, v3;
	_ =	sdelay $0x3  }
0x472: {  	[tilespmem:v5+s11+$0x0] =	vst.idx.msk $0xffff, v4  }
0x473: {  	v5 =	vor.u32 v32, v2;
	v4 =	vld.idx.msk [tilespmem:v6+s9+$0x0], $0xffff  }
0x474: {  	v6 =	vor.u32 $0x20, v3;
	_ =	sdelay $0x3  }
0x475: {  	[tilespmem:v5+s11+$0x0] =	vst.idx.msk $0xffff, v4  }
0x476: {  	v5 =	vor.u32 v33, v2;
	v4 =	vld.idx.msk [tilespmem:v6+s9+$0x0], $0xffff  }
0x477: {  	v6 =	vor.u32 $0x21, v3;
	_ =	sdelay $0x3  }
0x478: {  	[tilespmem:v5+s11+$0x0] =	vst.idx.msk $0xffff, v4  }
0x479: {  	v5 =	vor.u32 v20, v2;
	v4 =	vld.idx.msk [tilespmem:v6+s9+$0x0], $0xffff  }
0x47a: {  	v6 =	vor.u32 $0x22, v3;
	_ =	sdelay $0x3  }
0x47b: {  	[tilespmem:v5+s11+$0x0] =	vst.idx.msk $0xffff, v4  }
0x47c: {  	v5 =	vor.u32 v43, v2;
	v4 =	vld.idx.msk [tilespmem:v6+s9+$0x0], $0xffff  }
0x47d: {  	v6 =	vor.u32 $0x23, v3;
	_ =	sdelay $0x3  }
0x47e: {  	[tilespmem:v5+s11+$0x0] =	vst.idx.msk $0xffff, v4  }
0x47f: {  	v5 =	vor.u32 v21, v2;
	v4 =	vld.idx.msk [tilespmem:v6+s9+$0x0], $0xffff  }
0x480: {  	v6 =	vor.u32 $0x24, v3;
	_ =	sdelay $0x3  }
0x481: {  	[tilespmem:v5+s11+$0x0] =	vst.idx.msk $0xffff, v4  }
0x482: {  	v5 =	vor.u32 v35, v2;
	v4 =	vld.idx.msk [tilespmem:v6+s9+$0x0], $0xffff  }
0x483: {  	v6 =	vor.u32 $0x25, v3;
	_ =	sdelay $0x3  }
0x484: {  	[tilespmem:v5+s11+$0x0] =	vst.idx.msk $0xffff, v4  }
0x485: {  	v5 =	vor.u32 v36, v2;
	v4 =	vld.idx.msk [tilespmem:v6+s9+$0x0], $0xffff  }
0x486: {  	v6 =	vor.u32 $0x26, v3;
	_ =	sdelay $0x3  }
0x487: {  	[tilespmem:v5+s11+$0x0] =	vst.idx.msk $0xffff, v4  }
0x488: {  	v5 =	vor.u32 v7, v2;
	v4 =	vld.idx.msk [tilespmem:v6+s9+$0x0], $0xffff  }
0x489: {  	v6 =	vor.u32 $0x27, v3;
	_ =	sdelay $0x3  }
0x48a: {  	[tilespmem:v5+s11+$0x0] =	vst.idx.msk $0xffff, v4  }
0x48b: {  	v5 =	vor.u32 v25, v2;
	v4 =	vld.idx.msk [tilespmem:v6+s9+$0x0], $0xffff  }
0x48c: {  	v6 =	vor.u32 $0x28, v3;
	_ =	sdelay $0x3  }
0x48d: {  	[tilespmem:v5+s11+$0x0] =	vst.idx.msk $0xffff, v4  }
0x48e: {  	v5 =	vor.u32 v41, v2;
	v4 =	vld.idx.msk [tilespmem:v6+s9+$0x0], $0xffff  }
0x48f: {  	v6 =	vor.u32 $0x29, v3;
	_ =	sdelay $0x3  }
0x490: {  	[tilespmem:v5+s11+$0x0] =	vst.idx.msk $0xffff, v4  }
0x491: {  	v5 =	vor.u32 v22, v2;
	v4 =	vld.idx.msk [tilespmem:v6+s9+$0x0], $0xffff  }
0x492: {  	v6 =	vor.u32 $0x2A, v3;
	_ =	sdelay $0x3  }
0x493: {  	[tilespmem:v5+s11+$0x0] =	vst.idx.msk $0xffff, v4  }
0x494: {  	v5 =	vor.u32 v23, v2;
	v4 =	vld.idx.msk [tilespmem:v6+s9+$0x0], $0xffff  }
0x495: {  	v6 =	vor.u32 $0x2B, v3;
	_ =	sdelay $0x3  }
0x496: {  	[tilespmem:v5+s11+$0x0] =	vst.idx.msk $0xffff, v4  }
0x497: {  	v5 =	vor.u32 v38, v2;
	v4 =	vld.idx.msk [tilespmem:v6+s9+$0x0], $0xffff  }
0x498: {  	v6 =	vor.u32 $0x2C, v3;
	_ =	sdelay $0x3  }
0x499: {  	v10 =	vmov v13;
	[tilespmem:v5+s11+$0x0] =	vst.idx.msk $0xffff, v4  }
0x49a: {  	v5 =	vor.u32 v10, v2;
	v4 =	vld.idx.msk [tilespmem:v6+s9+$0x0], $0xffff  }
0x49b: {  	v6 =	vor.u32 $0x2D, v3;
	_ =	sdelay $0x3  }
0x49c: {  	[tilespmem:v5+s11+$0x0] =	vst.idx.msk $0xffff, v4  }
0x49d: {  	v5 =	vor.u32 v19, v2;
	v4 =	vld.idx.msk [tilespmem:v6+s9+$0x0], $0xffff  }
0x49e: {  	v6 =	vor.u32 $0x2E, v3;
	_ =	sdelay $0x3  }
0x49f: {  	v49 =	vmov v0;
	[tilespmem:v5+s11+$0x0] =	vst.idx.msk $0xffff, v4  }
0x4a0: {  	v5 =	vor.u32 v49, v2;
	v4 =	vld.idx.msk [tilespmem:v6+s9+$0x0], $0xffff  }
0x4a1: {  	v6 =	vor.u32 $0x2F, v3;
	_ =	sdelay $0x3  }
0x4a2: {  	[tilespmem:v5+s11+$0x0] =	vst.idx.msk $0xffff, v4  }
0x4a3: {  	v5 =	vor.u32 v16, v2;
	v4 =	vld.idx.msk [tilespmem:v6+s9+$0x0], $0xffff  }
0x4a4: {  	v6 =	vor.u32 $0x30, v3;
	_ =	sdelay $0x3  }
0x4a5: {  	[tilespmem:v5+s11+$0x0] =	vst.idx.msk $0xffff, v4  }
0x4a6: {  	v5 =	vor.u32 v17, v2;
	v4 =	vld.idx.msk [tilespmem:v6+s9+$0x0], $0xffff  }
0x4a7: {  	v6 =	vor.u32 $0x31, v3;
	_ =	sdelay $0x3  }
0x4a8: {  	[tilespmem:v5+s11+$0x0] =	vst.idx.msk $0xffff, v4  }
0x4a9: {  	v5 =	vor.u32 v9, v2;
	v4 =	vld.idx.msk [tilespmem:v6+s9+$0x0], $0xffff  }
0x4aa: {  	v6 =	vor.u32 $0x32, v3;
	_ =	sdelay $0x3  }
0x4ab: {  	v40 =	vmov v46;
	[tilespmem:v5+s11+$0x0] =	vst.idx.msk $0xffff, v4  }
0x4ac: {  	v5 =	vor.u32 v40, v2;
	v4 =	vld.idx.msk [tilespmem:v6+s9+$0x0], $0xffff  }
0x4ad: {  	v6 =	vor.u32 $0x33, v3;
	_ =	sdelay $0x3  }
0x4ae: {  	[tilespmem:v5+s11+$0x0] =	vst.idx.msk $0xffff, v4  }
0x4af: {  	v5 =	vor.u32 v42, v2;
	v4 =	vld.idx.msk [tilespmem:v6+s9+$0x0], $0xffff  }
0x4b0: {  	v6 =	vor.u32 $0x34, v3;
	_ =	sdelay $0x3  }
0x4b1: {  	[tilespmem:v5+s11+$0x0] =	vst.idx.msk $0xffff, v4  }
0x4b2: {  	v5 =	vor.u32 v45, v2;
	v4 =	vld.idx.msk [tilespmem:v6+s9+$0x0], $0xffff  }
0x4b3: {  	v6 =	vor.u32 $0x35, v3;
	_ =	sdelay $0x3  }
0x4b4: {  	[tilespmem:v5+s11+$0x0] =	vst.idx.msk $0xffff, v4  }
0x4b5: {  	v5 =	vor.u32 v11, v2;
	v4 =	vld.idx.msk [tilespmem:v6+s9+$0x0], $0xffff  }
0x4b6: {  	v6 =	vor.u32 $0x36, v3;
	_ =	sdelay $0x3  }
0x4b7: {  	[tilespmem:v5+s11+$0x0] =	vst.idx.msk $0xffff, v4  }
0x4b8: {  	v5 =	vor.u32 v39, v2;
	v4 =	vld.idx.msk [tilespmem:v6+s9+$0x0], $0xffff  }
0x4b9: {  	v6 =	vor.u32 $0x37, v3;
	_ =	sdelay $0x3  }
0x4ba: {  	[tilespmem:v5+s11+$0x0] =	vst.idx.msk $0xffff, v4  }
0x4bb: {  	v5 =	vor.u32 v15, v2;
	v4 =	vld.idx.msk [tilespmem:v6+s9+$0x0], $0xffff  }
0x4bc: {  	v6 =	vor.u32 $0x38, v3;
	_ =	sdelay $0x3  }
0x4bd: {  	[tilespmem:v5+s11+$0x0] =	vst.idx.msk $0xffff, v4  }
0x4be: {  	v5 =	vor.u32 v12, v2;
	v4 =	vld.idx.msk [tilespmem:v6+s9+$0x0], $0xffff  }
0x4bf: {  	v6 =	vor.u32 $0x39, v3;
	_ =	sdelay $0x3  }
0x4c0: {  	[tilespmem:v5+s11+$0x0] =	vst.idx.msk $0xffff, v4  }
0x4c1: {  	v5 =	vor.u32 v51, v2;
	v4 =	vld.idx.msk [tilespmem:v6+s9+$0x0], $0xffff  }
0x4c2: {  	v6 =	vor.u32 $0x3A, v3;
	_ =	sdelay $0x3  }
0x4c3: {  	[tilespmem:v5+s11+$0x0] =	vst.idx.msk $0xffff, v4  }
0x4c4: {  	v5 =	vor.u32 v47, v2;
	v4 =	vld.idx.msk [tilespmem:v6+s9+$0x0], $0xffff  }
0x4c5: {  	v6 =	vor.u32 $0x3B, v3;
	_ =	sdelay $0x3  }
0x4c6: {  	[tilespmem:v5+s11+$0x0] =	vst.idx.msk $0xffff, v4  }
0x4c7: {  	v5 =	vor.u32 v50, v2;
	v4 =	vld.idx.msk [tilespmem:v6+s9+$0x0], $0xffff  }
0x4c8: {  	v6 =	vor.u32 $0x3C, v3;
	_ =	sdelay $0x3  }
0x4c9: {  	[tilespmem:v5+s11+$0x0] =	vst.idx.msk $0xffff, v4  }
0x4ca: {  	v5 =	vor.u32 v8, v2;
	v4 =	vld.idx.msk [tilespmem:v6+s9+$0x0], $0xffff  }
0x4cb: {  	v6 =	vor.u32 $0x3D, v3;
	_ =	sdelay $0x3  }
0x4cc: {  	[tilespmem:v5+s11+$0x0] =	vst.idx.msk $0xffff, v4  }
0x4cd: {  	v5 =	vor.u32 v18, v2;
	v4 =	vld.idx.msk [tilespmem:v6+s9+$0x0], $0xffff  }
0x4ce: {  	v6 =	vor.u32 $0x3E, v3;
	_ =	sdelay $0x3  }
0x4cf: {  	[tilespmem:v5+s11+$0x0] =	vst.idx.msk $0xffff, v4  }
0x4d0: {  	v5 =	vor.u32 v48, v2;
	v4 =	vld.idx.msk [tilespmem:v6+s9+$0x0], $0xffff  }
0x4d1: {  	v3 =	vor.u32 $0x3F, v3;
	_ =	sdelay $0x3  }
0x4d2: {  	[tilespmem:v5+s11+$0x0] =	vst.idx.msk $0xffff, v4  }
0x4d3: {  	v2 =	vor.u32 v24, v2;
	v3 =	vld.idx.msk [tilespmem:v3+s9+$0x0], $0xffff;
	_ =	sdelay $0x4  }
0x4d4: {  	[tilespmem:v2+s11+$0x0] =	vst.idx.msk $0xffff, v3  }
0x4d5: {  	v2 =	vld [tilespmem:s14+$0x20];
	_ =	sdelay $0x2  }
0x4d6: {  	v3 =	vlaneseq.u32  }
0x4d7: {  	v3 =	vor.u32 $0x60, v3  }
0x4d8: {  	v4 =	vor.u32 s15, v3;
	v2 =	vshrl.u32 v2, $0x7  }
0x4d9: {  	v3 =	vshll.u32 v4, $0x7;
	v2 =	vand.u32 $0x40, v2  }
0x4da: {  	v3 =	vor.u32 v3, v2;
	_ =	sdelay $0x2  }
0x4db: {  	v2 =	vshll.u32 v4, $0x6  }
0x4dc: {  	v2 =	vand.u32 $0x7B80, v2  }
0x4dd: {  	v5 =	vor.u32 v1, v2;
	v4 =	vld.idx.msk [tilespmem:v3+s9+$0x0], $0xffff;
	_ =	sdelay $0x4  }
0x4de: {  	v6 =	vor.u32 $0x1, v3;
	[tilespmem:v5+s11+$0x0] =	vst.idx.msk $0xffff, v4;
	v5 =	vld [tilespmem:$0x1FF60];
	_ =	sdelay $0x4  }
0x4df: {  	v4 =	vld.idx.msk [tilespmem:v6+s9+$0x0], $0xffff;
	v5 =	vor.u32 v5, v2;
	_ =	sdelay $0x4  }
0x4e0: {  	v6 =	vor.u32 $0x2, v3;
	[tilespmem:v5+s11+$0x0] =	vst.idx.msk $0xffff, v4;
	v5 =	vld [tilespmem:$0x1FF70];
	_ =	sdelay $0x4  }
0x4e1: {  	v4 =	vld.idx.msk [tilespmem:v6+s9+$0x0], $0xffff;
	v5 =	vor.u32 v5, v2;
	_ =	sdelay $0x4  }
0x4e2: {  	v6 =	vor.u32 $0x3, v3;
	[tilespmem:v5+s11+$0x0] =	vst.idx.msk $0xffff, v4;
	v5 =	vld [tilespmem:$0x1FF80];
	_ =	sdelay $0x4  }
0x4e3: {  	v4 =	vld.idx.msk [tilespmem:v6+s9+$0x0], $0xffff;
	v5 =	vor.u32 v5, v2;
	_ =	sdelay $0x4  }
0x4e4: {  	v6 =	vor.u32 $0x4, v3;
	[tilespmem:v5+s11+$0x0] =	vst.idx.msk $0xffff, v4;
	v5 =	vld [tilespmem:$0x1FF90];
	_ =	sdelay $0x4  }
0x4e5: {  	v4 =	vld.idx.msk [tilespmem:v6+s9+$0x0], $0xffff;
	v5 =	vor.u32 v5, v2;
	_ =	sdelay $0x4  }
0x4e6: {  	v6 =	vor.u32 $0x5, v3;
	[tilespmem:v5+s11+$0x0] =	vst.idx.msk $0xffff, v4;
	v5 =	vld [tilespmem:$0x1FFA0];
	_ =	sdelay $0x4  }
0x4e7: {  	v4 =	vld.idx.msk [tilespmem:v6+s9+$0x0], $0xffff;
	v5 =	vor.u32 v5, v2;
	_ =	sdelay $0x4  }
0x4e8: {  	v6 =	vor.u32 $0x6, v3;
	[tilespmem:v5+s11+$0x0] =	vst.idx.msk $0xffff, v4;
	v5 =	vld [tilespmem:$0x1FFB0];
	_ =	sdelay $0x4  }
0x4e9: {  	v4 =	vld.idx.msk [tilespmem:v6+s9+$0x0], $0xffff;
	v5 =	vor.u32 v5, v2;
	_ =	sdelay $0x4  }
0x4ea: {  	v6 =	vor.u32 $0x7, v3;
	[tilespmem:v5+s11+$0x0] =	vst.idx.msk $0xffff, v4;
	v5 =	vld [tilespmem:$0x1FFC0];
	_ =	sdelay $0x4  }
0x4eb: {  	v4 =	vld.idx.msk [tilespmem:v6+s9+$0x0], $0xffff;
	v5 =	vor.u32 v5, v2;
	_ =	sdelay $0x4  }
0x4ec: {  	v6 =	vor.u32 $0x8, v3;
	[tilespmem:v5+s11+$0x0] =	vst.idx.msk $0xffff, v4;
	v5 =	vld [tilespmem:$0x1FFD0];
	_ =	sdelay $0x4  }
0x4ed: {  	v4 =	vld.idx.msk [tilespmem:v6+s9+$0x0], $0xffff;
	v5 =	vor.u32 v5, v2;
	_ =	sdelay $0x4  }
0x4ee: {  	v6 =	vor.u32 $0x9, v3;
	[tilespmem:v5+s11+$0x0] =	vst.idx.msk $0xffff, v4;
	v5 =	vld [tilespmem:$0x1FFE0];
	_ =	sdelay $0x4  }
0x4ef: {  	v4 =	vld.idx.msk [tilespmem:v6+s9+$0x0], $0xffff;
	v5 =	vor.u32 v5, v2;
	_ =	sdelay $0x4  }
0x4f0: {  	v6 =	vor.u32 $0xA, v3;
	[tilespmem:v5+s11+$0x0] =	vst.idx.msk $0xffff, v4;
	v5 =	vld [tilespmem:$0x1FFF0];
	_ =	sdelay $0x4  }
0x4f1: {  	v4 =	vld.idx.msk [tilespmem:v6+s9+$0x0], $0xffff;
	v5 =	vor.u32 v5, v2  }
0x4f2: {  	v6 =	vor.u32 $0xB, v3;
	_ =	sdelay $0x3  }
0x4f3: {  	[tilespmem:v5+s11+$0x0] =	vst.idx.msk $0xffff, v4  }
0x4f4: {  	v5 =	vor.u32 v62, v2;
	v4 =	vld.idx.msk [tilespmem:v6+s9+$0x0], $0xffff  }
0x4f5: {  	v6 =	vor.u32 $0xC, v3;
	_ =	sdelay $0x3  }
0x4f6: {  	[tilespmem:v5+s11+$0x0] =	vst.idx.msk $0xffff, v4  }
0x4f7: {  	v5 =	vor.u32 v63, v2;
	v4 =	vld.idx.msk [tilespmem:v6+s9+$0x0], $0xffff  }
0x4f8: {  	v6 =	vor.u32 $0xD, v3;
	_ =	sdelay $0x3  }
0x4f9: {  	[tilespmem:v5+s11+$0x0] =	vst.idx.msk $0xffff, v4  }
0x4fa: {  	v5 =	vor.u32 v60, v2;
	v4 =	vld.idx.msk [tilespmem:v6+s9+$0x0], $0xffff  }
0x4fb: {  	v6 =	vor.u32 $0xE, v3;
	_ =	sdelay $0x3  }
0x4fc: {  	[tilespmem:v5+s11+$0x0] =	vst.idx.msk $0xffff, v4  }
0x4fd: {  	v5 =	vor.u32 v61, v2;
	v4 =	vld.idx.msk [tilespmem:v6+s9+$0x0], $0xffff  }
0x4fe: {  	v6 =	vor.u32 $0xF, v3;
	_ =	sdelay $0x3  }
0x4ff: {  	[tilespmem:v5+s11+$0x0] =	vst.idx.msk $0xffff, v4  }
0x500: {  	v5 =	vor.u32 v58, v2;
	v4 =	vld.idx.msk [tilespmem:v6+s9+$0x0], $0xffff  }
0x501: {  	v6 =	vor.u32 $0x10, v3;
	_ =	sdelay $0x3  }
0x502: {  	[tilespmem:v5+s11+$0x0] =	vst.idx.msk $0xffff, v4  }
0x503: {  	v5 =	vor.u32 v59, v2;
	v4 =	vld.idx.msk [tilespmem:v6+s9+$0x0], $0xffff  }
0x504: {  	v6 =	vor.u32 $0x11, v3;
	_ =	sdelay $0x3  }
0x505: {  	[tilespmem:v5+s11+$0x0] =	vst.idx.msk $0xffff, v4  }
0x506: {  	v5 =	vor.u32 v56, v2;
	v4 =	vld.idx.msk [tilespmem:v6+s9+$0x0], $0xffff  }
0x507: {  	v6 =	vor.u32 $0x12, v3;
	_ =	sdelay $0x3  }
0x508: {  	[tilespmem:v5+s11+$0x0] =	vst.idx.msk $0xffff, v4  }
0x509: {  	v5 =	vor.u32 v57, v2;
	v4 =	vld.idx.msk [tilespmem:v6+s9+$0x0], $0xffff  }
0x50a: {  	v6 =	vor.u32 $0x13, v3;
	_ =	sdelay $0x3  }
0x50b: {  	[tilespmem:v5+s11+$0x0] =	vst.idx.msk $0xffff, v4  }
0x50c: {  	v5 =	vor.u32 v54, v2;
	v4 =	vld.idx.msk [tilespmem:v6+s9+$0x0], $0xffff  }
0x50d: {  	v6 =	vor.u32 $0x14, v3;
	_ =	sdelay $0x3  }
0x50e: {  	[tilespmem:v5+s11+$0x0] =	vst.idx.msk $0xffff, v4  }
0x50f: {  	v5 =	vor.u32 v55, v2;
	v4 =	vld.idx.msk [tilespmem:v6+s9+$0x0], $0xffff  }
0x510: {  	v6 =	vor.u32 $0x15, v3;
	_ =	sdelay $0x3  }
0x511: {  	[tilespmem:v5+s11+$0x0] =	vst.idx.msk $0xffff, v4  }
0x512: {  	v5 =	vor.u32 v52, v2;
	v4 =	vld.idx.msk [tilespmem:v6+s9+$0x0], $0xffff  }
0x513: {  	v6 =	vor.u32 $0x16, v3;
	_ =	sdelay $0x3  }
0x514: {  	[tilespmem:v5+s11+$0x0] =	vst.idx.msk $0xffff, v4  }
0x515: {  	v5 =	vor.u32 v53, v2;
	v4 =	vld.idx.msk [tilespmem:v6+s9+$0x0], $0xffff  }
0x516: {  	v6 =	vor.u32 $0x17, v3;
	_ =	sdelay $0x3  }
0x517: {  	[tilespmem:v5+s11+$0x0] =	vst.idx.msk $0xffff, v4  }
0x518: {  	v5 =	vor.u32 v29, v2;
	v4 =	vld.idx.msk [tilespmem:v6+s9+$0x0], $0xffff  }
0x519: {  	v6 =	vor.u32 $0x18, v3;
	_ =	sdelay $0x3  }
0x51a: {  	[tilespmem:v5+s11+$0x0] =	vst.idx.msk $0xffff, v4  }
0x51b: {  	v5 =	vor.u32 v30, v2;
	v4 =	vld.idx.msk [tilespmem:v6+s9+$0x0], $0xffff  }
0x51c: {  	v6 =	vor.u32 $0x19, v3;
	_ =	sdelay $0x3  }
0x51d: {  	[tilespmem:v5+s11+$0x0] =	vst.idx.msk $0xffff, v4  }
0x51e: {  	v5 =	vor.u32 v31, v2;
	v4 =	vld.idx.msk [tilespmem:v6+s9+$0x0], $0xffff  }
0x51f: {  	v6 =	vor.u32 $0x1A, v3;
	_ =	sdelay $0x3  }
0x520: {  	[tilespmem:v5+s11+$0x0] =	vst.idx.msk $0xffff, v4  }
0x521: {  	v5 =	vor.u32 v28, v2;
	v4 =	vld.idx.msk [tilespmem:v6+s9+$0x0], $0xffff  }
0x522: {  	v6 =	vor.u32 $0x1B, v3;
	_ =	sdelay $0x3  }
0x523: {  	[tilespmem:v5+s11+$0x0] =	vst.idx.msk $0xffff, v4  }
0x524: {  	v5 =	vor.u32 v27, v2;
	v4 =	vld.idx.msk [tilespmem:v6+s9+$0x0], $0xffff;
	_ =	sdelay $0x4  }
0x525: {  	v6 =	vor.u32 $0x1C, v3;
	[tilespmem:v5+s11+$0x0] =	vst.idx.msk $0xffff, v4;
	v5 =	vld [tilespmem:$0x1FF30];
	_ =	sdelay $0x4  }
0x526: {  	v4 =	vld.idx.msk [tilespmem:v6+s9+$0x0], $0xffff;
	v5 =	vor.u32 v5, v2;
	_ =	sdelay $0x4  }
0x527: {  	v6 =	vor.u32 $0x1D, v3;
	[tilespmem:v5+s11+$0x0] =	vst.idx.msk $0xffff, v4;
	v5 =	vld [tilespmem:$0x1FF40];
	_ =	sdelay $0x4  }
0x528: {  	v4 =	vld.idx.msk [tilespmem:v6+s9+$0x0], $0xffff;
	v5 =	vor.u32 v5, v2;
	_ =	sdelay $0x4  }
0x529: {  	v6 =	vor.u32 $0x1E, v3;
	[tilespmem:v5+s11+$0x0] =	vst.idx.msk $0xffff, v4;
	v5 =	vld [tilespmem:$0x1FF50];
	_ =	sdelay $0x4  }
0x52a: {  	v4 =	vld.idx.msk [tilespmem:v6+s9+$0x0], $0xffff;
	v5 =	vor.u32 v5, v2  }
0x52b: {  	v6 =	vor.u32 $0x1F, v3;
	_ =	sdelay $0x3  }
0x52c: {  	[tilespmem:v5+s11+$0x0] =	vst.idx.msk $0xffff, v4  }
0x52d: {  	v5 =	vor.u32 v32, v2;
	v4 =	vld.idx.msk [tilespmem:v6+s9+$0x0], $0xffff  }
0x52e: {  	v6 =	vor.u32 $0x20, v3;
	_ =	sdelay $0x3  }
0x52f: {  	[tilespmem:v5+s11+$0x0] =	vst.idx.msk $0xffff, v4  }
0x530: {  	v5 =	vor.u32 v33, v2;
	v4 =	vld.idx.msk [tilespmem:v6+s9+$0x0], $0xffff  }
0x531: {  	v6 =	vor.u32 $0x21, v3;
	_ =	sdelay $0x3  }
0x532: {  	[tilespmem:v5+s11+$0x0] =	vst.idx.msk $0xffff, v4  }
0x533: {  	v5 =	vor.u32 v20, v2;
	v4 =	vld.idx.msk [tilespmem:v6+s9+$0x0], $0xffff  }
0x534: {  	v6 =	vor.u32 $0x22, v3;
	_ =	sdelay $0x3  }
0x535: {  	[tilespmem:v5+s11+$0x0] =	vst.idx.msk $0xffff, v4  }
0x536: {  	v5 =	vor.u32 v43, v2;
	v4 =	vld.idx.msk [tilespmem:v6+s9+$0x0], $0xffff  }
0x537: {  	v6 =	vor.u32 $0x23, v3;
	_ =	sdelay $0x3  }
0x538: {  	[tilespmem:v5+s11+$0x0] =	vst.idx.msk $0xffff, v4  }
0x539: {  	v5 =	vor.u32 v21, v2;
	v4 =	vld.idx.msk [tilespmem:v6+s9+$0x0], $0xffff  }
0x53a: {  	v6 =	vor.u32 $0x24, v3;
	_ =	sdelay $0x3  }
0x53b: {  	[tilespmem:v5+s11+$0x0] =	vst.idx.msk $0xffff, v4  }
0x53c: {  	v5 =	vor.u32 v35, v2;
	v4 =	vld.idx.msk [tilespmem:v6+s9+$0x0], $0xffff  }
0x53d: {  	v6 =	vor.u32 $0x25, v3;
	_ =	sdelay $0x3  }
0x53e: {  	[tilespmem:v5+s11+$0x0] =	vst.idx.msk $0xffff, v4  }
0x53f: {  	v5 =	vor.u32 v36, v2;
	v4 =	vld.idx.msk [tilespmem:v6+s9+$0x0], $0xffff  }
0x540: {  	v6 =	vor.u32 $0x26, v3;
	_ =	sdelay $0x3  }
0x541: {  	[tilespmem:v5+s11+$0x0] =	vst.idx.msk $0xffff, v4  }
0x542: {  	v5 =	vor.u32 v7, v2;
	v4 =	vld.idx.msk [tilespmem:v6+s9+$0x0], $0xffff  }
0x543: {  	v6 =	vor.u32 $0x27, v3;
	_ =	sdelay $0x3  }
0x544: {  	[tilespmem:v5+s11+$0x0] =	vst.idx.msk $0xffff, v4  }
0x545: {  	v5 =	vor.u32 v25, v2;
	v4 =	vld.idx.msk [tilespmem:v6+s9+$0x0], $0xffff  }
0x546: {  	v6 =	vor.u32 $0x28, v3;
	_ =	sdelay $0x3  }
0x547: {  	[tilespmem:v5+s11+$0x0] =	vst.idx.msk $0xffff, v4  }
0x548: {  	v5 =	vor.u32 v41, v2;
	v4 =	vld.idx.msk [tilespmem:v6+s9+$0x0], $0xffff  }
0x549: {  	v6 =	vor.u32 $0x29, v3;
	_ =	sdelay $0x3  }
0x54a: {  	[tilespmem:v5+s11+$0x0] =	vst.idx.msk $0xffff, v4  }
0x54b: {  	v5 =	vor.u32 v22, v2;
	v4 =	vld.idx.msk [tilespmem:v6+s9+$0x0], $0xffff  }
0x54c: {  	v6 =	vor.u32 $0x2A, v3;
	_ =	sdelay $0x3  }
0x54d: {  	[tilespmem:v5+s11+$0x0] =	vst.idx.msk $0xffff, v4  }
0x54e: {  	v5 =	vor.u32 v23, v2;
	v4 =	vld.idx.msk [tilespmem:v6+s9+$0x0], $0xffff  }
0x54f: {  	v6 =	vor.u32 $0x2B, v3;
	_ =	sdelay $0x3  }
0x550: {  	[tilespmem:v5+s11+$0x0] =	vst.idx.msk $0xffff, v4  }
0x551: {  	v5 =	vor.u32 v38, v2;
	v4 =	vld.idx.msk [tilespmem:v6+s9+$0x0], $0xffff  }
0x552: {  	v6 =	vor.u32 $0x2C, v3;
	_ =	sdelay $0x3  }
0x553: {  	[tilespmem:v5+s11+$0x0] =	vst.idx.msk $0xffff, v4  }
0x554: {  	v5 =	vor.u32 v10, v2;
	v4 =	vld.idx.msk [tilespmem:v6+s9+$0x0], $0xffff  }
0x555: {  	v6 =	vor.u32 $0x2D, v3;
	_ =	sdelay $0x3  }
0x556: {  	v34 =	vmov v19;
	[tilespmem:v5+s11+$0x0] =	vst.idx.msk $0xffff, v4  }
0x557: {  	v5 =	vor.u32 v34, v2;
	v4 =	vld.idx.msk [tilespmem:v6+s9+$0x0], $0xffff  }
0x558: {  	v6 =	vor.u32 $0x2E, v3;
	_ =	sdelay $0x3  }
0x559: {  	[tilespmem:v5+s11+$0x0] =	vst.idx.msk $0xffff, v4  }
0x55a: {  	v5 =	vor.u32 v49, v2;
	v4 =	vld.idx.msk [tilespmem:v6+s9+$0x0], $0xffff  }
0x55b: {  	v6 =	vor.u32 $0x2F, v3;
	_ =	sdelay $0x3  }
0x55c: {  	[tilespmem:v5+s11+$0x0] =	vst.idx.msk $0xffff, v4  }
0x55d: {  	v5 =	vor.u32 v16, v2;
	v4 =	vld.idx.msk [tilespmem:v6+s9+$0x0], $0xffff  }
0x55e: {  	v6 =	vor.u32 $0x30, v3;
	_ =	sdelay $0x3  }
0x55f: {  	[tilespmem:v5+s11+$0x0] =	vst.idx.msk $0xffff, v4  }
0x560: {  	v5 =	vor.u32 v17, v2;
	v4 =	vld.idx.msk [tilespmem:v6+s9+$0x0], $0xffff  }
0x561: {  	v6 =	vor.u32 $0x31, v3;
	_ =	sdelay $0x3  }
0x562: {  	[tilespmem:v5+s11+$0x0] =	vst.idx.msk $0xffff, v4  }
0x563: {  	v5 =	vor.u32 v9, v2;
	v4 =	vld.idx.msk [tilespmem:v6+s9+$0x0], $0xffff  }
0x564: {  	v6 =	vor.u32 $0x32, v3;
	_ =	sdelay $0x3  }
0x565: {  	[tilespmem:v5+s11+$0x0] =	vst.idx.msk $0xffff, v4  }
0x566: {  	v5 =	vor.u32 v40, v2;
	v4 =	vld.idx.msk [tilespmem:v6+s9+$0x0], $0xffff  }
0x567: {  	v6 =	vor.u32 $0x33, v3;
	_ =	sdelay $0x3  }
0x568: {  	[tilespmem:v5+s11+$0x0] =	vst.idx.msk $0xffff, v4  }
0x569: {  	v5 =	vor.u32 v42, v2;
	v4 =	vld.idx.msk [tilespmem:v6+s9+$0x0], $0xffff  }
0x56a: {  	v6 =	vor.u32 $0x34, v3;
	_ =	sdelay $0x3  }
0x56b: {  	[tilespmem:v5+s11+$0x0] =	vst.idx.msk $0xffff, v4  }
0x56c: {  	v5 =	vor.u32 v45, v2;
	v4 =	vld.idx.msk [tilespmem:v6+s9+$0x0], $0xffff  }
0x56d: {  	v6 =	vor.u32 $0x35, v3;
	_ =	sdelay $0x3  }
0x56e: {  	[tilespmem:v5+s11+$0x0] =	vst.idx.msk $0xffff, v4  }
0x56f: {  	v5 =	vor.u32 v11, v2;
	v4 =	vld.idx.msk [tilespmem:v6+s9+$0x0], $0xffff  }
0x570: {  	v6 =	vor.u32 $0x36, v3;
	_ =	sdelay $0x3  }
0x571: {  	[tilespmem:v5+s11+$0x0] =	vst.idx.msk $0xffff, v4  }
0x572: {  	v5 =	vor.u32 v39, v2;
	v4 =	vld.idx.msk [tilespmem:v6+s9+$0x0], $0xffff  }
0x573: {  	v6 =	vor.u32 $0x37, v3;
	_ =	sdelay $0x3  }
0x574: {  	[tilespmem:v5+s11+$0x0] =	vst.idx.msk $0xffff, v4  }
0x575: {  	v5 =	vor.u32 v15, v2;
	v4 =	vld.idx.msk [tilespmem:v6+s9+$0x0], $0xffff  }
0x576: {  	v6 =	vor.u32 $0x38, v3;
	_ =	sdelay $0x3  }
0x577: {  	[tilespmem:v5+s11+$0x0] =	vst.idx.msk $0xffff, v4  }
0x578: {  	v5 =	vor.u32 v12, v2;
	v4 =	vld.idx.msk [tilespmem:v6+s9+$0x0], $0xffff  }
0x579: {  	v6 =	vor.u32 $0x39, v3;
	_ =	sdelay $0x3  }
0x57a: {  	[tilespmem:v5+s11+$0x0] =	vst.idx.msk $0xffff, v4  }
0x57b: {  	v5 =	vor.u32 v51, v2;
	v4 =	vld.idx.msk [tilespmem:v6+s9+$0x0], $0xffff  }
0x57c: {  	v6 =	vor.u32 $0x3A, v3;
	_ =	sdelay $0x3  }
0x57d: {  	[tilespmem:v5+s11+$0x0] =	vst.idx.msk $0xffff, v4  }
0x57e: {  	v5 =	vor.u32 v47, v2;
	v4 =	vld.idx.msk [tilespmem:v6+s9+$0x0], $0xffff  }
0x57f: {  	v6 =	vor.u32 $0x3B, v3;
	_ =	sdelay $0x3  }
0x580: {  	[tilespmem:v5+s11+$0x0] =	vst.idx.msk $0xffff, v4  }
0x581: {  	v5 =	vor.u32 v50, v2;
	v4 =	vld.idx.msk [tilespmem:v6+s9+$0x0], $0xffff  }
0x582: {  	v6 =	vor.u32 $0x3C, v3;
	_ =	sdelay $0x3  }
0x583: {  	[tilespmem:v5+s11+$0x0] =	vst.idx.msk $0xffff, v4  }
0x584: {  	v5 =	vor.u32 v8, v2;
	v4 =	vld.idx.msk [tilespmem:v6+s9+$0x0], $0xffff  }
0x585: {  	v6 =	vor.u32 $0x3D, v3;
	_ =	sdelay $0x3  }
0x586: {  	[tilespmem:v5+s11+$0x0] =	vst.idx.msk $0xffff, v4  }
0x587: {  	v5 =	vor.u32 v18, v2;
	v4 =	vld.idx.msk [tilespmem:v6+s9+$0x0], $0xffff  }
0x588: {  	v6 =	vor.u32 $0x3E, v3;
	_ =	sdelay $0x3  }
0x589: {  	v19 =	vmov v48;
	[tilespmem:v5+s11+$0x0] =	vst.idx.msk $0xffff, v4  }
0x58a: {  	v5 =	vor.u32 v19, v2;
	v4 =	vld.idx.msk [tilespmem:v6+s9+$0x0], $0xffff  }
0x58b: {  	v3 =	vor.u32 $0x3F, v3;
	_ =	sdelay $0x3  }
0x58c: {  	[tilespmem:v5+s11+$0x0] =	vst.idx.msk $0xffff, v4  }
0x58d: {  	v2 =	vor.u32 v24, v2;
	v3 =	vld.idx.msk [tilespmem:v3+s9+$0x0], $0xffff;
	_ =	sdelay $0x4  }
0x58e: {  	[tilespmem:v2+s11+$0x0] =	vst.idx.msk $0xffff, v3  }
0x58f: {  	v2 =	vld [tilespmem:s14+$0x30];
	_ =	sdelay $0x2  }
0x590: {  	v3 =	vlaneseq.u32  }
0x591: {  	v3 =	vor.u32 $0x70, v3  }
0x592: {  	v3 =	vor.u32 s15, v3;
	v2 =	vshrl.u32 v2, $0x7  }
0x593: {  	v4 =	vshll.u32 v3, $0x7;
	v2 =	vand.u32 $0x40, v2  }
0x594: {  	v2 =	vor.u32 v4, v2;
	_ =	sdelay $0x2  }
0x595: {  	v3 =	vshll.u32 v3, $0x6  }
0x596: {  	v3 =	vand.u32 $0x7F80, v3  }
0x597: {  	v5 =	vor.u32 v1, v3;
	v4 =	vld.idx.msk [tilespmem:v2+s9+$0x0], $0xffff;
	_ =	sdelay $0x4  }
0x598: {  	v6 =	vor.u32 $0x1, v2;
	[tilespmem:v5+s11+$0x0] =	vst.idx.msk $0xffff, v4;
	v5 =	vld [tilespmem:$0x1FF60];
	_ =	sdelay $0x4  }
0x599: {  	v4 =	vld.idx.msk [tilespmem:v6+s9+$0x0], $0xffff;
	v5 =	vor.u32 v5, v3;
	_ =	sdelay $0x4  }
0x59a: {  	v6 =	vor.u32 $0x2, v2;
	[tilespmem:v5+s11+$0x0] =	vst.idx.msk $0xffff, v4;
	v5 =	vld [tilespmem:$0x1FF70];
	_ =	sdelay $0x4  }
0x59b: {  	v4 =	vld.idx.msk [tilespmem:v6+s9+$0x0], $0xffff;
	v5 =	vor.u32 v5, v3;
	_ =	sdelay $0x4  }
0x59c: {  	v6 =	vor.u32 $0x3, v2;
	[tilespmem:v5+s11+$0x0] =	vst.idx.msk $0xffff, v4;
	v5 =	vld [tilespmem:$0x1FF80];
	_ =	sdelay $0x4  }
0x59d: {  	v4 =	vld.idx.msk [tilespmem:v6+s9+$0x0], $0xffff;
	v5 =	vor.u32 v5, v3;
	_ =	sdelay $0x4  }
0x59e: {  	v6 =	vor.u32 $0x4, v2;
	[tilespmem:v5+s11+$0x0] =	vst.idx.msk $0xffff, v4;
	v5 =	vld [tilespmem:$0x1FF90];
	_ =	sdelay $0x4  }
0x59f: {  	v4 =	vld.idx.msk [tilespmem:v6+s9+$0x0], $0xffff;
	v5 =	vor.u32 v5, v3;
	_ =	sdelay $0x4  }
0x5a0: {  	v6 =	vor.u32 $0x5, v2;
	[tilespmem:v5+s11+$0x0] =	vst.idx.msk $0xffff, v4;
	v5 =	vld [tilespmem:$0x1FFA0];
	_ =	sdelay $0x4  }
0x5a1: {  	v4 =	vld.idx.msk [tilespmem:v6+s9+$0x0], $0xffff;
	v5 =	vor.u32 v5, v3;
	_ =	sdelay $0x4  }
0x5a2: {  	v6 =	vor.u32 $0x6, v2;
	[tilespmem:v5+s11+$0x0] =	vst.idx.msk $0xffff, v4;
	v5 =	vld [tilespmem:$0x1FFB0];
	_ =	sdelay $0x4  }
0x5a3: {  	v4 =	vld.idx.msk [tilespmem:v6+s9+$0x0], $0xffff;
	v5 =	vor.u32 v5, v3;
	_ =	sdelay $0x4  }
0x5a4: {  	v6 =	vor.u32 $0x7, v2;
	[tilespmem:v5+s11+$0x0] =	vst.idx.msk $0xffff, v4;
	v5 =	vld [tilespmem:$0x1FFC0];
	_ =	sdelay $0x4  }
0x5a5: {  	v4 =	vld.idx.msk [tilespmem:v6+s9+$0x0], $0xffff;
	v5 =	vor.u32 v5, v3;
	_ =	sdelay $0x4  }
0x5a6: {  	v6 =	vor.u32 $0x8, v2;
	[tilespmem:v5+s11+$0x0] =	vst.idx.msk $0xffff, v4;
	v5 =	vld [tilespmem:$0x1FFD0];
	_ =	sdelay $0x4  }
0x5a7: {  	v4 =	vld.idx.msk [tilespmem:v6+s9+$0x0], $0xffff;
	v5 =	vor.u32 v5, v3;
	_ =	sdelay $0x4  }
0x5a8: {  	v6 =	vor.u32 $0x9, v2;
	[tilespmem:v5+s11+$0x0] =	vst.idx.msk $0xffff, v4;
	v5 =	vld [tilespmem:$0x1FFE0];
	_ =	sdelay $0x4  }
0x5a9: {  	v4 =	vld.idx.msk [tilespmem:v6+s9+$0x0], $0xffff;
	v5 =	vor.u32 v5, v3;
	_ =	sdelay $0x4  }
0x5aa: {  	v6 =	vor.u32 $0xA, v2;
	[tilespmem:v5+s11+$0x0] =	vst.idx.msk $0xffff, v4;
	v5 =	vld [tilespmem:$0x1FFF0];
	_ =	sdelay $0x4  }
0x5ab: {  	v4 =	vld.idx.msk [tilespmem:v6+s9+$0x0], $0xffff;
	v5 =	vor.u32 v5, v3  }
0x5ac: {  	v6 =	vor.u32 $0xB, v2;
	_ =	sdelay $0x3  }
0x5ad: {  	[tilespmem:v5+s11+$0x0] =	vst.idx.msk $0xffff, v4  }
0x5ae: {  	v5 =	vor.u32 v62, v3;
	v4 =	vld.idx.msk [tilespmem:v6+s9+$0x0], $0xffff  }
0x5af: {  	v6 =	vor.u32 $0xC, v2;
	_ =	sdelay $0x3  }
0x5b0: {  	[tilespmem:v5+s11+$0x0] =	vst.idx.msk $0xffff, v4  }
0x5b1: {  	v5 =	vor.u32 v63, v3;
	v4 =	vld.idx.msk [tilespmem:v6+s9+$0x0], $0xffff  }
0x5b2: {  	v6 =	vor.u32 $0xD, v2;
	_ =	sdelay $0x3  }
0x5b3: {  	[tilespmem:v5+s11+$0x0] =	vst.idx.msk $0xffff, v4  }
0x5b4: {  	v5 =	vor.u32 v60, v3;
	v4 =	vld.idx.msk [tilespmem:v6+s9+$0x0], $0xffff  }
0x5b5: {  	v6 =	vor.u32 $0xE, v2;
	_ =	sdelay $0x3  }
0x5b6: {  	[tilespmem:v5+s11+$0x0] =	vst.idx.msk $0xffff, v4  }
0x5b7: {  	v5 =	vor.u32 v61, v3;
	v4 =	vld.idx.msk [tilespmem:v6+s9+$0x0], $0xffff  }
0x5b8: {  	v6 =	vor.u32 $0xF, v2;
	_ =	sdelay $0x3  }
0x5b9: {  	[tilespmem:v5+s11+$0x0] =	vst.idx.msk $0xffff, v4  }
0x5ba: {  	v5 =	vor.u32 v58, v3;
	v4 =	vld.idx.msk [tilespmem:v6+s9+$0x0], $0xffff  }
0x5bb: {  	v6 =	vor.u32 $0x10, v2;
	_ =	sdelay $0x3  }
0x5bc: {  	[tilespmem:v5+s11+$0x0] =	vst.idx.msk $0xffff, v4  }
0x5bd: {  	v5 =	vor.u32 v59, v3;
	v4 =	vld.idx.msk [tilespmem:v6+s9+$0x0], $0xffff  }
0x5be: {  	v6 =	vor.u32 $0x11, v2;
	_ =	sdelay $0x3  }
0x5bf: {  	[tilespmem:v5+s11+$0x0] =	vst.idx.msk $0xffff, v4  }
0x5c0: {  	v5 =	vor.u32 v56, v3;
	v4 =	vld.idx.msk [tilespmem:v6+s9+$0x0], $0xffff  }
0x5c1: {  	v6 =	vor.u32 $0x12, v2;
	_ =	sdelay $0x3  }
0x5c2: {  	[tilespmem:v5+s11+$0x0] =	vst.idx.msk $0xffff, v4  }
0x5c3: {  	v5 =	vor.u32 v57, v3;
	v4 =	vld.idx.msk [tilespmem:v6+s9+$0x0], $0xffff  }
0x5c4: {  	v6 =	vor.u32 $0x13, v2;
	_ =	sdelay $0x3  }
0x5c5: {  	[tilespmem:v5+s11+$0x0] =	vst.idx.msk $0xffff, v4  }
0x5c6: {  	v5 =	vor.u32 v54, v3;
	v4 =	vld.idx.msk [tilespmem:v6+s9+$0x0], $0xffff  }
0x5c7: {  	v6 =	vor.u32 $0x14, v2;
	_ =	sdelay $0x3  }
0x5c8: {  	[tilespmem:v5+s11+$0x0] =	vst.idx.msk $0xffff, v4  }
0x5c9: {  	v5 =	vor.u32 v55, v3;
	v4 =	vld.idx.msk [tilespmem:v6+s9+$0x0], $0xffff  }
0x5ca: {  	v6 =	vor.u32 $0x15, v2;
	_ =	sdelay $0x3  }
0x5cb: {  	[tilespmem:v5+s11+$0x0] =	vst.idx.msk $0xffff, v4  }
0x5cc: {  	v5 =	vor.u32 v52, v3;
	v4 =	vld.idx.msk [tilespmem:v6+s9+$0x0], $0xffff  }
0x5cd: {  	v6 =	vor.u32 $0x16, v2;
	_ =	sdelay $0x3  }
0x5ce: {  	[tilespmem:v5+s11+$0x0] =	vst.idx.msk $0xffff, v4  }
0x5cf: {  	v5 =	vor.u32 v53, v3;
	v4 =	vld.idx.msk [tilespmem:v6+s9+$0x0], $0xffff  }
0x5d0: {  	v6 =	vor.u32 $0x17, v2;
	_ =	sdelay $0x3  }
0x5d1: {  	[tilespmem:v5+s11+$0x0] =	vst.idx.msk $0xffff, v4  }
0x5d2: {  	v5 =	vor.u32 v29, v3;
	v4 =	vld.idx.msk [tilespmem:v6+s9+$0x0], $0xffff  }
0x5d3: {  	v6 =	vor.u32 $0x18, v2;
	_ =	sdelay $0x3  }
0x5d4: {  	[tilespmem:v5+s11+$0x0] =	vst.idx.msk $0xffff, v4  }
0x5d5: {  	v5 =	vor.u32 v30, v3;
	v4 =	vld.idx.msk [tilespmem:v6+s9+$0x0], $0xffff  }
0x5d6: {  	v6 =	vor.u32 $0x19, v2;
	_ =	sdelay $0x3  }
0x5d7: {  	[tilespmem:v5+s11+$0x0] =	vst.idx.msk $0xffff, v4  }
0x5d8: {  	v5 =	vor.u32 v31, v3;
	v4 =	vld.idx.msk [tilespmem:v6+s9+$0x0], $0xffff  }
0x5d9: {  	v6 =	vor.u32 $0x1A, v2;
	_ =	sdelay $0x3  }
0x5da: {  	[tilespmem:v5+s11+$0x0] =	vst.idx.msk $0xffff, v4  }
0x5db: {  	v5 =	vor.u32 v28, v3;
	v4 =	vld.idx.msk [tilespmem:v6+s9+$0x0], $0xffff  }
0x5dc: {  	v6 =	vor.u32 $0x1B, v2;
	_ =	sdelay $0x3  }
0x5dd: {  	[tilespmem:v5+s11+$0x0] =	vst.idx.msk $0xffff, v4  }
0x5de: {  	v5 =	vor.u32 v27, v3;
	v4 =	vld.idx.msk [tilespmem:v6+s9+$0x0], $0xffff;
	_ =	sdelay $0x4  }
0x5df: {  	v6 =	vor.u32 $0x1C, v2;
	[tilespmem:v5+s11+$0x0] =	vst.idx.msk $0xffff, v4;
	v5 =	vld [tilespmem:$0x1FF30];
	_ =	sdelay $0x4  }
0x5e0: {  	v4 =	vld.idx.msk [tilespmem:v6+s9+$0x0], $0xffff;
	v5 =	vor.u32 v5, v3;
	_ =	sdelay $0x4  }
0x5e1: {  	v6 =	vor.u32 $0x1D, v2;
	[tilespmem:v5+s11+$0x0] =	vst.idx.msk $0xffff, v4;
	v5 =	vld [tilespmem:$0x1FF40];
	_ =	sdelay $0x4  }
0x5e2: {  	v4 =	vld.idx.msk [tilespmem:v6+s9+$0x0], $0xffff;
	v5 =	vor.u32 v5, v3;
	_ =	sdelay $0x4  }
0x5e3: {  	v6 =	vor.u32 $0x1E, v2;
	[tilespmem:v5+s11+$0x0] =	vst.idx.msk $0xffff, v4;
	v5 =	vld [tilespmem:$0x1FF50];
	_ =	sdelay $0x4  }
0x5e4: {  	v4 =	vld.idx.msk [tilespmem:v6+s9+$0x0], $0xffff;
	v5 =	vor.u32 v5, v3  }
0x5e5: {  	v6 =	vor.u32 $0x1F, v2;
	_ =	sdelay $0x3  }
0x5e6: {  	[tilespmem:v5+s11+$0x0] =	vst.idx.msk $0xffff, v4  }
0x5e7: {  	v5 =	vor.u32 v32, v3;
	v4 =	vld.idx.msk [tilespmem:v6+s9+$0x0], $0xffff  }
0x5e8: {  	v6 =	vor.u32 $0x20, v2;
	_ =	sdelay $0x3  }
0x5e9: {  	[tilespmem:v5+s11+$0x0] =	vst.idx.msk $0xffff, v4  }
0x5ea: {  	v5 =	vor.u32 v33, v3;
	v4 =	vld.idx.msk [tilespmem:v6+s9+$0x0], $0xffff  }
0x5eb: {  	v6 =	vor.u32 $0x21, v2;
	_ =	sdelay $0x3  }
0x5ec: {  	[tilespmem:v5+s11+$0x0] =	vst.idx.msk $0xffff, v4  }
0x5ed: {  	v5 =	vor.u32 v20, v3;
	v4 =	vld.idx.msk [tilespmem:v6+s9+$0x0], $0xffff  }
0x5ee: {  	v6 =	vor.u32 $0x22, v2;
	_ =	sdelay $0x3  }
0x5ef: {  	[tilespmem:v5+s11+$0x0] =	vst.idx.msk $0xffff, v4  }
0x5f0: {  	v5 =	vor.u32 v43, v3;
	v4 =	vld.idx.msk [tilespmem:v6+s9+$0x0], $0xffff  }
0x5f1: {  	v6 =	vor.u32 $0x23, v2;
	_ =	sdelay $0x3  }
0x5f2: {  	[tilespmem:v5+s11+$0x0] =	vst.idx.msk $0xffff, v4  }
0x5f3: {  	v5 =	vor.u32 v21, v3;
	v4 =	vld.idx.msk [tilespmem:v6+s9+$0x0], $0xffff  }
0x5f4: {  	v6 =	vor.u32 $0x24, v2;
	_ =	sdelay $0x3  }
0x5f5: {  	[tilespmem:v5+s11+$0x0] =	vst.idx.msk $0xffff, v4  }
0x5f6: {  	v5 =	vor.u32 v35, v3;
	v4 =	vld.idx.msk [tilespmem:v6+s9+$0x0], $0xffff  }
0x5f7: {  	v6 =	vor.u32 $0x25, v2;
	_ =	sdelay $0x3  }
0x5f8: {  	[tilespmem:v5+s11+$0x0] =	vst.idx.msk $0xffff, v4  }
0x5f9: {  	v5 =	vor.u32 v36, v3;
	v4 =	vld.idx.msk [tilespmem:v6+s9+$0x0], $0xffff  }
0x5fa: {  	v6 =	vor.u32 $0x26, v2;
	_ =	sdelay $0x3  }
0x5fb: {  	[tilespmem:v5+s11+$0x0] =	vst.idx.msk $0xffff, v4  }
0x5fc: {  	v5 =	vor.u32 v7, v3;
	v4 =	vld.idx.msk [tilespmem:v6+s9+$0x0], $0xffff  }
0x5fd: {  	v6 =	vor.u32 $0x27, v2;
	_ =	sdelay $0x3  }
0x5fe: {  	[tilespmem:v5+s11+$0x0] =	vst.idx.msk $0xffff, v4  }
0x5ff: {  	v5 =	vor.u32 v25, v3;
	v4 =	vld.idx.msk [tilespmem:v6+s9+$0x0], $0xffff  }
0x600: {  	v6 =	vor.u32 $0x28, v2;
	_ =	sdelay $0x3  }
0x601: {  	[tilespmem:v5+s11+$0x0] =	vst.idx.msk $0xffff, v4  }
0x602: {  	v5 =	vor.u32 v41, v3;
	v4 =	vld.idx.msk [tilespmem:v6+s9+$0x0], $0xffff  }
0x603: {  	v6 =	vor.u32 $0x29, v2;
	_ =	sdelay $0x3  }
0x604: {  	[tilespmem:v5+s11+$0x0] =	vst.idx.msk $0xffff, v4  }
0x605: {  	v5 =	vor.u32 v22, v3;
	v4 =	vld.idx.msk [tilespmem:v6+s9+$0x0], $0xffff  }
0x606: {  	v6 =	vor.u32 $0x2A, v2;
	_ =	sdelay $0x3  }
0x607: {  	[tilespmem:v5+s11+$0x0] =	vst.idx.msk $0xffff, v4  }
0x608: {  	v5 =	vor.u32 v23, v3;
	v4 =	vld.idx.msk [tilespmem:v6+s9+$0x0], $0xffff  }
0x609: {  	v6 =	vor.u32 $0x2B, v2;
	_ =	sdelay $0x3  }
0x60a: {  	[tilespmem:v5+s11+$0x0] =	vst.idx.msk $0xffff, v4  }
0x60b: {  	v5 =	vor.u32 v38, v3;
	v4 =	vld.idx.msk [tilespmem:v6+s9+$0x0], $0xffff  }
0x60c: {  	v6 =	vor.u32 $0x2C, v2;
	_ =	sdelay $0x3  }
0x60d: {  	[tilespmem:v5+s11+$0x0] =	vst.idx.msk $0xffff, v4  }
0x60e: {  	v5 =	vor.u32 v10, v3;
	v4 =	vld.idx.msk [tilespmem:v6+s9+$0x0], $0xffff  }
0x60f: {  	v6 =	vor.u32 $0x2D, v2;
	_ =	sdelay $0x3  }
0x610: {  	[tilespmem:v5+s11+$0x0] =	vst.idx.msk $0xffff, v4  }
0x611: {  	v5 =	vor.u32 v34, v3;
	v4 =	vld.idx.msk [tilespmem:v6+s9+$0x0], $0xffff  }
0x612: {  	v6 =	vor.u32 $0x2E, v2;
	_ =	sdelay $0x3  }
0x613: {  	[tilespmem:v5+s11+$0x0] =	vst.idx.msk $0xffff, v4  }
0x614: {  	v5 =	vor.u32 v49, v3;
	v4 =	vld.idx.msk [tilespmem:v6+s9+$0x0], $0xffff  }
0x615: {  	v6 =	vor.u32 $0x2F, v2;
	_ =	sdelay $0x3  }
0x616: {  	[tilespmem:v5+s11+$0x0] =	vst.idx.msk $0xffff, v4  }
0x617: {  	v5 =	vor.u32 v16, v3;
	v4 =	vld.idx.msk [tilespmem:v6+s9+$0x0], $0xffff  }
0x618: {  	v6 =	vor.u32 $0x30, v2;
	_ =	sdelay $0x3  }
0x619: {  	[tilespmem:v5+s11+$0x0] =	vst.idx.msk $0xffff, v4  }
0x61a: {  	v5 =	vor.u32 v17, v3;
	v4 =	vld.idx.msk [tilespmem:v6+s9+$0x0], $0xffff  }
0x61b: {  	v6 =	vor.u32 $0x31, v2;
	_ =	sdelay $0x3  }
0x61c: {  	[tilespmem:v5+s11+$0x0] =	vst.idx.msk $0xffff, v4  }
0x61d: {  	v5 =	vor.u32 v9, v3;
	v4 =	vld.idx.msk [tilespmem:v6+s9+$0x0], $0xffff  }
0x61e: {  	v6 =	vor.u32 $0x32, v2;
	_ =	sdelay $0x3  }
0x61f: {  	[tilespmem:v5+s11+$0x0] =	vst.idx.msk $0xffff, v4  }
0x620: {  	v5 =	vor.u32 v40, v3;
	v4 =	vld.idx.msk [tilespmem:v6+s9+$0x0], $0xffff  }
0x621: {  	v6 =	vor.u32 $0x33, v2;
	_ =	sdelay $0x3  }
0x622: {  	[tilespmem:v5+s11+$0x0] =	vst.idx.msk $0xffff, v4  }
0x623: {  	v5 =	vor.u32 v42, v3;
	v4 =	vld.idx.msk [tilespmem:v6+s9+$0x0], $0xffff  }
0x624: {  	v6 =	vor.u32 $0x34, v2;
	_ =	sdelay $0x3  }
0x625: {  	v13 =	vmov v45;
	[tilespmem:v5+s11+$0x0] =	vst.idx.msk $0xffff, v4  }
0x626: {  	v5 =	vor.u32 v13, v3;
	v4 =	vld.idx.msk [tilespmem:v6+s9+$0x0], $0xffff  }
0x627: {  	v6 =	vor.u32 $0x35, v2;
	_ =	sdelay $0x3  }
0x628: {  	[tilespmem:v5+s11+$0x0] =	vst.idx.msk $0xffff, v4  }
0x629: {  	v5 =	vor.u32 v11, v3;
	v4 =	vld.idx.msk [tilespmem:v6+s9+$0x0], $0xffff  }
0x62a: {  	v6 =	vor.u32 $0x36, v2;
	_ =	sdelay $0x3  }
0x62b: {  	[tilespmem:v5+s11+$0x0] =	vst.idx.msk $0xffff, v4  }
0x62c: {  	v5 =	vor.u32 v39, v3;
	v4 =	vld.idx.msk [tilespmem:v6+s9+$0x0], $0xffff  }
0x62d: {  	v6 =	vor.u32 $0x37, v2;
	_ =	sdelay $0x3  }
0x62e: {  	[tilespmem:v5+s11+$0x0] =	vst.idx.msk $0xffff, v4  }
0x62f: {  	v5 =	vor.u32 v15, v3;
	v4 =	vld.idx.msk [tilespmem:v6+s9+$0x0], $0xffff  }
0x630: {  	v6 =	vor.u32 $0x38, v2;
	_ =	sdelay $0x3  }
0x631: {  	[tilespmem:v5+s11+$0x0] =	vst.idx.msk $0xffff, v4  }
0x632: {  	v5 =	vor.u32 v12, v3;
	v4 =	vld.idx.msk [tilespmem:v6+s9+$0x0], $0xffff  }
0x633: {  	v6 =	vor.u32 $0x39, v2;
	_ =	sdelay $0x3  }
0x634: {  	[tilespmem:v5+s11+$0x0] =	vst.idx.msk $0xffff, v4  }
0x635: {  	v5 =	vor.u32 v51, v3;
	v4 =	vld.idx.msk [tilespmem:v6+s9+$0x0], $0xffff  }
0x636: {  	v6 =	vor.u32 $0x3A, v2;
	_ =	sdelay $0x3  }
0x637: {  	v0 =	vmov v47;
	[tilespmem:v5+s11+$0x0] =	vst.idx.msk $0xffff, v4  }
0x638: {  	v5 =	vor.u32 v0, v3;
	v4 =	vld.idx.msk [tilespmem:v6+s9+$0x0], $0xffff  }
0x639: {  	v6 =	vor.u32 $0x3B, v2;
	_ =	sdelay $0x3  }
0x63a: {  	[tilespmem:v5+s11+$0x0] =	vst.idx.msk $0xffff, v4  }
0x63b: {  	v5 =	vor.u32 v50, v3;
	v4 =	vld.idx.msk [tilespmem:v6+s9+$0x0], $0xffff  }
0x63c: {  	v6 =	vor.u32 $0x3C, v2;
	_ =	sdelay $0x3  }
0x63d: {  	[tilespmem:v5+s11+$0x0] =	vst.idx.msk $0xffff, v4  }
0x63e: {  	v5 =	vor.u32 v8, v3;
	v4 =	vld.idx.msk [tilespmem:v6+s9+$0x0], $0xffff  }
0x63f: {  	v6 =	vor.u32 $0x3D, v2;
	_ =	sdelay $0x3  }
0x640: {  	[tilespmem:v5+s11+$0x0] =	vst.idx.msk $0xffff, v4  }
0x641: {  	v5 =	vor.u32 v18, v3;
	v4 =	vld.idx.msk [tilespmem:v6+s9+$0x0], $0xffff  }
0x642: {  	v6 =	vor.u32 $0x3E, v2;
	_ =	sdelay $0x1  }
0x643: {  	v14 =	vld [tilespmem:$0x1FFD0]  }
0x644: {  	v46 =	vld [tilespmem:$0x1FF40]  }
0x645: {  	v45 =	vld [tilespmem:$0x1FF30];
	[tilespmem:v5+s11+$0x0] =	vst.idx.msk $0xffff, v4  }
0x646: {  	v5 =	vor.u32 v19, v3;
	v4 =	vld.idx.msk [tilespmem:v6+s9+$0x0], $0xffff  }
0x647: {  	v47 =	vld [tilespmem:$0x1FF50];
	v2 =	vor.u32 $0x3F, v2  }
0x648: {  	v7 =	vld [tilespmem:$0x1FF60]  }
0x649: {  	v10 =	vld [tilespmem:$0x1FF90]  }
0x64a: {  	v16 =	vld [tilespmem:$0x1FFF0]  }
0x64b: {  	v37 =	vmov v24;
	v9 =	vld [tilespmem:$0x1FF80];
	[tilespmem:v5+s11+$0x0] =	vst.idx.msk $0xffff, v4  }
0x64c: {  	p0 =	sne.s32 s15, $0x180;
	v0 =	vor.u32 v37, v3;
	v2 =	vld.idx.msk [tilespmem:v2+s9+$0x0], $0xffff  }
.Ltmp0:
0x64d: {  	v13 =	vld [tilespmem:$0x1FFC0];
	(pc) =	sbr.rel @p0 .LBB2_2-.Ltmp0, $4  }
0x64e: {  	v11 =	vld [tilespmem:$0x1FFA0]  }
0x64f: {  	v26 =	vmovc v55;
	v24 =	vmovc v57;
	v20 =	vmov v61;
	v21 =	vmov v58;
	v25 =	vmov v54;
	v15 =	vld [tilespmem:$0x1FFE0]  }
0x650: {  	v22 =	vmovc v59;
	v23 =	vmovc v56;
	v17 =	vmov v62;
	v12 =	vld [tilespmem:$0x1FFB0];
	v18 =	vmov v63;
	v19 =	vmov v60  }
0x651: {  	s14 =	sadd.s32 $0x80, s14;
	s15 =	sadd.s32 $0x80, s15;
	v8 =	vld [tilespmem:$0x1FF70];
	v6 =	vmovc v27;
	v27 =	vmovc v52;
	v5 =	vmov v28;
	v28 =	vmov v53;
	v4 =	vlaneseq.u32;
	[tilespmem:v0+s11+$0x0] =	vst.idx.msk $0xffff, v2  }
0x652: {  	s13 =	sadd.s32 $0x1, s13  }
0x653: {  	p0 =	sne.s32 s13, s6  }
.Ltmp1:
0x654: {  	_ = 	snop;
	(pc) =	sbr.rel @p0 .LBB2_1-.Ltmp1, $4  }
0x655: {  	[hbm4b:s5+s2] =	stream.linear.scatter [tilespmem:s11], [sflag:$0x2], $0x8000, $0x38;
	[tilespmem:$0x18400] =	vst v63  }
0x656: {  	_ =	swait.ge [sflag:s12], $0x8000  }
0x657: {  	[sflag:s12] =	ssyncset.done $0x0  }
0x658: {  	[sflag:s12] =	ssyncadd.s32 $0xFFFF8000  }
0x659: {  	_ =	sfence.sel $0x180000  }
0x65a: {  	[bflag:$0x0] =	sbarrier.arrive $0xFFFF  }
0x65b: {  	p0 =	sne.s32 s1, $0x0;
	_ =	strace $0x90000047  }
0x65c: {  	s0 =	sadd.s32 @!p0 $0x100000, s0;
	[bflag:$0x2] =	sbarrier.arrive $0xFFFF  }
0x65d: {  	[sflag:s0] =	ssyncadd.tile.s32 @!p0 $0x1;
	_ =	shalt  }
.Lfunc_end2:
_tile_overlayer_lowered:
.L_overlay_start_2:
0x65e: {  	(tag) =	ssettag $0x2  }
0x65f: {  	s0 =	rddreg [dreg:$0x0];
	s2 =	stileid.u32  }
0x660: {  	s1 =	rddreg [dreg:$0x1];
	p0 =	sne.s32 s2, $0x0  }
0x661: {  	s3 =	rddreg [dreg:$0x2];
	[bflag:$0x3] =	sbarrier.arrive $0xFFFF;
	s2 =	simm.s32 @!p0 $0x1C03  }
0x662: {  	[timem:s3], [sflag:s2] =	dma.local @!p0 [hbm:s0], s1  }
0x663: {  	s0 =	simm.s32 @!p0 $0x3  }
0x664: {  	_ =	swait.ge @!p0 [sflag:s0], s1  }
0x665: {  	s1 =	ssub.s32 @!p0 $0x0, s1;
	[sflag:s0] =	ssyncset.done @!p0 $0x0  }
0x666: {  	[sflag:s0] =	ssyncadd.s32 @!p0 s1  }
0x667: {  	[bflag:$0x3] =	sbarrier.arrive $0xFFFF  }
0x668: {  	_ =	shalt  }

</sc_bundles>
